<compile_context>
chip_gen: v7x
topology: tpu7x:2x2x1
jax: 0.10.2.dev20260603
libtpu: 0.0.44.dev20260713+nightly
codegen_flags: <defaults>
</compile_context>

<pallas_src>
import functools

import jax
import jax.numpy as jnp
from jax import lax
from jax.experimental import pallas as pl
from jax.experimental.pallas import tpu as pltpu
from jax.experimental.pallas import tpu_sc as plsc

NUM_EMBEDDINGS = 1000000
EMBEDDING_DIM = 32
THRESHOLD = 0.05

NC = 2
NS = 16
NW = NC * NS
L = 16

CB = 128
NBUF = 4


def _ternary(v):
    return jnp.where(
        v > THRESHOLD,
        jnp.float32(1.0),
        jnp.where(v < -THRESHOLD, jnp.float32(-1.0), jnp.float32(0.0)),
    )


def _quantize_transpose(rows, trans):
    lanes = lax.broadcasted_iota(jnp.int32, (L,), 0)

    @plsc.parallel_loop(0, L)
    def _(k):
        for half in range(EMBEDDING_DIM // L):
            c = ((lanes + k) & (L - 1)) + half * L
            i0 = c >> 3
            i1 = c & 7
            for h in range(CB // L):
                r = lanes + h * L
                v = plsc.load_gather(rows, [r, c])
                plsc.store_scatter(trans, [i0, i1, r], _ternary(v))


def _sc_body(nchunk, ncb, table_hbm, idx_hbm, out_hbm, idx_v, rows_v, trans_v, *sems):
    gsems, osems = sems[:NBUF], sems[NBUF:]
    wid = lax.axis_index("s") * NC + lax.axis_index("c")

    pltpu.sync_copy(idx_hbm.at[wid], idx_v)

    for b in range(NBUF):
        pltpu.async_copy(table_hbm.at[idx_v.at[b]], rows_v.at[b], gsems[b])

    nouter = nchunk // NBUF

    def outer(o, _):
        for b in range(NBUF):
            c = o * NBUF + b
            t = wid * nchunk + c
            j = t // ncb
            cb = lax.rem(t, ncb)
            buf = rows_v.at[b]
            tbuf = trans_v.at[b]
            pltpu.make_async_copy(
                table_hbm.at[idx_v.at[b]], buf, gsems[b]
            ).wait()

            @pl.when(o > 0)
            def _():
                pltpu.make_async_copy(
                    tbuf, out_hbm.at[0, :, 0, :, :], osems[b]
                ).wait()

            _quantize_transpose(buf, tbuf)
            pltpu.async_copy(tbuf, out_hbm.at[j, :, cb, :, :], osems[b])

            @pl.when(o < nouter - 1)
            def _():
                pltpu.async_copy(
                    table_hbm.at[idx_v.at[c + NBUF]], buf, gsems[b]
                )

        return 0

    lax.fori_loop(0, nouter, outer, 0)

    for b in range(NBUF):
        pltpu.make_async_copy(
            trans_v.at[b], out_hbm.at[0, :, 0, :, :], osems[b]
        ).wait()


def kernel(indices, weight):
    n, s = indices.shape
    b_total = n * s
    assert n % CB == 0 and b_total % (NW * CB * NBUF) == 0
    nchunk = b_total // (NW * CB)

    idx3d = indices.T.reshape(NW, nchunk, CB)

    mesh = plsc.VectorSubcoreMesh(
        core_axis_name="c", subcore_axis_name="s", num_cores=NC, num_subcores=NS
    )
    run = pl.kernel(
        functools.partial(_sc_body, nchunk, n // CB),
        out_type=jax.ShapeDtypeStruct(
            (s, EMBEDDING_DIM // 8, n // CB, 8, CB), jnp.float32
        ),
        mesh=mesh,
        scratch_types=[
            pltpu.VMEM((nchunk, CB), jnp.int32),
            pltpu.VMEM((NBUF, CB, EMBEDDING_DIM), jnp.float32),
            pltpu.VMEM((NBUF, EMBEDDING_DIM // 8, 8, CB), jnp.float32),
        ]
        + [pltpu.SemaphoreType.DMA] * (2 * NBUF),
        compiler_params=pltpu.CompilerParams(
            use_tc_tiling_on_sc=False, needs_layout_passes=False
        ),
    )
    out5d = run(weight, idx3d)
    return out5d.transpose(2, 4, 0, 1, 3).reshape(n, s, EMBEDDING_DIM)

# --- scband reference (transcript-rebuilt; emitter-appended) ---
"""Pipeline reference for scband-ternary-embedding-49065706389533 (READ-ONLY COPY).

The authoritative reference and input builder live on the scoring server;
editing this copy changes nothing except your own understanding.
"""

import jax, jax.numpy as jnp
import numpy as np

NUM_EMBEDDINGS = 1000000
EMBEDDING_DIM = 32
SPARSITY = 0.9
THRESHOLD = 0.05


def setup_inputs(seed: int = 0) -> dict:
    key = jax.random.key(seed)
    k1, k2 = jax.random.split(key)
    indices = jax.random.randint(k1, (16384, 50), 0, NUM_EMBEDDINGS, dtype=jnp.int32)
    scale = 1.0 / (1.0 - SPARSITY + 0.1)
    weight = jax.random.normal(k2, (NUM_EMBEDDINGS, EMBEDDING_DIM), dtype=jnp.float32) * scale
    return {"indices": indices, "weight": weight}


def reference(indices, weight):
    # F.embedding -> gather rows
    embeddings = jnp.take(weight, indices, axis=0)
    # ternary quantize forward: sign(w) * (|w| > threshold)
    mask = (jnp.abs(embeddings) > THRESHOLD).astype(embeddings.dtype)
    ternary = jnp.sign(embeddings) * mask
    return ternary

if __name__ == "__main__":
    import jax
    _d = setup_inputs()
    print(jax.jit(kernel)(*tuple(_d.values())))

</pallas_src>

<mosaic_0001>
#map = affine_map<(d0, d1) -> (0, 0)>
#map1 = affine_map<(d0, d1) -> (0, 0, 0)>
#map2 = affine_map<(d0, d1) -> (0, 0, 0, 0, 0)>
module attributes {stable_mosaic.version = 14 : i64} {
  func.func @_sc_body(%arg0: i32, %arg1: i32, %arg2: memref<1000000x32xf32, #tpu.memory_space<hbm>>, %arg3: memref<32x200x128xi32, #tpu.memory_space<hbm>>, %arg4: memref<50x4x128x8x128xf32, #tpu.memory_space<hbm>>, %arg5: memref<200x128xi32, #tpu.memory_space<vmem>>, %arg6: memref<4x128x32xf32, #tpu.memory_space<vmem>>, %arg7: memref<4x4x8x128xf32, #tpu.memory_space<vmem>>, %arg8: memref<!tpu.dma_semaphore, #tpu.memory_space<semaphore_mem>>, %arg9: memref<!tpu.dma_semaphore, #tpu.memory_space<semaphore_mem>>, %arg10: memref<!tpu.dma_semaphore, #tpu.memory_space<semaphore_mem>>, %arg11: memref<!tpu.dma_semaphore, #tpu.memory_space<semaphore_mem>>, %arg12: memref<!tpu.dma_semaphore, #tpu.memory_space<semaphore_mem>>, %arg13: memref<!tpu.dma_semaphore, #tpu.memory_space<semaphore_mem>>, %arg14: memref<!tpu.dma_semaphore, #tpu.memory_space<semaphore_mem>>, %arg15: memref<!tpu.dma_semaphore, #tpu.memory_space<semaphore_mem>>) attributes {dimension_semantics = [#tpu.dimension_semantics<core_parallel>, #tpu.dimension_semantics<subcore_parallel>], iteration_bounds = array<i64: 2, 16>, scalar_prefetch = 0 : i64, scratch_operands = 11 : i64, tpu.core_type = #tpu.core_type<sc_vector_subcore>, window_params = [{transform_indices = #map}, {transform_indices = #map1}, {transform_indices = #map2}]} {
    %mul3A = arith.constant 2 : i32
    %mul3A_0 = arith.muli %arg1, %mul3A : i32
    %add3A = arith.addi %mul3A_0, %arg0 : i32
    "tpu.region"() ({
      %run_scoped3A = tpu.sem_alloc : memref<!tpu.dma_semaphore, #tpu.memory_space<semaphore_mem>>
      %dma_start3A_145 = arith.constant 0 : i32
      %dma_start3A_146 = arith.constant 0 : i32
      %dma_start3A_147 = tpu.memref_slice %arg3[%add3A, %dma_start3A_145, %dma_start3A_146] : memref<32x200x128xi32, #tpu.memory_space<hbm>> -> memref<1x200x128xi32, #tpu.memory_space<hbm>>
      %dma_start3A_148 = tpu.memref_squeeze %dma_start3A_147 : memref<1x200x128xi32, #tpu.memory_space<hbm>> -> memref<200x128xi32, #tpu.memory_space<hbm>>
      %dma_start3A_149 = arith.constant 0 : i32
      %dma_start3A_150 = arith.constant 0 : i32
      %dma_start3A_151 = tpu.memref_slice %arg3[%add3A, %dma_start3A_149, %dma_start3A_150] : memref<32x200x128xi32, #tpu.memory_space<hbm>> -> memref<1x200x128xi32, #tpu.memory_space<hbm>>
      %dma_start3A_152 = tpu.memref_squeeze %dma_start3A_151 : memref<1x200x128xi32, #tpu.memory_space<hbm>> -> memref<200x128xi32, #tpu.memory_space<hbm>>
      tpu.enqueue_dma source(%dma_start3A_152 : memref<200x128xi32, #tpu.memory_space<hbm>>) target(%arg5 : memref<200x128xi32, #tpu.memory_space<vmem>>) target_semaphore(%run_scoped3A : memref<!tpu.dma_semaphore, #tpu.memory_space<semaphore_mem>>)
      %dma_wait3A_153 = arith.constant 0 : i32
      %dma_wait3A_154 = arith.constant 0 : i32
      %dma_wait3A_155 = tpu.memref_slice %arg3[%add3A, %dma_wait3A_153, %dma_wait3A_154] : memref<32x200x128xi32, #tpu.memory_space<hbm>> -> memref<1x200x128xi32, #tpu.memory_space<hbm>>
      %dma_wait3A_156 = tpu.memref_squeeze %dma_wait3A_155 : memref<1x200x128xi32, #tpu.memory_space<hbm>> -> memref<200x128xi32, #tpu.memory_space<hbm>>
      %dma_wait3A_157 = arith.constant 0 : i32
      %dma_wait3A_158 = arith.constant 0 : i32
      %dma_wait3A_159 = tpu.memref_slice %arg3[%add3A, %dma_wait3A_157, %dma_wait3A_158] : memref<32x200x128xi32, #tpu.memory_space<hbm>> -> memref<1x200x128xi32, #tpu.memory_space<hbm>>
      %dma_wait3A_160 = tpu.memref_squeeze %dma_wait3A_159 : memref<1x200x128xi32, #tpu.memory_space<hbm>> -> memref<200x128xi32, #tpu.memory_space<hbm>>
      tpu.wait_dma2 semaphore(%run_scoped3A : memref<!tpu.dma_semaphore, #tpu.memory_space<semaphore_mem>>) src(%dma_wait3A_160 : memref<200x128xi32, #tpu.memory_space<hbm>>) dst(%arg5 : memref<200x128xi32, #tpu.memory_space<vmem>>)
      tpu.yield
    }) : () -> ()
    %dma_start3A = arith.constant 0 : i32
    %dma_start3A_1 = arith.constant 0 : i32
    %dma_start3A_2 = arith.constant 0 : i32
    %dma_start3A_3 = arith.constant 0 : i32
    %dma_start3A_4 = tpu.memref_slice %arg6[%dma_start3A_1, %dma_start3A_2, %dma_start3A_3] : memref<4x128x32xf32, #tpu.memory_space<vmem>> -> memref<1x128x32xf32, #tpu.memory_space<vmem>>
    %dma_start3A_5 = tpu.memref_squeeze %dma_start3A_4 : memref<1x128x32xf32, #tpu.memory_space<vmem>> -> memref<128x32xf32, #tpu.memory_space<vmem>>
    %dma_start3A_6 = arith.constant 0 : i32
    %dma_start3A_7 = tpu.memref_slice %arg5[%dma_start3A, %dma_start3A_6] : memref<200x128xi32, #tpu.memory_space<vmem>> -> memref<1x128xi32, #tpu.memory_space<vmem>>
    %dma_start3A_8 = tpu.memref_squeeze %dma_start3A_7 : memref<1x128xi32, #tpu.memory_space<vmem>> -> memref<128xi32, #tpu.memory_space<vmem>>
    %dma_start3A_9 = arith.constant 0 : i32
    %dma_start3A_10 = arith.constant 0 : i32
    %dma_start3A_11 = tpu.memref_slice %arg2[%dma_start3A_9, %dma_start3A_10] : memref<1000000x32xf32, #tpu.memory_space<hbm>> -> memref<1000000x32xf32, #tpu.memory_space<hbm>>
    tpu.enqueue_indirect_dma source(%dma_start3A_11 : memref<1000000x32xf32, #tpu.memory_space<hbm>>) target(%dma_start3A_5 : memref<128x32xf32, #tpu.memory_space<vmem>>) offsets(%dma_start3A_8 : memref<128xi32, #tpu.memory_space<vmem>>) semaphore(%arg8 : memref<!tpu.dma_semaphore, #tpu.memory_space<semaphore_mem>>)
    %dma_start3A_12 = arith.constant 1 : i32
    %dma_start3A_13 = arith.constant 1 : i32
    %dma_start3A_14 = arith.constant 0 : i32
    %dma_start3A_15 = arith.constant 0 : i32
    %dma_start3A_16 = tpu.memref_slice %arg6[%dma_start3A_13, %dma_start3A_14, %dma_start3A_15] : memref<4x128x32xf32, #tpu.memory_space<vmem>> -> memref<1x128x32xf32, #tpu.memory_space<vmem>>
    %dma_start3A_17 = tpu.memref_squeeze %dma_start3A_16 : memref<1x128x32xf32, #tpu.memory_space<vmem>> -> memref<128x32xf32, #tpu.memory_space<vmem>>
    %dma_start3A_18 = arith.constant 0 : i32
    %dma_start3A_19 = tpu.memref_slice %arg5[%dma_start3A_12, %dma_start3A_18] : memref<200x128xi32, #tpu.memory_space<vmem>> -> memref<1x128xi32, #tpu.memory_space<vmem>>
    %dma_start3A_20 = tpu.memref_squeeze %dma_start3A_19 : memref<1x128xi32, #tpu.memory_space<vmem>> -> memref<128xi32, #tpu.memory_space<vmem>>
    %dma_start3A_21 = arith.constant 0 : i32
    %dma_start3A_22 = arith.constant 0 : i32
    %dma_start3A_23 = tpu.memref_slice %arg2[%dma_start3A_21, %dma_start3A_22] : memref<1000000x32xf32, #tpu.memory_space<hbm>> -> memref<1000000x32xf32, #tpu.memory_space<hbm>>
    tpu.enqueue_indirect_dma source(%dma_start3A_23 : memref<1000000x32xf32, #tpu.memory_space<hbm>>) target(%dma_start3A_17 : memref<128x32xf32, #tpu.memory_space<vmem>>) offsets(%dma_start3A_20 : memref<128xi32, #tpu.memory_space<vmem>>) semaphore(%arg9 : memref<!tpu.dma_semaphore, #tpu.memory_space<semaphore_mem>>)
    %dma_start3A_24 = arith.constant 2 : i32
    %dma_start3A_25 = arith.constant 2 : i32
    %dma_start3A_26 = arith.constant 0 : i32
    %dma_start3A_27 = arith.constant 0 : i32
    %dma_start3A_28 = tpu.memref_slice %arg6[%dma_start3A_25, %dma_start3A_26, %dma_start3A_27] : memref<4x128x32xf32, #tpu.memory_space<vmem>> -> memref<1x128x32xf32, #tpu.memory_space<vmem>>
    %dma_start3A_29 = tpu.memref_squeeze %dma_start3A_28 : memref<1x128x32xf32, #tpu.memory_space<vmem>> -> memref<128x32xf32, #tpu.memory_space<vmem>>
    %dma_start3A_30 = arith.constant 0 : i32
    %dma_start3A_31 = tpu.memref_slice %arg5[%dma_start3A_24, %dma_start3A_30] : memref<200x128xi32, #tpu.memory_space<vmem>> -> memref<1x128xi32, #tpu.memory_space<vmem>>
    %dma_start3A_32 = tpu.memref_squeeze %dma_start3A_31 : memref<1x128xi32, #tpu.memory_space<vmem>> -> memref<128xi32, #tpu.memory_space<vmem>>
    %dma_start3A_33 = arith.constant 0 : i32
    %dma_start3A_34 = arith.constant 0 : i32
    %dma_start3A_35 = tpu.memref_slice %arg2[%dma_start3A_33, %dma_start3A_34] : memref<1000000x32xf32, #tpu.memory_space<hbm>> -> memref<1000000x32xf32, #tpu.memory_space<hbm>>
    tpu.enqueue_indirect_dma source(%dma_start3A_35 : memref<1000000x32xf32, #tpu.memory_space<hbm>>) target(%dma_start3A_29 : memref<128x32xf32, #tpu.memory_space<vmem>>) offsets(%dma_start3A_32 : memref<128xi32, #tpu.memory_space<vmem>>) semaphore(%arg10 : memref<!tpu.dma_semaphore, #tpu.memory_space<semaphore_mem>>)
    %dma_start3A_36 = arith.constant 3 : i32
    %dma_start3A_37 = arith.constant 3 : i32
    %dma_start3A_38 = arith.constant 0 : i32
    %dma_start3A_39 = arith.constant 0 : i32
    %dma_start3A_40 = tpu.memref_slice %arg6[%dma_start3A_37, %dma_start3A_38, %dma_start3A_39] : memref<4x128x32xf32, #tpu.memory_space<vmem>> -> memref<1x128x32xf32, #tpu.memory_space<vmem>>
    %dma_start3A_41 = tpu.memref_squeeze %dma_start3A_40 : memref<1x128x32xf32, #tpu.memory_space<vmem>> -> memref<128x32xf32, #tpu.memory_space<vmem>>
    %dma_start3A_42 = arith.constant 0 : i32
    %dma_start3A_43 = tpu.memref_slice %arg5[%dma_start3A_36, %dma_start3A_42] : memref<200x128xi32, #tpu.memory_space<vmem>> -> memref<1x128xi32, #tpu.memory_space<vmem>>
    %dma_start3A_44 = tpu.memref_squeeze %dma_start3A_43 : memref<1x128xi32, #tpu.memory_space<vmem>> -> memref<128xi32, #tpu.memory_space<vmem>>
    %dma_start3A_45 = arith.constant 0 : i32
    %dma_start3A_46 = arith.constant 0 : i32
    %dma_start3A_47 = tpu.memref_slice %arg2[%dma_start3A_45, %dma_start3A_46] : memref<1000000x32xf32, #tpu.memory_space<hbm>> -> memref<1000000x32xf32, #tpu.memory_space<hbm>>
    tpu.enqueue_indirect_dma source(%dma_start3A_47 : memref<1000000x32xf32, #tpu.memory_space<hbm>>) target(%dma_start3A_41 : memref<128x32xf32, #tpu.memory_space<vmem>>) offsets(%dma_start3A_44 : memref<128xi32, #tpu.memory_space<vmem>>) semaphore(%arg11 : memref<!tpu.dma_semaphore, #tpu.memory_space<semaphore_mem>>)
    %scan3A = arith.constant 0 : i32
    %scan3A_48 = arith.constant 0 : i32
    %scan3A_49 = arith.constant 50 : i32
    %scan3A_50 = arith.addi %scan3A_48, %scan3A_49 : i32
    %scan3A_51 = arith.constant 1 : i32
    %scan3A_52 = scf.for %scan3A_145 = %scan3A_48 to %scan3A_50 step %scan3A_51 iter_args(%scan3A_146 = %scan3A) -> (i32)  : i32 {
      %mul3A_147 = arith.constant 4 : i32
      %mul3A_148 = arith.muli %scan3A_145, %mul3A_147 : i32
      %add3A_149 = arith.constant 0 : i32
      %add3A_150 = arith.addi %mul3A_148, %add3A_149 : i32
      %mul3A_151 = arith.constant 200 : i32
      %mul3A_152 = arith.muli %add3A, %mul3A_151 : i32
      %add3A_153 = arith.addi %mul3A_152, %add3A_150 : i32
      %jit3A = arith.constant 128 : i32
      %div3A = arith.divsi %add3A_153, %jit3A : i32
      %sign3A = arith.constant 0 : i32
      %sign3A_154 = arith.cmpi sgt, %add3A_153, %sign3A : i32
      %sign3A_155 = arith.extui %sign3A_154 : i1 to i32
      %sign3A_156 = arith.constant 0 : i32
      %sign3A_157 = arith.cmpi slt, %add3A_153, %sign3A_156 : i32
      %sign3A_158 = arith.extui %sign3A_157 : i1 to i32
      %sign3A_159 = arith.subi %sign3A_155, %sign3A_158 : i32
      %sign3A_160 = arith.constant 0 : i32
      %sign3A_161 = arith.cmpi sgt, %jit3A, %sign3A_160 : i32
      %sign3A_162 = arith.extui %sign3A_161 : i1 to i32
      %sign3A_163 = arith.constant 0 : i32
      %sign3A_164 = arith.cmpi slt, %jit3A, %sign3A_163 : i32
      %sign3A_165 = arith.extui %sign3A_164 : i1 to i32
      %sign3A_166 = arith.subi %sign3A_162, %sign3A_165 : i32
      %ne3A = arith.cmpi ne, %sign3A_159, %sign3A_166 : i32
      %rem3A = arith.remsi %add3A_153, %jit3A : i32
      %ne3A_167 = arith.constant 0 : i32
      %ne3A_168 = arith.cmpi ne, %rem3A, %ne3A_167 : i32
      %and3A = arith.andi %ne3A, %ne3A_168 : i1
      %sub3A = arith.constant 1 : i32
      %sub3A_169 = arith.subi %div3A, %sub3A : i32
      %select_n3A = arith.select %and3A, %sub3A_169, %div3A : i32
      %rem3A_170 = arith.constant 128 : i32
      %rem3A_171 = arith.remsi %add3A_153, %rem3A_170 : i32
      %dma_wait3A_172 = arith.constant 0 : i32
      %dma_wait3A_173 = arith.constant 0 : i32
      %dma_wait3A_174 = arith.constant 0 : i32
      %dma_wait3A_175 = arith.constant 0 : i32
      %dma_wait3A_176 = tpu.memref_slice %arg6[%dma_wait3A_173, %dma_wait3A_174, %dma_wait3A_175] : memref<4x128x32xf32, #tpu.memory_space<vmem>> -> memref<1x128x32xf32, #tpu.memory_space<vmem>>
      %dma_wait3A_177 = tpu.memref_squeeze %dma_wait3A_176 : memref<1x128x32xf32, #tpu.memory_space<vmem>> -> memref<128x32xf32, #tpu.memory_space<vmem>>
      %dma_wait3A_178 = arith.constant 0 : i32
      %dma_wait3A_179 = tpu.memref_slice %arg5[%dma_wait3A_172, %dma_wait3A_178] : memref<200x128xi32, #tpu.memory_space<vmem>> -> memref<1x128xi32, #tpu.memory_space<vmem>>
      %dma_wait3A_180 = tpu.memref_squeeze %dma_wait3A_179 : memref<1x128xi32, #tpu.memory_space<vmem>> -> memref<128xi32, #tpu.memory_space<vmem>>
      %dma_wait3A_181 = arith.constant 0 : i32
      %dma_wait3A_182 = arith.constant 0 : i32
      %dma_wait3A_183 = tpu.memref_slice %arg2[%dma_wait3A_181, %dma_wait3A_182] : memref<1000000x32xf32, #tpu.memory_space<hbm>> -> memref<1000000x32xf32, #tpu.memory_space<hbm>>
      tpu.wait_indirect_dma semaphore(%arg8 : memref<!tpu.dma_semaphore, #tpu.memory_space<semaphore_mem>>) src(%dma_wait3A_183 : memref<1000000x32xf32, #tpu.memory_space<hbm>>) dst(%dma_wait3A_177 : memref<128x32xf32, #tpu.memory_space<vmem>>)
      %gt3A = arith.constant 0 : i32
      %gt3A_184 = arith.cmpi sgt, %scan3A_145, %gt3A : i32
      %convert_element_type3A = arith.extui %gt3A_184 : i1 to i32
      %cond3A = arith.constant 0 : i32
      %cond3A_185 = arith.constant 0 : i32
      %cond3A_186 = arith.cmpi ne, %convert_element_type3A, %cond3A_185 : i32
      scf.if %cond3A_186 {
        %dma_wait3A_470 = arith.constant 0 : i32
        %dma_wait3A_471 = arith.constant 0 : i32
        %dma_wait3A_472 = arith.constant 0 : i32
        %dma_wait3A_473 = arith.constant 0 : i32
        %dma_wait3A_474 = arith.constant 0 : i32
        %dma_wait3A_475 = tpu.memref_slice %arg7[%cond3A, %dma_wait3A_472, %dma_wait3A_473, %dma_wait3A_474] : memref<4x4x8x128xf32, #tpu.memory_space<vmem>> -> memref<1x4x8x128xf32, #tpu.memory_space<vmem>>
        %dma_wait3A_476 = tpu.memref_squeeze %dma_wait3A_475 : memref<1x4x8x128xf32, #tpu.memory_space<vmem>> -> memref<4x8x128xf32, #tpu.memory_space<vmem>>
        %dma_wait3A_477 = arith.constant 0 : i32
        %dma_wait3A_478 = arith.constant 0 : i32
        %dma_wait3A_479 = arith.constant 0 : i32
        %dma_wait3A_480 = tpu.memref_slice %arg4[%dma_wait3A_470, %dma_wait3A_477, %dma_wait3A_471, %dma_wait3A_478, %dma_wait3A_479] : memref<50x4x128x8x128xf32, #tpu.memory_space<hbm>> -> memref<1x4x1x8x128xf32, #tpu.memory_space<hbm>>
        %dma_wait3A_481 = tpu.memref_squeeze %dma_wait3A_480 : memref<1x4x1x8x128xf32, #tpu.memory_space<hbm>> -> memref<4x8x128xf32, #tpu.memory_space<hbm>>
        %dma_wait3A_482 = arith.constant 0 : i32
        %dma_wait3A_483 = arith.constant 0 : i32
        %dma_wait3A_484 = arith.constant 0 : i32
        %dma_wait3A_485 = tpu.memref_slice %arg4[%dma_wait3A_470, %dma_wait3A_482, %dma_wait3A_471, %dma_wait3A_483, %dma_wait3A_484] : memref<50x4x128x8x128xf32, #tpu.memory_space<hbm>> -> memref<1x4x1x8x128xf32, #tpu.memory_space<hbm>>
        %dma_wait3A_486 = tpu.memref_squeeze %dma_wait3A_485 : memref<1x4x1x8x128xf32, #tpu.memory_space<hbm>> -> memref<4x8x128xf32, #tpu.memory_space<hbm>>
        %dma_wait3A_487 = arith.constant 0 : i32
        %dma_wait3A_488 = arith.constant 0 : i32
        %dma_wait3A_489 = arith.constant 0 : i32
        %dma_wait3A_490 = tpu.memref_slice %arg7[%cond3A, %dma_wait3A_487, %dma_wait3A_488, %dma_wait3A_489] : memref<4x4x8x128xf32, #tpu.memory_space<vmem>> -> memref<1x4x8x128xf32, #tpu.memory_space<vmem>>
        %dma_wait3A_491 = tpu.memref_squeeze %dma_wait3A_490 : memref<1x4x8x128xf32, #tpu.memory_space<vmem>> -> memref<4x8x128xf32, #tpu.memory_space<vmem>>
        tpu.wait_dma2 semaphore(%arg12 : memref<!tpu.dma_semaphore, #tpu.memory_space<semaphore_mem>>) src(%dma_wait3A_491 : memref<4x8x128xf32, #tpu.memory_space<vmem>>) dst(%dma_wait3A_486 : memref<4x8x128xf32, #tpu.memory_space<hbm>>)
      } else {
      }
      %iota3A = tpu.iota {dimensions = array<i32: 0>} : vector<16xi32>
      %parallel_loop3A = arith.constant 0 : i32
      %parallel_loop3A_187 = arith.constant 16 : i32
      %parallel_loop3A_188 = arith.constant 1 : i32
      %parallel_loop3A_189 = arith.constant 0 : i32
      %parallel_loop3A_190 = arith.constant 0 : i32
      scf.for %parallel_loop3A_470 = %parallel_loop3A to %parallel_loop3A_187 step %parallel_loop3A_188  : i32 {
        %parallel_loop3A_471 = vector.broadcast %parallel_loop3A_470 : i32 to vector<16xi32>
        %parallel_loop3A_472 = arith.addi %iota3A, %parallel_loop3A_471 : vector<16xi32>
        %parallel_loop3A_473 = arith.constant 15 : i32
        %parallel_loop3A_474 = vector.broadcast %parallel_loop3A_473 : i32 to vector<16xi32>
        %parallel_loop3A_475 = arith.andi %parallel_loop3A_472, %parallel_loop3A_474 : vector<16xi32>
        %parallel_loop3A_476 = arith.constant 0 : i32
        %parallel_loop3A_477 = vector.broadcast %parallel_loop3A_476 : i32 to vector<16xi32>
        %parallel_loop3A_478 = arith.addi %parallel_loop3A_475, %parallel_loop3A_477 : vector<16xi32>
        %parallel_loop3A_479 = arith.constant 3 : i32
        %parallel_loop3A_480 = vector.broadcast %parallel_loop3A_479 : i32 to vector<16xi32>
        %parallel_loop3A_481 = arith.shrsi %parallel_loop3A_478, %parallel_loop3A_480 : vector<16xi32>
        %parallel_loop3A_482 = arith.constant 7 : i32
        %parallel_loop3A_483 = vector.broadcast %parallel_loop3A_482 : i32 to vector<16xi32>
        %parallel_loop3A_484 = arith.andi %parallel_loop3A_478, %parallel_loop3A_483 : vector<16xi32>
        %parallel_loop3A_485 = arith.constant 0 : i32
        %parallel_loop3A_486 = vector.broadcast %parallel_loop3A_485 : i32 to vector<16xi32>
        %parallel_loop3A_487 = arith.addi %iota3A, %parallel_loop3A_486 : vector<16xi32>
        %parallel_loop3A_488 = arith.constant 0 : i32
        %parallel_loop3A_489 = arith.constant 0 : i32
        %parallel_loop3A_490 = tpu.memref_slice %arg6[%parallel_loop3A_189, %parallel_loop3A_488, %parallel_loop3A_489] : memref<4x128x32xf32, #tpu.memory_space<vmem>> -> memref<1x128x32xf32, #tpu.memory_space<vmem>>
        %parallel_loop3A_491 = tpu.memref_squeeze %parallel_loop3A_490 : memref<1x128x32xf32, #tpu.memory_space<vmem>> -> memref<128x32xf32, #tpu.memory_space<vmem>>
        %parallel_loop3A_492 = tpu.vector_load_idx %parallel_loop3A_491[%parallel_loop3A_487, %parallel_loop3A_478] : memref<128x32xf32, #tpu.memory_space<vmem>>[vector<16xi32>, vector<16xi32>], vector<16xf32>,
        %parallel_loop3A_493 = arith.constant 5.000000e-02 : f32
        %parallel_loop3A_494 = vector.broadcast %parallel_loop3A_493 : f32 to vector<16xf32>
        %parallel_loop3A_495 = arith.cmpf ogt, %parallel_loop3A_492, %parallel_loop3A_494 : vector<16xf32>
        %parallel_loop3A_496 = arith.constant -5.000000e-02 : f32
        %parallel_loop3A_497 = vector.broadcast %parallel_loop3A_496 : f32 to vector<16xf32>
        %parallel_loop3A_498 = arith.cmpf olt, %parallel_loop3A_492, %parallel_loop3A_497 : vector<16xf32>
        %parallel_loop3A_499 = arith.constant -1.000000e+00 : f32
        %parallel_loop3A_500 = arith.constant 0.000000e+00 : f32
        %parallel_loop3A_501 = vector.broadcast %parallel_loop3A_499 : f32 to vector<16xf32>
        %parallel_loop3A_502 = vector.broadcast %parallel_loop3A_500 : f32 to vector<16xf32>
        %parallel_loop3A_503 = arith.select %parallel_loop3A_498, %parallel_loop3A_501, %parallel_loop3A_502 : vector<16xi1>, vector<16xf32>
        %parallel_loop3A_504 = arith.constant 1.000000e+00 : f32
        %parallel_loop3A_505 = vector.broadcast %parallel_loop3A_504 : f32 to vector<16xf32>
        %parallel_loop3A_506 = arith.select %parallel_loop3A_495, %parallel_loop3A_505, %parallel_loop3A_503 : vector<16xi1>, vector<16xf32>
        %parallel_loop3A_507 = arith.constant 0 : i32
        %parallel_loop3A_508 = arith.constant 0 : i32
        %parallel_loop3A_509 = arith.constant 0 : i32
        %parallel_loop3A_510 = tpu.memref_slice %arg7[%parallel_loop3A_190, %parallel_loop3A_507, %parallel_loop3A_508, %parallel_loop3A_509] : memref<4x4x8x128xf32, #tpu.memory_space<vmem>> -> memref<1x4x8x128xf32, #tpu.memory_space<vmem>>
        %parallel_loop3A_511 = tpu.memref_squeeze %parallel_loop3A_510 : memref<1x4x8x128xf32, #tpu.memory_space<vmem>> -> memref<4x8x128xf32, #tpu.memory_space<vmem>>
        tpu.vector_store_idx %parallel_loop3A_511[%parallel_loop3A_481, %parallel_loop3A_484, %parallel_loop3A_487], %parallel_loop3A_506 : memref<4x8x128xf32, #tpu.memory_space<vmem>>[vector<16xi32>, vector<16xi32>, vector<16xi32>], vector<16xf32>,
        %parallel_loop3A_512 = arith.constant 16 : i32
        %parallel_loop3A_513 = vector.broadcast %parallel_loop3A_512 : i32 to vector<16xi32>
        %parallel_loop3A_514 = arith.addi %iota3A, %parallel_loop3A_513 : vector<16xi32>
        %parallel_loop3A_515 = arith.constant 0 : i32
        %parallel_loop3A_516 = arith.constant 0 : i32
        %parallel_loop3A_517 = tpu.memref_slice %arg6[%parallel_loop3A_189, %parallel_loop3A_515, %parallel_loop3A_516] : memref<4x128x32xf32, #tpu.memory_space<vmem>> -> memref<1x128x32xf32, #tpu.memory_space<vmem>>
        %parallel_loop3A_518 = tpu.memref_squeeze %parallel_loop3A_517 : memref<1x128x32xf32, #tpu.memory_space<vmem>> -> memref<128x32xf32, #tpu.memory_space<vmem>>
        %parallel_loop3A_519 = tpu.vector_load_idx %parallel_loop3A_518[%parallel_loop3A_514, %parallel_loop3A_478] : memref<128x32xf32, #tpu.memory_space<vmem>>[vector<16xi32>, vector<16xi32>], vector<16xf32>,
        %parallel_loop3A_520 = arith.constant 5.000000e-02 : f32
        %parallel_loop3A_521 = vector.broadcast %parallel_loop3A_520 : f32 to vector<16xf32>
        %parallel_loop3A_522 = arith.cmpf ogt, %parallel_loop3A_519, %parallel_loop3A_521 : vector<16xf32>
        %parallel_loop3A_523 = arith.constant -5.000000e-02 : f32
        %parallel_loop3A_524 = vector.broadcast %parallel_loop3A_523 : f32 to vector<16xf32>
        %parallel_loop3A_525 = arith.cmpf olt, %parallel_loop3A_519, %parallel_loop3A_524 : vector<16xf32>
        %parallel_loop3A_526 = arith.constant -1.000000e+00 : f32
        %parallel_loop3A_527 = arith.constant 0.000000e+00 : f32
        %parallel_loop3A_528 = vector.broadcast %parallel_loop3A_526 : f32 to vector<16xf32>
        %parallel_loop3A_529 = vector.broadcast %parallel_loop3A_527 : f32 to vector<16xf32>
        %parallel_loop3A_530 = arith.select %parallel_loop3A_525, %parallel_loop3A_528, %parallel_loop3A_529 : vector<16xi1>, vector<16xf32>
        %parallel_loop3A_531 = arith.constant 1.000000e+00 : f32
        %parallel_loop3A_532 = vector.broadcast %parallel_loop3A_531 : f32 to vector<16xf32>
        %parallel_loop3A_533 = arith.select %parallel_loop3A_522, %parallel_loop3A_532, %parallel_loop3A_530 : vector<16xi1>, vector<16xf32>
        %parallel_loop3A_534 = arith.constant 0 : i32
        %parallel_loop3A_535 = arith.constant 0 : i32
        %parallel_loop3A_536 = arith.constant 0 : i32
        %parallel_loop3A_537 = tpu.memref_slice %arg7[%parallel_loop3A_190, %parallel_loop3A_534, %parallel_loop3A_535, %parallel_loop3A_536] : memref<4x4x8x128xf32, #tpu.memory_space<vmem>> -> memref<1x4x8x128xf32, #tpu.memory_space<vmem>>
        %parallel_loop3A_538 = tpu.memref_squeeze %parallel_loop3A_537 : memref<1x4x8x128xf32, #tpu.memory_space<vmem>> -> memref<4x8x128xf32, #tpu.memory_space<vmem>>
        tpu.vector_store_idx %parallel_loop3A_538[%parallel_loop3A_481, %parallel_loop3A_484, %parallel_loop3A_514], %parallel_loop3A_533 : memref<4x8x128xf32, #tpu.memory_space<vmem>>[vector<16xi32>, vector<16xi32>, vector<16xi32>], vector<16xf32>,
        %parallel_loop3A_539 = arith.constant 32 : i32
        %parallel_loop3A_540 = vector.broadcast %parallel_loop3A_539 : i32 to vector<16xi32>
        %parallel_loop3A_541 = arith.addi %iota3A, %parallel_loop3A_540 : vector<16xi32>
        %parallel_loop3A_542 = arith.constant 0 : i32
        %parallel_loop3A_543 = arith.constant 0 : i32
        %parallel_loop3A_544 = tpu.memref_slice %arg6[%parallel_loop3A_189, %parallel_loop3A_542, %parallel_loop3A_543] : memref<4x128x32xf32, #tpu.memory_space<vmem>> -> memref<1x128x32xf32, #tpu.memory_space<vmem>>
        %parallel_loop3A_545 = tpu.memref_squeeze %parallel_loop3A_544 : memref<1x128x32xf32, #tpu.memory_space<vmem>> -> memref<128x32xf32, #tpu.memory_space<vmem>>
        %parallel_loop3A_546 = tpu.vector_load_idx %parallel_loop3A_545[%parallel_loop3A_541, %parallel_loop3A_478] : memref<128x32xf32, #tpu.memory_space<vmem>>[vector<16xi32>, vector<16xi32>], vector<16xf32>,
        %parallel_loop3A_547 = arith.constant 5.000000e-02 : f32
        %parallel_loop3A_548 = vector.broadcast %parallel_loop3A_547 : f32 to vector<16xf32>
        %parallel_loop3A_549 = arith.cmpf ogt, %parallel_loop3A_546, %parallel_loop3A_548 : vector<16xf32>
        %parallel_loop3A_550 = arith.constant -5.000000e-02 : f32
        %parallel_loop3A_551 = vector.broadcast %parallel_loop3A_550 : f32 to vector<16xf32>
        %parallel_loop3A_552 = arith.cmpf olt, %parallel_loop3A_546, %parallel_loop3A_551 : vector<16xf32>
        %parallel_loop3A_553 = arith.constant -1.000000e+00 : f32
        %parallel_loop3A_554 = arith.constant 0.000000e+00 : f32
        %parallel_loop3A_555 = vector.broadcast %parallel_loop3A_553 : f32 to vector<16xf32>
        %parallel_loop3A_556 = vector.broadcast %parallel_loop3A_554 : f32 to vector<16xf32>
        %parallel_loop3A_557 = arith.select %parallel_loop3A_552, %parallel_loop3A_555, %parallel_loop3A_556 : vector<16xi1>, vector<16xf32>
        %parallel_loop3A_558 = arith.constant 1.000000e+00 : f32
        %parallel_loop3A_559 = vector.broadcast %parallel_loop3A_558 : f32 to vector<16xf32>
        %parallel_loop3A_560 = arith.select %parallel_loop3A_549, %parallel_loop3A_559, %parallel_loop3A_557 : vector<16xi1>, vector<16xf32>
        %parallel_loop3A_561 = arith.constant 0 : i32
        %parallel_loop3A_562 = arith.constant 0 : i32
        %parallel_loop3A_563 = arith.constant 0 : i32
        %parallel_loop3A_564 = tpu.memref_slice %arg7[%parallel_loop3A_190, %parallel_loop3A_561, %parallel_loop3A_562, %parallel_loop3A_563] : memref<4x4x8x128xf32, #tpu.memory_space<vmem>> -> memref<1x4x8x128xf32, #tpu.memory_space<vmem>>
        %parallel_loop3A_565 = tpu.memref_squeeze %parallel_loop3A_564 : memref<1x4x8x128xf32, #tpu.memory_space<vmem>> -> memref<4x8x128xf32, #tpu.memory_space<vmem>>
        tpu.vector_store_idx %parallel_loop3A_565[%parallel_loop3A_481, %parallel_loop3A_484, %parallel_loop3A_541], %parallel_loop3A_560 : memref<4x8x128xf32, #tpu.memory_space<vmem>>[vector<16xi32>, vector<16xi32>, vector<16xi32>], vector<16xf32>,
        %parallel_loop3A_566 = arith.constant 48 : i32
        %parallel_loop3A_567 = vector.broadcast %parallel_loop3A_566 : i32 to vector<16xi32>
        %parallel_loop3A_568 = arith.addi %iota3A, %parallel_loop3A_567 : vector<16xi32>
        %parallel_loop3A_569 = arith.constant 0 : i32
        %parallel_loop3A_570 = arith.constant 0 : i32
        %parallel_loop3A_571 = tpu.memref_slice %arg6[%parallel_loop3A_189, %parallel_loop3A_569, %parallel_loop3A_570] : memref<4x128x32xf32, #tpu.memory_space<vmem>> -> memref<1x128x32xf32, #tpu.memory_space<vmem>>
        %parallel_loop3A_572 = tpu.memref_squeeze %parallel_loop3A_571 : memref<1x128x32xf32, #tpu.memory_space<vmem>> -> memref<128x32xf32, #tpu.memory_space<vmem>>
        %parallel_loop3A_573 = tpu.vector_load_idx %parallel_loop3A_572[%parallel_loop3A_568, %parallel_loop3A_478] : memref<128x32xf32, #tpu.memory_space<vmem>>[vector<16xi32>, vector<16xi32>], vector<16xf32>,
        %parallel_loop3A_574 = arith.constant 5.000000e-02 : f32
        %parallel_loop3A_575 = vector.broadcast %parallel_loop3A_574 : f32 to vector<16xf32>
        %parallel_loop3A_576 = arith.cmpf ogt, %parallel_loop3A_573, %parallel_loop3A_575 : vector<16xf32>
        %parallel_loop3A_577 = arith.constant -5.000000e-02 : f32
        %parallel_loop3A_578 = vector.broadcast %parallel_loop3A_577 : f32 to vector<16xf32>
        %parallel_loop3A_579 = arith.cmpf olt, %parallel_loop3A_573, %parallel_loop3A_578 : vector<16xf32>
        %parallel_loop3A_580 = arith.constant -1.000000e+00 : f32
        %parallel_loop3A_581 = arith.constant 0.000000e+00 : f32
        %parallel_loop3A_582 = vector.broadcast %parallel_loop3A_580 : f32 to vector<16xf32>
        %parallel_loop3A_583 = vector.broadcast %parallel_loop3A_581 : f32 to vector<16xf32>
        %parallel_loop3A_584 = arith.select %parallel_loop3A_579, %parallel_loop3A_582, %parallel_loop3A_583 : vector<16xi1>, vector<16xf32>
        %parallel_loop3A_585 = arith.constant 1.000000e+00 : f32
        %parallel_loop3A_586 = vector.broadcast %parallel_loop3A_585 : f32 to vector<16xf32>
        %parallel_loop3A_587 = arith.select %parallel_loop3A_576, %parallel_loop3A_586, %parallel_loop3A_584 : vector<16xi1>, vector<16xf32>
        %parallel_loop3A_588 = arith.constant 0 : i32
        %parallel_loop3A_589 = arith.constant 0 : i32
        %parallel_loop3A_590 = arith.constant 0 : i32
        %parallel_loop3A_591 = tpu.memref_slice %arg7[%parallel_loop3A_190, %parallel_loop3A_588, %parallel_loop3A_589, %parallel_loop3A_590] : memref<4x4x8x128xf32, #tpu.memory_space<vmem>> -> memref<1x4x8x128xf32, #tpu.memory_space<vmem>>
        %parallel_loop3A_592 = tpu.memref_squeeze %parallel_loop3A_591 : memref<1x4x8x128xf32, #tpu.memory_space<vmem>> -> memref<4x8x128xf32, #tpu.memory_space<vmem>>
        tpu.vector_store_idx %parallel_loop3A_592[%parallel_loop3A_481, %parallel_loop3A_484, %parallel_loop3A_568], %parallel_loop3A_587 : memref<4x8x128xf32, #tpu.memory_space<vmem>>[vector<16xi32>, vector<16xi32>, vector<16xi32>], vector<16xf32>,
        %parallel_loop3A_593 = arith.constant 64 : i32
        %parallel_loop3A_594 = vector.broadcast %parallel_loop3A_593 : i32 to vector<16xi32>
        %parallel_loop3A_595 = arith.addi %iota3A, %parallel_loop3A_594 : vector<16xi32>
        %parallel_loop3A_596 = arith.constant 0 : i32
        %parallel_loop3A_597 = arith.constant 0 : i32
        %parallel_loop3A_598 = tpu.memref_slice %arg6[%parallel_loop3A_189, %parallel_loop3A_596, %parallel_loop3A_597] : memref<4x128x32xf32, #tpu.memory_space<vmem>> -> memref<1x128x32xf32, #tpu.memory_space<vmem>>
        %parallel_loop3A_599 = tpu.memref_squeeze %parallel_loop3A_598 : memref<1x128x32xf32, #tpu.memory_space<vmem>> -> memref<128x32xf32, #tpu.memory_space<vmem>>
        %parallel_loop3A_600 = tpu.vector_load_idx %parallel_loop3A_599[%parallel_loop3A_595, %parallel_loop3A_478] : memref<128x32xf32, #tpu.memory_space<vmem>>[vector<16xi32>, vector<16xi32>], vector<16xf32>,
        %parallel_loop3A_601 = arith.constant 5.000000e-02 : f32
        %parallel_loop3A_602 = vector.broadcast %parallel_loop3A_601 : f32 to vector<16xf32>
        %parallel_loop3A_603 = arith.cmpf ogt, %parallel_loop3A_600, %parallel_loop3A_602 : vector<16xf32>
        %parallel_loop3A_604 = arith.constant -5.000000e-02 : f32
        %parallel_loop3A_605 = vector.broadcast %parallel_loop3A_604 : f32 to vector<16xf32>
        %parallel_loop3A_606 = arith.cmpf olt, %parallel_loop3A_600, %parallel_loop3A_605 : vector<16xf32>
        %parallel_loop3A_607 = arith.constant -1.000000e+00 : f32
        %parallel_loop3A_608 = arith.constant 0.000000e+00 : f32
        %parallel_loop3A_609 = vector.broadcast %parallel_loop3A_607 : f32 to vector<16xf32>
        %parallel_loop3A_610 = vector.broadcast %parallel_loop3A_608 : f32 to vector<16xf32>
        %parallel_loop3A_611 = arith.select %parallel_loop3A_606, %parallel_loop3A_609, %parallel_loop3A_610 : vector<16xi1>, vector<16xf32>
        %parallel_loop3A_612 = arith.constant 1.000000e+00 : f32
        %parallel_loop3A_613 = vector.broadcast %parallel_loop3A_612 : f32 to vector<16xf32>
        %parallel_loop3A_614 = arith.select %parallel_loop3A_603, %parallel_loop3A_613, %parallel_loop3A_611 : vector<16xi1>, vector<16xf32>
        %parallel_loop3A_615 = arith.constant 0 : i32
        %parallel_loop3A_616 = arith.constant 0 : i32
        %parallel_loop3A_617 = arith.constant 0 : i32
        %parallel_loop3A_618 = tpu.memref_slice %arg7[%parallel_loop3A_190, %parallel_loop3A_615, %parallel_loop3A_616, %parallel_loop3A_617] : memref<4x4x8x128xf32, #tpu.memory_space<vmem>> -> memref<1x4x8x128xf32, #tpu.memory_space<vmem>>
        %parallel_loop3A_619 = tpu.memref_squeeze %parallel_loop3A_618 : memref<1x4x8x128xf32, #tpu.memory_space<vmem>> -> memref<4x8x128xf32, #tpu.memory_space<vmem>>
        tpu.vector_store_idx %parallel_loop3A_619[%parallel_loop3A_481, %parallel_loop3A_484, %parallel_loop3A_595], %parallel_loop3A_614 : memref<4x8x128xf32, #tpu.memory_space<vmem>>[vector<16xi32>, vector<16xi32>, vector<16xi32>], vector<16xf32>,
        %parallel_loop3A_620 = arith.constant 80 : i32
        %parallel_loop3A_621 = vector.broadcast %parallel_loop3A_620 : i32 to vector<16xi32>
        %parallel_loop3A_622 = arith.addi %iota3A, %parallel_loop3A_621 : vector<16xi32>
        %parallel_loop3A_623 = arith.constant 0 : i32
        %parallel_loop3A_624 = arith.constant 0 : i32
        %parallel_loop3A_625 = tpu.memref_slice %arg6[%parallel_loop3A_189, %parallel_loop3A_623, %parallel_loop3A_624] : memref<4x128x32xf32, #tpu.memory_space<vmem>> -> memref<1x128x32xf32, #tpu.memory_space<vmem>>
        %parallel_loop3A_626 = tpu.memref_squeeze %parallel_loop3A_625 : memref<1x128x32xf32, #tpu.memory_space<vmem>> -> memref<128x32xf32, #tpu.memory_space<vmem>>
        %parallel_loop3A_627 = tpu.vector_load_idx %parallel_loop3A_626[%parallel_loop3A_622, %parallel_loop3A_478] : memref<128x32xf32, #tpu.memory_space<vmem>>[vector<16xi32>, vector<16xi32>], vector<16xf32>,
        %parallel_loop3A_628 = arith.constant 5.000000e-02 : f32
        %parallel_loop3A_629 = vector.broadcast %parallel_loop3A_628 : f32 to vector<16xf32>
        %parallel_loop3A_630 = arith.cmpf ogt, %parallel_loop3A_627, %parallel_loop3A_629 : vector<16xf32>
        %parallel_loop3A_631 = arith.constant -5.000000e-02 : f32
        %parallel_loop3A_632 = vector.broadcast %parallel_loop3A_631 : f32 to vector<16xf32>
        %parallel_loop3A_633 = arith.cmpf olt, %parallel_loop3A_627, %parallel_loop3A_632 : vector<16xf32>
        %parallel_loop3A_634 = arith.constant -1.000000e+00 : f32
        %parallel_loop3A_635 = arith.constant 0.000000e+00 : f32
        %parallel_loop3A_636 = vector.broadcast %parallel_loop3A_634 : f32 to vector<16xf32>
        %parallel_loop3A_637 = vector.broadcast %parallel_loop3A_635 : f32 to vector<16xf32>
        %parallel_loop3A_638 = arith.select %parallel_loop3A_633, %parallel_loop3A_636, %parallel_loop3A_637 : vector<16xi1>, vector<16xf32>
        %parallel_loop3A_639 = arith.constant 1.000000e+00 : f32
        %parallel_loop3A_640 = vector.broadcast %parallel_loop3A_639 : f32 to vector<16xf32>
        %parallel_loop3A_641 = arith.select %parallel_loop3A_630, %parallel_loop3A_640, %parallel_loop3A_638 : vector<16xi1>, vector<16xf32>
        %parallel_loop3A_642 = arith.constant 0 : i32
        %parallel_loop3A_643 = arith.constant 0 : i32
        %parallel_loop3A_644 = arith.constant 0 : i32
        %parallel_loop3A_645 = tpu.memref_slice %arg7[%parallel_loop3A_190, %parallel_loop3A_642, %parallel_loop3A_643, %parallel_loop3A_644] : memref<4x4x8x128xf32, #tpu.memory_space<vmem>> -> memref<1x4x8x128xf32, #tpu.memory_space<vmem>>
        %parallel_loop3A_646 = tpu.memref_squeeze %parallel_loop3A_645 : memref<1x4x8x128xf32, #tpu.memory_space<vmem>> -> memref<4x8x128xf32, #tpu.memory_space<vmem>>
        tpu.vector_store_idx %parallel_loop3A_646[%parallel_loop3A_481, %parallel_loop3A_484, %parallel_loop3A_622], %parallel_loop3A_641 : memref<4x8x128xf32, #tpu.memory_space<vmem>>[vector<16xi32>, vector<16xi32>, vector<16xi32>], vector<16xf32>,
        %parallel_loop3A_647 = arith.constant 96 : i32
        %parallel_loop3A_648 = vector.broadcast %parallel_loop3A_647 : i32 to vector<16xi32>
        %parallel_loop3A_649 = arith.addi %iota3A, %parallel_loop3A_648 : vector<16xi32>
        %parallel_loop3A_650 = arith.constant 0 : i32
        %parallel_loop3A_651 = arith.constant 0 : i32
        %parallel_loop3A_652 = tpu.memref_slice %arg6[%parallel_loop3A_189, %parallel_loop3A_650, %parallel_loop3A_651] : memref<4x128x32xf32, #tpu.memory_space<vmem>> -> memref<1x128x32xf32, #tpu.memory_space<vmem>>
        %parallel_loop3A_653 = tpu.memref_squeeze %parallel_loop3A_652 : memref<1x128x32xf32, #tpu.memory_space<vmem>> -> memref<128x32xf32, #tpu.memory_space<vmem>>
        %parallel_loop3A_654 = tpu.vector_load_idx %parallel_loop3A_653[%parallel_loop3A_649, %parallel_loop3A_478] : memref<128x32xf32, #tpu.memory_space<vmem>>[vector<16xi32>, vector<16xi32>], vector<16xf32>,
        %parallel_loop3A_655 = arith.constant 5.000000e-02 : f32
        %parallel_loop3A_656 = vector.broadcast %parallel_loop3A_655 : f32 to vector<16xf32>
        %parallel_loop3A_657 = arith.cmpf ogt, %parallel_loop3A_654, %parallel_loop3A_656 : vector<16xf32>
        %parallel_loop3A_658 = arith.constant -5.000000e-02 : f32
        %parallel_loop3A_659 = vector.broadcast %parallel_loop3A_658 : f32 to vector<16xf32>
        %parallel_loop3A_660 = arith.cmpf olt, %parallel_loop3A_654, %parallel_loop3A_659 : vector<16xf32>
        %parallel_loop3A_661 = arith.constant -1.000000e+00 : f32
        %parallel_loop3A_662 = arith.constant 0.000000e+00 : f32
        %parallel_loop3A_663 = vector.broadcast %parallel_loop3A_661 : f32 to vector<16xf32>
        %parallel_loop3A_664 = vector.broadcast %parallel_loop3A_662 : f32 to vector<16xf32>
        %parallel_loop3A_665 = arith.select %parallel_loop3A_660, %parallel_loop3A_663, %parallel_loop3A_664 : vector<16xi1>, vector<16xf32>
        %parallel_loop3A_666 = arith.constant 1.000000e+00 : f32
        %parallel_loop3A_667 = vector.broadcast %parallel_loop3A_666 : f32 to vector<16xf32>
        %parallel_loop3A_668 = arith.select %parallel_loop3A_657, %parallel_loop3A_667, %parallel_loop3A_665 : vector<16xi1>, vector<16xf32>
        %parallel_loop3A_669 = arith.constant 0 : i32
        %parallel_loop3A_670 = arith.constant 0 : i32
        %parallel_loop3A_671 = arith.constant 0 : i32
        %parallel_loop3A_672 = tpu.memref_slice %arg7[%parallel_loop3A_190, %parallel_loop3A_669, %parallel_loop3A_670, %parallel_loop3A_671] : memref<4x4x8x128xf32, #tpu.memory_space<vmem>> -> memref<1x4x8x128xf32, #tpu.memory_space<vmem>>
        %parallel_loop3A_673 = tpu.memref_squeeze %parallel_loop3A_672 : memref<1x4x8x128xf32, #tpu.memory_space<vmem>> -> memref<4x8x128xf32, #tpu.memory_space<vmem>>
        tpu.vector_store_idx %parallel_loop3A_673[%parallel_loop3A_481, %parallel_loop3A_484, %parallel_loop3A_649], %parallel_loop3A_668 : memref<4x8x128xf32, #tpu.memory_space<vmem>>[vector<16xi32>, vector<16xi32>, vector<16xi32>], vector<16xf32>,
        %parallel_loop3A_674 = arith.constant 112 : i32
        %parallel_loop3A_675 = vector.broadcast %parallel_loop3A_674 : i32 to vector<16xi32>
        %parallel_loop3A_676 = arith.addi %iota3A, %parallel_loop3A_675 : vector<16xi32>
        %parallel_loop3A_677 = arith.constant 0 : i32
        %parallel_loop3A_678 = arith.constant 0 : i32
        %parallel_loop3A_679 = tpu.memref_slice %arg6[%parallel_loop3A_189, %parallel_loop3A_677, %parallel_loop3A_678] : memref<4x128x32xf32, #tpu.memory_space<vmem>> -> memref<1x128x32xf32, #tpu.memory_space<vmem>>
        %parallel_loop3A_680 = tpu.memref_squeeze %parallel_loop3A_679 : memref<1x128x32xf32, #tpu.memory_space<vmem>> -> memref<128x32xf32, #tpu.memory_space<vmem>>
        %parallel_loop3A_681 = tpu.vector_load_idx %parallel_loop3A_680[%parallel_loop3A_676, %parallel_loop3A_478] : memref<128x32xf32, #tpu.memory_space<vmem>>[vector<16xi32>, vector<16xi32>], vector<16xf32>,
        %parallel_loop3A_682 = arith.constant 5.000000e-02 : f32
        %parallel_loop3A_683 = vector.broadcast %parallel_loop3A_682 : f32 to vector<16xf32>
        %parallel_loop3A_684 = arith.cmpf ogt, %parallel_loop3A_681, %parallel_loop3A_683 : vector<16xf32>
        %parallel_loop3A_685 = arith.constant -5.000000e-02 : f32
        %parallel_loop3A_686 = vector.broadcast %parallel_loop3A_685 : f32 to vector<16xf32>
        %parallel_loop3A_687 = arith.cmpf olt, %parallel_loop3A_681, %parallel_loop3A_686 : vector<16xf32>
        %parallel_loop3A_688 = arith.constant -1.000000e+00 : f32
        %parallel_loop3A_689 = arith.constant 0.000000e+00 : f32
        %parallel_loop3A_690 = vector.broadcast %parallel_loop3A_688 : f32 to vector<16xf32>
        %parallel_loop3A_691 = vector.broadcast %parallel_loop3A_689 : f32 to vector<16xf32>
        %parallel_loop3A_692 = arith.select %parallel_loop3A_687, %parallel_loop3A_690, %parallel_loop3A_691 : vector<16xi1>, vector<16xf32>
        %parallel_loop3A_693 = arith.constant 1.000000e+00 : f32
        %parallel_loop3A_694 = vector.broadcast %parallel_loop3A_693 : f32 to vector<16xf32>
        %parallel_loop3A_695 = arith.select %parallel_loop3A_684, %parallel_loop3A_694, %parallel_loop3A_692 : vector<16xi1>, vector<16xf32>
        %parallel_loop3A_696 = arith.constant 0 : i32
        %parallel_loop3A_697 = arith.constant 0 : i32
        %parallel_loop3A_698 = arith.constant 0 : i32
        %parallel_loop3A_699 = tpu.memref_slice %arg7[%parallel_loop3A_190, %parallel_loop3A_696, %parallel_loop3A_697, %parallel_loop3A_698] : memref<4x4x8x128xf32, #tpu.memory_space<vmem>> -> memref<1x4x8x128xf32, #tpu.memory_space<vmem>>
        %parallel_loop3A_700 = tpu.memref_squeeze %parallel_loop3A_699 : memref<1x4x8x128xf32, #tpu.memory_space<vmem>> -> memref<4x8x128xf32, #tpu.memory_space<vmem>>
        tpu.vector_store_idx %parallel_loop3A_700[%parallel_loop3A_481, %parallel_loop3A_484, %parallel_loop3A_676], %parallel_loop3A_695 : memref<4x8x128xf32, #tpu.memory_space<vmem>>[vector<16xi32>, vector<16xi32>, vector<16xi32>], vector<16xf32>,
        %parallel_loop3A_701 = vector.broadcast %parallel_loop3A_470 : i32 to vector<16xi32>
        %parallel_loop3A_702 = arith.addi %iota3A, %parallel_loop3A_701 : vector<16xi32>
        %parallel_loop3A_703 = arith.constant 15 : i32
        %parallel_loop3A_704 = vector.broadcast %parallel_loop3A_703 : i32 to vector<16xi32>
        %parallel_loop3A_705 = arith.andi %parallel_loop3A_702, %parallel_loop3A_704 : vector<16xi32>
        %parallel_loop3A_706 = arith.constant 16 : i32
        %parallel_loop3A_707 = vector.broadcast %parallel_loop3A_706 : i32 to vector<16xi32>
        %parallel_loop3A_708 = arith.addi %parallel_loop3A_705, %parallel_loop3A_707 : vector<16xi32>
        %parallel_loop3A_709 = arith.constant 3 : i32
        %parallel_loop3A_710 = vector.broadcast %parallel_loop3A_709 : i32 to vector<16xi32>
        %parallel_loop3A_711 = arith.shrsi %parallel_loop3A_708, %parallel_loop3A_710 : vector<16xi32>
        %parallel_loop3A_712 = arith.constant 7 : i32
        %parallel_loop3A_713 = vector.broadcast %parallel_loop3A_712 : i32 to vector<16xi32>
        %parallel_loop3A_714 = arith.andi %parallel_loop3A_708, %parallel_loop3A_713 : vector<16xi32>
        %parallel_loop3A_715 = arith.constant 0 : i32
        %parallel_loop3A_716 = vector.broadcast %parallel_loop3A_715 : i32 to vector<16xi32>
        %parallel_loop3A_717 = arith.addi %iota3A, %parallel_loop3A_716 : vector<16xi32>
        %parallel_loop3A_718 = arith.constant 0 : i32
        %parallel_loop3A_719 = arith.constant 0 : i32
        %parallel_loop3A_720 = tpu.memref_slice %arg6[%parallel_loop3A_189, %parallel_loop3A_718, %parallel_loop3A_719] : memref<4x128x32xf32, #tpu.memory_space<vmem>> -> memref<1x128x32xf32, #tpu.memory_space<vmem>>
        %parallel_loop3A_721 = tpu.memref_squeeze %parallel_loop3A_720 : memref<1x128x32xf32, #tpu.memory_space<vmem>> -> memref<128x32xf32, #tpu.memory_space<vmem>>
        %parallel_loop3A_722 = tpu.vector_load_idx %parallel_loop3A_721[%parallel_loop3A_717, %parallel_loop3A_708] : memref<128x32xf32, #tpu.memory_space<vmem>>[vector<16xi32>, vector<16xi32>], vector<16xf32>,
        %parallel_loop3A_723 = arith.constant 5.000000e-02 : f32
        %parallel_loop3A_724 = vector.broadcast %parallel_loop3A_723 : f32 to vector<16xf32>
        %parallel_loop3A_725 = arith.cmpf ogt, %parallel_loop3A_722, %parallel_loop3A_724 : vector<16xf32>
        %parallel_loop3A_726 = arith.constant -5.000000e-02 : f32
        %parallel_loop3A_727 = vector.broadcast %parallel_loop3A_726 : f32 to vector<16xf32>
        %parallel_loop3A_728 = arith.cmpf olt, %parallel_loop3A_722, %parallel_loop3A_727 : vector<16xf32>
        %parallel_loop3A_729 = arith.constant -1.000000e+00 : f32
        %parallel_loop3A_730 = arith.constant 0.000000e+00 : f32
        %parallel_loop3A_731 = vector.broadcast %parallel_loop3A_729 : f32 to vector<16xf32>
        %parallel_loop3A_732 = vector.broadcast %parallel_loop3A_730 : f32 to vector<16xf32>
        %parallel_loop3A_733 = arith.select %parallel_loop3A_728, %parallel_loop3A_731, %parallel_loop3A_732 : vector<16xi1>, vector<16xf32>
        %parallel_loop3A_734 = arith.constant 1.000000e+00 : f32
        %parallel_loop3A_735 = vector.broadcast %parallel_loop3A_734 : f32 to vector<16xf32>
        %parallel_loop3A_736 = arith.select %parallel_loop3A_725, %parallel_loop3A_735, %parallel_loop3A_733 : vector<16xi1>, vector<16xf32>
        %parallel_loop3A_737 = arith.constant 0 : i32
        %parallel_loop3A_738 = arith.constant 0 : i32
        %parallel_loop3A_739 = arith.constant 0 : i32
        %parallel_loop3A_740 = tpu.memref_slice %arg7[%parallel_loop3A_190, %parallel_loop3A_737, %parallel_loop3A_738, %parallel_loop3A_739] : memref<4x4x8x128xf32, #tpu.memory_space<vmem>> -> memref<1x4x8x128xf32, #tpu.memory_space<vmem>>
        %parallel_loop3A_741 = tpu.memref_squeeze %parallel_loop3A_740 : memref<1x4x8x128xf32, #tpu.memory_space<vmem>> -> memref<4x8x128xf32, #tpu.memory_space<vmem>>
        tpu.vector_store_idx %parallel_loop3A_741[%parallel_loop3A_711, %parallel_loop3A_714, %parallel_loop3A_717], %parallel_loop3A_736 : memref<4x8x128xf32, #tpu.memory_space<vmem>>[vector<16xi32>, vector<16xi32>, vector<16xi32>], vector<16xf32>,
        %parallel_loop3A_742 = arith.constant 16 : i32
        %parallel_loop3A_743 = vector.broadcast %parallel_loop3A_742 : i32 to vector<16xi32>
        %parallel_loop3A_744 = arith.addi %iota3A, %parallel_loop3A_743 : vector<16xi32>
        %parallel_loop3A_745 = arith.constant 0 : i32
        %parallel_loop3A_746 = arith.constant 0 : i32
        %parallel_loop3A_747 = tpu.memref_slice %arg6[%parallel_loop3A_189, %parallel_loop3A_745, %parallel_loop3A_746] : memref<4x128x32xf32, #tpu.memory_space<vmem>> -> memref<1x128x32xf32, #tpu.memory_space<vmem>>
        %parallel_loop3A_748 = tpu.memref_squeeze %parallel_loop3A_747 : memref<1x128x32xf32, #tpu.memory_space<vmem>> -> memref<128x32xf32, #tpu.memory_space<vmem>>
        %parallel_loop3A_749 = tpu.vector_load_idx %parallel_loop3A_748[%parallel_loop3A_744, %parallel_loop3A_708] : memref<128x32xf32, #tpu.memory_space<vmem>>[vector<16xi32>, vector<16xi32>], vector<16xf32>,
        %parallel_loop3A_750 = arith.constant 5.000000e-02 : f32
        %parallel_loop3A_751 = vector.broadcast %parallel_loop3A_750 : f32 to vector<16xf32>
        %parallel_loop3A_752 = arith.cmpf ogt, %parallel_loop3A_749, %parallel_loop3A_751 : vector<16xf32>
        %parallel_loop3A_753 = arith.constant -5.000000e-02 : f32
        %parallel_loop3A_754 = vector.broadcast %parallel_loop3A_753 : f32 to vector<16xf32>
        %parallel_loop3A_755 = arith.cmpf olt, %parallel_loop3A_749, %parallel_loop3A_754 : vector<16xf32>
        %parallel_loop3A_756 = arith.constant -1.000000e+00 : f32
        %parallel_loop3A_757 = arith.constant 0.000000e+00 : f32
        %parallel_loop3A_758 = vector.broadcast %parallel_loop3A_756 : f32 to vector<16xf32>
        %parallel_loop3A_759 = vector.broadcast %parallel_loop3A_757 : f32 to vector<16xf32>
        %parallel_loop3A_760 = arith.select %parallel_loop3A_755, %parallel_loop3A_758, %parallel_loop3A_759 : vector<16xi1>, vector<16xf32>
        %parallel_loop3A_761 = arith.constant 1.000000e+00 : f32
        %parallel_loop3A_762 = vector.broadcast %parallel_loop3A_761 : f32 to vector<16xf32>
        %parallel_loop3A_763 = arith.select %parallel_loop3A_752, %parallel_loop3A_762, %parallel_loop3A_760 : vector<16xi1>, vector<16xf32>
        %parallel_loop3A_764 = arith.constant 0 : i32
        %parallel_loop3A_765 = arith.constant 0 : i32
        %parallel_loop3A_766 = arith.constant 0 : i32
        %parallel_loop3A_767 = tpu.memref_slice %arg7[%parallel_loop3A_190, %parallel_loop3A_764, %parallel_loop3A_765, %parallel_loop3A_766] : memref<4x4x8x128xf32, #tpu.memory_space<vmem>> -> memref<1x4x8x128xf32, #tpu.memory_space<vmem>>
        %parallel_loop3A_768 = tpu.memref_squeeze %parallel_loop3A_767 : memref<1x4x8x128xf32, #tpu.memory_space<vmem>> -> memref<4x8x128xf32, #tpu.memory_space<vmem>>
        tpu.vector_store_idx %parallel_loop3A_768[%parallel_loop3A_711, %parallel_loop3A_714, %parallel_loop3A_744], %parallel_loop3A_763 : memref<4x8x128xf32, #tpu.memory_space<vmem>>[vector<16xi32>, vector<16xi32>, vector<16xi32>], vector<16xf32>,
        %parallel_loop3A_769 = arith.constant 32 : i32
        %parallel_loop3A_770 = vector.broadcast %parallel_loop3A_769 : i32 to vector<16xi32>
        %parallel_loop3A_771 = arith.addi %iota3A, %parallel_loop3A_770 : vector<16xi32>
        %parallel_loop3A_772 = arith.constant 0 : i32
        %parallel_loop3A_773 = arith.constant 0 : i32
        %parallel_loop3A_774 = tpu.memref_slice %arg6[%parallel_loop3A_189, %parallel_loop3A_772, %parallel_loop3A_773] : memref<4x128x32xf32, #tpu.memory_space<vmem>> -> memref<1x128x32xf32, #tpu.memory_space<vmem>>
        %parallel_loop3A_775 = tpu.memref_squeeze %parallel_loop3A_774 : memref<1x128x32xf32, #tpu.memory_space<vmem>> -> memref<128x32xf32, #tpu.memory_space<vmem>>
        %parallel_loop3A_776 = tpu.vector_load_idx %parallel_loop3A_775[%parallel_loop3A_771, %parallel_loop3A_708] : memref<128x32xf32, #tpu.memory_space<vmem>>[vector<16xi32>, vector<16xi32>], vector<16xf32>,
        %parallel_loop3A_777 = arith.constant 5.000000e-02 : f32
        %parallel_loop3A_778 = vector.broadcast %parallel_loop3A_777 : f32 to vector<16xf32>
        %parallel_loop3A_779 = arith.cmpf ogt, %parallel_loop3A_776, %parallel_loop3A_778 : vector<16xf32>
        %parallel_loop3A_780 = arith.constant -5.000000e-02 : f32
        %parallel_loop3A_781 = vector.broadcast %parallel_loop3A_780 : f32 to vector<16xf32>
        %parallel_loop3A_782 = arith.cmpf olt, %parallel_loop3A_776, %parallel_loop3A_781 : vector<16xf32>
        %parallel_loop3A_783 = arith.constant -1.000000e+00 : f32
        %parallel_loop3A_784 = arith.constant 0.000000e+00 : f32
        %parallel_loop3A_785 = vector.broadcast %parallel_loop3A_783 : f32 to vector<16xf32>
        %parallel_loop3A_786 = vector.broadcast %parallel_loop3A_784 : f32 to vector<16xf32>
        %parallel_loop3A_787 = arith.select %parallel_loop3A_782, %parallel_loop3A_785, %parallel_loop3A_786 : vector<16xi1>, vector<16xf32>
        %parallel_loop3A_788 = arith.constant 1.000000e+00 : f32
        %parallel_loop3A_789 = vector.broadcast %parallel_loop3A_788 : f32 to vector<16xf32>
        %parallel_loop3A_790 = arith.select %parallel_loop3A_779, %parallel_loop3A_789, %parallel_loop3A_787 : vector<16xi1>, vector<16xf32>
        %parallel_loop3A_791 = arith.constant 0 : i32
        %parallel_loop3A_792 = arith.constant 0 : i32
        %parallel_loop3A_793 = arith.constant 0 : i32
        %parallel_loop3A_794 = tpu.memref_slice %arg7[%parallel_loop3A_190, %parallel_loop3A_791, %parallel_loop3A_792, %parallel_loop3A_793] : memref<4x4x8x128xf32, #tpu.memory_space<vmem>> -> memref<1x4x8x128xf32, #tpu.memory_space<vmem>>
        %parallel_loop3A_795 = tpu.memref_squeeze %parallel_loop3A_794 : memref<1x4x8x128xf32, #tpu.memory_space<vmem>> -> memref<4x8x128xf32, #tpu.memory_space<vmem>>
        tpu.vector_store_idx %parallel_loop3A_795[%parallel_loop3A_711, %parallel_loop3A_714, %parallel_loop3A_771], %parallel_loop3A_790 : memref<4x8x128xf32, #tpu.memory_space<vmem>>[vector<16xi32>, vector<16xi32>, vector<16xi32>], vector<16xf32>,
        %parallel_loop3A_796 = arith.constant 48 : i32
        %parallel_loop3A_797 = vector.broadcast %parallel_loop3A_796 : i32 to vector<16xi32>
        %parallel_loop3A_798 = arith.addi %iota3A, %parallel_loop3A_797 : vector<16xi32>
        %parallel_loop3A_799 = arith.constant 0 : i32
        %parallel_loop3A_800 = arith.constant 0 : i32
        %parallel_loop3A_801 = tpu.memref_slice %arg6[%parallel_loop3A_189, %parallel_loop3A_799, %parallel_loop3A_800] : memref<4x128x32xf32, #tpu.memory_space<vmem>> -> memref<1x128x32xf32, #tpu.memory_space<vmem>>
        %parallel_loop3A_802 = tpu.memref_squeeze %parallel_loop3A_801 : memref<1x128x32xf32, #tpu.memory_space<vmem>> -> memref<128x32xf32, #tpu.memory_space<vmem>>
        %parallel_loop3A_803 = tpu.vector_load_idx %parallel_loop3A_802[%parallel_loop3A_798, %parallel_loop3A_708] : memref<128x32xf32, #tpu.memory_space<vmem>>[vector<16xi32>, vector<16xi32>], vector<16xf32>,
        %parallel_loop3A_804 = arith.constant 5.000000e-02 : f32
        %parallel_loop3A_805 = vector.broadcast %parallel_loop3A_804 : f32 to vector<16xf32>
        %parallel_loop3A_806 = arith.cmpf ogt, %parallel_loop3A_803, %parallel_loop3A_805 : vector<16xf32>
        %parallel_loop3A_807 = arith.constant -5.000000e-02 : f32
        %parallel_loop3A_808 = vector.broadcast %parallel_loop3A_807 : f32 to vector<16xf32>
        %parallel_loop3A_809 = arith.cmpf olt, %parallel_loop3A_803, %parallel_loop3A_808 : vector<16xf32>
        %parallel_loop3A_810 = arith.constant -1.000000e+00 : f32
        %parallel_loop3A_811 = arith.constant 0.000000e+00 : f32
        %parallel_loop3A_812 = vector.broadcast %parallel_loop3A_810 : f32 to vector<16xf32>
        %parallel_loop3A_813 = vector.broadcast %parallel_loop3A_811 : f32 to vector<16xf32>
        %parallel_loop3A_814 = arith.select %parallel_loop3A_809, %parallel_loop3A_812, %parallel_loop3A_813 : vector<16xi1>, vector<16xf32>
        %parallel_loop3A_815 = arith.constant 1.000000e+00 : f32
        %parallel_loop3A_816 = vector.broadcast %parallel_loop3A_815 : f32 to vector<16xf32>
        %parallel_loop3A_817 = arith.select %parallel_loop3A_806, %parallel_loop3A_816, %parallel_loop3A_814 : vector<16xi1>, vector<16xf32>
        %parallel_loop3A_818 = arith.constant 0 : i32
        %parallel_loop3A_819 = arith.constant 0 : i32
        %parallel_loop3A_820 = arith.constant 0 : i32
        %parallel_loop3A_821 = tpu.memref_slice %arg7[%parallel_loop3A_190, %parallel_loop3A_818, %parallel_loop3A_819, %parallel_loop3A_820] : memref<4x4x8x128xf32, #tpu.memory_space<vmem>> -> memref<1x4x8x128xf32, #tpu.memory_space<vmem>>
        %parallel_loop3A_822 = tpu.memref_squeeze %parallel_loop3A_821 : memref<1x4x8x128xf32, #tpu.memory_space<vmem>> -> memref<4x8x128xf32, #tpu.memory_space<vmem>>
        tpu.vector_store_idx %parallel_loop3A_822[%parallel_loop3A_711, %parallel_loop3A_714, %parallel_loop3A_798], %parallel_loop3A_817 : memref<4x8x128xf32, #tpu.memory_space<vmem>>[vector<16xi32>, vector<16xi32>, vector<16xi32>], vector<16xf32>,
        %parallel_loop3A_823 = arith.constant 64 : i32
        %parallel_loop3A_824 = vector.broadcast %parallel_loop3A_823 : i32 to vector<16xi32>
        %parallel_loop3A_825 = arith.addi %iota3A, %parallel_loop3A_824 : vector<16xi32>
        %parallel_loop3A_826 = arith.constant 0 : i32
        %parallel_loop3A_827 = arith.constant 0 : i32
        %parallel_loop3A_828 = tpu.memref_slice %arg6[%parallel_loop3A_189, %parallel_loop3A_826, %parallel_loop3A_827] : memref<4x128x32xf32, #tpu.memory_space<vmem>> -> memref<1x128x32xf32, #tpu.memory_space<vmem>>
        %parallel_loop3A_829 = tpu.memref_squeeze %parallel_loop3A_828 : memref<1x128x32xf32, #tpu.memory_space<vmem>> -> memref<128x32xf32, #tpu.memory_space<vmem>>
        %parallel_loop3A_830 = tpu.vector_load_idx %parallel_loop3A_829[%parallel_loop3A_825, %parallel_loop3A_708] : memref<128x32xf32, #tpu.memory_space<vmem>>[vector<16xi32>, vector<16xi32>], vector<16xf32>,
        %parallel_loop3A_831 = arith.constant 5.000000e-02 : f32
        %parallel_loop3A_832 = vector.broadcast %parallel_loop3A_831 : f32 to vector<16xf32>
        %parallel_loop3A_833 = arith.cmpf ogt, %parallel_loop3A_830, %parallel_loop3A_832 : vector<16xf32>
        %parallel_loop3A_834 = arith.constant -5.000000e-02 : f32
        %parallel_loop3A_835 = vector.broadcast %parallel_loop3A_834 : f32 to vector<16xf32>
        %parallel_loop3A_836 = arith.cmpf olt, %parallel_loop3A_830, %parallel_loop3A_835 : vector<16xf32>
        %parallel_loop3A_837 = arith.constant -1.000000e+00 : f32
        %parallel_loop3A_838 = arith.constant 0.000000e+00 : f32
        %parallel_loop3A_839 = vector.broadcast %parallel_loop3A_837 : f32 to vector<16xf32>
        %parallel_loop3A_840 = vector.broadcast %parallel_loop3A_838 : f32 to vector<16xf32>
        %parallel_loop3A_841 = arith.select %parallel_loop3A_836, %parallel_loop3A_839, %parallel_loop3A_840 : vector<16xi1>, vector<16xf32>
        %parallel_loop3A_842 = arith.constant 1.000000e+00 : f32
        %parallel_loop3A_843 = vector.broadcast %parallel_loop3A_842 : f32 to vector<16xf32>
        %parallel_loop3A_844 = arith.select %parallel_loop3A_833, %parallel_loop3A_843, %parallel_loop3A_841 : vector<16xi1>, vector<16xf32>
        %parallel_loop3A_845 = arith.constant 0 : i32
        %parallel_loop3A_846 = arith.constant 0 : i32
        %parallel_loop3A_847 = arith.constant 0 : i32
        %parallel_loop3A_848 = tpu.memref_slice %arg7[%parallel_loop3A_190, %parallel_loop3A_845, %parallel_loop3A_846, %parallel_loop3A_847] : memref<4x4x8x128xf32, #tpu.memory_space<vmem>> -> memref<1x4x8x128xf32, #tpu.memory_space<vmem>>
        %parallel_loop3A_849 = tpu.memref_squeeze %parallel_loop3A_848 : memref<1x4x8x128xf32, #tpu.memory_space<vmem>> -> memref<4x8x128xf32, #tpu.memory_space<vmem>>
        tpu.vector_store_idx %parallel_loop3A_849[%parallel_loop3A_711, %parallel_loop3A_714, %parallel_loop3A_825], %parallel_loop3A_844 : memref<4x8x128xf32, #tpu.memory_space<vmem>>[vector<16xi32>, vector<16xi32>, vector<16xi32>], vector<16xf32>,
        %parallel_loop3A_850 = arith.constant 80 : i32
        %parallel_loop3A_851 = vector.broadcast %parallel_loop3A_850 : i32 to vector<16xi32>
        %parallel_loop3A_852 = arith.addi %iota3A, %parallel_loop3A_851 : vector<16xi32>
        %parallel_loop3A_853 = arith.constant 0 : i32
        %parallel_loop3A_854 = arith.constant 0 : i32
        %parallel_loop3A_855 = tpu.memref_slice %arg6[%parallel_loop3A_189, %parallel_loop3A_853, %parallel_loop3A_854] : memref<4x128x32xf32, #tpu.memory_space<vmem>> -> memref<1x128x32xf32, #tpu.memory_space<vmem>>
        %parallel_loop3A_856 = tpu.memref_squeeze %parallel_loop3A_855 : memref<1x128x32xf32, #tpu.memory_space<vmem>> -> memref<128x32xf32, #tpu.memory_space<vmem>>
        %parallel_loop3A_857 = tpu.vector_load_idx %parallel_loop3A_856[%parallel_loop3A_852, %parallel_loop3A_708] : memref<128x32xf32, #tpu.memory_space<vmem>>[vector<16xi32>, vector<16xi32>], vector<16xf32>,
        %parallel_loop3A_858 = arith.constant 5.000000e-02 : f32
        %parallel_loop3A_859 = vector.broadcast %parallel_loop3A_858 : f32 to vector<16xf32>
        %parallel_loop3A_860 = arith.cmpf ogt, %parallel_loop3A_857, %parallel_loop3A_859 : vector<16xf32>
        %parallel_loop3A_861 = arith.constant -5.000000e-02 : f32
        %parallel_loop3A_862 = vector.broadcast %parallel_loop3A_861 : f32 to vector<16xf32>
        %parallel_loop3A_863 = arith.cmpf olt, %parallel_loop3A_857, %parallel_loop3A_862 : vector<16xf32>
        %parallel_loop3A_864 = arith.constant -1.000000e+00 : f32
        %parallel_loop3A_865 = arith.constant 0.000000e+00 : f32
        %parallel_loop3A_866 = vector.broadcast %parallel_loop3A_864 : f32 to vector<16xf32>
        %parallel_loop3A_867 = vector.broadcast %parallel_loop3A_865 : f32 to vector<16xf32>
        %parallel_loop3A_868 = arith.select %parallel_loop3A_863, %parallel_loop3A_866, %parallel_loop3A_867 : vector<16xi1>, vector<16xf32>
        %parallel_loop3A_869 = arith.constant 1.000000e+00 : f32
        %parallel_loop3A_870 = vector.broadcast %parallel_loop3A_869 : f32 to vector<16xf32>
        %parallel_loop3A_871 = arith.select %parallel_loop3A_860, %parallel_loop3A_870, %parallel_loop3A_868 : vector<16xi1>, vector<16xf32>
        %parallel_loop3A_872 = arith.constant 0 : i32
        %parallel_loop3A_873 = arith.constant 0 : i32
        %parallel_loop3A_874 = arith.constant 0 : i32
        %parallel_loop3A_875 = tpu.memref_slice %arg7[%parallel_loop3A_190, %parallel_loop3A_872, %parallel_loop3A_873, %parallel_loop3A_874] : memref<4x4x8x128xf32, #tpu.memory_space<vmem>> -> memref<1x4x8x128xf32, #tpu.memory_space<vmem>>
        %parallel_loop3A_876 = tpu.memref_squeeze %parallel_loop3A_875 : memref<1x4x8x128xf32, #tpu.memory_space<vmem>> -> memref<4x8x128xf32, #tpu.memory_space<vmem>>
        tpu.vector_store_idx %parallel_loop3A_876[%parallel_loop3A_711, %parallel_loop3A_714, %parallel_loop3A_852], %parallel_loop3A_871 : memref<4x8x128xf32, #tpu.memory_space<vmem>>[vector<16xi32>, vector<16xi32>, vector<16xi32>], vector<16xf32>,
        %parallel_loop3A_877 = arith.constant 96 : i32
        %parallel_loop3A_878 = vector.broadcast %parallel_loop3A_877 : i32 to vector<16xi32>
        %parallel_loop3A_879 = arith.addi %iota3A, %parallel_loop3A_878 : vector<16xi32>
        %parallel_loop3A_880 = arith.constant 0 : i32
        %parallel_loop3A_881 = arith.constant 0 : i32
        %parallel_loop3A_882 = tpu.memref_slice %arg6[%parallel_loop3A_189, %parallel_loop3A_880, %parallel_loop3A_881] : memref<4x128x32xf32, #tpu.memory_space<vmem>> -> memref<1x128x32xf32, #tpu.memory_space<vmem>>
        %parallel_loop3A_883 = tpu.memref_squeeze %parallel_loop3A_882 : memref<1x128x32xf32, #tpu.memory_space<vmem>> -> memref<128x32xf32, #tpu.memory_space<vmem>>
        %parallel_loop3A_884 = tpu.vector_load_idx %parallel_loop3A_883[%parallel_loop3A_879, %parallel_loop3A_708] : memref<128x32xf32, #tpu.memory_space<vmem>>[vector<16xi32>, vector<16xi32>], vector<16xf32>,
        %parallel_loop3A_885 = arith.constant 5.000000e-02 : f32
        %parallel_loop3A_886 = vector.broadcast %parallel_loop3A_885 : f32 to vector<16xf32>
        %parallel_loop3A_887 = arith.cmpf ogt, %parallel_loop3A_884, %parallel_loop3A_886 : vector<16xf32>
        %parallel_loop3A_888 = arith.constant -5.000000e-02 : f32
        %parallel_loop3A_889 = vector.broadcast %parallel_loop3A_888 : f32 to vector<16xf32>
        %parallel_loop3A_890 = arith.cmpf olt, %parallel_loop3A_884, %parallel_loop3A_889 : vector<16xf32>
        %parallel_loop3A_891 = arith.constant -1.000000e+00 : f32
        %parallel_loop3A_892 = arith.constant 0.000000e+00 : f32
        %parallel_loop3A_893 = vector.broadcast %parallel_loop3A_891 : f32 to vector<16xf32>
        %parallel_loop3A_894 = vector.broadcast %parallel_loop3A_892 : f32 to vector<16xf32>
        %parallel_loop3A_895 = arith.select %parallel_loop3A_890, %parallel_loop3A_893, %parallel_loop3A_894 : vector<16xi1>, vector<16xf32>
        %parallel_loop3A_896 = arith.constant 1.000000e+00 : f32
        %parallel_loop3A_897 = vector.broadcast %parallel_loop3A_896 : f32 to vector<16xf32>
        %parallel_loop3A_898 = arith.select %parallel_loop3A_887, %parallel_loop3A_897, %parallel_loop3A_895 : vector<16xi1>, vector<16xf32>
        %parallel_loop3A_899 = arith.constant 0 : i32
        %parallel_loop3A_900 = arith.constant 0 : i32
        %parallel_loop3A_901 = arith.constant 0 : i32
        %parallel_loop3A_902 = tpu.memref_slice %arg7[%parallel_loop3A_190, %parallel_loop3A_899, %parallel_loop3A_900, %parallel_loop3A_901] : memref<4x4x8x128xf32, #tpu.memory_space<vmem>> -> memref<1x4x8x128xf32, #tpu.memory_space<vmem>>
        %parallel_loop3A_903 = tpu.memref_squeeze %parallel_loop3A_902 : memref<1x4x8x128xf32, #tpu.memory_space<vmem>> -> memref<4x8x128xf32, #tpu.memory_space<vmem>>
        tpu.vector_store_idx %parallel_loop3A_903[%parallel_loop3A_711, %parallel_loop3A_714, %parallel_loop3A_879], %parallel_loop3A_898 : memref<4x8x128xf32, #tpu.memory_space<vmem>>[vector<16xi32>, vector<16xi32>, vector<16xi32>], vector<16xf32>,
        %parallel_loop3A_904 = arith.constant 112 : i32
        %parallel_loop3A_905 = vector.broadcast %parallel_loop3A_904 : i32 to vector<16xi32>
        %parallel_loop3A_906 = arith.addi %iota3A, %parallel_loop3A_905 : vector<16xi32>
        %parallel_loop3A_907 = arith.constant 0 : i32
        %parallel_loop3A_908 = arith.constant 0 : i32
        %parallel_loop3A_909 = tpu.memref_slice %arg6[%parallel_loop3A_189, %parallel_loop3A_907, %parallel_loop3A_908] : memref<4x128x32xf32, #tpu.memory_space<vmem>> -> memref<1x128x32xf32, #tpu.memory_space<vmem>>
        %parallel_loop3A_910 = tpu.memref_squeeze %parallel_loop3A_909 : memref<1x128x32xf32, #tpu.memory_space<vmem>> -> memref<128x32xf32, #tpu.memory_space<vmem>>
        %parallel_loop3A_911 = tpu.vector_load_idx %parallel_loop3A_910[%parallel_loop3A_906, %parallel_loop3A_708] : memref<128x32xf32, #tpu.memory_space<vmem>>[vector<16xi32>, vector<16xi32>], vector<16xf32>,
        %parallel_loop3A_912 = arith.constant 5.000000e-02 : f32
        %parallel_loop3A_913 = vector.broadcast %parallel_loop3A_912 : f32 to vector<16xf32>
        %parallel_loop3A_914 = arith.cmpf ogt, %parallel_loop3A_911, %parallel_loop3A_913 : vector<16xf32>
        %parallel_loop3A_915 = arith.constant -5.000000e-02 : f32
        %parallel_loop3A_916 = vector.broadcast %parallel_loop3A_915 : f32 to vector<16xf32>
        %parallel_loop3A_917 = arith.cmpf olt, %parallel_loop3A_911, %parallel_loop3A_916 : vector<16xf32>
        %parallel_loop3A_918 = arith.constant -1.000000e+00 : f32
        %parallel_loop3A_919 = arith.constant 0.000000e+00 : f32
        %parallel_loop3A_920 = vector.broadcast %parallel_loop3A_918 : f32 to vector<16xf32>
        %parallel_loop3A_921 = vector.broadcast %parallel_loop3A_919 : f32 to vector<16xf32>
        %parallel_loop3A_922 = arith.select %parallel_loop3A_917, %parallel_loop3A_920, %parallel_loop3A_921 : vector<16xi1>, vector<16xf32>
        %parallel_loop3A_923 = arith.constant 1.000000e+00 : f32
        %parallel_loop3A_924 = vector.broadcast %parallel_loop3A_923 : f32 to vector<16xf32>
        %parallel_loop3A_925 = arith.select %parallel_loop3A_914, %parallel_loop3A_924, %parallel_loop3A_922 : vector<16xi1>, vector<16xf32>
        %parallel_loop3A_926 = arith.constant 0 : i32
        %parallel_loop3A_927 = arith.constant 0 : i32
        %parallel_loop3A_928 = arith.constant 0 : i32
        %parallel_loop3A_929 = tpu.memref_slice %arg7[%parallel_loop3A_190, %parallel_loop3A_926, %parallel_loop3A_927, %parallel_loop3A_928] : memref<4x4x8x128xf32, #tpu.memory_space<vmem>> -> memref<1x4x8x128xf32, #tpu.memory_space<vmem>>
        %parallel_loop3A_930 = tpu.memref_squeeze %parallel_loop3A_929 : memref<1x4x8x128xf32, #tpu.memory_space<vmem>> -> memref<4x8x128xf32, #tpu.memory_space<vmem>>
        tpu.vector_store_idx %parallel_loop3A_930[%parallel_loop3A_711, %parallel_loop3A_714, %parallel_loop3A_906], %parallel_loop3A_925 : memref<4x8x128xf32, #tpu.memory_space<vmem>>[vector<16xi32>, vector<16xi32>, vector<16xi32>], vector<16xf32>,
      } {sc.loop_unroll_factor = 1 : i64, sc.parallel_access}
      %dma_start3A_191 = arith.constant 0 : i32
      %dma_start3A_192 = arith.constant 0 : i32
      %dma_start3A_193 = arith.constant 0 : i32
      %dma_start3A_194 = arith.constant 0 : i32
      %dma_start3A_195 = tpu.memref_slice %arg7[%dma_start3A_191, %dma_start3A_192, %dma_start3A_193, %dma_start3A_194] : memref<4x4x8x128xf32, #tpu.memory_space<vmem>> -> memref<1x4x8x128xf32, #tpu.memory_space<vmem>>
      %dma_start3A_196 = tpu.memref_squeeze %dma_start3A_195 : memref<1x4x8x128xf32, #tpu.memory_space<vmem>> -> memref<4x8x128xf32, #tpu.memory_space<vmem>>
      %dma_start3A_197 = arith.constant 0 : i32
      %dma_start3A_198 = arith.constant 0 : i32
      %dma_start3A_199 = arith.constant 0 : i32
      %dma_start3A_200 = tpu.memref_slice %arg4[%select_n3A, %dma_start3A_197, %rem3A_171, %dma_start3A_198, %dma_start3A_199] : memref<50x4x128x8x128xf32, #tpu.memory_space<hbm>> -> memref<1x4x1x8x128xf32, #tpu.memory_space<hbm>>
      %dma_start3A_201 = tpu.memref_squeeze %dma_start3A_200 : memref<1x4x1x8x128xf32, #tpu.memory_space<hbm>> -> memref<4x8x128xf32, #tpu.memory_space<hbm>>
      %dma_start3A_202 = arith.constant 0 : i32
      %dma_start3A_203 = arith.constant 0 : i32
      %dma_start3A_204 = arith.constant 0 : i32
      %dma_start3A_205 = tpu.memref_slice %arg4[%select_n3A, %dma_start3A_202, %rem3A_171, %dma_start3A_203, %dma_start3A_204] : memref<50x4x128x8x128xf32, #tpu.memory_space<hbm>> -> memref<1x4x1x8x128xf32, #tpu.memory_space<hbm>>
      %dma_start3A_206 = tpu.memref_squeeze %dma_start3A_205 : memref<1x4x1x8x128xf32, #tpu.memory_space<hbm>> -> memref<4x8x128xf32, #tpu.memory_space<hbm>>
      %dma_start3A_207 = arith.constant 0 : i32
      %dma_start3A_208 = arith.constant 0 : i32
      %dma_start3A_209 = arith.constant 0 : i32
      %dma_start3A_210 = tpu.memref_slice %arg7[%dma_start3A_191, %dma_start3A_207, %dma_start3A_208, %dma_start3A_209] : memref<4x4x8x128xf32, #tpu.memory_space<vmem>> -> memref<1x4x8x128xf32, #tpu.memory_space<vmem>>
      %dma_start3A_211 = tpu.memref_squeeze %dma_start3A_210 : memref<1x4x8x128xf32, #tpu.memory_space<vmem>> -> memref<4x8x128xf32, #tpu.memory_space<vmem>>
      tpu.enqueue_dma source(%dma_start3A_211 : memref<4x8x128xf32, #tpu.memory_space<vmem>>) target(%dma_start3A_206 : memref<4x8x128xf32, #tpu.memory_space<hbm>>) target_semaphore(%arg12 : memref<!tpu.dma_semaphore, #tpu.memory_space<semaphore_mem>>)
      %lt3A = arith.constant 49 : i32
      %lt3A_212 = arith.cmpi slt, %scan3A_145, %lt3A : i32
      %convert_element_type3A_213 = arith.extui %lt3A_212 : i1 to i32
      %cond3A_214 = arith.constant 0 : i32
      %cond3A_215 = arith.constant 0 : i32
      %cond3A_216 = arith.cmpi ne, %convert_element_type3A_213, %cond3A_215 : i32
      scf.if %cond3A_216 {
        %add3A_470 = arith.constant 4 : i32
        %add3A_471 = arith.addi %add3A_150, %add3A_470 : i32
        %dma_start3A_472 = arith.constant 0 : i32
        %dma_start3A_473 = arith.constant 0 : i32
        %dma_start3A_474 = tpu.memref_slice %arg6[%cond3A_214, %dma_start3A_472, %dma_start3A_473] : memref<4x128x32xf32, #tpu.memory_space<vmem>> -> memref<1x128x32xf32, #tpu.memory_space<vmem>>
        %dma_start3A_475 = tpu.memref_squeeze %dma_start3A_474 : memref<1x128x32xf32, #tpu.memory_space<vmem>> -> memref<128x32xf32, #tpu.memory_space<vmem>>
        %dma_start3A_476 = arith.constant 0 : i32
        %dma_start3A_477 = tpu.memref_slice %arg5[%add3A_471, %dma_start3A_476] : memref<200x128xi32, #tpu.memory_space<vmem>> -> memref<1x128xi32, #tpu.memory_space<vmem>>
        %dma_start3A_478 = tpu.memref_squeeze %dma_start3A_477 : memref<1x128xi32, #tpu.memory_space<vmem>> -> memref<128xi32, #tpu.memory_space<vmem>>
        %dma_start3A_479 = arith.constant 0 : i32
        %dma_start3A_480 = arith.constant 0 : i32
        %dma_start3A_481 = tpu.memref_slice %arg2[%dma_start3A_479, %dma_start3A_480] : memref<1000000x32xf32, #tpu.memory_space<hbm>> -> memref<1000000x32xf32, #tpu.memory_space<hbm>>
        tpu.enqueue_indirect_dma source(%dma_start3A_481 : memref<1000000x32xf32, #tpu.memory_space<hbm>>) target(%dma_start3A_475 : memref<128x32xf32, #tpu.memory_space<vmem>>) offsets(%dma_start3A_478 : memref<128xi32, #tpu.memory_space<vmem>>) semaphore(%arg8 : memref<!tpu.dma_semaphore, #tpu.memory_space<semaphore_mem>>)
      } else {
      }
      %mul3A_217 = arith.constant 4 : i32
      %mul3A_218 = arith.muli %scan3A_145, %mul3A_217 : i32
      %add3A_219 = arith.constant 1 : i32
      %add3A_220 = arith.addi %mul3A_218, %add3A_219 : i32
      %mul3A_221 = arith.constant 200 : i32
      %mul3A_222 = arith.muli %add3A, %mul3A_221 : i32
      %add3A_223 = arith.addi %mul3A_222, %add3A_220 : i32
      %jit3A_224 = arith.constant 128 : i32
      %div3A_225 = arith.divsi %add3A_223, %jit3A_224 : i32
      %sign3A_226 = arith.constant 0 : i32
      %sign3A_227 = arith.cmpi sgt, %add3A_223, %sign3A_226 : i32
      %sign3A_228 = arith.extui %sign3A_227 : i1 to i32
      %sign3A_229 = arith.constant 0 : i32
      %sign3A_230 = arith.cmpi slt, %add3A_223, %sign3A_229 : i32
      %sign3A_231 = arith.extui %sign3A_230 : i1 to i32
      %sign3A_232 = arith.subi %sign3A_228, %sign3A_231 : i32
      %sign3A_233 = arith.constant 0 : i32
      %sign3A_234 = arith.cmpi sgt, %jit3A_224, %sign3A_233 : i32
      %sign3A_235 = arith.extui %sign3A_234 : i1 to i32
      %sign3A_236 = arith.constant 0 : i32
      %sign3A_237 = arith.cmpi slt, %jit3A_224, %sign3A_236 : i32
      %sign3A_238 = arith.extui %sign3A_237 : i1 to i32
      %sign3A_239 = arith.subi %sign3A_235, %sign3A_238 : i32
      %ne3A_240 = arith.cmpi ne, %sign3A_232, %sign3A_239 : i32
      %rem3A_241 = arith.remsi %add3A_223, %jit3A_224 : i32
      %ne3A_242 = arith.constant 0 : i32
      %ne3A_243 = arith.cmpi ne, %rem3A_241, %ne3A_242 : i32
      %and3A_244 = arith.andi %ne3A_240, %ne3A_243 : i1
      %sub3A_245 = arith.constant 1 : i32
      %sub3A_246 = arith.subi %div3A_225, %sub3A_245 : i32
      %select_n3A_247 = arith.select %and3A_244, %sub3A_246, %div3A_225 : i32
      %rem3A_248 = arith.constant 128 : i32
      %rem3A_249 = arith.remsi %add3A_223, %rem3A_248 : i32
      %dma_wait3A_250 = arith.constant 1 : i32
      %dma_wait3A_251 = arith.constant 1 : i32
      %dma_wait3A_252 = arith.constant 0 : i32
      %dma_wait3A_253 = arith.constant 0 : i32
      %dma_wait3A_254 = tpu.memref_slice %arg6[%dma_wait3A_251, %dma_wait3A_252, %dma_wait3A_253] : memref<4x128x32xf32, #tpu.memory_space<vmem>> -> memref<1x128x32xf32, #tpu.memory_space<vmem>>
      %dma_wait3A_255 = tpu.memref_squeeze %dma_wait3A_254 : memref<1x128x32xf32, #tpu.memory_space<vmem>> -> memref<128x32xf32, #tpu.memory_space<vmem>>
      %dma_wait3A_256 = arith.constant 0 : i32
      %dma_wait3A_257 = tpu.memref_slice %arg5[%dma_wait3A_250, %dma_wait3A_256] : memref<200x128xi32, #tpu.memory_space<vmem>> -> memref<1x128xi32, #tpu.memory_space<vmem>>
      %dma_wait3A_258 = tpu.memref_squeeze %dma_wait3A_257 : memref<1x128xi32, #tpu.memory_space<vmem>> -> memref<128xi32, #tpu.memory_space<vmem>>
      %dma_wait3A_259 = arith.constant 0 : i32
      %dma_wait3A_260 = arith.constant 0 : i32
      %dma_wait3A_261 = tpu.memref_slice %arg2[%dma_wait3A_259, %dma_wait3A_260] : memref<1000000x32xf32, #tpu.memory_space<hbm>> -> memref<1000000x32xf32, #tpu.memory_space<hbm>>
      tpu.wait_indirect_dma semaphore(%arg9 : memref<!tpu.dma_semaphore, #tpu.memory_space<semaphore_mem>>) src(%dma_wait3A_261 : memref<1000000x32xf32, #tpu.memory_space<hbm>>) dst(%dma_wait3A_255 : memref<128x32xf32, #tpu.memory_space<vmem>>)
      %gt3A_262 = arith.constant 0 : i32
      %gt3A_263 = arith.cmpi sgt, %scan3A_145, %gt3A_262 : i32
      %convert_element_type3A_264 = arith.extui %gt3A_263 : i1 to i32
      %cond3A_265 = arith.constant 1 : i32
      %cond3A_266 = arith.constant 0 : i32
      %cond3A_267 = arith.cmpi ne, %convert_element_type3A_264, %cond3A_266 : i32
      scf.if %cond3A_267 {
        %dma_wait3A_470 = arith.constant 0 : i32
        %dma_wait3A_471 = arith.constant 0 : i32
        %dma_wait3A_472 = arith.constant 0 : i32
        %dma_wait3A_473 = arith.constant 0 : i32
        %dma_wait3A_474 = arith.constant 0 : i32
        %dma_wait3A_475 = tpu.memref_slice %arg7[%cond3A_265, %dma_wait3A_472, %dma_wait3A_473, %dma_wait3A_474] : memref<4x4x8x128xf32, #tpu.memory_space<vmem>> -> memref<1x4x8x128xf32, #tpu.memory_space<vmem>>
        %dma_wait3A_476 = tpu.memref_squeeze %dma_wait3A_475 : memref<1x4x8x128xf32, #tpu.memory_space<vmem>> -> memref<4x8x128xf32, #tpu.memory_space<vmem>>
        %dma_wait3A_477 = arith.constant 0 : i32
        %dma_wait3A_478 = arith.constant 0 : i32
        %dma_wait3A_479 = arith.constant 0 : i32
        %dma_wait3A_480 = tpu.memref_slice %arg4[%dma_wait3A_470, %dma_wait3A_477, %dma_wait3A_471, %dma_wait3A_478, %dma_wait3A_479] : memref<50x4x128x8x128xf32, #tpu.memory_space<hbm>> -> memref<1x4x1x8x128xf32, #tpu.memory_space<hbm>>
        %dma_wait3A_481 = tpu.memref_squeeze %dma_wait3A_480 : memref<1x4x1x8x128xf32, #tpu.memory_space<hbm>> -> memref<4x8x128xf32, #tpu.memory_space<hbm>>
        %dma_wait3A_482 = arith.constant 0 : i32
        %dma_wait3A_483 = arith.constant 0 : i32
        %dma_wait3A_484 = arith.constant 0 : i32
        %dma_wait3A_485 = tpu.memref_slice %arg4[%dma_wait3A_470, %dma_wait3A_482, %dma_wait3A_471, %dma_wait3A_483, %dma_wait3A_484] : memref<50x4x128x8x128xf32, #tpu.memory_space<hbm>> -> memref<1x4x1x8x128xf32, #tpu.memory_space<hbm>>
        %dma_wait3A_486 = tpu.memref_squeeze %dma_wait3A_485 : memref<1x4x1x8x128xf32, #tpu.memory_space<hbm>> -> memref<4x8x128xf32, #tpu.memory_space<hbm>>
        %dma_wait3A_487 = arith.constant 0 : i32
        %dma_wait3A_488 = arith.constant 0 : i32
        %dma_wait3A_489 = arith.constant 0 : i32
        %dma_wait3A_490 = tpu.memref_slice %arg7[%cond3A_265, %dma_wait3A_487, %dma_wait3A_488, %dma_wait3A_489] : memref<4x4x8x128xf32, #tpu.memory_space<vmem>> -> memref<1x4x8x128xf32, #tpu.memory_space<vmem>>
        %dma_wait3A_491 = tpu.memref_squeeze %dma_wait3A_490 : memref<1x4x8x128xf32, #tpu.memory_space<vmem>> -> memref<4x8x128xf32, #tpu.memory_space<vmem>>
        tpu.wait_dma2 semaphore(%arg13 : memref<!tpu.dma_semaphore, #tpu.memory_space<semaphore_mem>>) src(%dma_wait3A_491 : memref<4x8x128xf32, #tpu.memory_space<vmem>>) dst(%dma_wait3A_486 : memref<4x8x128xf32, #tpu.memory_space<hbm>>)
      } else {
      }
      %iota3A_268 = tpu.iota {dimensions = array<i32: 0>} : vector<16xi32>
      %parallel_loop3A_269 = arith.constant 0 : i32
      %parallel_loop3A_270 = arith.constant 16 : i32
      %parallel_loop3A_271 = arith.constant 1 : i32
      %parallel_loop3A_272 = arith.constant 1 : i32
      %parallel_loop3A_273 = arith.constant 1 : i32
      scf.for %parallel_loop3A_470 = %parallel_loop3A_269 to %parallel_loop3A_270 step %parallel_loop3A_271  : i32 {
        %parallel_loop3A_471 = vector.broadcast %parallel_loop3A_470 : i32 to vector<16xi32>
        %parallel_loop3A_472 = arith.addi %iota3A_268, %parallel_loop3A_471 : vector<16xi32>
        %parallel_loop3A_473 = arith.constant 15 : i32
        %parallel_loop3A_474 = vector.broadcast %parallel_loop3A_473 : i32 to vector<16xi32>
        %parallel_loop3A_475 = arith.andi %parallel_loop3A_472, %parallel_loop3A_474 : vector<16xi32>
        %parallel_loop3A_476 = arith.constant 0 : i32
        %parallel_loop3A_477 = vector.broadcast %parallel_loop3A_476 : i32 to vector<16xi32>
        %parallel_loop3A_478 = arith.addi %parallel_loop3A_475, %parallel_loop3A_477 : vector<16xi32>
        %parallel_loop3A_479 = arith.constant 3 : i32
        %parallel_loop3A_480 = vector.broadcast %parallel_loop3A_479 : i32 to vector<16xi32>
        %parallel_loop3A_481 = arith.shrsi %parallel_loop3A_478, %parallel_loop3A_480 : vector<16xi32>
        %parallel_loop3A_482 = arith.constant 7 : i32
        %parallel_loop3A_483 = vector.broadcast %parallel_loop3A_482 : i32 to vector<16xi32>
        %parallel_loop3A_484 = arith.andi %parallel_loop3A_478, %parallel_loop3A_483 : vector<16xi32>
        %parallel_loop3A_485 = arith.constant 0 : i32
        %parallel_loop3A_486 = vector.broadcast %parallel_loop3A_485 : i32 to vector<16xi32>
        %parallel_loop3A_487 = arith.addi %iota3A_268, %parallel_loop3A_486 : vector<16xi32>
        %parallel_loop3A_488 = arith.constant 0 : i32
        %parallel_loop3A_489 = arith.constant 0 : i32
        %parallel_loop3A_490 = tpu.memref_slice %arg6[%parallel_loop3A_272, %parallel_loop3A_488, %parallel_loop3A_489] : memref<4x128x32xf32, #tpu.memory_space<vmem>> -> memref<1x128x32xf32, #tpu.memory_space<vmem>>
        %parallel_loop3A_491 = tpu.memref_squeeze %parallel_loop3A_490 : memref<1x128x32xf32, #tpu.memory_space<vmem>> -> memref<128x32xf32, #tpu.memory_space<vmem>>
        %parallel_loop3A_492 = tpu.vector_load_idx %parallel_loop3A_491[%parallel_loop3A_487, %parallel_loop3A_478] : memref<128x32xf32, #tpu.memory_space<vmem>>[vector<16xi32>, vector<16xi32>], vector<16xf32>,
        %parallel_loop3A_493 = arith.constant 5.000000e-02 : f32
        %parallel_loop3A_494 = vector.broadcast %parallel_loop3A_493 : f32 to vector<16xf32>
        %parallel_loop3A_495 = arith.cmpf ogt, %parallel_loop3A_492, %parallel_loop3A_494 : vector<16xf32>
        %parallel_loop3A_496 = arith.constant -5.000000e-02 : f32
        %parallel_loop3A_497 = vector.broadcast %parallel_loop3A_496 : f32 to vector<16xf32>
        %parallel_loop3A_498 = arith.cmpf olt, %parallel_loop3A_492, %parallel_loop3A_497 : vector<16xf32>
        %parallel_loop3A_499 = arith.constant -1.000000e+00 : f32
        %parallel_loop3A_500 = arith.constant 0.000000e+00 : f32
        %parallel_loop3A_501 = vector.broadcast %parallel_loop3A_499 : f32 to vector<16xf32>
        %parallel_loop3A_502 = vector.broadcast %parallel_loop3A_500 : f32 to vector<16xf32>
        %parallel_loop3A_503 = arith.select %parallel_loop3A_498, %parallel_loop3A_501, %parallel_loop3A_502 : vector<16xi1>, vector<16xf32>
        %parallel_loop3A_504 = arith.constant 1.000000e+00 : f32
        %parallel_loop3A_505 = vector.broadcast %parallel_loop3A_504 : f32 to vector<16xf32>
        %parallel_loop3A_506 = arith.select %parallel_loop3A_495, %parallel_loop3A_505, %parallel_loop3A_503 : vector<16xi1>, vector<16xf32>
        %parallel_loop3A_507 = arith.constant 0 : i32
        %parallel_loop3A_508 = arith.constant 0 : i32
        %parallel_loop3A_509 = arith.constant 0 : i32
        %parallel_loop3A_510 = tpu.memref_slice %arg7[%parallel_loop3A_273, %parallel_loop3A_507, %parallel_loop3A_508, %parallel_loop3A_509] : memref<4x4x8x128xf32, #tpu.memory_space<vmem>> -> memref<1x4x8x128xf32, #tpu.memory_space<vmem>>
        %parallel_loop3A_511 = tpu.memref_squeeze %parallel_loop3A_510 : memref<1x4x8x128xf32, #tpu.memory_space<vmem>> -> memref<4x8x128xf32, #tpu.memory_space<vmem>>
        tpu.vector_store_idx %parallel_loop3A_511[%parallel_loop3A_481, %parallel_loop3A_484, %parallel_loop3A_487], %parallel_loop3A_506 : memref<4x8x128xf32, #tpu.memory_space<vmem>>[vector<16xi32>, vector<16xi32>, vector<16xi32>], vector<16xf32>,
        %parallel_loop3A_512 = arith.constant 16 : i32
        %parallel_loop3A_513 = vector.broadcast %parallel_loop3A_512 : i32 to vector<16xi32>
        %parallel_loop3A_514 = arith.addi %iota3A_268, %parallel_loop3A_513 : vector<16xi32>
        %parallel_loop3A_515 = arith.constant 0 : i32
        %parallel_loop3A_516 = arith.constant 0 : i32
        %parallel_loop3A_517 = tpu.memref_slice %arg6[%parallel_loop3A_272, %parallel_loop3A_515, %parallel_loop3A_516] : memref<4x128x32xf32, #tpu.memory_space<vmem>> -> memref<1x128x32xf32, #tpu.memory_space<vmem>>
        %parallel_loop3A_518 = tpu.memref_squeeze %parallel_loop3A_517 : memref<1x128x32xf32, #tpu.memory_space<vmem>> -> memref<128x32xf32, #tpu.memory_space<vmem>>
        %parallel_loop3A_519 = tpu.vector_load_idx %parallel_loop3A_518[%parallel_loop3A_514, %parallel_loop3A_478] : memref<128x32xf32, #tpu.memory_space<vmem>>[vector<16xi32>, vector<16xi32>], vector<16xf32>,
        %parallel_loop3A_520 = arith.constant 5.000000e-02 : f32
        %parallel_loop3A_521 = vector.broadcast %parallel_loop3A_520 : f32 to vector<16xf32>
        %parallel_loop3A_522 = arith.cmpf ogt, %parallel_loop3A_519, %parallel_loop3A_521 : vector<16xf32>
        %parallel_loop3A_523 = arith.constant -5.000000e-02 : f32
        %parallel_loop3A_524 = vector.broadcast %parallel_loop3A_523 : f32 to vector<16xf32>
        %parallel_loop3A_525 = arith.cmpf olt, %parallel_loop3A_519, %parallel_loop3A_524 : vector<16xf32>
        %parallel_loop3A_526 = arith.constant -1.000000e+00 : f32
        %parallel_loop3A_527 = arith.constant 0.000000e+00 : f32
        %parallel_loop3A_528 = vector.broadcast %parallel_loop3A_526 : f32 to vector<16xf32>
        %parallel_loop3A_529 = vector.broadcast %parallel_loop3A_527 : f32 to vector<16xf32>
        %parallel_loop3A_530 = arith.select %parallel_loop3A_525, %parallel_loop3A_528, %parallel_loop3A_529 : vector<16xi1>, vector<16xf32>
        %parallel_loop3A_531 = arith.constant 1.000000e+00 : f32
        %parallel_loop3A_532 = vector.broadcast %parallel_loop3A_531 : f32 to vector<16xf32>
        %parallel_loop3A_533 = arith.select %parallel_loop3A_522, %parallel_loop3A_532, %parallel_loop3A_530 : vector<16xi1>, vector<16xf32>
        %parallel_loop3A_534 = arith.constant 0 : i32
        %parallel_loop3A_535 = arith.constant 0 : i32
        %parallel_loop3A_536 = arith.constant 0 : i32
        %parallel_loop3A_537 = tpu.memref_slice %arg7[%parallel_loop3A_273, %parallel_loop3A_534, %parallel_loop3A_535, %parallel_loop3A_536] : memref<4x4x8x128xf32, #tpu.memory_space<vmem>> -> memref<1x4x8x128xf32, #tpu.memory_space<vmem>>
        %parallel_loop3A_538 = tpu.memref_squeeze %parallel_loop3A_537 : memref<1x4x8x128xf32, #tpu.memory_space<vmem>> -> memref<4x8x128xf32, #tpu.memory_space<vmem>>
        tpu.vector_store_idx %parallel_loop3A_538[%parallel_loop3A_481, %parallel_loop3A_484, %parallel_loop3A_514], %parallel_loop3A_533 : memref<4x8x128xf32, #tpu.memory_space<vmem>>[vector<16xi32>, vector<16xi32>, vector<16xi32>], vector<16xf32>,
        %parallel_loop3A_539 = arith.constant 32 : i32
        %parallel_loop3A_540 = vector.broadcast %parallel_loop3A_539 : i32 to vector<16xi32>
        %parallel_loop3A_541 = arith.addi %iota3A_268, %parallel_loop3A_540 : vector<16xi32>
        %parallel_loop3A_542 = arith.constant 0 : i32
        %parallel_loop3A_543 = arith.constant 0 : i32
        %parallel_loop3A_544 = tpu.memref_slice %arg6[%parallel_loop3A_272, %parallel_loop3A_542, %parallel_loop3A_543] : memref<4x128x32xf32, #tpu.memory_space<vmem>> -> memref<1x128x32xf32, #tpu.memory_space<vmem>>
        %parallel_loop3A_545 = tpu.memref_squeeze %parallel_loop3A_544 : memref<1x128x32xf32, #tpu.memory_space<vmem>> -> memref<128x32xf32, #tpu.memory_space<vmem>>
        %parallel_loop3A_546 = tpu.vector_load_idx %parallel_loop3A_545[%parallel_loop3A_541, %parallel_loop3A_478] : memref<128x32xf32, #tpu.memory_space<vmem>>[vector<16xi32>, vector<16xi32>], vector<16xf32>,
        %parallel_loop3A_547 = arith.constant 5.000000e-02 : f32
        %parallel_loop3A_548 = vector.broadcast %parallel_loop3A_547 : f32 to vector<16xf32>
        %parallel_loop3A_549 = arith.cmpf ogt, %parallel_loop3A_546, %parallel_loop3A_548 : vector<16xf32>
        %parallel_loop3A_550 = arith.constant -5.000000e-02 : f32
        %parallel_loop3A_551 = vector.broadcast %parallel_loop3A_550 : f32 to vector<16xf32>
        %parallel_loop3A_552 = arith.cmpf olt, %parallel_loop3A_546, %parallel_loop3A_551 : vector<16xf32>
        %parallel_loop3A_553 = arith.constant -1.000000e+00 : f32
        %parallel_loop3A_554 = arith.constant 0.000000e+00 : f32
        %parallel_loop3A_555 = vector.broadcast %parallel_loop3A_553 : f32 to vector<16xf32>
        %parallel_loop3A_556 = vector.broadcast %parallel_loop3A_554 : f32 to vector<16xf32>
        %parallel_loop3A_557 = arith.select %parallel_loop3A_552, %parallel_loop3A_555, %parallel_loop3A_556 : vector<16xi1>, vector<16xf32>
        %parallel_loop3A_558 = arith.constant 1.000000e+00 : f32
        %parallel_loop3A_559 = vector.broadcast %parallel_loop3A_558 : f32 to vector<16xf32>
        %parallel_loop3A_560 = arith.select %parallel_loop3A_549, %parallel_loop3A_559, %parallel_loop3A_557 : vector<16xi1>, vector<16xf32>
        %parallel_loop3A_561 = arith.constant 0 : i32
        %parallel_loop3A_562 = arith.constant 0 : i32
        %parallel_loop3A_563 = arith.constant 0 : i32
        %parallel_loop3A_564 = tpu.memref_slice %arg7[%parallel_loop3A_273, %parallel_loop3A_561, %parallel_loop3A_562, %parallel_loop3A_563] : memref<4x4x8x128xf32, #tpu.memory_space<vmem>> -> memref<1x4x8x128xf32, #tpu.memory_space<vmem>>
        %parallel_loop3A_565 = tpu.memref_squeeze %parallel_loop3A_564 : memref<1x4x8x128xf32, #tpu.memory_space<vmem>> -> memref<4x8x128xf32, #tpu.memory_space<vmem>>
        tpu.vector_store_idx %parallel_loop3A_565[%parallel_loop3A_481, %parallel_loop3A_484, %parallel_loop3A_541], %parallel_loop3A_560 : memref<4x8x128xf32, #tpu.memory_space<vmem>>[vector<16xi32>, vector<16xi32>, vector<16xi32>], vector<16xf32>,
        %parallel_loop3A_566 = arith.constant 48 : i32
        %parallel_loop3A_567 = vector.broadcast %parallel_loop3A_566 : i32 to vector<16xi32>
        %parallel_loop3A_568 = arith.addi %iota3A_268, %parallel_loop3A_567 : vector<16xi32>
        %parallel_loop3A_569 = arith.constant 0 : i32
        %parallel_loop3A_570 = arith.constant 0 : i32
        %parallel_loop3A_571 = tpu.memref_slice %arg6[%parallel_loop3A_272, %parallel_loop3A_569, %parallel_loop3A_570] : memref<4x128x32xf32, #tpu.memory_space<vmem>> -> memref<1x128x32xf32, #tpu.memory_space<vmem>>
        %parallel_loop3A_572 = tpu.memref_squeeze %parallel_loop3A_571 : memref<1x128x32xf32, #tpu.memory_space<vmem>> -> memref<128x32xf32, #tpu.memory_space<vmem>>
        %parallel_loop3A_573 = tpu.vector_load_idx %parallel_loop3A_572[%parallel_loop3A_568, %parallel_loop3A_478] : memref<128x32xf32, #tpu.memory_space<vmem>>[vector<16xi32>, vector<16xi32>], vector<16xf32>,
        %parallel_loop3A_574 = arith.constant 5.000000e-02 : f32
        %parallel_loop3A_575 = vector.broadcast %parallel_loop3A_574 : f32 to vector<16xf32>
        %parallel_loop3A_576 = arith.cmpf ogt, %parallel_loop3A_573, %parallel_loop3A_575 : vector<16xf32>
        %parallel_loop3A_577 = arith.constant -5.000000e-02 : f32
        %parallel_loop3A_578 = vector.broadcast %parallel_loop3A_577 : f32 to vector<16xf32>
        %parallel_loop3A_579 = arith.cmpf olt, %parallel_loop3A_573, %parallel_loop3A_578 : vector<16xf32>
        %parallel_loop3A_580 = arith.constant -1.000000e+00 : f32
        %parallel_loop3A_581 = arith.constant 0.000000e+00 : f32
        %parallel_loop3A_582 = vector.broadcast %parallel_loop3A_580 : f32 to vector<16xf32>
        %parallel_loop3A_583 = vector.broadcast %parallel_loop3A_581 : f32 to vector<16xf32>
        %parallel_loop3A_584 = arith.select %parallel_loop3A_579, %parallel_loop3A_582, %parallel_loop3A_583 : vector<16xi1>, vector<16xf32>
        %parallel_loop3A_585 = arith.constant 1.000000e+00 : f32
        %parallel_loop3A_586 = vector.broadcast %parallel_loop3A_585 : f32 to vector<16xf32>
        %parallel_loop3A_587 = arith.select %parallel_loop3A_576, %parallel_loop3A_586, %parallel_loop3A_584 : vector<16xi1>, vector<16xf32>
        %parallel_loop3A_588 = arith.constant 0 : i32
        %parallel_loop3A_589 = arith.constant 0 : i32
        %parallel_loop3A_590 = arith.constant 0 : i32
        %parallel_loop3A_591 = tpu.memref_slice %arg7[%parallel_loop3A_273, %parallel_loop3A_588, %parallel_loop3A_589, %parallel_loop3A_590] : memref<4x4x8x128xf32, #tpu.memory_space<vmem>> -> memref<1x4x8x128xf32, #tpu.memory_space<vmem>>
        %parallel_loop3A_592 = tpu.memref_squeeze %parallel_loop3A_591 : memref<1x4x8x128xf32, #tpu.memory_space<vmem>> -> memref<4x8x128xf32, #tpu.memory_space<vmem>>
        tpu.vector_store_idx %parallel_loop3A_592[%parallel_loop3A_481, %parallel_loop3A_484, %parallel_loop3A_568], %parallel_loop3A_587 : memref<4x8x128xf32, #tpu.memory_space<vmem>>[vector<16xi32>, vector<16xi32>, vector<16xi32>], vector<16xf32>,
        %parallel_loop3A_593 = arith.constant 64 : i32
        %parallel_loop3A_594 = vector.broadcast %parallel_loop3A_593 : i32 to vector<16xi32>
        %parallel_loop3A_595 = arith.addi %iota3A_268, %parallel_loop3A_594 : vector<16xi32>
        %parallel_loop3A_596 = arith.constant 0 : i32
        %parallel_loop3A_597 = arith.constant 0 : i32
        %parallel_loop3A_598 = tpu.memref_slice %arg6[%parallel_loop3A_272, %parallel_loop3A_596, %parallel_loop3A_597] : memref<4x128x32xf32, #tpu.memory_space<vmem>> -> memref<1x128x32xf32, #tpu.memory_space<vmem>>
        %parallel_loop3A_599 = tpu.memref_squeeze %parallel_loop3A_598 : memref<1x128x32xf32, #tpu.memory_space<vmem>> -> memref<128x32xf32, #tpu.memory_space<vmem>>
        %parallel_loop3A_600 = tpu.vector_load_idx %parallel_loop3A_599[%parallel_loop3A_595, %parallel_loop3A_478] : memref<128x32xf32, #tpu.memory_space<vmem>>[vector<16xi32>, vector<16xi32>], vector<16xf32>,
        %parallel_loop3A_601 = arith.constant 5.000000e-02 : f32
        %parallel_loop3A_602 = vector.broadcast %parallel_loop3A_601 : f32 to vector<16xf32>
        %parallel_loop3A_603 = arith.cmpf ogt, %parallel_loop3A_600, %parallel_loop3A_602 : vector<16xf32>
        %parallel_loop3A_604 = arith.constant -5.000000e-02 : f32
        %parallel_loop3A_605 = vector.broadcast %parallel_loop3A_604 : f32 to vector<16xf32>
        %parallel_loop3A_606 = arith.cmpf olt, %parallel_loop3A_600, %parallel_loop3A_605 : vector<16xf32>
        %parallel_loop3A_607 = arith.constant -1.000000e+00 : f32
        %parallel_loop3A_608 = arith.constant 0.000000e+00 : f32
        %parallel_loop3A_609 = vector.broadcast %parallel_loop3A_607 : f32 to vector<16xf32>
        %parallel_loop3A_610 = vector.broadcast %parallel_loop3A_608 : f32 to vector<16xf32>
        %parallel_loop3A_611 = arith.select %parallel_loop3A_606, %parallel_loop3A_609, %parallel_loop3A_610 : vector<16xi1>, vector<16xf32>
        %parallel_loop3A_612 = arith.constant 1.000000e+00 : f32
        %parallel_loop3A_613 = vector.broadcast %parallel_loop3A_612 : f32 to vector<16xf32>
        %parallel_loop3A_614 = arith.select %parallel_loop3A_603, %parallel_loop3A_613, %parallel_loop3A_611 : vector<16xi1>, vector<16xf32>
        %parallel_loop3A_615 = arith.constant 0 : i32
        %parallel_loop3A_616 = arith.constant 0 : i32
        %parallel_loop3A_617 = arith.constant 0 : i32
        %parallel_loop3A_618 = tpu.memref_slice %arg7[%parallel_loop3A_273, %parallel_loop3A_615, %parallel_loop3A_616, %parallel_loop3A_617] : memref<4x4x8x128xf32, #tpu.memory_space<vmem>> -> memref<1x4x8x128xf32, #tpu.memory_space<vmem>>
        %parallel_loop3A_619 = tpu.memref_squeeze %parallel_loop3A_618 : memref<1x4x8x128xf32, #tpu.memory_space<vmem>> -> memref<4x8x128xf32, #tpu.memory_space<vmem>>
        tpu.vector_store_idx %parallel_loop3A_619[%parallel_loop3A_481, %parallel_loop3A_484, %parallel_loop3A_595], %parallel_loop3A_614 : memref<4x8x128xf32, #tpu.memory_space<vmem>>[vector<16xi32>, vector<16xi32>, vector<16xi32>], vector<16xf32>,
        %parallel_loop3A_620 = arith.constant 80 : i32
        %parallel_loop3A_621 = vector.broadcast %parallel_loop3A_620 : i32 to vector<16xi32>
        %parallel_loop3A_622 = arith.addi %iota3A_268, %parallel_loop3A_621 : vector<16xi32>
        %parallel_loop3A_623 = arith.constant 0 : i32
        %parallel_loop3A_624 = arith.constant 0 : i32
        %parallel_loop3A_625 = tpu.memref_slice %arg6[%parallel_loop3A_272, %parallel_loop3A_623, %parallel_loop3A_624] : memref<4x128x32xf32, #tpu.memory_space<vmem>> -> memref<1x128x32xf32, #tpu.memory_space<vmem>>
        %parallel_loop3A_626 = tpu.memref_squeeze %parallel_loop3A_625 : memref<1x128x32xf32, #tpu.memory_space<vmem>> -> memref<128x32xf32, #tpu.memory_space<vmem>>
        %parallel_loop3A_627 = tpu.vector_load_idx %parallel_loop3A_626[%parallel_loop3A_622, %parallel_loop3A_478] : memref<128x32xf32, #tpu.memory_space<vmem>>[vector<16xi32>, vector<16xi32>], vector<16xf32>,
        %parallel_loop3A_628 = arith.constant 5.000000e-02 : f32
        %parallel_loop3A_629 = vector.broadcast %parallel_loop3A_628 : f32 to vector<16xf32>
        %parallel_loop3A_630 = arith.cmpf ogt, %parallel_loop3A_627, %parallel_loop3A_629 : vector<16xf32>
        %parallel_loop3A_631 = arith.constant -5.000000e-02 : f32
        %parallel_loop3A_632 = vector.broadcast %parallel_loop3A_631 : f32 to vector<16xf32>
        %parallel_loop3A_633 = arith.cmpf olt, %parallel_loop3A_627, %parallel_loop3A_632 : vector<16xf32>
        %parallel_loop3A_634 = arith.constant -1.000000e+00 : f32
        %parallel_loop3A_635 = arith.constant 0.000000e+00 : f32
        %parallel_loop3A_636 = vector.broadcast %parallel_loop3A_634 : f32 to vector<16xf32>
        %parallel_loop3A_637 = vector.broadcast %parallel_loop3A_635 : f32 to vector<16xf32>
        %parallel_loop3A_638 = arith.select %parallel_loop3A_633, %parallel_loop3A_636, %parallel_loop3A_637 : vector<16xi1>, vector<16xf32>
        %parallel_loop3A_639 = arith.constant 1.000000e+00 : f32
        %parallel_loop3A_640 = vector.broadcast %parallel_loop3A_639 : f32 to vector<16xf32>
        %parallel_loop3A_641 = arith.select %parallel_loop3A_630, %parallel_loop3A_640, %parallel_loop3A_638 : vector<16xi1>, vector<16xf32>
        %parallel_loop3A_642 = arith.constant 0 : i32
        %parallel_loop3A_643 = arith.constant 0 : i32
        %parallel_loop3A_644 = arith.constant 0 : i32
        %parallel_loop3A_645 = tpu.memref_slice %arg7[%parallel_loop3A_273, %parallel_loop3A_642, %parallel_loop3A_643, %parallel_loop3A_644] : memref<4x4x8x128xf32, #tpu.memory_space<vmem>> -> memref<1x4x8x128xf32, #tpu.memory_space<vmem>>
        %parallel_loop3A_646 = tpu.memref_squeeze %parallel_loop3A_645 : memref<1x4x8x128xf32, #tpu.memory_space<vmem>> -> memref<4x8x128xf32, #tpu.memory_space<vmem>>
        tpu.vector_store_idx %parallel_loop3A_646[%parallel_loop3A_481, %parallel_loop3A_484, %parallel_loop3A_622], %parallel_loop3A_641 : memref<4x8x128xf32, #tpu.memory_space<vmem>>[vector<16xi32>, vector<16xi32>, vector<16xi32>], vector<16xf32>,
        %parallel_loop3A_647 = arith.constant 96 : i32
        %parallel_loop3A_648 = vector.broadcast %parallel_loop3A_647 : i32 to vector<16xi32>
        %parallel_loop3A_649 = arith.addi %iota3A_268, %parallel_loop3A_648 : vector<16xi32>
        %parallel_loop3A_650 = arith.constant 0 : i32
        %parallel_loop3A_651 = arith.constant 0 : i32
        %parallel_loop3A_652 = tpu.memref_slice %arg6[%parallel_loop3A_272, %parallel_loop3A_650, %parallel_loop3A_651] : memref<4x128x32xf32, #tpu.memory_space<vmem>> -> memref<1x128x32xf32, #tpu.memory_space<vmem>>
        %parallel_loop3A_653 = tpu.memref_squeeze %parallel_loop3A_652 : memref<1x128x32xf32, #tpu.memory_space<vmem>> -> memref<128x32xf32, #tpu.memory_space<vmem>>
        %parallel_loop3A_654 = tpu.vector_load_idx %parallel_loop3A_653[%parallel_loop3A_649, %parallel_loop3A_478] : memref<128x32xf32, #tpu.memory_space<vmem>>[vector<16xi32>, vector<16xi32>], vector<16xf32>,
        %parallel_loop3A_655 = arith.constant 5.000000e-02 : f32
        %parallel_loop3A_656 = vector.broadcast %parallel_loop3A_655 : f32 to vector<16xf32>
        %parallel_loop3A_657 = arith.cmpf ogt, %parallel_loop3A_654, %parallel_loop3A_656 : vector<16xf32>
        %parallel_loop3A_658 = arith.constant -5.000000e-02 : f32
        %parallel_loop3A_659 = vector.broadcast %parallel_loop3A_658 : f32 to vector<16xf32>
        %parallel_loop3A_660 = arith.cmpf olt, %parallel_loop3A_654, %parallel_loop3A_659 : vector<16xf32>
        %parallel_loop3A_661 = arith.constant -1.000000e+00 : f32
        %parallel_loop3A_662 = arith.constant 0.000000e+00 : f32
        %parallel_loop3A_663 = vector.broadcast %parallel_loop3A_661 : f32 to vector<16xf32>
        %parallel_loop3A_664 = vector.broadcast %parallel_loop3A_662 : f32 to vector<16xf32>
        %parallel_loop3A_665 = arith.select %parallel_loop3A_660, %parallel_loop3A_663, %parallel_loop3A_664 : vector<16xi1>, vector<16xf32>
        %parallel_loop3A_666 = arith.constant 1.000000e+00 : f32
        %parallel_loop3A_667 = vector.broadcast %parallel_loop3A_666 : f32 to vector<16xf32>
        %parallel_loop3A_668 = arith.select %parallel_loop3A_657, %parallel_loop3A_667, %parallel_loop3A_665 : vector<16xi1>, vector<16xf32>
        %parallel_loop3A_669 = arith.constant 0 : i32
        %parallel_loop3A_670 = arith.constant 0 : i32
        %parallel_loop3A_671 = arith.constant 0 : i32
        %parallel_loop3A_672 = tpu.memref_slice %arg7[%parallel_loop3A_273, %parallel_loop3A_669, %parallel_loop3A_670, %parallel_loop3A_671] : memref<4x4x8x128xf32, #tpu.memory_space<vmem>> -> memref<1x4x8x128xf32, #tpu.memory_space<vmem>>
        %parallel_loop3A_673 = tpu.memref_squeeze %parallel_loop3A_672 : memref<1x4x8x128xf32, #tpu.memory_space<vmem>> -> memref<4x8x128xf32, #tpu.memory_space<vmem>>
        tpu.vector_store_idx %parallel_loop3A_673[%parallel_loop3A_481, %parallel_loop3A_484, %parallel_loop3A_649], %parallel_loop3A_668 : memref<4x8x128xf32, #tpu.memory_space<vmem>>[vector<16xi32>, vector<16xi32>, vector<16xi32>], vector<16xf32>,
        %parallel_loop3A_674 = arith.constant 112 : i32
        %parallel_loop3A_675 = vector.broadcast %parallel_loop3A_674 : i32 to vector<16xi32>
        %parallel_loop3A_676 = arith.addi %iota3A_268, %parallel_loop3A_675 : vector<16xi32>
        %parallel_loop3A_677 = arith.constant 0 : i32
        %parallel_loop3A_678 = arith.constant 0 : i32
        %parallel_loop3A_679 = tpu.memref_slice %arg6[%parallel_loop3A_272, %parallel_loop3A_677, %parallel_loop3A_678] : memref<4x128x32xf32, #tpu.memory_space<vmem>> -> memref<1x128x32xf32, #tpu.memory_space<vmem>>
        %parallel_loop3A_680 = tpu.memref_squeeze %parallel_loop3A_679 : memref<1x128x32xf32, #tpu.memory_space<vmem>> -> memref<128x32xf32, #tpu.memory_space<vmem>>
        %parallel_loop3A_681 = tpu.vector_load_idx %parallel_loop3A_680[%parallel_loop3A_676, %parallel_loop3A_478] : memref<128x32xf32, #tpu.memory_space<vmem>>[vector<16xi32>, vector<16xi32>], vector<16xf32>,
        %parallel_loop3A_682 = arith.constant 5.000000e-02 : f32
        %parallel_loop3A_683 = vector.broadcast %parallel_loop3A_682 : f32 to vector<16xf32>
        %parallel_loop3A_684 = arith.cmpf ogt, %parallel_loop3A_681, %parallel_loop3A_683 : vector<16xf32>
        %parallel_loop3A_685 = arith.constant -5.000000e-02 : f32
        %parallel_loop3A_686 = vector.broadcast %parallel_loop3A_685 : f32 to vector<16xf32>
        %parallel_loop3A_687 = arith.cmpf olt, %parallel_loop3A_681, %parallel_loop3A_686 : vector<16xf32>
        %parallel_loop3A_688 = arith.constant -1.000000e+00 : f32
        %parallel_loop3A_689 = arith.constant 0.000000e+00 : f32
        %parallel_loop3A_690 = vector.broadcast %parallel_loop3A_688 : f32 to vector<16xf32>
        %parallel_loop3A_691 = vector.broadcast %parallel_loop3A_689 : f32 to vector<16xf32>
        %parallel_loop3A_692 = arith.select %parallel_loop3A_687, %parallel_loop3A_690, %parallel_loop3A_691 : vector<16xi1>, vector<16xf32>
        %parallel_loop3A_693 = arith.constant 1.000000e+00 : f32
        %parallel_loop3A_694 = vector.broadcast %parallel_loop3A_693 : f32 to vector<16xf32>
        %parallel_loop3A_695 = arith.select %parallel_loop3A_684, %parallel_loop3A_694, %parallel_loop3A_692 : vector<16xi1>, vector<16xf32>
        %parallel_loop3A_696 = arith.constant 0 : i32
        %parallel_loop3A_697 = arith.constant 0 : i32
        %parallel_loop3A_698 = arith.constant 0 : i32
        %parallel_loop3A_699 = tpu.memref_slice %arg7[%parallel_loop3A_273, %parallel_loop3A_696, %parallel_loop3A_697, %parallel_loop3A_698] : memref<4x4x8x128xf32, #tpu.memory_space<vmem>> -> memref<1x4x8x128xf32, #tpu.memory_space<vmem>>
        %parallel_loop3A_700 = tpu.memref_squeeze %parallel_loop3A_699 : memref<1x4x8x128xf32, #tpu.memory_space<vmem>> -> memref<4x8x128xf32, #tpu.memory_space<vmem>>
        tpu.vector_store_idx %parallel_loop3A_700[%parallel_loop3A_481, %parallel_loop3A_484, %parallel_loop3A_676], %parallel_loop3A_695 : memref<4x8x128xf32, #tpu.memory_space<vmem>>[vector<16xi32>, vector<16xi32>, vector<16xi32>], vector<16xf32>,
        %parallel_loop3A_701 = vector.broadcast %parallel_loop3A_470 : i32 to vector<16xi32>
        %parallel_loop3A_702 = arith.addi %iota3A_268, %parallel_loop3A_701 : vector<16xi32>
        %parallel_loop3A_703 = arith.constant 15 : i32
        %parallel_loop3A_704 = vector.broadcast %parallel_loop3A_703 : i32 to vector<16xi32>
        %parallel_loop3A_705 = arith.andi %parallel_loop3A_702, %parallel_loop3A_704 : vector<16xi32>
        %parallel_loop3A_706 = arith.constant 16 : i32
        %parallel_loop3A_707 = vector.broadcast %parallel_loop3A_706 : i32 to vector<16xi32>
        %parallel_loop3A_708 = arith.addi %parallel_loop3A_705, %parallel_loop3A_707 : vector<16xi32>
        %parallel_loop3A_709 = arith.constant 3 : i32
        %parallel_loop3A_710 = vector.broadcast %parallel_loop3A_709 : i32 to vector<16xi32>
        %parallel_loop3A_711 = arith.shrsi %parallel_loop3A_708, %parallel_loop3A_710 : vector<16xi32>
        %parallel_loop3A_712 = arith.constant 7 : i32
        %parallel_loop3A_713 = vector.broadcast %parallel_loop3A_712 : i32 to vector<16xi32>
        %parallel_loop3A_714 = arith.andi %parallel_loop3A_708, %parallel_loop3A_713 : vector<16xi32>
        %parallel_loop3A_715 = arith.constant 0 : i32
        %parallel_loop3A_716 = vector.broadcast %parallel_loop3A_715 : i32 to vector<16xi32>
        %parallel_loop3A_717 = arith.addi %iota3A_268, %parallel_loop3A_716 : vector<16xi32>
        %parallel_loop3A_718 = arith.constant 0 : i32
        %parallel_loop3A_719 = arith.constant 0 : i32
        %parallel_loop3A_720 = tpu.memref_slice %arg6[%parallel_loop3A_272, %parallel_loop3A_718, %parallel_loop3A_719] : memref<4x128x32xf32, #tpu.memory_space<vmem>> -> memref<1x128x32xf32, #tpu.memory_space<vmem>>
        %parallel_loop3A_721 = tpu.memref_squeeze %parallel_loop3A_720 : memref<1x128x32xf32, #tpu.memory_space<vmem>> -> memref<128x32xf32, #tpu.memory_space<vmem>>
        %parallel_loop3A_722 = tpu.vector_load_idx %parallel_loop3A_721[%parallel_loop3A_717, %parallel_loop3A_708] : memref<128x32xf32, #tpu.memory_space<vmem>>[vector<16xi32>, vector<16xi32>], vector<16xf32>,
        %parallel_loop3A_723 = arith.constant 5.000000e-02 : f32
        %parallel_loop3A_724 = vector.broadcast %parallel_loop3A_723 : f32 to vector<16xf32>
        %parallel_loop3A_725 = arith.cmpf ogt, %parallel_loop3A_722, %parallel_loop3A_724 : vector<16xf32>
        %parallel_loop3A_726 = arith.constant -5.000000e-02 : f32
        %parallel_loop3A_727 = vector.broadcast %parallel_loop3A_726 : f32 to vector<16xf32>
        %parallel_loop3A_728 = arith.cmpf olt, %parallel_loop3A_722, %parallel_loop3A_727 : vector<16xf32>
        %parallel_loop3A_729 = arith.constant -1.000000e+00 : f32
        %parallel_loop3A_730 = arith.constant 0.000000e+00 : f32
        %parallel_loop3A_731 = vector.broadcast %parallel_loop3A_729 : f32 to vector<16xf32>
        %parallel_loop3A_732 = vector.broadcast %parallel_loop3A_730 : f32 to vector<16xf32>
        %parallel_loop3A_733 = arith.select %parallel_loop3A_728, %parallel_loop3A_731, %parallel_loop3A_732 : vector<16xi1>, vector<16xf32>
        %parallel_loop3A_734 = arith.constant 1.000000e+00 : f32
        %parallel_loop3A_735 = vector.broadcast %parallel_loop3A_734 : f32 to vector<16xf32>
        %parallel_loop3A_736 = arith.select %parallel_loop3A_725, %parallel_loop3A_735, %parallel_loop3A_733 : vector<16xi1>, vector<16xf32>
        %parallel_loop3A_737 = arith.constant 0 : i32
        %parallel_loop3A_738 = arith.constant 0 : i32
        %parallel_loop3A_739 = arith.constant 0 : i32
        %parallel_loop3A_740 = tpu.memref_slice %arg7[%parallel_loop3A_273, %parallel_loop3A_737, %parallel_loop3A_738, %parallel_loop3A_739] : memref<4x4x8x128xf32, #tpu.memory_space<vmem>> -> memref<1x4x8x128xf32, #tpu.memory_space<vmem>>
        %parallel_loop3A_741 = tpu.memref_squeeze %parallel_loop3A_740 : memref<1x4x8x128xf32, #tpu.memory_space<vmem>> -> memref<4x8x128xf32, #tpu.memory_space<vmem>>
        tpu.vector_store_idx %parallel_loop3A_741[%parallel_loop3A_711, %parallel_loop3A_714, %parallel_loop3A_717], %parallel_loop3A_736 : memref<4x8x128xf32, #tpu.memory_space<vmem>>[vector<16xi32>, vector<16xi32>, vector<16xi32>], vector<16xf32>,
        %parallel_loop3A_742 = arith.constant 16 : i32
        %parallel_loop3A_743 = vector.broadcast %parallel_loop3A_742 : i32 to vector<16xi32>
        %parallel_loop3A_744 = arith.addi %iota3A_268, %parallel_loop3A_743 : vector<16xi32>
        %parallel_loop3A_745 = arith.constant 0 : i32
        %parallel_loop3A_746 = arith.constant 0 : i32
        %parallel_loop3A_747 = tpu.memref_slice %arg6[%parallel_loop3A_272, %parallel_loop3A_745, %parallel_loop3A_746] : memref<4x128x32xf32, #tpu.memory_space<vmem>> -> memref<1x128x32xf32, #tpu.memory_space<vmem>>
        %parallel_loop3A_748 = tpu.memref_squeeze %parallel_loop3A_747 : memref<1x128x32xf32, #tpu.memory_space<vmem>> -> memref<128x32xf32, #tpu.memory_space<vmem>>
        %parallel_loop3A_749 = tpu.vector_load_idx %parallel_loop3A_748[%parallel_loop3A_744, %parallel_loop3A_708] : memref<128x32xf32, #tpu.memory_space<vmem>>[vector<16xi32>, vector<16xi32>], vector<16xf32>,
        %parallel_loop3A_750 = arith.constant 5.000000e-02 : f32
        %parallel_loop3A_751 = vector.broadcast %parallel_loop3A_750 : f32 to vector<16xf32>
        %parallel_loop3A_752 = arith.cmpf ogt, %parallel_loop3A_749, %parallel_loop3A_751 : vector<16xf32>
        %parallel_loop3A_753 = arith.constant -5.000000e-02 : f32
        %parallel_loop3A_754 = vector.broadcast %parallel_loop3A_753 : f32 to vector<16xf32>
        %parallel_loop3A_755 = arith.cmpf olt, %parallel_loop3A_749, %parallel_loop3A_754 : vector<16xf32>
        %parallel_loop3A_756 = arith.constant -1.000000e+00 : f32
        %parallel_loop3A_757 = arith.constant 0.000000e+00 : f32
        %parallel_loop3A_758 = vector.broadcast %parallel_loop3A_756 : f32 to vector<16xf32>
        %parallel_loop3A_759 = vector.broadcast %parallel_loop3A_757 : f32 to vector<16xf32>
        %parallel_loop3A_760 = arith.select %parallel_loop3A_755, %parallel_loop3A_758, %parallel_loop3A_759 : vector<16xi1>, vector<16xf32>
        %parallel_loop3A_761 = arith.constant 1.000000e+00 : f32
        %parallel_loop3A_762 = vector.broadcast %parallel_loop3A_761 : f32 to vector<16xf32>
        %parallel_loop3A_763 = arith.select %parallel_loop3A_752, %parallel_loop3A_762, %parallel_loop3A_760 : vector<16xi1>, vector<16xf32>
        %parallel_loop3A_764 = arith.constant 0 : i32
        %parallel_loop3A_765 = arith.constant 0 : i32
        %parallel_loop3A_766 = arith.constant 0 : i32
        %parallel_loop3A_767 = tpu.memref_slice %arg7[%parallel_loop3A_273, %parallel_loop3A_764, %parallel_loop3A_765, %parallel_loop3A_766] : memref<4x4x8x128xf32, #tpu.memory_space<vmem>> -> memref<1x4x8x128xf32, #tpu.memory_space<vmem>>
        %parallel_loop3A_768 = tpu.memref_squeeze %parallel_loop3A_767 : memref<1x4x8x128xf32, #tpu.memory_space<vmem>> -> memref<4x8x128xf32, #tpu.memory_space<vmem>>
        tpu.vector_store_idx %parallel_loop3A_768[%parallel_loop3A_711, %parallel_loop3A_714, %parallel_loop3A_744], %parallel_loop3A_763 : memref<4x8x128xf32, #tpu.memory_space<vmem>>[vector<16xi32>, vector<16xi32>, vector<16xi32>], vector<16xf32>,
        %parallel_loop3A_769 = arith.constant 32 : i32
        %parallel_loop3A_770 = vector.broadcast %parallel_loop3A_769 : i32 to vector<16xi32>
        %parallel_loop3A_771 = arith.addi %iota3A_268, %parallel_loop3A_770 : vector<16xi32>
        %parallel_loop3A_772 = arith.constant 0 : i32
        %parallel_loop3A_773 = arith.constant 0 : i32
        %parallel_loop3A_774 = tpu.memref_slice %arg6[%parallel_loop3A_272, %parallel_loop3A_772, %parallel_loop3A_773] : memref<4x128x32xf32, #tpu.memory_space<vmem>> -> memref<1x128x32xf32, #tpu.memory_space<vmem>>
        %parallel_loop3A_775 = tpu.memref_squeeze %parallel_loop3A_774 : memref<1x128x32xf32, #tpu.memory_space<vmem>> -> memref<128x32xf32, #tpu.memory_space<vmem>>
        %parallel_loop3A_776 = tpu.vector_load_idx %parallel_loop3A_775[%parallel_loop3A_771, %parallel_loop3A_708] : memref<128x32xf32, #tpu.memory_space<vmem>>[vector<16xi32>, vector<16xi32>], vector<16xf32>,
        %parallel_loop3A_777 = arith.constant 5.000000e-02 : f32
        %parallel_loop3A_778 = vector.broadcast %parallel_loop3A_777 : f32 to vector<16xf32>
        %parallel_loop3A_779 = arith.cmpf ogt, %parallel_loop3A_776, %parallel_loop3A_778 : vector<16xf32>
        %parallel_loop3A_780 = arith.constant -5.000000e-02 : f32
        %parallel_loop3A_781 = vector.broadcast %parallel_loop3A_780 : f32 to vector<16xf32>
        %parallel_loop3A_782 = arith.cmpf olt, %parallel_loop3A_776, %parallel_loop3A_781 : vector<16xf32>
        %parallel_loop3A_783 = arith.constant -1.000000e+00 : f32
        %parallel_loop3A_784 = arith.constant 0.000000e+00 : f32
        %parallel_loop3A_785 = vector.broadcast %parallel_loop3A_783 : f32 to vector<16xf32>
        %parallel_loop3A_786 = vector.broadcast %parallel_loop3A_784 : f32 to vector<16xf32>
        %parallel_loop3A_787 = arith.select %parallel_loop3A_782, %parallel_loop3A_785, %parallel_loop3A_786 : vector<16xi1>, vector<16xf32>
        %parallel_loop3A_788 = arith.constant 1.000000e+00 : f32
        %parallel_loop3A_789 = vector.broadcast %parallel_loop3A_788 : f32 to vector<16xf32>
        %parallel_loop3A_790 = arith.select %parallel_loop3A_779, %parallel_loop3A_789, %parallel_loop3A_787 : vector<16xi1>, vector<16xf32>
        %parallel_loop3A_791 = arith.constant 0 : i32
        %parallel_loop3A_792 = arith.constant 0 : i32
        %parallel_loop3A_793 = arith.constant 0 : i32
        %parallel_loop3A_794 = tpu.memref_slice %arg7[%parallel_loop3A_273, %parallel_loop3A_791, %parallel_loop3A_792, %parallel_loop3A_793] : memref<4x4x8x128xf32, #tpu.memory_space<vmem>> -> memref<1x4x8x128xf32, #tpu.memory_space<vmem>>
        %parallel_loop3A_795 = tpu.memref_squeeze %parallel_loop3A_794 : memref<1x4x8x128xf32, #tpu.memory_space<vmem>> -> memref<4x8x128xf32, #tpu.memory_space<vmem>>
        tpu.vector_store_idx %parallel_loop3A_795[%parallel_loop3A_711, %parallel_loop3A_714, %parallel_loop3A_771], %parallel_loop3A_790 : memref<4x8x128xf32, #tpu.memory_space<vmem>>[vector<16xi32>, vector<16xi32>, vector<16xi32>], vector<16xf32>,
        %parallel_loop3A_796 = arith.constant 48 : i32
        %parallel_loop3A_797 = vector.broadcast %parallel_loop3A_796 : i32 to vector<16xi32>
        %parallel_loop3A_798 = arith.addi %iota3A_268, %parallel_loop3A_797 : vector<16xi32>
        %parallel_loop3A_799 = arith.constant 0 : i32
        %parallel_loop3A_800 = arith.constant 0 : i32
        %parallel_loop3A_801 = tpu.memref_slice %arg6[%parallel_loop3A_272, %parallel_loop3A_799, %parallel_loop3A_800] : memref<4x128x32xf32, #tpu.memory_space<vmem>> -> memref<1x128x32xf32, #tpu.memory_space<vmem>>
        %parallel_loop3A_802 = tpu.memref_squeeze %parallel_loop3A_801 : memref<1x128x32xf32, #tpu.memory_space<vmem>> -> memref<128x32xf32, #tpu.memory_space<vmem>>
        %parallel_loop3A_803 = tpu.vector_load_idx %parallel_loop3A_802[%parallel_loop3A_798, %parallel_loop3A_708] : memref<128x32xf32, #tpu.memory_space<vmem>>[vector<16xi32>, vector<16xi32>], vector<16xf32>,
        %parallel_loop3A_804 = arith.constant 5.000000e-02 : f32
        %parallel_loop3A_805 = vector.broadcast %parallel_loop3A_804 : f32 to vector<16xf32>
        %parallel_loop3A_806 = arith.cmpf ogt, %parallel_loop3A_803, %parallel_loop3A_805 : vector<16xf32>
        %parallel_loop3A_807 = arith.constant -5.000000e-02 : f32
        %parallel_loop3A_808 = vector.broadcast %parallel_loop3A_807 : f32 to vector<16xf32>
        %parallel_loop3A_809 = arith.cmpf olt, %parallel_loop3A_803, %parallel_loop3A_808 : vector<16xf32>
        %parallel_loop3A_810 = arith.constant -1.000000e+00 : f32
        %parallel_loop3A_811 = arith.constant 0.000000e+00 : f32
        %parallel_loop3A_812 = vector.broadcast %parallel_loop3A_810 : f32 to vector<16xf32>
        %parallel_loop3A_813 = vector.broadcast %parallel_loop3A_811 : f32 to vector<16xf32>
        %parallel_loop3A_814 = arith.select %parallel_loop3A_809, %parallel_loop3A_812, %parallel_loop3A_813 : vector<16xi1>, vector<16xf32>
        %parallel_loop3A_815 = arith.constant 1.000000e+00 : f32
        %parallel_loop3A_816 = vector.broadcast %parallel_loop3A_815 : f32 to vector<16xf32>
        %parallel_loop3A_817 = arith.select %parallel_loop3A_806, %parallel_loop3A_816, %parallel_loop3A_814 : vector<16xi1>, vector<16xf32>
        %parallel_loop3A_818 = arith.constant 0 : i32
        %parallel_loop3A_819 = arith.constant 0 : i32
        %parallel_loop3A_820 = arith.constant 0 : i32
        %parallel_loop3A_821 = tpu.memref_slice %arg7[%parallel_loop3A_273, %parallel_loop3A_818, %parallel_loop3A_819, %parallel_loop3A_820] : memref<4x4x8x128xf32, #tpu.memory_space<vmem>> -> memref<1x4x8x128xf32, #tpu.memory_space<vmem>>
        %parallel_loop3A_822 = tpu.memref_squeeze %parallel_loop3A_821 : memref<1x4x8x128xf32, #tpu.memory_space<vmem>> -> memref<4x8x128xf32, #tpu.memory_space<vmem>>
        tpu.vector_store_idx %parallel_loop3A_822[%parallel_loop3A_711, %parallel_loop3A_714, %parallel_loop3A_798], %parallel_loop3A_817 : memref<4x8x128xf32, #tpu.memory_space<vmem>>[vector<16xi32>, vector<16xi32>, vector<16xi32>], vector<16xf32>,
        %parallel_loop3A_823 = arith.constant 64 : i32
        %parallel_loop3A_824 = vector.broadcast %parallel_loop3A_823 : i32 to vector<16xi32>
        %parallel_loop3A_825 = arith.addi %iota3A_268, %parallel_loop3A_824 : vector<16xi32>
        %parallel_loop3A_826 = arith.constant 0 : i32
        %parallel_loop3A_827 = arith.constant 0 : i32
        %parallel_loop3A_828 = tpu.memref_slice %arg6[%parallel_loop3A_272, %parallel_loop3A_826, %parallel_loop3A_827] : memref<4x128x32xf32, #tpu.memory_space<vmem>> -> memref<1x128x32xf32, #tpu.memory_space<vmem>>
        %parallel_loop3A_829 = tpu.memref_squeeze %parallel_loop3A_828 : memref<1x128x32xf32, #tpu.memory_space<vmem>> -> memref<128x32xf32, #tpu.memory_space<vmem>>
        %parallel_loop3A_830 = tpu.vector_load_idx %parallel_loop3A_829[%parallel_loop3A_825, %parallel_loop3A_708] : memref<128x32xf32, #tpu.memory_space<vmem>>[vector<16xi32>, vector<16xi32>], vector<16xf32>,
        %parallel_loop3A_831 = arith.constant 5.000000e-02 : f32
        %parallel_loop3A_832 = vector.broadcast %parallel_loop3A_831 : f32 to vector<16xf32>
        %parallel_loop3A_833 = arith.cmpf ogt, %parallel_loop3A_830, %parallel_loop3A_832 : vector<16xf32>
        %parallel_loop3A_834 = arith.constant -5.000000e-02 : f32
        %parallel_loop3A_835 = vector.broadcast %parallel_loop3A_834 : f32 to vector<16xf32>
        %parallel_loop3A_836 = arith.cmpf olt, %parallel_loop3A_830, %parallel_loop3A_835 : vector<16xf32>
        %parallel_loop3A_837 = arith.constant -1.000000e+00 : f32
        %parallel_loop3A_838 = arith.constant 0.000000e+00 : f32
        %parallel_loop3A_839 = vector.broadcast %parallel_loop3A_837 : f32 to vector<16xf32>
        %parallel_loop3A_840 = vector.broadcast %parallel_loop3A_838 : f32 to vector<16xf32>
        %parallel_loop3A_841 = arith.select %parallel_loop3A_836, %parallel_loop3A_839, %parallel_loop3A_840 : vector<16xi1>, vector<16xf32>
        %parallel_loop3A_842 = arith.constant 1.000000e+00 : f32
        %parallel_loop3A_843 = vector.broadcast %parallel_loop3A_842 : f32 to vector<16xf32>
        %parallel_loop3A_844 = arith.select %parallel_loop3A_833, %parallel_loop3A_843, %parallel_loop3A_841 : vector<16xi1>, vector<16xf32>
        %parallel_loop3A_845 = arith.constant 0 : i32
        %parallel_loop3A_846 = arith.constant 0 : i32
        %parallel_loop3A_847 = arith.constant 0 : i32
        %parallel_loop3A_848 = tpu.memref_slice %arg7[%parallel_loop3A_273, %parallel_loop3A_845, %parallel_loop3A_846, %parallel_loop3A_847] : memref<4x4x8x128xf32, #tpu.memory_space<vmem>> -> memref<1x4x8x128xf32, #tpu.memory_space<vmem>>
        %parallel_loop3A_849 = tpu.memref_squeeze %parallel_loop3A_848 : memref<1x4x8x128xf32, #tpu.memory_space<vmem>> -> memref<4x8x128xf32, #tpu.memory_space<vmem>>
        tpu.vector_store_idx %parallel_loop3A_849[%parallel_loop3A_711, %parallel_loop3A_714, %parallel_loop3A_825], %parallel_loop3A_844 : memref<4x8x128xf32, #tpu.memory_space<vmem>>[vector<16xi32>, vector<16xi32>, vector<16xi32>], vector<16xf32>,
        %parallel_loop3A_850 = arith.constant 80 : i32
        %parallel_loop3A_851 = vector.broadcast %parallel_loop3A_850 : i32 to vector<16xi32>
        %parallel_loop3A_852 = arith.addi %iota3A_268, %parallel_loop3A_851 : vector<16xi32>
        %parallel_loop3A_853 = arith.constant 0 : i32
        %parallel_loop3A_854 = arith.constant 0 : i32
        %parallel_loop3A_855 = tpu.memref_slice %arg6[%parallel_loop3A_272, %parallel_loop3A_853, %parallel_loop3A_854] : memref<4x128x32xf32, #tpu.memory_space<vmem>> -> memref<1x128x32xf32, #tpu.memory_space<vmem>>
        %parallel_loop3A_856 = tpu.memref_squeeze %parallel_loop3A_855 : memref<1x128x32xf32, #tpu.memory_space<vmem>> -> memref<128x32xf32, #tpu.memory_space<vmem>>
        %parallel_loop3A_857 = tpu.vector_load_idx %parallel_loop3A_856[%parallel_loop3A_852, %parallel_loop3A_708] : memref<128x32xf32, #tpu.memory_space<vmem>>[vector<16xi32>, vector<16xi32>], vector<16xf32>,
        %parallel_loop3A_858 = arith.constant 5.000000e-02 : f32
        %parallel_loop3A_859 = vector.broadcast %parallel_loop3A_858 : f32 to vector<16xf32>
        %parallel_loop3A_860 = arith.cmpf ogt, %parallel_loop3A_857, %parallel_loop3A_859 : vector<16xf32>
        %parallel_loop3A_861 = arith.constant -5.000000e-02 : f32
        %parallel_loop3A_862 = vector.broadcast %parallel_loop3A_861 : f32 to vector<16xf32>
        %parallel_loop3A_863 = arith.cmpf olt, %parallel_loop3A_857, %parallel_loop3A_862 : vector<16xf32>
        %parallel_loop3A_864 = arith.constant -1.000000e+00 : f32
        %parallel_loop3A_865 = arith.constant 0.000000e+00 : f32
        %parallel_loop3A_866 = vector.broadcast %parallel_loop3A_864 : f32 to vector<16xf32>
        %parallel_loop3A_867 = vector.broadcast %parallel_loop3A_865 : f32 to vector<16xf32>
        %parallel_loop3A_868 = arith.select %parallel_loop3A_863, %parallel_loop3A_866, %parallel_loop3A_867 : vector<16xi1>, vector<16xf32>
        %parallel_loop3A_869 = arith.constant 1.000000e+00 : f32
        %parallel_loop3A_870 = vector.broadcast %parallel_loop3A_869 : f32 to vector<16xf32>
        %parallel_loop3A_871 = arith.select %parallel_loop3A_860, %parallel_loop3A_870, %parallel_loop3A_868 : vector<16xi1>, vector<16xf32>
        %parallel_loop3A_872 = arith.constant 0 : i32
        %parallel_loop3A_873 = arith.constant 0 : i32
        %parallel_loop3A_874 = arith.constant 0 : i32
        %parallel_loop3A_875 = tpu.memref_slice %arg7[%parallel_loop3A_273, %parallel_loop3A_872, %parallel_loop3A_873, %parallel_loop3A_874] : memref<4x4x8x128xf32, #tpu.memory_space<vmem>> -> memref<1x4x8x128xf32, #tpu.memory_space<vmem>>
        %parallel_loop3A_876 = tpu.memref_squeeze %parallel_loop3A_875 : memref<1x4x8x128xf32, #tpu.memory_space<vmem>> -> memref<4x8x128xf32, #tpu.memory_space<vmem>>
        tpu.vector_store_idx %parallel_loop3A_876[%parallel_loop3A_711, %parallel_loop3A_714, %parallel_loop3A_852], %parallel_loop3A_871 : memref<4x8x128xf32, #tpu.memory_space<vmem>>[vector<16xi32>, vector<16xi32>, vector<16xi32>], vector<16xf32>,
        %parallel_loop3A_877 = arith.constant 96 : i32
        %parallel_loop3A_878 = vector.broadcast %parallel_loop3A_877 : i32 to vector<16xi32>
        %parallel_loop3A_879 = arith.addi %iota3A_268, %parallel_loop3A_878 : vector<16xi32>
        %parallel_loop3A_880 = arith.constant 0 : i32
        %parallel_loop3A_881 = arith.constant 0 : i32
        %parallel_loop3A_882 = tpu.memref_slice %arg6[%parallel_loop3A_272, %parallel_loop3A_880, %parallel_loop3A_881] : memref<4x128x32xf32, #tpu.memory_space<vmem>> -> memref<1x128x32xf32, #tpu.memory_space<vmem>>
        %parallel_loop3A_883 = tpu.memref_squeeze %parallel_loop3A_882 : memref<1x128x32xf32, #tpu.memory_space<vmem>> -> memref<128x32xf32, #tpu.memory_space<vmem>>
        %parallel_loop3A_884 = tpu.vector_load_idx %parallel_loop3A_883[%parallel_loop3A_879, %parallel_loop3A_708] : memref<128x32xf32, #tpu.memory_space<vmem>>[vector<16xi32>, vector<16xi32>], vector<16xf32>,
        %parallel_loop3A_885 = arith.constant 5.000000e-02 : f32
        %parallel_loop3A_886 = vector.broadcast %parallel_loop3A_885 : f32 to vector<16xf32>
        %parallel_loop3A_887 = arith.cmpf ogt, %parallel_loop3A_884, %parallel_loop3A_886 : vector<16xf32>
        %parallel_loop3A_888 = arith.constant -5.000000e-02 : f32
        %parallel_loop3A_889 = vector.broadcast %parallel_loop3A_888 : f32 to vector<16xf32>
        %parallel_loop3A_890 = arith.cmpf olt, %parallel_loop3A_884, %parallel_loop3A_889 : vector<16xf32>
        %parallel_loop3A_891 = arith.constant -1.000000e+00 : f32
        %parallel_loop3A_892 = arith.constant 0.000000e+00 : f32
        %parallel_loop3A_893 = vector.broadcast %parallel_loop3A_891 : f32 to vector<16xf32>
        %parallel_loop3A_894 = vector.broadcast %parallel_loop3A_892 : f32 to vector<16xf32>
        %parallel_loop3A_895 = arith.select %parallel_loop3A_890, %parallel_loop3A_893, %parallel_loop3A_894 : vector<16xi1>, vector<16xf32>
        %parallel_loop3A_896 = arith.constant 1.000000e+00 : f32
        %parallel_loop3A_897 = vector.broadcast %parallel_loop3A_896 : f32 to vector<16xf32>
        %parallel_loop3A_898 = arith.select %parallel_loop3A_887, %parallel_loop3A_897, %parallel_loop3A_895 : vector<16xi1>, vector<16xf32>
        %parallel_loop3A_899 = arith.constant 0 : i32
        %parallel_loop3A_900 = arith.constant 0 : i32
        %parallel_loop3A_901 = arith.constant 0 : i32
        %parallel_loop3A_902 = tpu.memref_slice %arg7[%parallel_loop3A_273, %parallel_loop3A_899, %parallel_loop3A_900, %parallel_loop3A_901] : memref<4x4x8x128xf32, #tpu.memory_space<vmem>> -> memref<1x4x8x128xf32, #tpu.memory_space<vmem>>
        %parallel_loop3A_903 = tpu.memref_squeeze %parallel_loop3A_902 : memref<1x4x8x128xf32, #tpu.memory_space<vmem>> -> memref<4x8x128xf32, #tpu.memory_space<vmem>>
        tpu.vector_store_idx %parallel_loop3A_903[%parallel_loop3A_711, %parallel_loop3A_714, %parallel_loop3A_879], %parallel_loop3A_898 : memref<4x8x128xf32, #tpu.memory_space<vmem>>[vector<16xi32>, vector<16xi32>, vector<16xi32>], vector<16xf32>,
        %parallel_loop3A_904 = arith.constant 112 : i32
        %parallel_loop3A_905 = vector.broadcast %parallel_loop3A_904 : i32 to vector<16xi32>
        %parallel_loop3A_906 = arith.addi %iota3A_268, %parallel_loop3A_905 : vector<16xi32>
        %parallel_loop3A_907 = arith.constant 0 : i32
        %parallel_loop3A_908 = arith.constant 0 : i32
        %parallel_loop3A_909 = tpu.memref_slice %arg6[%parallel_loop3A_272, %parallel_loop3A_907, %parallel_loop3A_908] : memref<4x128x32xf32, #tpu.memory_space<vmem>> -> memref<1x128x32xf32, #tpu.memory_space<vmem>>
        %parallel_loop3A_910 = tpu.memref_squeeze %parallel_loop3A_909 : memref<1x128x32xf32, #tpu.memory_space<vmem>> -> memref<128x32xf32, #tpu.memory_space<vmem>>
        %parallel_loop3A_911 = tpu.vector_load_idx %parallel_loop3A_910[%parallel_loop3A_906, %parallel_loop3A_708] : memref<128x32xf32, #tpu.memory_space<vmem>>[vector<16xi32>, vector<16xi32>], vector<16xf32>,
        %parallel_loop3A_912 = arith.constant 5.000000e-02 : f32
        %parallel_loop3A_913 = vector.broadcast %parallel_loop3A_912 : f32 to vector<16xf32>
        %parallel_loop3A_914 = arith.cmpf ogt, %parallel_loop3A_911, %parallel_loop3A_913 : vector<16xf32>
        %parallel_loop3A_915 = arith.constant -5.000000e-02 : f32
        %parallel_loop3A_916 = vector.broadcast %parallel_loop3A_915 : f32 to vector<16xf32>
        %parallel_loop3A_917 = arith.cmpf olt, %parallel_loop3A_911, %parallel_loop3A_916 : vector<16xf32>
        %parallel_loop3A_918 = arith.constant -1.000000e+00 : f32
        %parallel_loop3A_919 = arith.constant 0.000000e+00 : f32
        %parallel_loop3A_920 = vector.broadcast %parallel_loop3A_918 : f32 to vector<16xf32>
        %parallel_loop3A_921 = vector.broadcast %parallel_loop3A_919 : f32 to vector<16xf32>
        %parallel_loop3A_922 = arith.select %parallel_loop3A_917, %parallel_loop3A_920, %parallel_loop3A_921 : vector<16xi1>, vector<16xf32>
        %parallel_loop3A_923 = arith.constant 1.000000e+00 : f32
        %parallel_loop3A_924 = vector.broadcast %parallel_loop3A_923 : f32 to vector<16xf32>
        %parallel_loop3A_925 = arith.select %parallel_loop3A_914, %parallel_loop3A_924, %parallel_loop3A_922 : vector<16xi1>, vector<16xf32>
        %parallel_loop3A_926 = arith.constant 0 : i32
        %parallel_loop3A_927 = arith.constant 0 : i32
        %parallel_loop3A_928 = arith.constant 0 : i32
        %parallel_loop3A_929 = tpu.memref_slice %arg7[%parallel_loop3A_273, %parallel_loop3A_926, %parallel_loop3A_927, %parallel_loop3A_928] : memref<4x4x8x128xf32, #tpu.memory_space<vmem>> -> memref<1x4x8x128xf32, #tpu.memory_space<vmem>>
        %parallel_loop3A_930 = tpu.memref_squeeze %parallel_loop3A_929 : memref<1x4x8x128xf32, #tpu.memory_space<vmem>> -> memref<4x8x128xf32, #tpu.memory_space<vmem>>
        tpu.vector_store_idx %parallel_loop3A_930[%parallel_loop3A_711, %parallel_loop3A_714, %parallel_loop3A_906], %parallel_loop3A_925 : memref<4x8x128xf32, #tpu.memory_space<vmem>>[vector<16xi32>, vector<16xi32>, vector<16xi32>], vector<16xf32>,
      } {sc.loop_unroll_factor = 1 : i64, sc.parallel_access}
      %dma_start3A_274 = arith.constant 1 : i32
      %dma_start3A_275 = arith.constant 0 : i32
      %dma_start3A_276 = arith.constant 0 : i32
      %dma_start3A_277 = arith.constant 0 : i32
      %dma_start3A_278 = tpu.memref_slice %arg7[%dma_start3A_274, %dma_start3A_275, %dma_start3A_276, %dma_start3A_277] : memref<4x4x8x128xf32, #tpu.memory_space<vmem>> -> memref<1x4x8x128xf32, #tpu.memory_space<vmem>>
      %dma_start3A_279 = tpu.memref_squeeze %dma_start3A_278 : memref<1x4x8x128xf32, #tpu.memory_space<vmem>> -> memref<4x8x128xf32, #tpu.memory_space<vmem>>
      %dma_start3A_280 = arith.constant 0 : i32
      %dma_start3A_281 = arith.constant 0 : i32
      %dma_start3A_282 = arith.constant 0 : i32
      %dma_start3A_283 = tpu.memref_slice %arg4[%select_n3A_247, %dma_start3A_280, %rem3A_249, %dma_start3A_281, %dma_start3A_282] : memref<50x4x128x8x128xf32, #tpu.memory_space<hbm>> -> memref<1x4x1x8x128xf32, #tpu.memory_space<hbm>>
      %dma_start3A_284 = tpu.memref_squeeze %dma_start3A_283 : memref<1x4x1x8x128xf32, #tpu.memory_space<hbm>> -> memref<4x8x128xf32, #tpu.memory_space<hbm>>
      %dma_start3A_285 = arith.constant 0 : i32
      %dma_start3A_286 = arith.constant 0 : i32
      %dma_start3A_287 = arith.constant 0 : i32
      %dma_start3A_288 = tpu.memref_slice %arg4[%select_n3A_247, %dma_start3A_285, %rem3A_249, %dma_start3A_286, %dma_start3A_287] : memref<50x4x128x8x128xf32, #tpu.memory_space<hbm>> -> memref<1x4x1x8x128xf32, #tpu.memory_space<hbm>>
      %dma_start3A_289 = tpu.memref_squeeze %dma_start3A_288 : memref<1x4x1x8x128xf32, #tpu.memory_space<hbm>> -> memref<4x8x128xf32, #tpu.memory_space<hbm>>
      %dma_start3A_290 = arith.constant 0 : i32
      %dma_start3A_291 = arith.constant 0 : i32
      %dma_start3A_292 = arith.constant 0 : i32
      %dma_start3A_293 = tpu.memref_slice %arg7[%dma_start3A_274, %dma_start3A_290, %dma_start3A_291, %dma_start3A_292] : memref<4x4x8x128xf32, #tpu.memory_space<vmem>> -> memref<1x4x8x128xf32, #tpu.memory_space<vmem>>
      %dma_start3A_294 = tpu.memref_squeeze %dma_start3A_293 : memref<1x4x8x128xf32, #tpu.memory_space<vmem>> -> memref<4x8x128xf32, #tpu.memory_space<vmem>>
      tpu.enqueue_dma source(%dma_start3A_294 : memref<4x8x128xf32, #tpu.memory_space<vmem>>) target(%dma_start3A_289 : memref<4x8x128xf32, #tpu.memory_space<hbm>>) target_semaphore(%arg13 : memref<!tpu.dma_semaphore, #tpu.memory_space<semaphore_mem>>)
      %lt3A_295 = arith.constant 49 : i32
      %lt3A_296 = arith.cmpi slt, %scan3A_145, %lt3A_295 : i32
      %convert_element_type3A_297 = arith.extui %lt3A_296 : i1 to i32
      %cond3A_298 = arith.constant 1 : i32
      %cond3A_299 = arith.constant 0 : i32
      %cond3A_300 = arith.cmpi ne, %convert_element_type3A_297, %cond3A_299 : i32
      scf.if %cond3A_300 {
        %add3A_470 = arith.constant 4 : i32
        %add3A_471 = arith.addi %add3A_220, %add3A_470 : i32
        %dma_start3A_472 = arith.constant 0 : i32
        %dma_start3A_473 = arith.constant 0 : i32
        %dma_start3A_474 = tpu.memref_slice %arg6[%cond3A_298, %dma_start3A_472, %dma_start3A_473] : memref<4x128x32xf32, #tpu.memory_space<vmem>> -> memref<1x128x32xf32, #tpu.memory_space<vmem>>
        %dma_start3A_475 = tpu.memref_squeeze %dma_start3A_474 : memref<1x128x32xf32, #tpu.memory_space<vmem>> -> memref<128x32xf32, #tpu.memory_space<vmem>>
        %dma_start3A_476 = arith.constant 0 : i32
        %dma_start3A_477 = tpu.memref_slice %arg5[%add3A_471, %dma_start3A_476] : memref<200x128xi32, #tpu.memory_space<vmem>> -> memref<1x128xi32, #tpu.memory_space<vmem>>
        %dma_start3A_478 = tpu.memref_squeeze %dma_start3A_477 : memref<1x128xi32, #tpu.memory_space<vmem>> -> memref<128xi32, #tpu.memory_space<vmem>>
        %dma_start3A_479 = arith.constant 0 : i32
        %dma_start3A_480 = arith.constant 0 : i32
        %dma_start3A_481 = tpu.memref_slice %arg2[%dma_start3A_479, %dma_start3A_480] : memref<1000000x32xf32, #tpu.memory_space<hbm>> -> memref<1000000x32xf32, #tpu.memory_space<hbm>>
        tpu.enqueue_indirect_dma source(%dma_start3A_481 : memref<1000000x32xf32, #tpu.memory_space<hbm>>) target(%dma_start3A_475 : memref<128x32xf32, #tpu.memory_space<vmem>>) offsets(%dma_start3A_478 : memref<128xi32, #tpu.memory_space<vmem>>) semaphore(%arg9 : memref<!tpu.dma_semaphore, #tpu.memory_space<semaphore_mem>>)
      } else {
      }
      %mul3A_301 = arith.constant 4 : i32
      %mul3A_302 = arith.muli %scan3A_145, %mul3A_301 : i32
      %add3A_303 = arith.constant 2 : i32
      %add3A_304 = arith.addi %mul3A_302, %add3A_303 : i32
      %mul3A_305 = arith.constant 200 : i32
      %mul3A_306 = arith.muli %add3A, %mul3A_305 : i32
      %add3A_307 = arith.addi %mul3A_306, %add3A_304 : i32
      %jit3A_308 = arith.constant 128 : i32
      %div3A_309 = arith.divsi %add3A_307, %jit3A_308 : i32
      %sign3A_310 = arith.constant 0 : i32
      %sign3A_311 = arith.cmpi sgt, %add3A_307, %sign3A_310 : i32
      %sign3A_312 = arith.extui %sign3A_311 : i1 to i32
      %sign3A_313 = arith.constant 0 : i32
      %sign3A_314 = arith.cmpi slt, %add3A_307, %sign3A_313 : i32
      %sign3A_315 = arith.extui %sign3A_314 : i1 to i32
      %sign3A_316 = arith.subi %sign3A_312, %sign3A_315 : i32
      %sign3A_317 = arith.constant 0 : i32
      %sign3A_318 = arith.cmpi sgt, %jit3A_308, %sign3A_317 : i32
      %sign3A_319 = arith.extui %sign3A_318 : i1 to i32
      %sign3A_320 = arith.constant 0 : i32
      %sign3A_321 = arith.cmpi slt, %jit3A_308, %sign3A_320 : i32
      %sign3A_322 = arith.extui %sign3A_321 : i1 to i32
      %sign3A_323 = arith.subi %sign3A_319, %sign3A_322 : i32
      %ne3A_324 = arith.cmpi ne, %sign3A_316, %sign3A_323 : i32
      %rem3A_325 = arith.remsi %add3A_307, %jit3A_308 : i32
      %ne3A_326 = arith.constant 0 : i32
      %ne3A_327 = arith.cmpi ne, %rem3A_325, %ne3A_326 : i32
      %and3A_328 = arith.andi %ne3A_324, %ne3A_327 : i1
      %sub3A_329 = arith.constant 1 : i32
      %sub3A_330 = arith.subi %div3A_309, %sub3A_329 : i32
      %select_n3A_331 = arith.select %and3A_328, %sub3A_330, %div3A_309 : i32
      %rem3A_332 = arith.constant 128 : i32
      %rem3A_333 = arith.remsi %add3A_307, %rem3A_332 : i32
      %dma_wait3A_334 = arith.constant 2 : i32
      %dma_wait3A_335 = arith.constant 2 : i32
      %dma_wait3A_336 = arith.constant 0 : i32
      %dma_wait3A_337 = arith.constant 0 : i32
      %dma_wait3A_338 = tpu.memref_slice %arg6[%dma_wait3A_335, %dma_wait3A_336, %dma_wait3A_337] : memref<4x128x32xf32, #tpu.memory_space<vmem>> -> memref<1x128x32xf32, #tpu.memory_space<vmem>>
      %dma_wait3A_339 = tpu.memref_squeeze %dma_wait3A_338 : memref<1x128x32xf32, #tpu.memory_space<vmem>> -> memref<128x32xf32, #tpu.memory_space<vmem>>
      %dma_wait3A_340 = arith.constant 0 : i32
      %dma_wait3A_341 = tpu.memref_slice %arg5[%dma_wait3A_334, %dma_wait3A_340] : memref<200x128xi32, #tpu.memory_space<vmem>> -> memref<1x128xi32, #tpu.memory_space<vmem>>
      %dma_wait3A_342 = tpu.memref_squeeze %dma_wait3A_341 : memref<1x128xi32, #tpu.memory_space<vmem>> -> memref<128xi32, #tpu.memory_space<vmem>>
      %dma_wait3A_343 = arith.constant 0 : i32
      %dma_wait3A_344 = arith.constant 0 : i32
      %dma_wait3A_345 = tpu.memref_slice %arg2[%dma_wait3A_343, %dma_wait3A_344] : memref<1000000x32xf32, #tpu.memory_space<hbm>> -> memref<1000000x32xf32, #tpu.memory_space<hbm>>
      tpu.wait_indirect_dma semaphore(%arg10 : memref<!tpu.dma_semaphore, #tpu.memory_space<semaphore_mem>>) src(%dma_wait3A_345 : memref<1000000x32xf32, #tpu.memory_space<hbm>>) dst(%dma_wait3A_339 : memref<128x32xf32, #tpu.memory_space<vmem>>)
      %gt3A_346 = arith.constant 0 : i32
      %gt3A_347 = arith.cmpi sgt, %scan3A_145, %gt3A_346 : i32
      %convert_element_type3A_348 = arith.extui %gt3A_347 : i1 to i32
      %cond3A_349 = arith.constant 2 : i32
      %cond3A_350 = arith.constant 0 : i32
      %cond3A_351 = arith.cmpi ne, %convert_element_type3A_348, %cond3A_350 : i32
      scf.if %cond3A_351 {
        %dma_wait3A_470 = arith.constant 0 : i32
        %dma_wait3A_471 = arith.constant 0 : i32
        %dma_wait3A_472 = arith.constant 0 : i32
        %dma_wait3A_473 = arith.constant 0 : i32
        %dma_wait3A_474 = arith.constant 0 : i32
        %dma_wait3A_475 = tpu.memref_slice %arg7[%cond3A_349, %dma_wait3A_472, %dma_wait3A_473, %dma_wait3A_474] : memref<4x4x8x128xf32, #tpu.memory_space<vmem>> -> memref<1x4x8x128xf32, #tpu.memory_space<vmem>>
        %dma_wait3A_476 = tpu.memref_squeeze %dma_wait3A_475 : memref<1x4x8x128xf32, #tpu.memory_space<vmem>> -> memref<4x8x128xf32, #tpu.memory_space<vmem>>
        %dma_wait3A_477 = arith.constant 0 : i32
        %dma_wait3A_478 = arith.constant 0 : i32
        %dma_wait3A_479 = arith.constant 0 : i32
        %dma_wait3A_480 = tpu.memref_slice %arg4[%dma_wait3A_470, %dma_wait3A_477, %dma_wait3A_471, %dma_wait3A_478, %dma_wait3A_479] : memref<50x4x128x8x128xf32, #tpu.memory_space<hbm>> -> memref<1x4x1x8x128xf32, #tpu.memory_space<hbm>>
        %dma_wait3A_481 = tpu.memref_squeeze %dma_wait3A_480 : memref<1x4x1x8x128xf32, #tpu.memory_space<hbm>> -> memref<4x8x128xf32, #tpu.memory_space<hbm>>
        %dma_wait3A_482 = arith.constant 0 : i32
        %dma_wait3A_483 = arith.constant 0 : i32
        %dma_wait3A_484 = arith.constant 0 : i32
        %dma_wait3A_485 = tpu.memref_slice %arg4[%dma_wait3A_470, %dma_wait3A_482, %dma_wait3A_471, %dma_wait3A_483, %dma_wait3A_484] : memref<50x4x128x8x128xf32, #tpu.memory_space<hbm>> -> memref<1x4x1x8x128xf32, #tpu.memory_space<hbm>>
        %dma_wait3A_486 = tpu.memref_squeeze %dma_wait3A_485 : memref<1x4x1x8x128xf32, #tpu.memory_space<hbm>> -> memref<4x8x128xf32, #tpu.memory_space<hbm>>
        %dma_wait3A_487 = arith.constant 0 : i32
        %dma_wait3A_488 = arith.constant 0 : i32
        %dma_wait3A_489 = arith.constant 0 : i32
        %dma_wait3A_490 = tpu.memref_slice %arg7[%cond3A_349, %dma_wait3A_487, %dma_wait3A_488, %dma_wait3A_489] : memref<4x4x8x128xf32, #tpu.memory_space<vmem>> -> memref<1x4x8x128xf32, #tpu.memory_space<vmem>>
        %dma_wait3A_491 = tpu.memref_squeeze %dma_wait3A_490 : memref<1x4x8x128xf32, #tpu.memory_space<vmem>> -> memref<4x8x128xf32, #tpu.memory_space<vmem>>
        tpu.wait_dma2 semaphore(%arg14 : memref<!tpu.dma_semaphore, #tpu.memory_space<semaphore_mem>>) src(%dma_wait3A_491 : memref<4x8x128xf32, #tpu.memory_space<vmem>>) dst(%dma_wait3A_486 : memref<4x8x128xf32, #tpu.memory_space<hbm>>)
      } else {
      }
      %iota3A_352 = tpu.iota {dimensions = array<i32: 0>} : vector<16xi32>
      %parallel_loop3A_353 = arith.constant 0 : i32
      %parallel_loop3A_354 = arith.constant 16 : i32
      %parallel_loop3A_355 = arith.constant 1 : i32
      %parallel_loop3A_356 = arith.constant 2 : i32
      %parallel_loop3A_357 = arith.constant 2 : i32
      scf.for %parallel_loop3A_470 = %parallel_loop3A_353 to %parallel_loop3A_354 step %parallel_loop3A_355  : i32 {
        %parallel_loop3A_471 = vector.broadcast %parallel_loop3A_470 : i32 to vector<16xi32>
        %parallel_loop3A_472 = arith.addi %iota3A_352, %parallel_loop3A_471 : vector<16xi32>
        %parallel_loop3A_473 = arith.constant 15 : i32
        %parallel_loop3A_474 = vector.broadcast %parallel_loop3A_473 : i32 to vector<16xi32>
        %parallel_loop3A_475 = arith.andi %parallel_loop3A_472, %parallel_loop3A_474 : vector<16xi32>
        %parallel_loop3A_476 = arith.constant 0 : i32
        %parallel_loop3A_477 = vector.broadcast %parallel_loop3A_476 : i32 to vector<16xi32>
        %parallel_loop3A_478 = arith.addi %parallel_loop3A_475, %parallel_loop3A_477 : vector<16xi32>
        %parallel_loop3A_479 = arith.constant 3 : i32
        %parallel_loop3A_480 = vector.broadcast %parallel_loop3A_479 : i32 to vector<16xi32>
        %parallel_loop3A_481 = arith.shrsi %parallel_loop3A_478, %parallel_loop3A_480 : vector<16xi32>
        %parallel_loop3A_482 = arith.constant 7 : i32
        %parallel_loop3A_483 = vector.broadcast %parallel_loop3A_482 : i32 to vector<16xi32>
        %parallel_loop3A_484 = arith.andi %parallel_loop3A_478, %parallel_loop3A_483 : vector<16xi32>
        %parallel_loop3A_485 = arith.constant 0 : i32
        %parallel_loop3A_486 = vector.broadcast %parallel_loop3A_485 : i32 to vector<16xi32>
        %parallel_loop3A_487 = arith.addi %iota3A_352, %parallel_loop3A_486 : vector<16xi32>
        %parallel_loop3A_488 = arith.constant 0 : i32
        %parallel_loop3A_489 = arith.constant 0 : i32
        %parallel_loop3A_490 = tpu.memref_slice %arg6[%parallel_loop3A_356, %parallel_loop3A_488, %parallel_loop3A_489] : memref<4x128x32xf32, #tpu.memory_space<vmem>> -> memref<1x128x32xf32, #tpu.memory_space<vmem>>
        %parallel_loop3A_491 = tpu.memref_squeeze %parallel_loop3A_490 : memref<1x128x32xf32, #tpu.memory_space<vmem>> -> memref<128x32xf32, #tpu.memory_space<vmem>>
        %parallel_loop3A_492 = tpu.vector_load_idx %parallel_loop3A_491[%parallel_loop3A_487, %parallel_loop3A_478] : memref<128x32xf32, #tpu.memory_space<vmem>>[vector<16xi32>, vector<16xi32>], vector<16xf32>,
        %parallel_loop3A_493 = arith.constant 5.000000e-02 : f32
        %parallel_loop3A_494 = vector.broadcast %parallel_loop3A_493 : f32 to vector<16xf32>
        %parallel_loop3A_495 = arith.cmpf ogt, %parallel_loop3A_492, %parallel_loop3A_494 : vector<16xf32>
        %parallel_loop3A_496 = arith.constant -5.000000e-02 : f32
        %parallel_loop3A_497 = vector.broadcast %parallel_loop3A_496 : f32 to vector<16xf32>
        %parallel_loop3A_498 = arith.cmpf olt, %parallel_loop3A_492, %parallel_loop3A_497 : vector<16xf32>
        %parallel_loop3A_499 = arith.constant -1.000000e+00 : f32
        %parallel_loop3A_500 = arith.constant 0.000000e+00 : f32
        %parallel_loop3A_501 = vector.broadcast %parallel_loop3A_499 : f32 to vector<16xf32>
        %parallel_loop3A_502 = vector.broadcast %parallel_loop3A_500 : f32 to vector<16xf32>
        %parallel_loop3A_503 = arith.select %parallel_loop3A_498, %parallel_loop3A_501, %parallel_loop3A_502 : vector<16xi1>, vector<16xf32>
        %parallel_loop3A_504 = arith.constant 1.000000e+00 : f32
        %parallel_loop3A_505 = vector.broadcast %parallel_loop3A_504 : f32 to vector<16xf32>
        %parallel_loop3A_506 = arith.select %parallel_loop3A_495, %parallel_loop3A_505, %parallel_loop3A_503 : vector<16xi1>, vector<16xf32>
        %parallel_loop3A_507 = arith.constant 0 : i32
        %parallel_loop3A_508 = arith.constant 0 : i32
        %parallel_loop3A_509 = arith.constant 0 : i32
        %parallel_loop3A_510 = tpu.memref_slice %arg7[%parallel_loop3A_357, %parallel_loop3A_507, %parallel_loop3A_508, %parallel_loop3A_509] : memref<4x4x8x128xf32, #tpu.memory_space<vmem>> -> memref<1x4x8x128xf32, #tpu.memory_space<vmem>>
        %parallel_loop3A_511 = tpu.memref_squeeze %parallel_loop3A_510 : memref<1x4x8x128xf32, #tpu.memory_space<vmem>> -> memref<4x8x128xf32, #tpu.memory_space<vmem>>
        tpu.vector_store_idx %parallel_loop3A_511[%parallel_loop3A_481, %parallel_loop3A_484, %parallel_loop3A_487], %parallel_loop3A_506 : memref<4x8x128xf32, #tpu.memory_space<vmem>>[vector<16xi32>, vector<16xi32>, vector<16xi32>], vector<16xf32>,
        %parallel_loop3A_512 = arith.constant 16 : i32
        %parallel_loop3A_513 = vector.broadcast %parallel_loop3A_512 : i32 to vector<16xi32>
        %parallel_loop3A_514 = arith.addi %iota3A_352, %parallel_loop3A_513 : vector<16xi32>
        %parallel_loop3A_515 = arith.constant 0 : i32
        %parallel_loop3A_516 = arith.constant 0 : i32
        %parallel_loop3A_517 = tpu.memref_slice %arg6[%parallel_loop3A_356, %parallel_loop3A_515, %parallel_loop3A_516] : memref<4x128x32xf32, #tpu.memory_space<vmem>> -> memref<1x128x32xf32, #tpu.memory_space<vmem>>
        %parallel_loop3A_518 = tpu.memref_squeeze %parallel_loop3A_517 : memref<1x128x32xf32, #tpu.memory_space<vmem>> -> memref<128x32xf32, #tpu.memory_space<vmem>>
        %parallel_loop3A_519 = tpu.vector_load_idx %parallel_loop3A_518[%parallel_loop3A_514, %parallel_loop3A_478] : memref<128x32xf32, #tpu.memory_space<vmem>>[vector<16xi32>, vector<16xi32>], vector<16xf32>,
        %parallel_loop3A_520 = arith.constant 5.000000e-02 : f32
        %parallel_loop3A_521 = vector.broadcast %parallel_loop3A_520 : f32 to vector<16xf32>
        %parallel_loop3A_522 = arith.cmpf ogt, %parallel_loop3A_519, %parallel_loop3A_521 : vector<16xf32>
        %parallel_loop3A_523 = arith.constant -5.000000e-02 : f32
        %parallel_loop3A_524 = vector.broadcast %parallel_loop3A_523 : f32 to vector<16xf32>
        %parallel_loop3A_525 = arith.cmpf olt, %parallel_loop3A_519, %parallel_loop3A_524 : vector<16xf32>
        %parallel_loop3A_526 = arith.constant -1.000000e+00 : f32
        %parallel_loop3A_527 = arith.constant 0.000000e+00 : f32
        %parallel_loop3A_528 = vector.broadcast %parallel_loop3A_526 : f32 to vector<16xf32>
        %parallel_loop3A_529 = vector.broadcast %parallel_loop3A_527 : f32 to vector<16xf32>
        %parallel_loop3A_530 = arith.select %parallel_loop3A_525, %parallel_loop3A_528, %parallel_loop3A_529 : vector<16xi1>, vector<16xf32>
        %parallel_loop3A_531 = arith.constant 1.000000e+00 : f32
        %parallel_loop3A_532 = vector.broadcast %parallel_loop3A_531 : f32 to vector<16xf32>
        %parallel_loop3A_533 = arith.select %parallel_loop3A_522, %parallel_loop3A_532, %parallel_loop3A_530 : vector<16xi1>, vector<16xf32>
        %parallel_loop3A_534 = arith.constant 0 : i32
        %parallel_loop3A_535 = arith.constant 0 : i32
        %parallel_loop3A_536 = arith.constant 0 : i32
        %parallel_loop3A_537 = tpu.memref_slice %arg7[%parallel_loop3A_357, %parallel_loop3A_534, %parallel_loop3A_535, %parallel_loop3A_536] : memref<4x4x8x128xf32, #tpu.memory_space<vmem>> -> memref<1x4x8x128xf32, #tpu.memory_space<vmem>>
        %parallel_loop3A_538 = tpu.memref_squeeze %parallel_loop3A_537 : memref<1x4x8x128xf32, #tpu.memory_space<vmem>> -> memref<4x8x128xf32, #tpu.memory_space<vmem>>
        tpu.vector_store_idx %parallel_loop3A_538[%parallel_loop3A_481, %parallel_loop3A_484, %parallel_loop3A_514], %parallel_loop3A_533 : memref<4x8x128xf32, #tpu.memory_space<vmem>>[vector<16xi32>, vector<16xi32>, vector<16xi32>], vector<16xf32>,
        %parallel_loop3A_539 = arith.constant 32 : i32
        %parallel_loop3A_540 = vector.broadcast %parallel_loop3A_539 : i32 to vector<16xi32>
        %parallel_loop3A_541 = arith.addi %iota3A_352, %parallel_loop3A_540 : vector<16xi32>
        %parallel_loop3A_542 = arith.constant 0 : i32
        %parallel_loop3A_543 = arith.constant 0 : i32
        %parallel_loop3A_544 = tpu.memref_slice %arg6[%parallel_loop3A_356, %parallel_loop3A_542, %parallel_loop3A_543] : memref<4x128x32xf32, #tpu.memory_space<vmem>> -> memref<1x128x32xf32, #tpu.memory_space<vmem>>
        %parallel_loop3A_545 = tpu.memref_squeeze %parallel_loop3A_544 : memref<1x128x32xf32, #tpu.memory_space<vmem>> -> memref<128x32xf32, #tpu.memory_space<vmem>>
        %parallel_loop3A_546 = tpu.vector_load_idx %parallel_loop3A_545[%parallel_loop3A_541, %parallel_loop3A_478] : memref<128x32xf32, #tpu.memory_space<vmem>>[vector<16xi32>, vector<16xi32>], vector<16xf32>,
        %parallel_loop3A_547 = arith.constant 5.000000e-02 : f32
        %parallel_loop3A_548 = vector.broadcast %parallel_loop3A_547 : f32 to vector<16xf32>
        %parallel_loop3A_549 = arith.cmpf ogt, %parallel_loop3A_546, %parallel_loop3A_548 : vector<16xf32>
        %parallel_loop3A_550 = arith.constant -5.000000e-02 : f32
        %parallel_loop3A_551 = vector.broadcast %parallel_loop3A_550 : f32 to vector<16xf32>
        %parallel_loop3A_552 = arith.cmpf olt, %parallel_loop3A_546, %parallel_loop3A_551 : vector<16xf32>
        %parallel_loop3A_553 = arith.constant -1.000000e+00 : f32
        %parallel_loop3A_554 = arith.constant 0.000000e+00 : f32
        %parallel_loop3A_555 = vector.broadcast %parallel_loop3A_553 : f32 to vector<16xf32>
        %parallel_loop3A_556 = vector.broadcast %parallel_loop3A_554 : f32 to vector<16xf32>
        %parallel_loop3A_557 = arith.select %parallel_loop3A_552, %parallel_loop3A_555, %parallel_loop3A_556 : vector<16xi1>, vector<16xf32>
        %parallel_loop3A_558 = arith.constant 1.000000e+00 : f32
        %parallel_loop3A_559 = vector.broadcast %parallel_loop3A_558 : f32 to vector<16xf32>
        %parallel_loop3A_560 = arith.select %parallel_loop3A_549, %parallel_loop3A_559, %parallel_loop3A_557 : vector<16xi1>, vector<16xf32>
        %parallel_loop3A_561 = arith.constant 0 : i32
        %parallel_loop3A_562 = arith.constant 0 : i32
        %parallel_loop3A_563 = arith.constant 0 : i32
        %parallel_loop3A_564 = tpu.memref_slice %arg7[%parallel_loop3A_357, %parallel_loop3A_561, %parallel_loop3A_562, %parallel_loop3A_563] : memref<4x4x8x128xf32, #tpu.memory_space<vmem>> -> memref<1x4x8x128xf32, #tpu.memory_space<vmem>>
        %parallel_loop3A_565 = tpu.memref_squeeze %parallel_loop3A_564 : memref<1x4x8x128xf32, #tpu.memory_space<vmem>> -> memref<4x8x128xf32, #tpu.memory_space<vmem>>
        tpu.vector_store_idx %parallel_loop3A_565[%parallel_loop3A_481, %parallel_loop3A_484, %parallel_loop3A_541], %parallel_loop3A_560 : memref<4x8x128xf32, #tpu.memory_space<vmem>>[vector<16xi32>, vector<16xi32>, vector<16xi32>], vector<16xf32>,
        %parallel_loop3A_566 = arith.constant 48 : i32
        %parallel_loop3A_567 = vector.broadcast %parallel_loop3A_566 : i32 to vector<16xi32>
        %parallel_loop3A_568 = arith.addi %iota3A_352, %parallel_loop3A_567 : vector<16xi32>
        %parallel_loop3A_569 = arith.constant 0 : i32
        %parallel_loop3A_570 = arith.constant 0 : i32
        %parallel_loop3A_571 = tpu.memref_slice %arg6[%parallel_loop3A_356, %parallel_loop3A_569, %parallel_loop3A_570] : memref<4x128x32xf32, #tpu.memory_space<vmem>> -> memref<1x128x32xf32, #tpu.memory_space<vmem>>
        %parallel_loop3A_572 = tpu.memref_squeeze %parallel_loop3A_571 : memref<1x128x32xf32, #tpu.memory_space<vmem>> -> memref<128x32xf32, #tpu.memory_space<vmem>>
        %parallel_loop3A_573 = tpu.vector_load_idx %parallel_loop3A_572[%parallel_loop3A_568, %parallel_loop3A_478] : memref<128x32xf32, #tpu.memory_space<vmem>>[vector<16xi32>, vector<16xi32>], vector<16xf32>,
        %parallel_loop3A_574 = arith.constant 5.000000e-02 : f32
        %parallel_loop3A_575 = vector.broadcast %parallel_loop3A_574 : f32 to vector<16xf32>
        %parallel_loop3A_576 = arith.cmpf ogt, %parallel_loop3A_573, %parallel_loop3A_575 : vector<16xf32>
        %parallel_loop3A_577 = arith.constant -5.000000e-02 : f32
        %parallel_loop3A_578 = vector.broadcast %parallel_loop3A_577 : f32 to vector<16xf32>
        %parallel_loop3A_579 = arith.cmpf olt, %parallel_loop3A_573, %parallel_loop3A_578 : vector<16xf32>
        %parallel_loop3A_580 = arith.constant -1.000000e+00 : f32
        %parallel_loop3A_581 = arith.constant 0.000000e+00 : f32
        %parallel_loop3A_582 = vector.broadcast %parallel_loop3A_580 : f32 to vector<16xf32>
        %parallel_loop3A_583 = vector.broadcast %parallel_loop3A_581 : f32 to vector<16xf32>
        %parallel_loop3A_584 = arith.select %parallel_loop3A_579, %parallel_loop3A_582, %parallel_loop3A_583 : vector<16xi1>, vector<16xf32>
        %parallel_loop3A_585 = arith.constant 1.000000e+00 : f32
        %parallel_loop3A_586 = vector.broadcast %parallel_loop3A_585 : f32 to vector<16xf32>
        %parallel_loop3A_587 = arith.select %parallel_loop3A_576, %parallel_loop3A_586, %parallel_loop3A_584 : vector<16xi1>, vector<16xf32>
        %parallel_loop3A_588 = arith.constant 0 : i32
        %parallel_loop3A_589 = arith.constant 0 : i32
        %parallel_loop3A_590 = arith.constant 0 : i32
        %parallel_loop3A_591 = tpu.memref_slice %arg7[%parallel_loop3A_357, %parallel_loop3A_588, %parallel_loop3A_589, %parallel_loop3A_590] : memref<4x4x8x128xf32, #tpu.memory_space<vmem>> -> memref<1x4x8x128xf32, #tpu.memory_space<vmem>>
        %parallel_loop3A_592 = tpu.memref_squeeze %parallel_loop3A_591 : memref<1x4x8x128xf32, #tpu.memory_space<vmem>> -> memref<4x8x128xf32, #tpu.memory_space<vmem>>
        tpu.vector_store_idx %parallel_loop3A_592[%parallel_loop3A_481, %parallel_loop3A_484, %parallel_loop3A_568], %parallel_loop3A_587 : memref<4x8x128xf32, #tpu.memory_space<vmem>>[vector<16xi32>, vector<16xi32>, vector<16xi32>], vector<16xf32>,
        %parallel_loop3A_593 = arith.constant 64 : i32
        %parallel_loop3A_594 = vector.broadcast %parallel_loop3A_593 : i32 to vector<16xi32>
        %parallel_loop3A_595 = arith.addi %iota3A_352, %parallel_loop3A_594 : vector<16xi32>
        %parallel_loop3A_596 = arith.constant 0 : i32
        %parallel_loop3A_597 = arith.constant 0 : i32
        %parallel_loop3A_598 = tpu.memref_slice %arg6[%parallel_loop3A_356, %parallel_loop3A_596, %parallel_loop3A_597] : memref<4x128x32xf32, #tpu.memory_space<vmem>> -> memref<1x128x32xf32, #tpu.memory_space<vmem>>
        %parallel_loop3A_599 = tpu.memref_squeeze %parallel_loop3A_598 : memref<1x128x32xf32, #tpu.memory_space<vmem>> -> memref<128x32xf32, #tpu.memory_space<vmem>>
        %parallel_loop3A_600 = tpu.vector_load_idx %parallel_loop3A_599[%parallel_loop3A_595, %parallel_loop3A_478] : memref<128x32xf32, #tpu.memory_space<vmem>>[vector<16xi32>, vector<16xi32>], vector<16xf32>,
        %parallel_loop3A_601 = arith.constant 5.000000e-02 : f32
        %parallel_loop3A_602 = vector.broadcast %parallel_loop3A_601 : f32 to vector<16xf32>
        %parallel_loop3A_603 = arith.cmpf ogt, %parallel_loop3A_600, %parallel_loop3A_602 : vector<16xf32>
        %parallel_loop3A_604 = arith.constant -5.000000e-02 : f32
        %parallel_loop3A_605 = vector.broadcast %parallel_loop3A_604 : f32 to vector<16xf32>
        %parallel_loop3A_606 = arith.cmpf olt, %parallel_loop3A_600, %parallel_loop3A_605 : vector<16xf32>
        %parallel_loop3A_607 = arith.constant -1.000000e+00 : f32
        %parallel_loop3A_608 = arith.constant 0.000000e+00 : f32
        %parallel_loop3A_609 = vector.broadcast %parallel_loop3A_607 : f32 to vector<16xf32>
        %parallel_loop3A_610 = vector.broadcast %parallel_loop3A_608 : f32 to vector<16xf32>
        %parallel_loop3A_611 = arith.select %parallel_loop3A_606, %parallel_loop3A_609, %parallel_loop3A_610 : vector<16xi1>, vector<16xf32>
        %parallel_loop3A_612 = arith.constant 1.000000e+00 : f32
        %parallel_loop3A_613 = vector.broadcast %parallel_loop3A_612 : f32 to vector<16xf32>
        %parallel_loop3A_614 = arith.select %parallel_loop3A_603, %parallel_loop3A_613, %parallel_loop3A_611 : vector<16xi1>, vector<16xf32>
        %parallel_loop3A_615 = arith.constant 0 : i32
        %parallel_loop3A_616 = arith.constant 0 : i32
        %parallel_loop3A_617 = arith.constant 0 : i32
        %parallel_loop3A_618 = tpu.memref_slice %arg7[%parallel_loop3A_357, %parallel_loop3A_615, %parallel_loop3A_616, %parallel_loop3A_617] : memref<4x4x8x128xf32, #tpu.memory_space<vmem>> -> memref<1x4x8x128xf32, #tpu.memory_space<vmem>>
        %parallel_loop3A_619 = tpu.memref_squeeze %parallel_loop3A_618 : memref<1x4x8x128xf32, #tpu.memory_space<vmem>> -> memref<4x8x128xf32, #tpu.memory_space<vmem>>
        tpu.vector_store_idx %parallel_loop3A_619[%parallel_loop3A_481, %parallel_loop3A_484, %parallel_loop3A_595], %parallel_loop3A_614 : memref<4x8x128xf32, #tpu.memory_space<vmem>>[vector<16xi32>, vector<16xi32>, vector<16xi32>], vector<16xf32>,
        %parallel_loop3A_620 = arith.constant 80 : i32
        %parallel_loop3A_621 = vector.broadcast %parallel_loop3A_620 : i32 to vector<16xi32>
        %parallel_loop3A_622 = arith.addi %iota3A_352, %parallel_loop3A_621 : vector<16xi32>
        %parallel_loop3A_623 = arith.constant 0 : i32
        %parallel_loop3A_624 = arith.constant 0 : i32
        %parallel_loop3A_625 = tpu.memref_slice %arg6[%parallel_loop3A_356, %parallel_loop3A_623, %parallel_loop3A_624] : memref<4x128x32xf32, #tpu.memory_space<vmem>> -> memref<1x128x32xf32, #tpu.memory_space<vmem>>
        %parallel_loop3A_626 = tpu.memref_squeeze %parallel_loop3A_625 : memref<1x128x32xf32, #tpu.memory_space<vmem>> -> memref<128x32xf32, #tpu.memory_space<vmem>>
        %parallel_loop3A_627 = tpu.vector_load_idx %parallel_loop3A_626[%parallel_loop3A_622, %parallel_loop3A_478] : memref<128x32xf32, #tpu.memory_space<vmem>>[vector<16xi32>, vector<16xi32>], vector<16xf32>,
        %parallel_loop3A_628 = arith.constant 5.000000e-02 : f32
        %parallel_loop3A_629 = vector.broadcast %parallel_loop3A_628 : f32 to vector<16xf32>
        %parallel_loop3A_630 = arith.cmpf ogt, %parallel_loop3A_627, %parallel_loop3A_629 : vector<16xf32>
        %parallel_loop3A_631 = arith.constant -5.000000e-02 : f32
        %parallel_loop3A_632 = vector.broadcast %parallel_loop3A_631 : f32 to vector<16xf32>
        %parallel_loop3A_633 = arith.cmpf olt, %parallel_loop3A_627, %parallel_loop3A_632 : vector<16xf32>
        %parallel_loop3A_634 = arith.constant -1.000000e+00 : f32
        %parallel_loop3A_635 = arith.constant 0.000000e+00 : f32
        %parallel_loop3A_636 = vector.broadcast %parallel_loop3A_634 : f32 to vector<16xf32>
        %parallel_loop3A_637 = vector.broadcast %parallel_loop3A_635 : f32 to vector<16xf32>
        %parallel_loop3A_638 = arith.select %parallel_loop3A_633, %parallel_loop3A_636, %parallel_loop3A_637 : vector<16xi1>, vector<16xf32>
        %parallel_loop3A_639 = arith.constant 1.000000e+00 : f32
        %parallel_loop3A_640 = vector.broadcast %parallel_loop3A_639 : f32 to vector<16xf32>
        %parallel_loop3A_641 = arith.select %parallel_loop3A_630, %parallel_loop3A_640, %parallel_loop3A_638 : vector<16xi1>, vector<16xf32>
        %parallel_loop3A_642 = arith.constant 0 : i32
        %parallel_loop3A_643 = arith.constant 0 : i32
        %parallel_loop3A_644 = arith.constant 0 : i32
        %parallel_loop3A_645 = tpu.memref_slice %arg7[%parallel_loop3A_357, %parallel_loop3A_642, %parallel_loop3A_643, %parallel_loop3A_644] : memref<4x4x8x128xf32, #tpu.memory_space<vmem>> -> memref<1x4x8x128xf32, #tpu.memory_space<vmem>>
        %parallel_loop3A_646 = tpu.memref_squeeze %parallel_loop3A_645 : memref<1x4x8x128xf32, #tpu.memory_space<vmem>> -> memref<4x8x128xf32, #tpu.memory_space<vmem>>
        tpu.vector_store_idx %parallel_loop3A_646[%parallel_loop3A_481, %parallel_loop3A_484, %parallel_loop3A_622], %parallel_loop3A_641 : memref<4x8x128xf32, #tpu.memory_space<vmem>>[vector<16xi32>, vector<16xi32>, vector<16xi32>], vector<16xf32>,
        %parallel_loop3A_647 = arith.constant 96 : i32
        %parallel_loop3A_648 = vector.broadcast %parallel_loop3A_647 : i32 to vector<16xi32>
        %parallel_loop3A_649 = arith.addi %iota3A_352, %parallel_loop3A_648 : vector<16xi32>
        %parallel_loop3A_650 = arith.constant 0 : i32
        %parallel_loop3A_651 = arith.constant 0 : i32
        %parallel_loop3A_652 = tpu.memref_slice %arg6[%parallel_loop3A_356, %parallel_loop3A_650, %parallel_loop3A_651] : memref<4x128x32xf32, #tpu.memory_space<vmem>> -> memref<1x128x32xf32, #tpu.memory_space<vmem>>
        %parallel_loop3A_653 = tpu.memref_squeeze %parallel_loop3A_652 : memref<1x128x32xf32, #tpu.memory_space<vmem>> -> memref<128x32xf32, #tpu.memory_space<vmem>>
        %parallel_loop3A_654 = tpu.vector_load_idx %parallel_loop3A_653[%parallel_loop3A_649, %parallel_loop3A_478] : memref<128x32xf32, #tpu.memory_space<vmem>>[vector<16xi32>, vector<16xi32>], vector<16xf32>,
        %parallel_loop3A_655 = arith.constant 5.000000e-02 : f32
        %parallel_loop3A_656 = vector.broadcast %parallel_loop3A_655 : f32 to vector<16xf32>
        %parallel_loop3A_657 = arith.cmpf ogt, %parallel_loop3A_654, %parallel_loop3A_656 : vector<16xf32>
        %parallel_loop3A_658 = arith.constant -5.000000e-02 : f32
        %parallel_loop3A_659 = vector.broadcast %parallel_loop3A_658 : f32 to vector<16xf32>
        %parallel_loop3A_660 = arith.cmpf olt, %parallel_loop3A_654, %parallel_loop3A_659 : vector<16xf32>
        %parallel_loop3A_661 = arith.constant -1.000000e+00 : f32
        %parallel_loop3A_662 = arith.constant 0.000000e+00 : f32
        %parallel_loop3A_663 = vector.broadcast %parallel_loop3A_661 : f32 to vector<16xf32>
        %parallel_loop3A_664 = vector.broadcast %parallel_loop3A_662 : f32 to vector<16xf32>
        %parallel_loop3A_665 = arith.select %parallel_loop3A_660, %parallel_loop3A_663, %parallel_loop3A_664 : vector<16xi1>, vector<16xf32>
        %parallel_loop3A_666 = arith.constant 1.000000e+00 : f32
        %parallel_loop3A_667 = vector.broadcast %parallel_loop3A_666 : f32 to vector<16xf32>
        %parallel_loop3A_668 = arith.select %parallel_loop3A_657, %parallel_loop3A_667, %parallel_loop3A_665 : vector<16xi1>, vector<16xf32>
        %parallel_loop3A_669 = arith.constant 0 : i32
        %parallel_loop3A_670 = arith.constant 0 : i32
        %parallel_loop3A_671 = arith.constant 0 : i32
        %parallel_loop3A_672 = tpu.memref_slice %arg7[%parallel_loop3A_357, %parallel_loop3A_669, %parallel_loop3A_670, %parallel_loop3A_671] : memref<4x4x8x128xf32, #tpu.memory_space<vmem>> -> memref<1x4x8x128xf32, #tpu.memory_space<vmem>>
        %parallel_loop3A_673 = tpu.memref_squeeze %parallel_loop3A_672 : memref<1x4x8x128xf32, #tpu.memory_space<vmem>> -> memref<4x8x128xf32, #tpu.memory_space<vmem>>
        tpu.vector_store_idx %parallel_loop3A_673[%parallel_loop3A_481, %parallel_loop3A_484, %parallel_loop3A_649], %parallel_loop3A_668 : memref<4x8x128xf32, #tpu.memory_space<vmem>>[vector<16xi32>, vector<16xi32>, vector<16xi32>], vector<16xf32>,
        %parallel_loop3A_674 = arith.constant 112 : i32
        %parallel_loop3A_675 = vector.broadcast %parallel_loop3A_674 : i32 to vector<16xi32>
        %parallel_loop3A_676 = arith.addi %iota3A_352, %parallel_loop3A_675 : vector<16xi32>
        %parallel_loop3A_677 = arith.constant 0 : i32
        %parallel_loop3A_678 = arith.constant 0 : i32
        %parallel_loop3A_679 = tpu.memref_slice %arg6[%parallel_loop3A_356, %parallel_loop3A_677, %parallel_loop3A_678] : memref<4x128x32xf32, #tpu.memory_space<vmem>> -> memref<1x128x32xf32, #tpu.memory_space<vmem>>
        %parallel_loop3A_680 = tpu.memref_squeeze %parallel_loop3A_679 : memref<1x128x32xf32, #tpu.memory_space<vmem>> -> memref<128x32xf32, #tpu.memory_space<vmem>>
        %parallel_loop3A_681 = tpu.vector_load_idx %parallel_loop3A_680[%parallel_loop3A_676, %parallel_loop3A_478] : memref<128x32xf32, #tpu.memory_space<vmem>>[vector<16xi32>, vector<16xi32>], vector<16xf32>,
        %parallel_loop3A_682 = arith.constant 5.000000e-02 : f32
        %parallel_loop3A_683 = vector.broadcast %parallel_loop3A_682 : f32 to vector<16xf32>
        %parallel_loop3A_684 = arith.cmpf ogt, %parallel_loop3A_681, %parallel_loop3A_683 : vector<16xf32>
        %parallel_loop3A_685 = arith.constant -5.000000e-02 : f32
        %parallel_loop3A_686 = vector.broadcast %parallel_loop3A_685 : f32 to vector<16xf32>
        %parallel_loop3A_687 = arith.cmpf olt, %parallel_loop3A_681, %parallel_loop3A_686 : vector<16xf32>
        %parallel_loop3A_688 = arith.constant -1.000000e+00 : f32
        %parallel_loop3A_689 = arith.constant 0.000000e+00 : f32
        %parallel_loop3A_690 = vector.broadcast %parallel_loop3A_688 : f32 to vector<16xf32>
        %parallel_loop3A_691 = vector.broadcast %parallel_loop3A_689 : f32 to vector<16xf32>
        %parallel_loop3A_692 = arith.select %parallel_loop3A_687, %parallel_loop3A_690, %parallel_loop3A_691 : vector<16xi1>, vector<16xf32>
        %parallel_loop3A_693 = arith.constant 1.000000e+00 : f32
        %parallel_loop3A_694 = vector.broadcast %parallel_loop3A_693 : f32 to vector<16xf32>
        %parallel_loop3A_695 = arith.select %parallel_loop3A_684, %parallel_loop3A_694, %parallel_loop3A_692 : vector<16xi1>, vector<16xf32>
        %parallel_loop3A_696 = arith.constant 0 : i32
        %parallel_loop3A_697 = arith.constant 0 : i32
        %parallel_loop3A_698 = arith.constant 0 : i32
        %parallel_loop3A_699 = tpu.memref_slice %arg7[%parallel_loop3A_357, %parallel_loop3A_696, %parallel_loop3A_697, %parallel_loop3A_698] : memref<4x4x8x128xf32, #tpu.memory_space<vmem>> -> memref<1x4x8x128xf32, #tpu.memory_space<vmem>>
        %parallel_loop3A_700 = tpu.memref_squeeze %parallel_loop3A_699 : memref<1x4x8x128xf32, #tpu.memory_space<vmem>> -> memref<4x8x128xf32, #tpu.memory_space<vmem>>
        tpu.vector_store_idx %parallel_loop3A_700[%parallel_loop3A_481, %parallel_loop3A_484, %parallel_loop3A_676], %parallel_loop3A_695 : memref<4x8x128xf32, #tpu.memory_space<vmem>>[vector<16xi32>, vector<16xi32>, vector<16xi32>], vector<16xf32>,
        %parallel_loop3A_701 = vector.broadcast %parallel_loop3A_470 : i32 to vector<16xi32>
        %parallel_loop3A_702 = arith.addi %iota3A_352, %parallel_loop3A_701 : vector<16xi32>
        %parallel_loop3A_703 = arith.constant 15 : i32
        %parallel_loop3A_704 = vector.broadcast %parallel_loop3A_703 : i32 to vector<16xi32>
        %parallel_loop3A_705 = arith.andi %parallel_loop3A_702, %parallel_loop3A_704 : vector<16xi32>
        %parallel_loop3A_706 = arith.constant 16 : i32
        %parallel_loop3A_707 = vector.broadcast %parallel_loop3A_706 : i32 to vector<16xi32>
        %parallel_loop3A_708 = arith.addi %parallel_loop3A_705, %parallel_loop3A_707 : vector<16xi32>
        %parallel_loop3A_709 = arith.constant 3 : i32
        %parallel_loop3A_710 = vector.broadcast %parallel_loop3A_709 : i32 to vector<16xi32>
        %parallel_loop3A_711 = arith.shrsi %parallel_loop3A_708, %parallel_loop3A_710 : vector<16xi32>
        %parallel_loop3A_712 = arith.constant 7 : i32
        %parallel_loop3A_713 = vector.broadcast %parallel_loop3A_712 : i32 to vector<16xi32>
        %parallel_loop3A_714 = arith.andi %parallel_loop3A_708, %parallel_loop3A_713 : vector<16xi32>
        %parallel_loop3A_715 = arith.constant 0 : i32
        %parallel_loop3A_716 = vector.broadcast %parallel_loop3A_715 : i32 to vector<16xi32>
        %parallel_loop3A_717 = arith.addi %iota3A_352, %parallel_loop3A_716 : vector<16xi32>
        %parallel_loop3A_718 = arith.constant 0 : i32
        %parallel_loop3A_719 = arith.constant 0 : i32
        %parallel_loop3A_720 = tpu.memref_slice %arg6[%parallel_loop3A_356, %parallel_loop3A_718, %parallel_loop3A_719] : memref<4x128x32xf32, #tpu.memory_space<vmem>> -> memref<1x128x32xf32, #tpu.memory_space<vmem>>
        %parallel_loop3A_721 = tpu.memref_squeeze %parallel_loop3A_720 : memref<1x128x32xf32, #tpu.memory_space<vmem>> -> memref<128x32xf32, #tpu.memory_space<vmem>>
        %parallel_loop3A_722 = tpu.vector_load_idx %parallel_loop3A_721[%parallel_loop3A_717, %parallel_loop3A_708] : memref<128x32xf32, #tpu.memory_space<vmem>>[vector<16xi32>, vector<16xi32>], vector<16xf32>,
        %parallel_loop3A_723 = arith.constant 5.000000e-02 : f32
        %parallel_loop3A_724 = vector.broadcast %parallel_loop3A_723 : f32 to vector<16xf32>
        %parallel_loop3A_725 = arith.cmpf ogt, %parallel_loop3A_722, %parallel_loop3A_724 : vector<16xf32>
        %parallel_loop3A_726 = arith.constant -5.000000e-02 : f32
        %parallel_loop3A_727 = vector.broadcast %parallel_loop3A_726 : f32 to vector<16xf32>
        %parallel_loop3A_728 = arith.cmpf olt, %parallel_loop3A_722, %parallel_loop3A_727 : vector<16xf32>
        %parallel_loop3A_729 = arith.constant -1.000000e+00 : f32
        %parallel_loop3A_730 = arith.constant 0.000000e+00 : f32
        %parallel_loop3A_731 = vector.broadcast %parallel_loop3A_729 : f32 to vector<16xf32>
        %parallel_loop3A_732 = vector.broadcast %parallel_loop3A_730 : f32 to vector<16xf32>
        %parallel_loop3A_733 = arith.select %parallel_loop3A_728, %parallel_loop3A_731, %parallel_loop3A_732 : vector<16xi1>, vector<16xf32>
        %parallel_loop3A_734 = arith.constant 1.000000e+00 : f32
        %parallel_loop3A_735 = vector.broadcast %parallel_loop3A_734 : f32 to vector<16xf32>
        %parallel_loop3A_736 = arith.select %parallel_loop3A_725, %parallel_loop3A_735, %parallel_loop3A_733 : vector<16xi1>, vector<16xf32>
        %parallel_loop3A_737 = arith.constant 0 : i32
        %parallel_loop3A_738 = arith.constant 0 : i32
        %parallel_loop3A_739 = arith.constant 0 : i32
        %parallel_loop3A_740 = tpu.memref_slice %arg7[%parallel_loop3A_357, %parallel_loop3A_737, %parallel_loop3A_738, %parallel_loop3A_739] : memref<4x4x8x128xf32, #tpu.memory_space<vmem>> -> memref<1x4x8x128xf32, #tpu.memory_space<vmem>>
        %parallel_loop3A_741 = tpu.memref_squeeze %parallel_loop3A_740 : memref<1x4x8x128xf32, #tpu.memory_space<vmem>> -> memref<4x8x128xf32, #tpu.memory_space<vmem>>
        tpu.vector_store_idx %parallel_loop3A_741[%parallel_loop3A_711, %parallel_loop3A_714, %parallel_loop3A_717], %parallel_loop3A_736 : memref<4x8x128xf32, #tpu.memory_space<vmem>>[vector<16xi32>, vector<16xi32>, vector<16xi32>], vector<16xf32>,
        %parallel_loop3A_742 = arith.constant 16 : i32
        %parallel_loop3A_743 = vector.broadcast %parallel_loop3A_742 : i32 to vector<16xi32>
        %parallel_loop3A_744 = arith.addi %iota3A_352, %parallel_loop3A_743 : vector<16xi32>
        %parallel_loop3A_745 = arith.constant 0 : i32
        %parallel_loop3A_746 = arith.constant 0 : i32
        %parallel_loop3A_747 = tpu.memref_slice %arg6[%parallel_loop3A_356, %parallel_loop3A_745, %parallel_loop3A_746] : memref<4x128x32xf32, #tpu.memory_space<vmem>> -> memref<1x128x32xf32, #tpu.memory_space<vmem>>
        %parallel_loop3A_748 = tpu.memref_squeeze %parallel_loop3A_747 : memref<1x128x32xf32, #tpu.memory_space<vmem>> -> memref<128x32xf32, #tpu.memory_space<vmem>>
        %parallel_loop3A_749 = tpu.vector_load_idx %parallel_loop3A_748[%parallel_loop3A_744, %parallel_loop3A_708] : memref<128x32xf32, #tpu.memory_space<vmem>>[vector<16xi32>, vector<16xi32>], vector<16xf32>,
        %parallel_loop3A_750 = arith.constant 5.000000e-02 : f32
        %parallel_loop3A_751 = vector.broadcast %parallel_loop3A_750 : f32 to vector<16xf32>
        %parallel_loop3A_752 = arith.cmpf ogt, %parallel_loop3A_749, %parallel_loop3A_751 : vector<16xf32>
        %parallel_loop3A_753 = arith.constant -5.000000e-02 : f32
        %parallel_loop3A_754 = vector.broadcast %parallel_loop3A_753 : f32 to vector<16xf32>
        %parallel_loop3A_755 = arith.cmpf olt, %parallel_loop3A_749, %parallel_loop3A_754 : vector<16xf32>
        %parallel_loop3A_756 = arith.constant -1.000000e+00 : f32
        %parallel_loop3A_757 = arith.constant 0.000000e+00 : f32
        %parallel_loop3A_758 = vector.broadcast %parallel_loop3A_756 : f32 to vector<16xf32>
        %parallel_loop3A_759 = vector.broadcast %parallel_loop3A_757 : f32 to vector<16xf32>
        %parallel_loop3A_760 = arith.select %parallel_loop3A_755, %parallel_loop3A_758, %parallel_loop3A_759 : vector<16xi1>, vector<16xf32>
        %parallel_loop3A_761 = arith.constant 1.000000e+00 : f32
        %parallel_loop3A_762 = vector.broadcast %parallel_loop3A_761 : f32 to vector<16xf32>
        %parallel_loop3A_763 = arith.select %parallel_loop3A_752, %parallel_loop3A_762, %parallel_loop3A_760 : vector<16xi1>, vector<16xf32>
        %parallel_loop3A_764 = arith.constant 0 : i32
        %parallel_loop3A_765 = arith.constant 0 : i32
        %parallel_loop3A_766 = arith.constant 0 : i32
        %parallel_loop3A_767 = tpu.memref_slice %arg7[%parallel_loop3A_357, %parallel_loop3A_764, %parallel_loop3A_765, %parallel_loop3A_766] : memref<4x4x8x128xf32, #tpu.memory_space<vmem>> -> memref<1x4x8x128xf32, #tpu.memory_space<vmem>>
        %parallel_loop3A_768 = tpu.memref_squeeze %parallel_loop3A_767 : memref<1x4x8x128xf32, #tpu.memory_space<vmem>> -> memref<4x8x128xf32, #tpu.memory_space<vmem>>
        tpu.vector_store_idx %parallel_loop3A_768[%parallel_loop3A_711, %parallel_loop3A_714, %parallel_loop3A_744], %parallel_loop3A_763 : memref<4x8x128xf32, #tpu.memory_space<vmem>>[vector<16xi32>, vector<16xi32>, vector<16xi32>], vector<16xf32>,
        %parallel_loop3A_769 = arith.constant 32 : i32
        %parallel_loop3A_770 = vector.broadcast %parallel_loop3A_769 : i32 to vector<16xi32>
        %parallel_loop3A_771 = arith.addi %iota3A_352, %parallel_loop3A_770 : vector<16xi32>
        %parallel_loop3A_772 = arith.constant 0 : i32
        %parallel_loop3A_773 = arith.constant 0 : i32
        %parallel_loop3A_774 = tpu.memref_slice %arg6[%parallel_loop3A_356, %parallel_loop3A_772, %parallel_loop3A_773] : memref<4x128x32xf32, #tpu.memory_space<vmem>> -> memref<1x128x32xf32, #tpu.memory_space<vmem>>
        %parallel_loop3A_775 = tpu.memref_squeeze %parallel_loop3A_774 : memref<1x128x32xf32, #tpu.memory_space<vmem>> -> memref<128x32xf32, #tpu.memory_space<vmem>>
        %parallel_loop3A_776 = tpu.vector_load_idx %parallel_loop3A_775[%parallel_loop3A_771, %parallel_loop3A_708] : memref<128x32xf32, #tpu.memory_space<vmem>>[vector<16xi32>, vector<16xi32>], vector<16xf32>,
        %parallel_loop3A_777 = arith.constant 5.000000e-02 : f32
        %parallel_loop3A_778 = vector.broadcast %parallel_loop3A_777 : f32 to vector<16xf32>
        %parallel_loop3A_779 = arith.cmpf ogt, %parallel_loop3A_776, %parallel_loop3A_778 : vector<16xf32>
        %parallel_loop3A_780 = arith.constant -5.000000e-02 : f32
        %parallel_loop3A_781 = vector.broadcast %parallel_loop3A_780 : f32 to vector<16xf32>
        %parallel_loop3A_782 = arith.cmpf olt, %parallel_loop3A_776, %parallel_loop3A_781 : vector<16xf32>
        %parallel_loop3A_783 = arith.constant -1.000000e+00 : f32
        %parallel_loop3A_784 = arith.constant 0.000000e+00 : f32
        %parallel_loop3A_785 = vector.broadcast %parallel_loop3A_783 : f32 to vector<16xf32>
        %parallel_loop3A_786 = vector.broadcast %parallel_loop3A_784 : f32 to vector<16xf32>
        %parallel_loop3A_787 = arith.select %parallel_loop3A_782, %parallel_loop3A_785, %parallel_loop3A_786 : vector<16xi1>, vector<16xf32>
        %parallel_loop3A_788 = arith.constant 1.000000e+00 : f32
        %parallel_loop3A_789 = vector.broadcast %parallel_loop3A_788 : f32 to vector<16xf32>
        %parallel_loop3A_790 = arith.select %parallel_loop3A_779, %parallel_loop3A_789, %parallel_loop3A_787 : vector<16xi1>, vector<16xf32>
        %parallel_loop3A_791 = arith.constant 0 : i32
        %parallel_loop3A_792 = arith.constant 0 : i32
        %parallel_loop3A_793 = arith.constant 0 : i32
        %parallel_loop3A_794 = tpu.memref_slice %arg7[%parallel_loop3A_357, %parallel_loop3A_791, %parallel_loop3A_792, %parallel_loop3A_793] : memref<4x4x8x128xf32, #tpu.memory_space<vmem>> -> memref<1x4x8x128xf32, #tpu.memory_space<vmem>>
        %parallel_loop3A_795 = tpu.memref_squeeze %parallel_loop3A_794 : memref<1x4x8x128xf32, #tpu.memory_space<vmem>> -> memref<4x8x128xf32, #tpu.memory_space<vmem>>
        tpu.vector_store_idx %parallel_loop3A_795[%parallel_loop3A_711, %parallel_loop3A_714, %parallel_loop3A_771], %parallel_loop3A_790 : memref<4x8x128xf32, #tpu.memory_space<vmem>>[vector<16xi32>, vector<16xi32>, vector<16xi32>], vector<16xf32>,
        %parallel_loop3A_796 = arith.constant 48 : i32
        %parallel_loop3A_797 = vector.broadcast %parallel_loop3A_796 : i32 to vector<16xi32>
        %parallel_loop3A_798 = arith.addi %iota3A_352, %parallel_loop3A_797 : vector<16xi32>
        %parallel_loop3A_799 = arith.constant 0 : i32
        %parallel_loop3A_800 = arith.constant 0 : i32
        %parallel_loop3A_801 = tpu.memref_slice %arg6[%parallel_loop3A_356, %parallel_loop3A_799, %parallel_loop3A_800] : memref<4x128x32xf32, #tpu.memory_space<vmem>> -> memref<1x128x32xf32, #tpu.memory_space<vmem>>
        %parallel_loop3A_802 = tpu.memref_squeeze %parallel_loop3A_801 : memref<1x128x32xf32, #tpu.memory_space<vmem>> -> memref<128x32xf32, #tpu.memory_space<vmem>>
        %parallel_loop3A_803 = tpu.vector_load_idx %parallel_loop3A_802[%parallel_loop3A_798, %parallel_loop3A_708] : memref<128x32xf32, #tpu.memory_space<vmem>>[vector<16xi32>, vector<16xi32>], vector<16xf32>,
        %parallel_loop3A_804 = arith.constant 5.000000e-02 : f32
        %parallel_loop3A_805 = vector.broadcast %parallel_loop3A_804 : f32 to vector<16xf32>
        %parallel_loop3A_806 = arith.cmpf ogt, %parallel_loop3A_803, %parallel_loop3A_805 : vector<16xf32>
        %parallel_loop3A_807 = arith.constant -5.000000e-02 : f32
        %parallel_loop3A_808 = vector.broadcast %parallel_loop3A_807 : f32 to vector<16xf32>
        %parallel_loop3A_809 = arith.cmpf olt, %parallel_loop3A_803, %parallel_loop3A_808 : vector<16xf32>
        %parallel_loop3A_810 = arith.constant -1.000000e+00 : f32
        %parallel_loop3A_811 = arith.constant 0.000000e+00 : f32
        %parallel_loop3A_812 = vector.broadcast %parallel_loop3A_810 : f32 to vector<16xf32>
        %parallel_loop3A_813 = vector.broadcast %parallel_loop3A_811 : f32 to vector<16xf32>
        %parallel_loop3A_814 = arith.select %parallel_loop3A_809, %parallel_loop3A_812, %parallel_loop3A_813 : vector<16xi1>, vector<16xf32>
        %parallel_loop3A_815 = arith.constant 1.000000e+00 : f32
        %parallel_loop3A_816 = vector.broadcast %parallel_loop3A_815 : f32 to vector<16xf32>
        %parallel_loop3A_817 = arith.select %parallel_loop3A_806, %parallel_loop3A_816, %parallel_loop3A_814 : vector<16xi1>, vector<16xf32>
        %parallel_loop3A_818 = arith.constant 0 : i32
        %parallel_loop3A_819 = arith.constant 0 : i32
        %parallel_loop3A_820 = arith.constant 0 : i32
        %parallel_loop3A_821 = tpu.memref_slice %arg7[%parallel_loop3A_357, %parallel_loop3A_818, %parallel_loop3A_819, %parallel_loop3A_820] : memref<4x4x8x128xf32, #tpu.memory_space<vmem>> -> memref<1x4x8x128xf32, #tpu.memory_space<vmem>>
        %parallel_loop3A_822 = tpu.memref_squeeze %parallel_loop3A_821 : memref<1x4x8x128xf32, #tpu.memory_space<vmem>> -> memref<4x8x128xf32, #tpu.memory_space<vmem>>
        tpu.vector_store_idx %parallel_loop3A_822[%parallel_loop3A_711, %parallel_loop3A_714, %parallel_loop3A_798], %parallel_loop3A_817 : memref<4x8x128xf32, #tpu.memory_space<vmem>>[vector<16xi32>, vector<16xi32>, vector<16xi32>], vector<16xf32>,
        %parallel_loop3A_823 = arith.constant 64 : i32
        %parallel_loop3A_824 = vector.broadcast %parallel_loop3A_823 : i32 to vector<16xi32>
        %parallel_loop3A_825 = arith.addi %iota3A_352, %parallel_loop3A_824 : vector<16xi32>
        %parallel_loop3A_826 = arith.constant 0 : i32
        %parallel_loop3A_827 = arith.constant 0 : i32
        %parallel_loop3A_828 = tpu.memref_slice %arg6[%parallel_loop3A_356, %parallel_loop3A_826, %parallel_loop3A_827] : memref<4x128x32xf32, #tpu.memory_space<vmem>> -> memref<1x128x32xf32, #tpu.memory_space<vmem>>
        %parallel_loop3A_829 = tpu.memref_squeeze %parallel_loop3A_828 : memref<1x128x32xf32, #tpu.memory_space<vmem>> -> memref<128x32xf32, #tpu.memory_space<vmem>>
        %parallel_loop3A_830 = tpu.vector_load_idx %parallel_loop3A_829[%parallel_loop3A_825, %parallel_loop3A_708] : memref<128x32xf32, #tpu.memory_space<vmem>>[vector<16xi32>, vector<16xi32>], vector<16xf32>,
        %parallel_loop3A_831 = arith.constant 5.000000e-02 : f32
        %parallel_loop3A_832 = vector.broadcast %parallel_loop3A_831 : f32 to vector<16xf32>
        %parallel_loop3A_833 = arith.cmpf ogt, %parallel_loop3A_830, %parallel_loop3A_832 : vector<16xf32>
        %parallel_loop3A_834 = arith.constant -5.000000e-02 : f32
        %parallel_loop3A_835 = vector.broadcast %parallel_loop3A_834 : f32 to vector<16xf32>
        %parallel_loop3A_836 = arith.cmpf olt, %parallel_loop3A_830, %parallel_loop3A_835 : vector<16xf32>
        %parallel_loop3A_837 = arith.constant -1.000000e+00 : f32
        %parallel_loop3A_838 = arith.constant 0.000000e+00 : f32
        %parallel_loop3A_839 = vector.broadcast %parallel_loop3A_837 : f32 to vector<16xf32>
        %parallel_loop3A_840 = vector.broadcast %parallel_loop3A_838 : f32 to vector<16xf32>
        %parallel_loop3A_841 = arith.select %parallel_loop3A_836, %parallel_loop3A_839, %parallel_loop3A_840 : vector<16xi1>, vector<16xf32>
        %parallel_loop3A_842 = arith.constant 1.000000e+00 : f32
        %parallel_loop3A_843 = vector.broadcast %parallel_loop3A_842 : f32 to vector<16xf32>
        %parallel_loop3A_844 = arith.select %parallel_loop3A_833, %parallel_loop3A_843, %parallel_loop3A_841 : vector<16xi1>, vector<16xf32>
        %parallel_loop3A_845 = arith.constant 0 : i32
        %parallel_loop3A_846 = arith.constant 0 : i32
        %parallel_loop3A_847 = arith.constant 0 : i32
        %parallel_loop3A_848 = tpu.memref_slice %arg7[%parallel_loop3A_357, %parallel_loop3A_845, %parallel_loop3A_846, %parallel_loop3A_847] : memref<4x4x8x128xf32, #tpu.memory_space<vmem>> -> memref<1x4x8x128xf32, #tpu.memory_space<vmem>>
        %parallel_loop3A_849 = tpu.memref_squeeze %parallel_loop3A_848 : memref<1x4x8x128xf32, #tpu.memory_space<vmem>> -> memref<4x8x128xf32, #tpu.memory_space<vmem>>
        tpu.vector_store_idx %parallel_loop3A_849[%parallel_loop3A_711, %parallel_loop3A_714, %parallel_loop3A_825], %parallel_loop3A_844 : memref<4x8x128xf32, #tpu.memory_space<vmem>>[vector<16xi32>, vector<16xi32>, vector<16xi32>], vector<16xf32>,
        %parallel_loop3A_850 = arith.constant 80 : i32
        %parallel_loop3A_851 = vector.broadcast %parallel_loop3A_850 : i32 to vector<16xi32>
        %parallel_loop3A_852 = arith.addi %iota3A_352, %parallel_loop3A_851 : vector<16xi32>
        %parallel_loop3A_853 = arith.constant 0 : i32
        %parallel_loop3A_854 = arith.constant 0 : i32
        %parallel_loop3A_855 = tpu.memref_slice %arg6[%parallel_loop3A_356, %parallel_loop3A_853, %parallel_loop3A_854] : memref<4x128x32xf32, #tpu.memory_space<vmem>> -> memref<1x128x32xf32, #tpu.memory_space<vmem>>
        %parallel_loop3A_856 = tpu.memref_squeeze %parallel_loop3A_855 : memref<1x128x32xf32, #tpu.memory_space<vmem>> -> memref<128x32xf32, #tpu.memory_space<vmem>>
        %parallel_loop3A_857 = tpu.vector_load_idx %parallel_loop3A_856[%parallel_loop3A_852, %parallel_loop3A_708] : memref<128x32xf32, #tpu.memory_space<vmem>>[vector<16xi32>, vector<16xi32>], vector<16xf32>,
        %parallel_loop3A_858 = arith.constant 5.000000e-02 : f32
        %parallel_loop3A_859 = vector.broadcast %parallel_loop3A_858 : f32 to vector<16xf32>
        %parallel_loop3A_860 = arith.cmpf ogt, %parallel_loop3A_857, %parallel_loop3A_859 : vector<16xf32>
        %parallel_loop3A_861 = arith.constant -5.000000e-02 : f32
        %parallel_loop3A_862 = vector.broadcast %parallel_loop3A_861 : f32 to vector<16xf32>
        %parallel_loop3A_863 = arith.cmpf olt, %parallel_loop3A_857, %parallel_loop3A_862 : vector<16xf32>
        %parallel_loop3A_864 = arith.constant -1.000000e+00 : f32
        %parallel_loop3A_865 = arith.constant 0.000000e+00 : f32
        %parallel_loop3A_866 = vector.broadcast %parallel_loop3A_864 : f32 to vector<16xf32>
        %parallel_loop3A_867 = vector.broadcast %parallel_loop3A_865 : f32 to vector<16xf32>
        %parallel_loop3A_868 = arith.select %parallel_loop3A_863, %parallel_loop3A_866, %parallel_loop3A_867 : vector<16xi1>, vector<16xf32>
        %parallel_loop3A_869 = arith.constant 1.000000e+00 : f32
        %parallel_loop3A_870 = vector.broadcast %parallel_loop3A_869 : f32 to vector<16xf32>
        %parallel_loop3A_871 = arith.select %parallel_loop3A_860, %parallel_loop3A_870, %parallel_loop3A_868 : vector<16xi1>, vector<16xf32>
        %parallel_loop3A_872 = arith.constant 0 : i32
        %parallel_loop3A_873 = arith.constant 0 : i32
        %parallel_loop3A_874 = arith.constant 0 : i32
        %parallel_loop3A_875 = tpu.memref_slice %arg7[%parallel_loop3A_357, %parallel_loop3A_872, %parallel_loop3A_873, %parallel_loop3A_874] : memref<4x4x8x128xf32, #tpu.memory_space<vmem>> -> memref<1x4x8x128xf32, #tpu.memory_space<vmem>>
        %parallel_loop3A_876 = tpu.memref_squeeze %parallel_loop3A_875 : memref<1x4x8x128xf32, #tpu.memory_space<vmem>> -> memref<4x8x128xf32, #tpu.memory_space<vmem>>
        tpu.vector_store_idx %parallel_loop3A_876[%parallel_loop3A_711, %parallel_loop3A_714, %parallel_loop3A_852], %parallel_loop3A_871 : memref<4x8x128xf32, #tpu.memory_space<vmem>>[vector<16xi32>, vector<16xi32>, vector<16xi32>], vector<16xf32>,
        %parallel_loop3A_877 = arith.constant 96 : i32
        %parallel_loop3A_878 = vector.broadcast %parallel_loop3A_877 : i32 to vector<16xi32>
        %parallel_loop3A_879 = arith.addi %iota3A_352, %parallel_loop3A_878 : vector<16xi32>
        %parallel_loop3A_880 = arith.constant 0 : i32
        %parallel_loop3A_881 = arith.constant 0 : i32
        %parallel_loop3A_882 = tpu.memref_slice %arg6[%parallel_loop3A_356, %parallel_loop3A_880, %parallel_loop3A_881] : memref<4x128x32xf32, #tpu.memory_space<vmem>> -> memref<1x128x32xf32, #tpu.memory_space<vmem>>
        %parallel_loop3A_883 = tpu.memref_squeeze %parallel_loop3A_882 : memref<1x128x32xf32, #tpu.memory_space<vmem>> -> memref<128x32xf32, #tpu.memory_space<vmem>>
        %parallel_loop3A_884 = tpu.vector_load_idx %parallel_loop3A_883[%parallel_loop3A_879, %parallel_loop3A_708] : memref<128x32xf32, #tpu.memory_space<vmem>>[vector<16xi32>, vector<16xi32>], vector<16xf32>,
        %parallel_loop3A_885 = arith.constant 5.000000e-02 : f32
        %parallel_loop3A_886 = vector.broadcast %parallel_loop3A_885 : f32 to vector<16xf32>
        %parallel_loop3A_887 = arith.cmpf ogt, %parallel_loop3A_884, %parallel_loop3A_886 : vector<16xf32>
        %parallel_loop3A_888 = arith.constant -5.000000e-02 : f32
        %parallel_loop3A_889 = vector.broadcast %parallel_loop3A_888 : f32 to vector<16xf32>
        %parallel_loop3A_890 = arith.cmpf olt, %parallel_loop3A_884, %parallel_loop3A_889 : vector<16xf32>
        %parallel_loop3A_891 = arith.constant -1.000000e+00 : f32
        %parallel_loop3A_892 = arith.constant 0.000000e+00 : f32
        %parallel_loop3A_893 = vector.broadcast %parallel_loop3A_891 : f32 to vector<16xf32>
        %parallel_loop3A_894 = vector.broadcast %parallel_loop3A_892 : f32 to vector<16xf32>
        %parallel_loop3A_895 = arith.select %parallel_loop3A_890, %parallel_loop3A_893, %parallel_loop3A_894 : vector<16xi1>, vector<16xf32>
        %parallel_loop3A_896 = arith.constant 1.000000e+00 : f32
        %parallel_loop3A_897 = vector.broadcast %parallel_loop3A_896 : f32 to vector<16xf32>
        %parallel_loop3A_898 = arith.select %parallel_loop3A_887, %parallel_loop3A_897, %parallel_loop3A_895 : vector<16xi1>, vector<16xf32>
        %parallel_loop3A_899 = arith.constant 0 : i32
        %parallel_loop3A_900 = arith.constant 0 : i32
        %parallel_loop3A_901 = arith.constant 0 : i32
        %parallel_loop3A_902 = tpu.memref_slice %arg7[%parallel_loop3A_357, %parallel_loop3A_899, %parallel_loop3A_900, %parallel_loop3A_901] : memref<4x4x8x128xf32, #tpu.memory_space<vmem>> -> memref<1x4x8x128xf32, #tpu.memory_space<vmem>>
        %parallel_loop3A_903 = tpu.memref_squeeze %parallel_loop3A_902 : memref<1x4x8x128xf32, #tpu.memory_space<vmem>> -> memref<4x8x128xf32, #tpu.memory_space<vmem>>
        tpu.vector_store_idx %parallel_loop3A_903[%parallel_loop3A_711, %parallel_loop3A_714, %parallel_loop3A_879], %parallel_loop3A_898 : memref<4x8x128xf32, #tpu.memory_space<vmem>>[vector<16xi32>, vector<16xi32>, vector<16xi32>], vector<16xf32>,
        %parallel_loop3A_904 = arith.constant 112 : i32
        %parallel_loop3A_905 = vector.broadcast %parallel_loop3A_904 : i32 to vector<16xi32>
        %parallel_loop3A_906 = arith.addi %iota3A_352, %parallel_loop3A_905 : vector<16xi32>
        %parallel_loop3A_907 = arith.constant 0 : i32
        %parallel_loop3A_908 = arith.constant 0 : i32
        %parallel_loop3A_909 = tpu.memref_slice %arg6[%parallel_loop3A_356, %parallel_loop3A_907, %parallel_loop3A_908] : memref<4x128x32xf32, #tpu.memory_space<vmem>> -> memref<1x128x32xf32, #tpu.memory_space<vmem>>
        %parallel_loop3A_910 = tpu.memref_squeeze %parallel_loop3A_909 : memref<1x128x32xf32, #tpu.memory_space<vmem>> -> memref<128x32xf32, #tpu.memory_space<vmem>>
        %parallel_loop3A_911 = tpu.vector_load_idx %parallel_loop3A_910[%parallel_loop3A_906, %parallel_loop3A_708] : memref<128x32xf32, #tpu.memory_space<vmem>>[vector<16xi32>, vector<16xi32>], vector<16xf32>,
        %parallel_loop3A_912 = arith.constant 5.000000e-02 : f32
        %parallel_loop3A_913 = vector.broadcast %parallel_loop3A_912 : f32 to vector<16xf32>
        %parallel_loop3A_914 = arith.cmpf ogt, %parallel_loop3A_911, %parallel_loop3A_913 : vector<16xf32>
        %parallel_loop3A_915 = arith.constant -5.000000e-02 : f32
        %parallel_loop3A_916 = vector.broadcast %parallel_loop3A_915 : f32 to vector<16xf32>
        %parallel_loop3A_917 = arith.cmpf olt, %parallel_loop3A_911, %parallel_loop3A_916 : vector<16xf32>
        %parallel_loop3A_918 = arith.constant -1.000000e+00 : f32
        %parallel_loop3A_919 = arith.constant 0.000000e+00 : f32
        %parallel_loop3A_920 = vector.broadcast %parallel_loop3A_918 : f32 to vector<16xf32>
        %parallel_loop3A_921 = vector.broadcast %parallel_loop3A_919 : f32 to vector<16xf32>
        %parallel_loop3A_922 = arith.select %parallel_loop3A_917, %parallel_loop3A_920, %parallel_loop3A_921 : vector<16xi1>, vector<16xf32>
        %parallel_loop3A_923 = arith.constant 1.000000e+00 : f32
        %parallel_loop3A_924 = vector.broadcast %parallel_loop3A_923 : f32 to vector<16xf32>
        %parallel_loop3A_925 = arith.select %parallel_loop3A_914, %parallel_loop3A_924, %parallel_loop3A_922 : vector<16xi1>, vector<16xf32>
        %parallel_loop3A_926 = arith.constant 0 : i32
        %parallel_loop3A_927 = arith.constant 0 : i32
        %parallel_loop3A_928 = arith.constant 0 : i32
        %parallel_loop3A_929 = tpu.memref_slice %arg7[%parallel_loop3A_357, %parallel_loop3A_926, %parallel_loop3A_927, %parallel_loop3A_928] : memref<4x4x8x128xf32, #tpu.memory_space<vmem>> -> memref<1x4x8x128xf32, #tpu.memory_space<vmem>>
        %parallel_loop3A_930 = tpu.memref_squeeze %parallel_loop3A_929 : memref<1x4x8x128xf32, #tpu.memory_space<vmem>> -> memref<4x8x128xf32, #tpu.memory_space<vmem>>
        tpu.vector_store_idx %parallel_loop3A_930[%parallel_loop3A_711, %parallel_loop3A_714, %parallel_loop3A_906], %parallel_loop3A_925 : memref<4x8x128xf32, #tpu.memory_space<vmem>>[vector<16xi32>, vector<16xi32>, vector<16xi32>], vector<16xf32>,
      } {sc.loop_unroll_factor = 1 : i64, sc.parallel_access}
      %dma_start3A_358 = arith.constant 2 : i32
      %dma_start3A_359 = arith.constant 0 : i32
      %dma_start3A_360 = arith.constant 0 : i32
      %dma_start3A_361 = arith.constant 0 : i32
      %dma_start3A_362 = tpu.memref_slice %arg7[%dma_start3A_358, %dma_start3A_359, %dma_start3A_360, %dma_start3A_361] : memref<4x4x8x128xf32, #tpu.memory_space<vmem>> -> memref<1x4x8x128xf32, #tpu.memory_space<vmem>>
      %dma_start3A_363 = tpu.memref_squeeze %dma_start3A_362 : memref<1x4x8x128xf32, #tpu.memory_space<vmem>> -> memref<4x8x128xf32, #tpu.memory_space<vmem>>
      %dma_start3A_364 = arith.constant 0 : i32
      %dma_start3A_365 = arith.constant 0 : i32
      %dma_start3A_366 = arith.constant 0 : i32
      %dma_start3A_367 = tpu.memref_slice %arg4[%select_n3A_331, %dma_start3A_364, %rem3A_333, %dma_start3A_365, %dma_start3A_366] : memref<50x4x128x8x128xf32, #tpu.memory_space<hbm>> -> memref<1x4x1x8x128xf32, #tpu.memory_space<hbm>>
      %dma_start3A_368 = tpu.memref_squeeze %dma_start3A_367 : memref<1x4x1x8x128xf32, #tpu.memory_space<hbm>> -> memref<4x8x128xf32, #tpu.memory_space<hbm>>
      %dma_start3A_369 = arith.constant 0 : i32
      %dma_start3A_370 = arith.constant 0 : i32
      %dma_start3A_371 = arith.constant 0 : i32
      %dma_start3A_372 = tpu.memref_slice %arg4[%select_n3A_331, %dma_start3A_369, %rem3A_333, %dma_start3A_370, %dma_start3A_371] : memref<50x4x128x8x128xf32, #tpu.memory_space<hbm>> -> memref<1x4x1x8x128xf32, #tpu.memory_space<hbm>>
      %dma_start3A_373 = tpu.memref_squeeze %dma_start3A_372 : memref<1x4x1x8x128xf32, #tpu.memory_space<hbm>> -> memref<4x8x128xf32, #tpu.memory_space<hbm>>
      %dma_start3A_374 = arith.constant 0 : i32
      %dma_start3A_375 = arith.constant 0 : i32
      %dma_start3A_376 = arith.constant 0 : i32
      %dma_start3A_377 = tpu.memref_slice %arg7[%dma_start3A_358, %dma_start3A_374, %dma_start3A_375, %dma_start3A_376] : memref<4x4x8x128xf32, #tpu.memory_space<vmem>> -> memref<1x4x8x128xf32, #tpu.memory_space<vmem>>
      %dma_start3A_378 = tpu.memref_squeeze %dma_start3A_377 : memref<1x4x8x128xf32, #tpu.memory_space<vmem>> -> memref<4x8x128xf32, #tpu.memory_space<vmem>>
      tpu.enqueue_dma source(%dma_start3A_378 : memref<4x8x128xf32, #tpu.memory_space<vmem>>) target(%dma_start3A_373 : memref<4x8x128xf32, #tpu.memory_space<hbm>>) target_semaphore(%arg14 : memref<!tpu.dma_semaphore, #tpu.memory_space<semaphore_mem>>)
      %lt3A_379 = arith.constant 49 : i32
      %lt3A_380 = arith.cmpi slt, %scan3A_145, %lt3A_379 : i32
      %convert_element_type3A_381 = arith.extui %lt3A_380 : i1 to i32
      %cond3A_382 = arith.constant 2 : i32
      %cond3A_383 = arith.constant 0 : i32
      %cond3A_384 = arith.cmpi ne, %convert_element_type3A_381, %cond3A_383 : i32
      scf.if %cond3A_384 {
        %add3A_470 = arith.constant 4 : i32
        %add3A_471 = arith.addi %add3A_304, %add3A_470 : i32
        %dma_start3A_472 = arith.constant 0 : i32
        %dma_start3A_473 = arith.constant 0 : i32
        %dma_start3A_474 = tpu.memref_slice %arg6[%cond3A_382, %dma_start3A_472, %dma_start3A_473] : memref<4x128x32xf32, #tpu.memory_space<vmem>> -> memref<1x128x32xf32, #tpu.memory_space<vmem>>
        %dma_start3A_475 = tpu.memref_squeeze %dma_start3A_474 : memref<1x128x32xf32, #tpu.memory_space<vmem>> -> memref<128x32xf32, #tpu.memory_space<vmem>>
        %dma_start3A_476 = arith.constant 0 : i32
        %dma_start3A_477 = tpu.memref_slice %arg5[%add3A_471, %dma_start3A_476] : memref<200x128xi32, #tpu.memory_space<vmem>> -> memref<1x128xi32, #tpu.memory_space<vmem>>
        %dma_start3A_478 = tpu.memref_squeeze %dma_start3A_477 : memref<1x128xi32, #tpu.memory_space<vmem>> -> memref<128xi32, #tpu.memory_space<vmem>>
        %dma_start3A_479 = arith.constant 0 : i32
        %dma_start3A_480 = arith.constant 0 : i32
        %dma_start3A_481 = tpu.memref_slice %arg2[%dma_start3A_479, %dma_start3A_480] : memref<1000000x32xf32, #tpu.memory_space<hbm>> -> memref<1000000x32xf32, #tpu.memory_space<hbm>>
        tpu.enqueue_indirect_dma source(%dma_start3A_481 : memref<1000000x32xf32, #tpu.memory_space<hbm>>) target(%dma_start3A_475 : memref<128x32xf32, #tpu.memory_space<vmem>>) offsets(%dma_start3A_478 : memref<128xi32, #tpu.memory_space<vmem>>) semaphore(%arg10 : memref<!tpu.dma_semaphore, #tpu.memory_space<semaphore_mem>>)
      } else {
      }
      %mul3A_385 = arith.constant 4 : i32
      %mul3A_386 = arith.muli %scan3A_145, %mul3A_385 : i32
      %add3A_387 = arith.constant 3 : i32
      %add3A_388 = arith.addi %mul3A_386, %add3A_387 : i32
      %mul3A_389 = arith.constant 200 : i32
      %mul3A_390 = arith.muli %add3A, %mul3A_389 : i32
      %add3A_391 = arith.addi %mul3A_390, %add3A_388 : i32
      %jit3A_392 = arith.constant 128 : i32
      %div3A_393 = arith.divsi %add3A_391, %jit3A_392 : i32
      %sign3A_394 = arith.constant 0 : i32
      %sign3A_395 = arith.cmpi sgt, %add3A_391, %sign3A_394 : i32
      %sign3A_396 = arith.extui %sign3A_395 : i1 to i32
      %sign3A_397 = arith.constant 0 : i32
      %sign3A_398 = arith.cmpi slt, %add3A_391, %sign3A_397 : i32
      %sign3A_399 = arith.extui %sign3A_398 : i1 to i32
      %sign3A_400 = arith.subi %sign3A_396, %sign3A_399 : i32
      %sign3A_401 = arith.constant 0 : i32
      %sign3A_402 = arith.cmpi sgt, %jit3A_392, %sign3A_401 : i32
      %sign3A_403 = arith.extui %sign3A_402 : i1 to i32
      %sign3A_404 = arith.constant 0 : i32
      %sign3A_405 = arith.cmpi slt, %jit3A_392, %sign3A_404 : i32
      %sign3A_406 = arith.extui %sign3A_405 : i1 to i32
      %sign3A_407 = arith.subi %sign3A_403, %sign3A_406 : i32
      %ne3A_408 = arith.cmpi ne, %sign3A_400, %sign3A_407 : i32
      %rem3A_409 = arith.remsi %add3A_391, %jit3A_392 : i32
      %ne3A_410 = arith.constant 0 : i32
      %ne3A_411 = arith.cmpi ne, %rem3A_409, %ne3A_410 : i32
      %and3A_412 = arith.andi %ne3A_408, %ne3A_411 : i1
      %sub3A_413 = arith.constant 1 : i32
      %sub3A_414 = arith.subi %div3A_393, %sub3A_413 : i32
      %select_n3A_415 = arith.select %and3A_412, %sub3A_414, %div3A_393 : i32
      %rem3A_416 = arith.constant 128 : i32
      %rem3A_417 = arith.remsi %add3A_391, %rem3A_416 : i32
      %dma_wait3A_418 = arith.constant 3 : i32
      %dma_wait3A_419 = arith.constant 3 : i32
      %dma_wait3A_420 = arith.constant 0 : i32
      %dma_wait3A_421 = arith.constant 0 : i32
      %dma_wait3A_422 = tpu.memref_slice %arg6[%dma_wait3A_419, %dma_wait3A_420, %dma_wait3A_421] : memref<4x128x32xf32, #tpu.memory_space<vmem>> -> memref<1x128x32xf32, #tpu.memory_space<vmem>>
      %dma_wait3A_423 = tpu.memref_squeeze %dma_wait3A_422 : memref<1x128x32xf32, #tpu.memory_space<vmem>> -> memref<128x32xf32, #tpu.memory_space<vmem>>
      %dma_wait3A_424 = arith.constant 0 : i32
      %dma_wait3A_425 = tpu.memref_slice %arg5[%dma_wait3A_418, %dma_wait3A_424] : memref<200x128xi32, #tpu.memory_space<vmem>> -> memref<1x128xi32, #tpu.memory_space<vmem>>
      %dma_wait3A_426 = tpu.memref_squeeze %dma_wait3A_425 : memref<1x128xi32, #tpu.memory_space<vmem>> -> memref<128xi32, #tpu.memory_space<vmem>>
      %dma_wait3A_427 = arith.constant 0 : i32
      %dma_wait3A_428 = arith.constant 0 : i32
      %dma_wait3A_429 = tpu.memref_slice %arg2[%dma_wait3A_427, %dma_wait3A_428] : memref<1000000x32xf32, #tpu.memory_space<hbm>> -> memref<1000000x32xf32, #tpu.memory_space<hbm>>
      tpu.wait_indirect_dma semaphore(%arg11 : memref<!tpu.dma_semaphore, #tpu.memory_space<semaphore_mem>>) src(%dma_wait3A_429 : memref<1000000x32xf32, #tpu.memory_space<hbm>>) dst(%dma_wait3A_423 : memref<128x32xf32, #tpu.memory_space<vmem>>)
      %gt3A_430 = arith.constant 0 : i32
      %gt3A_431 = arith.cmpi sgt, %scan3A_145, %gt3A_430 : i32
      %convert_element_type3A_432 = arith.extui %gt3A_431 : i1 to i32
      %cond3A_433 = arith.constant 3 : i32
      %cond3A_434 = arith.constant 0 : i32
      %cond3A_435 = arith.cmpi ne, %convert_element_type3A_432, %cond3A_434 : i32
      scf.if %cond3A_435 {
        %dma_wait3A_470 = arith.constant 0 : i32
        %dma_wait3A_471 = arith.constant 0 : i32
        %dma_wait3A_472 = arith.constant 0 : i32
        %dma_wait3A_473 = arith.constant 0 : i32
        %dma_wait3A_474 = arith.constant 0 : i32
        %dma_wait3A_475 = tpu.memref_slice %arg7[%cond3A_433, %dma_wait3A_472, %dma_wait3A_473, %dma_wait3A_474] : memref<4x4x8x128xf32, #tpu.memory_space<vmem>> -> memref<1x4x8x128xf32, #tpu.memory_space<vmem>>
        %dma_wait3A_476 = tpu.memref_squeeze %dma_wait3A_475 : memref<1x4x8x128xf32, #tpu.memory_space<vmem>> -> memref<4x8x128xf32, #tpu.memory_space<vmem>>
        %dma_wait3A_477 = arith.constant 0 : i32
        %dma_wait3A_478 = arith.constant 0 : i32
        %dma_wait3A_479 = arith.constant 0 : i32
        %dma_wait3A_480 = tpu.memref_slice %arg4[%dma_wait3A_470, %dma_wait3A_477, %dma_wait3A_471, %dma_wait3A_478, %dma_wait3A_479] : memref<50x4x128x8x128xf32, #tpu.memory_space<hbm>> -> memref<1x4x1x8x128xf32, #tpu.memory_space<hbm>>
        %dma_wait3A_481 = tpu.memref_squeeze %dma_wait3A_480 : memref<1x4x1x8x128xf32, #tpu.memory_space<hbm>> -> memref<4x8x128xf32, #tpu.memory_space<hbm>>
        %dma_wait3A_482 = arith.constant 0 : i32
        %dma_wait3A_483 = arith.constant 0 : i32
        %dma_wait3A_484 = arith.constant 0 : i32
        %dma_wait3A_485 = tpu.memref_slice %arg4[%dma_wait3A_470, %dma_wait3A_482, %dma_wait3A_471, %dma_wait3A_483, %dma_wait3A_484] : memref<50x4x128x8x128xf32, #tpu.memory_space<hbm>> -> memref<1x4x1x8x128xf32, #tpu.memory_space<hbm>>
        %dma_wait3A_486 = tpu.memref_squeeze %dma_wait3A_485 : memref<1x4x1x8x128xf32, #tpu.memory_space<hbm>> -> memref<4x8x128xf32, #tpu.memory_space<hbm>>
        %dma_wait3A_487 = arith.constant 0 : i32
        %dma_wait3A_488 = arith.constant 0 : i32
        %dma_wait3A_489 = arith.constant 0 : i32
        %dma_wait3A_490 = tpu.memref_slice %arg7[%cond3A_433, %dma_wait3A_487, %dma_wait3A_488, %dma_wait3A_489] : memref<4x4x8x128xf32, #tpu.memory_space<vmem>> -> memref<1x4x8x128xf32, #tpu.memory_space<vmem>>
        %dma_wait3A_491 = tpu.memref_squeeze %dma_wait3A_490 : memref<1x4x8x128xf32, #tpu.memory_space<vmem>> -> memref<4x8x128xf32, #tpu.memory_space<vmem>>
        tpu.wait_dma2 semaphore(%arg15 : memref<!tpu.dma_semaphore, #tpu.memory_space<semaphore_mem>>) src(%dma_wait3A_491 : memref<4x8x128xf32, #tpu.memory_space<vmem>>) dst(%dma_wait3A_486 : memref<4x8x128xf32, #tpu.memory_space<hbm>>)
      } else {
      }
      %iota3A_436 = tpu.iota {dimensions = array<i32: 0>} : vector<16xi32>
      %parallel_loop3A_437 = arith.constant 0 : i32
      %parallel_loop3A_438 = arith.constant 16 : i32
      %parallel_loop3A_439 = arith.constant 1 : i32
      %parallel_loop3A_440 = arith.constant 3 : i32
      %parallel_loop3A_441 = arith.constant 3 : i32
      scf.for %parallel_loop3A_470 = %parallel_loop3A_437 to %parallel_loop3A_438 step %parallel_loop3A_439  : i32 {
        %parallel_loop3A_471 = vector.broadcast %parallel_loop3A_470 : i32 to vector<16xi32>
        %parallel_loop3A_472 = arith.addi %iota3A_436, %parallel_loop3A_471 : vector<16xi32>
        %parallel_loop3A_473 = arith.constant 15 : i32
        %parallel_loop3A_474 = vector.broadcast %parallel_loop3A_473 : i32 to vector<16xi32>
        %parallel_loop3A_475 = arith.andi %parallel_loop3A_472, %parallel_loop3A_474 : vector<16xi32>
        %parallel_loop3A_476 = arith.constant 0 : i32
        %parallel_loop3A_477 = vector.broadcast %parallel_loop3A_476 : i32 to vector<16xi32>
        %parallel_loop3A_478 = arith.addi %parallel_loop3A_475, %parallel_loop3A_477 : vector<16xi32>
        %parallel_loop3A_479 = arith.constant 3 : i32
        %parallel_loop3A_480 = vector.broadcast %parallel_loop3A_479 : i32 to vector<16xi32>
        %parallel_loop3A_481 = arith.shrsi %parallel_loop3A_478, %parallel_loop3A_480 : vector<16xi32>
        %parallel_loop3A_482 = arith.constant 7 : i32
        %parallel_loop3A_483 = vector.broadcast %parallel_loop3A_482 : i32 to vector<16xi32>
        %parallel_loop3A_484 = arith.andi %parallel_loop3A_478, %parallel_loop3A_483 : vector<16xi32>
        %parallel_loop3A_485 = arith.constant 0 : i32
        %parallel_loop3A_486 = vector.broadcast %parallel_loop3A_485 : i32 to vector<16xi32>
        %parallel_loop3A_487 = arith.addi %iota3A_436, %parallel_loop3A_486 : vector<16xi32>
        %parallel_loop3A_488 = arith.constant 0 : i32
        %parallel_loop3A_489 = arith.constant 0 : i32
        %parallel_loop3A_490 = tpu.memref_slice %arg6[%parallel_loop3A_440, %parallel_loop3A_488, %parallel_loop3A_489] : memref<4x128x32xf32, #tpu.memory_space<vmem>> -> memref<1x128x32xf32, #tpu.memory_space<vmem>>
        %parallel_loop3A_491 = tpu.memref_squeeze %parallel_loop3A_490 : memref<1x128x32xf32, #tpu.memory_space<vmem>> -> memref<128x32xf32, #tpu.memory_space<vmem>>
        %parallel_loop3A_492 = tpu.vector_load_idx %parallel_loop3A_491[%parallel_loop3A_487, %parallel_loop3A_478] : memref<128x32xf32, #tpu.memory_space<vmem>>[vector<16xi32>, vector<16xi32>], vector<16xf32>,
        %parallel_loop3A_493 = arith.constant 5.000000e-02 : f32
        %parallel_loop3A_494 = vector.broadcast %parallel_loop3A_493 : f32 to vector<16xf32>
        %parallel_loop3A_495 = arith.cmpf ogt, %parallel_loop3A_492, %parallel_loop3A_494 : vector<16xf32>
        %parallel_loop3A_496 = arith.constant -5.000000e-02 : f32
        %parallel_loop3A_497 = vector.broadcast %parallel_loop3A_496 : f32 to vector<16xf32>
        %parallel_loop3A_498 = arith.cmpf olt, %parallel_loop3A_492, %parallel_loop3A_497 : vector<16xf32>
        %parallel_loop3A_499 = arith.constant -1.000000e+00 : f32
        %parallel_loop3A_500 = arith.constant 0.000000e+00 : f32
        %parallel_loop3A_501 = vector.broadcast %parallel_loop3A_499 : f32 to vector<16xf32>
        %parallel_loop3A_502 = vector.broadcast %parallel_loop3A_500 : f32 to vector<16xf32>
        %parallel_loop3A_503 = arith.select %parallel_loop3A_498, %parallel_loop3A_501, %parallel_loop3A_502 : vector<16xi1>, vector<16xf32>
        %parallel_loop3A_504 = arith.constant 1.000000e+00 : f32
        %parallel_loop3A_505 = vector.broadcast %parallel_loop3A_504 : f32 to vector<16xf32>
        %parallel_loop3A_506 = arith.select %parallel_loop3A_495, %parallel_loop3A_505, %parallel_loop3A_503 : vector<16xi1>, vector<16xf32>
        %parallel_loop3A_507 = arith.constant 0 : i32
        %parallel_loop3A_508 = arith.constant 0 : i32
        %parallel_loop3A_509 = arith.constant 0 : i32
        %parallel_loop3A_510 = tpu.memref_slice %arg7[%parallel_loop3A_441, %parallel_loop3A_507, %parallel_loop3A_508, %parallel_loop3A_509] : memref<4x4x8x128xf32, #tpu.memory_space<vmem>> -> memref<1x4x8x128xf32, #tpu.memory_space<vmem>>
        %parallel_loop3A_511 = tpu.memref_squeeze %parallel_loop3A_510 : memref<1x4x8x128xf32, #tpu.memory_space<vmem>> -> memref<4x8x128xf32, #tpu.memory_space<vmem>>
        tpu.vector_store_idx %parallel_loop3A_511[%parallel_loop3A_481, %parallel_loop3A_484, %parallel_loop3A_487], %parallel_loop3A_506 : memref<4x8x128xf32, #tpu.memory_space<vmem>>[vector<16xi32>, vector<16xi32>, vector<16xi32>], vector<16xf32>,
        %parallel_loop3A_512 = arith.constant 16 : i32
        %parallel_loop3A_513 = vector.broadcast %parallel_loop3A_512 : i32 to vector<16xi32>
        %parallel_loop3A_514 = arith.addi %iota3A_436, %parallel_loop3A_513 : vector<16xi32>
        %parallel_loop3A_515 = arith.constant 0 : i32
        %parallel_loop3A_516 = arith.constant 0 : i32
        %parallel_loop3A_517 = tpu.memref_slice %arg6[%parallel_loop3A_440, %parallel_loop3A_515, %parallel_loop3A_516] : memref<4x128x32xf32, #tpu.memory_space<vmem>> -> memref<1x128x32xf32, #tpu.memory_space<vmem>>
        %parallel_loop3A_518 = tpu.memref_squeeze %parallel_loop3A_517 : memref<1x128x32xf32, #tpu.memory_space<vmem>> -> memref<128x32xf32, #tpu.memory_space<vmem>>
        %parallel_loop3A_519 = tpu.vector_load_idx %parallel_loop3A_518[%parallel_loop3A_514, %parallel_loop3A_478] : memref<128x32xf32, #tpu.memory_space<vmem>>[vector<16xi32>, vector<16xi32>], vector<16xf32>,
        %parallel_loop3A_520 = arith.constant 5.000000e-02 : f32
        %parallel_loop3A_521 = vector.broadcast %parallel_loop3A_520 : f32 to vector<16xf32>
        %parallel_loop3A_522 = arith.cmpf ogt, %parallel_loop3A_519, %parallel_loop3A_521 : vector<16xf32>
        %parallel_loop3A_523 = arith.constant -5.000000e-02 : f32
        %parallel_loop3A_524 = vector.broadcast %parallel_loop3A_523 : f32 to vector<16xf32>
        %parallel_loop3A_525 = arith.cmpf olt, %parallel_loop3A_519, %parallel_loop3A_524 : vector<16xf32>
        %parallel_loop3A_526 = arith.constant -1.000000e+00 : f32
        %parallel_loop3A_527 = arith.constant 0.000000e+00 : f32
        %parallel_loop3A_528 = vector.broadcast %parallel_loop3A_526 : f32 to vector<16xf32>
        %parallel_loop3A_529 = vector.broadcast %parallel_loop3A_527 : f32 to vector<16xf32>
        %parallel_loop3A_530 = arith.select %parallel_loop3A_525, %parallel_loop3A_528, %parallel_loop3A_529 : vector<16xi1>, vector<16xf32>
        %parallel_loop3A_531 = arith.constant 1.000000e+00 : f32
        %parallel_loop3A_532 = vector.broadcast %parallel_loop3A_531 : f32 to vector<16xf32>
        %parallel_loop3A_533 = arith.select %parallel_loop3A_522, %parallel_loop3A_532, %parallel_loop3A_530 : vector<16xi1>, vector<16xf32>
        %parallel_loop3A_534 = arith.constant 0 : i32
        %parallel_loop3A_535 = arith.constant 0 : i32
        %parallel_loop3A_536 = arith.constant 0 : i32
        %parallel_loop3A_537 = tpu.memref_slice %arg7[%parallel_loop3A_441, %parallel_loop3A_534, %parallel_loop3A_535, %parallel_loop3A_536] : memref<4x4x8x128xf32, #tpu.memory_space<vmem>> -> memref<1x4x8x128xf32, #tpu.memory_space<vmem>>
        %parallel_loop3A_538 = tpu.memref_squeeze %parallel_loop3A_537 : memref<1x4x8x128xf32, #tpu.memory_space<vmem>> -> memref<4x8x128xf32, #tpu.memory_space<vmem>>
        tpu.vector_store_idx %parallel_loop3A_538[%parallel_loop3A_481, %parallel_loop3A_484, %parallel_loop3A_514], %parallel_loop3A_533 : memref<4x8x128xf32, #tpu.memory_space<vmem>>[vector<16xi32>, vector<16xi32>, vector<16xi32>], vector<16xf32>,
        %parallel_loop3A_539 = arith.constant 32 : i32
        %parallel_loop3A_540 = vector.broadcast %parallel_loop3A_539 : i32 to vector<16xi32>
        %parallel_loop3A_541 = arith.addi %iota3A_436, %parallel_loop3A_540 : vector<16xi32>
        %parallel_loop3A_542 = arith.constant 0 : i32
        %parallel_loop3A_543 = arith.constant 0 : i32
        %parallel_loop3A_544 = tpu.memref_slice %arg6[%parallel_loop3A_440, %parallel_loop3A_542, %parallel_loop3A_543] : memref<4x128x32xf32, #tpu.memory_space<vmem>> -> memref<1x128x32xf32, #tpu.memory_space<vmem>>
        %parallel_loop3A_545 = tpu.memref_squeeze %parallel_loop3A_544 : memref<1x128x32xf32, #tpu.memory_space<vmem>> -> memref<128x32xf32, #tpu.memory_space<vmem>>
        %parallel_loop3A_546 = tpu.vector_load_idx %parallel_loop3A_545[%parallel_loop3A_541, %parallel_loop3A_478] : memref<128x32xf32, #tpu.memory_space<vmem>>[vector<16xi32>, vector<16xi32>], vector<16xf32>,
        %parallel_loop3A_547 = arith.constant 5.000000e-02 : f32
        %parallel_loop3A_548 = vector.broadcast %parallel_loop3A_547 : f32 to vector<16xf32>
        %parallel_loop3A_549 = arith.cmpf ogt, %parallel_loop3A_546, %parallel_loop3A_548 : vector<16xf32>
        %parallel_loop3A_550 = arith.constant -5.000000e-02 : f32
        %parallel_loop3A_551 = vector.broadcast %parallel_loop3A_550 : f32 to vector<16xf32>
        %parallel_loop3A_552 = arith.cmpf olt, %parallel_loop3A_546, %parallel_loop3A_551 : vector<16xf32>
        %parallel_loop3A_553 = arith.constant -1.000000e+00 : f32
        %parallel_loop3A_554 = arith.constant 0.000000e+00 : f32
        %parallel_loop3A_555 = vector.broadcast %parallel_loop3A_553 : f32 to vector<16xf32>
        %parallel_loop3A_556 = vector.broadcast %parallel_loop3A_554 : f32 to vector<16xf32>
        %parallel_loop3A_557 = arith.select %parallel_loop3A_552, %parallel_loop3A_555, %parallel_loop3A_556 : vector<16xi1>, vector<16xf32>
        %parallel_loop3A_558 = arith.constant 1.000000e+00 : f32
        %parallel_loop3A_559 = vector.broadcast %parallel_loop3A_558 : f32 to vector<16xf32>
        %parallel_loop3A_560 = arith.select %parallel_loop3A_549, %parallel_loop3A_559, %parallel_loop3A_557 : vector<16xi1>, vector<16xf32>
        %parallel_loop3A_561 = arith.constant 0 : i32
        %parallel_loop3A_562 = arith.constant 0 : i32
        %parallel_loop3A_563 = arith.constant 0 : i32
        %parallel_loop3A_564 = tpu.memref_slice %arg7[%parallel_loop3A_441, %parallel_loop3A_561, %parallel_loop3A_562, %parallel_loop3A_563] : memref<4x4x8x128xf32, #tpu.memory_space<vmem>> -> memref<1x4x8x128xf32, #tpu.memory_space<vmem>>
        %parallel_loop3A_565 = tpu.memref_squeeze %parallel_loop3A_564 : memref<1x4x8x128xf32, #tpu.memory_space<vmem>> -> memref<4x8x128xf32, #tpu.memory_space<vmem>>
        tpu.vector_store_idx %parallel_loop3A_565[%parallel_loop3A_481, %parallel_loop3A_484, %parallel_loop3A_541], %parallel_loop3A_560 : memref<4x8x128xf32, #tpu.memory_space<vmem>>[vector<16xi32>, vector<16xi32>, vector<16xi32>], vector<16xf32>,
        %parallel_loop3A_566 = arith.constant 48 : i32
        %parallel_loop3A_567 = vector.broadcast %parallel_loop3A_566 : i32 to vector<16xi32>
        %parallel_loop3A_568 = arith.addi %iota3A_436, %parallel_loop3A_567 : vector<16xi32>
        %parallel_loop3A_569 = arith.constant 0 : i32
        %parallel_loop3A_570 = arith.constant 0 : i32
        %parallel_loop3A_571 = tpu.memref_slice %arg6[%parallel_loop3A_440, %parallel_loop3A_569, %parallel_loop3A_570] : memref<4x128x32xf32, #tpu.memory_space<vmem>> -> memref<1x128x32xf32, #tpu.memory_space<vmem>>
        %parallel_loop3A_572 = tpu.memref_squeeze %parallel_loop3A_571 : memref<1x128x32xf32, #tpu.memory_space<vmem>> -> memref<128x32xf32, #tpu.memory_space<vmem>>
        %parallel_loop3A_573 = tpu.vector_load_idx %parallel_loop3A_572[%parallel_loop3A_568, %parallel_loop3A_478] : memref<128x32xf32, #tpu.memory_space<vmem>>[vector<16xi32>, vector<16xi32>], vector<16xf32>,
        %parallel_loop3A_574 = arith.constant 5.000000e-02 : f32
        %parallel_loop3A_575 = vector.broadcast %parallel_loop3A_574 : f32 to vector<16xf32>
        %parallel_loop3A_576 = arith.cmpf ogt, %parallel_loop3A_573, %parallel_loop3A_575 : vector<16xf32>
        %parallel_loop3A_577 = arith.constant -5.000000e-02 : f32
        %parallel_loop3A_578 = vector.broadcast %parallel_loop3A_577 : f32 to vector<16xf32>
        %parallel_loop3A_579 = arith.cmpf olt, %parallel_loop3A_573, %parallel_loop3A_578 : vector<16xf32>
        %parallel_loop3A_580 = arith.constant -1.000000e+00 : f32
        %parallel_loop3A_581 = arith.constant 0.000000e+00 : f32
        %parallel_loop3A_582 = vector.broadcast %parallel_loop3A_580 : f32 to vector<16xf32>
        %parallel_loop3A_583 = vector.broadcast %parallel_loop3A_581 : f32 to vector<16xf32>
        %parallel_loop3A_584 = arith.select %parallel_loop3A_579, %parallel_loop3A_582, %parallel_loop3A_583 : vector<16xi1>, vector<16xf32>
        %parallel_loop3A_585 = arith.constant 1.000000e+00 : f32
        %parallel_loop3A_586 = vector.broadcast %parallel_loop3A_585 : f32 to vector<16xf32>
        %parallel_loop3A_587 = arith.select %parallel_loop3A_576, %parallel_loop3A_586, %parallel_loop3A_584 : vector<16xi1>, vector<16xf32>
        %parallel_loop3A_588 = arith.constant 0 : i32
        %parallel_loop3A_589 = arith.constant 0 : i32
        %parallel_loop3A_590 = arith.constant 0 : i32
        %parallel_loop3A_591 = tpu.memref_slice %arg7[%parallel_loop3A_441, %parallel_loop3A_588, %parallel_loop3A_589, %parallel_loop3A_590] : memref<4x4x8x128xf32, #tpu.memory_space<vmem>> -> memref<1x4x8x128xf32, #tpu.memory_space<vmem>>
        %parallel_loop3A_592 = tpu.memref_squeeze %parallel_loop3A_591 : memref<1x4x8x128xf32, #tpu.memory_space<vmem>> -> memref<4x8x128xf32, #tpu.memory_space<vmem>>
        tpu.vector_store_idx %parallel_loop3A_592[%parallel_loop3A_481, %parallel_loop3A_484, %parallel_loop3A_568], %parallel_loop3A_587 : memref<4x8x128xf32, #tpu.memory_space<vmem>>[vector<16xi32>, vector<16xi32>, vector<16xi32>], vector<16xf32>,
        %parallel_loop3A_593 = arith.constant 64 : i32
        %parallel_loop3A_594 = vector.broadcast %parallel_loop3A_593 : i32 to vector<16xi32>
        %parallel_loop3A_595 = arith.addi %iota3A_436, %parallel_loop3A_594 : vector<16xi32>
        %parallel_loop3A_596 = arith.constant 0 : i32
        %parallel_loop3A_597 = arith.constant 0 : i32
        %parallel_loop3A_598 = tpu.memref_slice %arg6[%parallel_loop3A_440, %parallel_loop3A_596, %parallel_loop3A_597] : memref<4x128x32xf32, #tpu.memory_space<vmem>> -> memref<1x128x32xf32, #tpu.memory_space<vmem>>
        %parallel_loop3A_599 = tpu.memref_squeeze %parallel_loop3A_598 : memref<1x128x32xf32, #tpu.memory_space<vmem>> -> memref<128x32xf32, #tpu.memory_space<vmem>>
        %parallel_loop3A_600 = tpu.vector_load_idx %parallel_loop3A_599[%parallel_loop3A_595, %parallel_loop3A_478] : memref<128x32xf32, #tpu.memory_space<vmem>>[vector<16xi32>, vector<16xi32>], vector<16xf32>,
        %parallel_loop3A_601 = arith.constant 5.000000e-02 : f32
        %parallel_loop3A_602 = vector.broadcast %parallel_loop3A_601 : f32 to vector<16xf32>
        %parallel_loop3A_603 = arith.cmpf ogt, %parallel_loop3A_600, %parallel_loop3A_602 : vector<16xf32>
        %parallel_loop3A_604 = arith.constant -5.000000e-02 : f32
        %parallel_loop3A_605 = vector.broadcast %parallel_loop3A_604 : f32 to vector<16xf32>
        %parallel_loop3A_606 = arith.cmpf olt, %parallel_loop3A_600, %parallel_loop3A_605 : vector<16xf32>
        %parallel_loop3A_607 = arith.constant -1.000000e+00 : f32
        %parallel_loop3A_608 = arith.constant 0.000000e+00 : f32
        %parallel_loop3A_609 = vector.broadcast %parallel_loop3A_607 : f32 to vector<16xf32>
        %parallel_loop3A_610 = vector.broadcast %parallel_loop3A_608 : f32 to vector<16xf32>
        %parallel_loop3A_611 = arith.select %parallel_loop3A_606, %parallel_loop3A_609, %parallel_loop3A_610 : vector<16xi1>, vector<16xf32>
        %parallel_loop3A_612 = arith.constant 1.000000e+00 : f32
        %parallel_loop3A_613 = vector.broadcast %parallel_loop3A_612 : f32 to vector<16xf32>
        %parallel_loop3A_614 = arith.select %parallel_loop3A_603, %parallel_loop3A_613, %parallel_loop3A_611 : vector<16xi1>, vector<16xf32>
        %parallel_loop3A_615 = arith.constant 0 : i32
        %parallel_loop3A_616 = arith.constant 0 : i32
        %parallel_loop3A_617 = arith.constant 0 : i32
        %parallel_loop3A_618 = tpu.memref_slice %arg7[%parallel_loop3A_441, %parallel_loop3A_615, %parallel_loop3A_616, %parallel_loop3A_617] : memref<4x4x8x128xf32, #tpu.memory_space<vmem>> -> memref<1x4x8x128xf32, #tpu.memory_space<vmem>>
        %parallel_loop3A_619 = tpu.memref_squeeze %parallel_loop3A_618 : memref<1x4x8x128xf32, #tpu.memory_space<vmem>> -> memref<4x8x128xf32, #tpu.memory_space<vmem>>
        tpu.vector_store_idx %parallel_loop3A_619[%parallel_loop3A_481, %parallel_loop3A_484, %parallel_loop3A_595], %parallel_loop3A_614 : memref<4x8x128xf32, #tpu.memory_space<vmem>>[vector<16xi32>, vector<16xi32>, vector<16xi32>], vector<16xf32>,
        %parallel_loop3A_620 = arith.constant 80 : i32
        %parallel_loop3A_621 = vector.broadcast %parallel_loop3A_620 : i32 to vector<16xi32>
        %parallel_loop3A_622 = arith.addi %iota3A_436, %parallel_loop3A_621 : vector<16xi32>
        %parallel_loop3A_623 = arith.constant 0 : i32
        %parallel_loop3A_624 = arith.constant 0 : i32
        %parallel_loop3A_625 = tpu.memref_slice %arg6[%parallel_loop3A_440, %parallel_loop3A_623, %parallel_loop3A_624] : memref<4x128x32xf32, #tpu.memory_space<vmem>> -> memref<1x128x32xf32, #tpu.memory_space<vmem>>
        %parallel_loop3A_626 = tpu.memref_squeeze %parallel_loop3A_625 : memref<1x128x32xf32, #tpu.memory_space<vmem>> -> memref<128x32xf32, #tpu.memory_space<vmem>>
        %parallel_loop3A_627 = tpu.vector_load_idx %parallel_loop3A_626[%parallel_loop3A_622, %parallel_loop3A_478] : memref<128x32xf32, #tpu.memory_space<vmem>>[vector<16xi32>, vector<16xi32>], vector<16xf32>,
        %parallel_loop3A_628 = arith.constant 5.000000e-02 : f32
        %parallel_loop3A_629 = vector.broadcast %parallel_loop3A_628 : f32 to vector<16xf32>
        %parallel_loop3A_630 = arith.cmpf ogt, %parallel_loop3A_627, %parallel_loop3A_629 : vector<16xf32>
        %parallel_loop3A_631 = arith.constant -5.000000e-02 : f32
        %parallel_loop3A_632 = vector.broadcast %parallel_loop3A_631 : f32 to vector<16xf32>
        %parallel_loop3A_633 = arith.cmpf olt, %parallel_loop3A_627, %parallel_loop3A_632 : vector<16xf32>
        %parallel_loop3A_634 = arith.constant -1.000000e+00 : f32
        %parallel_loop3A_635 = arith.constant 0.000000e+00 : f32
        %parallel_loop3A_636 = vector.broadcast %parallel_loop3A_634 : f32 to vector<16xf32>
        %parallel_loop3A_637 = vector.broadcast %parallel_loop3A_635 : f32 to vector<16xf32>
        %parallel_loop3A_638 = arith.select %parallel_loop3A_633, %parallel_loop3A_636, %parallel_loop3A_637 : vector<16xi1>, vector<16xf32>
        %parallel_loop3A_639 = arith.constant 1.000000e+00 : f32
        %parallel_loop3A_640 = vector.broadcast %parallel_loop3A_639 : f32 to vector<16xf32>
        %parallel_loop3A_641 = arith.select %parallel_loop3A_630, %parallel_loop3A_640, %parallel_loop3A_638 : vector<16xi1>, vector<16xf32>
        %parallel_loop3A_642 = arith.constant 0 : i32
        %parallel_loop3A_643 = arith.constant 0 : i32
        %parallel_loop3A_644 = arith.constant 0 : i32
        %parallel_loop3A_645 = tpu.memref_slice %arg7[%parallel_loop3A_441, %parallel_loop3A_642, %parallel_loop3A_643, %parallel_loop3A_644] : memref<4x4x8x128xf32, #tpu.memory_space<vmem>> -> memref<1x4x8x128xf32, #tpu.memory_space<vmem>>
        %parallel_loop3A_646 = tpu.memref_squeeze %parallel_loop3A_645 : memref<1x4x8x128xf32, #tpu.memory_space<vmem>> -> memref<4x8x128xf32, #tpu.memory_space<vmem>>
        tpu.vector_store_idx %parallel_loop3A_646[%parallel_loop3A_481, %parallel_loop3A_484, %parallel_loop3A_622], %parallel_loop3A_641 : memref<4x8x128xf32, #tpu.memory_space<vmem>>[vector<16xi32>, vector<16xi32>, vector<16xi32>], vector<16xf32>,
        %parallel_loop3A_647 = arith.constant 96 : i32
        %parallel_loop3A_648 = vector.broadcast %parallel_loop3A_647 : i32 to vector<16xi32>
        %parallel_loop3A_649 = arith.addi %iota3A_436, %parallel_loop3A_648 : vector<16xi32>
        %parallel_loop3A_650 = arith.constant 0 : i32
        %parallel_loop3A_651 = arith.constant 0 : i32
        %parallel_loop3A_652 = tpu.memref_slice %arg6[%parallel_loop3A_440, %parallel_loop3A_650, %parallel_loop3A_651] : memref<4x128x32xf32, #tpu.memory_space<vmem>> -> memref<1x128x32xf32, #tpu.memory_space<vmem>>
        %parallel_loop3A_653 = tpu.memref_squeeze %parallel_loop3A_652 : memref<1x128x32xf32, #tpu.memory_space<vmem>> -> memref<128x32xf32, #tpu.memory_space<vmem>>
        %parallel_loop3A_654 = tpu.vector_load_idx %parallel_loop3A_653[%parallel_loop3A_649, %parallel_loop3A_478] : memref<128x32xf32, #tpu.memory_space<vmem>>[vector<16xi32>, vector<16xi32>], vector<16xf32>,
        %parallel_loop3A_655 = arith.constant 5.000000e-02 : f32
        %parallel_loop3A_656 = vector.broadcast %parallel_loop3A_655 : f32 to vector<16xf32>
        %parallel_loop3A_657 = arith.cmpf ogt, %parallel_loop3A_654, %parallel_loop3A_656 : vector<16xf32>
        %parallel_loop3A_658 = arith.constant -5.000000e-02 : f32
        %parallel_loop3A_659 = vector.broadcast %parallel_loop3A_658 : f32 to vector<16xf32>
        %parallel_loop3A_660 = arith.cmpf olt, %parallel_loop3A_654, %parallel_loop3A_659 : vector<16xf32>
        %parallel_loop3A_661 = arith.constant -1.000000e+00 : f32
        %parallel_loop3A_662 = arith.constant 0.000000e+00 : f32
        %parallel_loop3A_663 = vector.broadcast %parallel_loop3A_661 : f32 to vector<16xf32>
        %parallel_loop3A_664 = vector.broadcast %parallel_loop3A_662 : f32 to vector<16xf32>
        %parallel_loop3A_665 = arith.select %parallel_loop3A_660, %parallel_loop3A_663, %parallel_loop3A_664 : vector<16xi1>, vector<16xf32>
        %parallel_loop3A_666 = arith.constant 1.000000e+00 : f32
        %parallel_loop3A_667 = vector.broadcast %parallel_loop3A_666 : f32 to vector<16xf32>
        %parallel_loop3A_668 = arith.select %parallel_loop3A_657, %parallel_loop3A_667, %parallel_loop3A_665 : vector<16xi1>, vector<16xf32>
        %parallel_loop3A_669 = arith.constant 0 : i32
        %parallel_loop3A_670 = arith.constant 0 : i32
        %parallel_loop3A_671 = arith.constant 0 : i32
        %parallel_loop3A_672 = tpu.memref_slice %arg7[%parallel_loop3A_441, %parallel_loop3A_669, %parallel_loop3A_670, %parallel_loop3A_671] : memref<4x4x8x128xf32, #tpu.memory_space<vmem>> -> memref<1x4x8x128xf32, #tpu.memory_space<vmem>>
        %parallel_loop3A_673 = tpu.memref_squeeze %parallel_loop3A_672 : memref<1x4x8x128xf32, #tpu.memory_space<vmem>> -> memref<4x8x128xf32, #tpu.memory_space<vmem>>
        tpu.vector_store_idx %parallel_loop3A_673[%parallel_loop3A_481, %parallel_loop3A_484, %parallel_loop3A_649], %parallel_loop3A_668 : memref<4x8x128xf32, #tpu.memory_space<vmem>>[vector<16xi32>, vector<16xi32>, vector<16xi32>], vector<16xf32>,
        %parallel_loop3A_674 = arith.constant 112 : i32
        %parallel_loop3A_675 = vector.broadcast %parallel_loop3A_674 : i32 to vector<16xi32>
        %parallel_loop3A_676 = arith.addi %iota3A_436, %parallel_loop3A_675 : vector<16xi32>
        %parallel_loop3A_677 = arith.constant 0 : i32
        %parallel_loop3A_678 = arith.constant 0 : i32
        %parallel_loop3A_679 = tpu.memref_slice %arg6[%parallel_loop3A_440, %parallel_loop3A_677, %parallel_loop3A_678] : memref<4x128x32xf32, #tpu.memory_space<vmem>> -> memref<1x128x32xf32, #tpu.memory_space<vmem>>
        %parallel_loop3A_680 = tpu.memref_squeeze %parallel_loop3A_679 : memref<1x128x32xf32, #tpu.memory_space<vmem>> -> memref<128x32xf32, #tpu.memory_space<vmem>>
        %parallel_loop3A_681 = tpu.vector_load_idx %parallel_loop3A_680[%parallel_loop3A_676, %parallel_loop3A_478] : memref<128x32xf32, #tpu.memory_space<vmem>>[vector<16xi32>, vector<16xi32>], vector<16xf32>,
        %parallel_loop3A_682 = arith.constant 5.000000e-02 : f32
        %parallel_loop3A_683 = vector.broadcast %parallel_loop3A_682 : f32 to vector<16xf32>
        %parallel_loop3A_684 = arith.cmpf ogt, %parallel_loop3A_681, %parallel_loop3A_683 : vector<16xf32>
        %parallel_loop3A_685 = arith.constant -5.000000e-02 : f32
        %parallel_loop3A_686 = vector.broadcast %parallel_loop3A_685 : f32 to vector<16xf32>
        %parallel_loop3A_687 = arith.cmpf olt, %parallel_loop3A_681, %parallel_loop3A_686 : vector<16xf32>
        %parallel_loop3A_688 = arith.constant -1.000000e+00 : f32
        %parallel_loop3A_689 = arith.constant 0.000000e+00 : f32
        %parallel_loop3A_690 = vector.broadcast %parallel_loop3A_688 : f32 to vector<16xf32>
        %parallel_loop3A_691 = vector.broadcast %parallel_loop3A_689 : f32 to vector<16xf32>
        %parallel_loop3A_692 = arith.select %parallel_loop3A_687, %parallel_loop3A_690, %parallel_loop3A_691 : vector<16xi1>, vector<16xf32>
        %parallel_loop3A_693 = arith.constant 1.000000e+00 : f32
        %parallel_loop3A_694 = vector.broadcast %parallel_loop3A_693 : f32 to vector<16xf32>
        %parallel_loop3A_695 = arith.select %parallel_loop3A_684, %parallel_loop3A_694, %parallel_loop3A_692 : vector<16xi1>, vector<16xf32>
        %parallel_loop3A_696 = arith.constant 0 : i32
        %parallel_loop3A_697 = arith.constant 0 : i32
        %parallel_loop3A_698 = arith.constant 0 : i32
        %parallel_loop3A_699 = tpu.memref_slice %arg7[%parallel_loop3A_441, %parallel_loop3A_696, %parallel_loop3A_697, %parallel_loop3A_698] : memref<4x4x8x128xf32, #tpu.memory_space<vmem>> -> memref<1x4x8x128xf32, #tpu.memory_space<vmem>>
        %parallel_loop3A_700 = tpu.memref_squeeze %parallel_loop3A_699 : memref<1x4x8x128xf32, #tpu.memory_space<vmem>> -> memref<4x8x128xf32, #tpu.memory_space<vmem>>
        tpu.vector_store_idx %parallel_loop3A_700[%parallel_loop3A_481, %parallel_loop3A_484, %parallel_loop3A_676], %parallel_loop3A_695 : memref<4x8x128xf32, #tpu.memory_space<vmem>>[vector<16xi32>, vector<16xi32>, vector<16xi32>], vector<16xf32>,
        %parallel_loop3A_701 = vector.broadcast %parallel_loop3A_470 : i32 to vector<16xi32>
        %parallel_loop3A_702 = arith.addi %iota3A_436, %parallel_loop3A_701 : vector<16xi32>
        %parallel_loop3A_703 = arith.constant 15 : i32
        %parallel_loop3A_704 = vector.broadcast %parallel_loop3A_703 : i32 to vector<16xi32>
        %parallel_loop3A_705 = arith.andi %parallel_loop3A_702, %parallel_loop3A_704 : vector<16xi32>
        %parallel_loop3A_706 = arith.constant 16 : i32
        %parallel_loop3A_707 = vector.broadcast %parallel_loop3A_706 : i32 to vector<16xi32>
        %parallel_loop3A_708 = arith.addi %parallel_loop3A_705, %parallel_loop3A_707 : vector<16xi32>
        %parallel_loop3A_709 = arith.constant 3 : i32
        %parallel_loop3A_710 = vector.broadcast %parallel_loop3A_709 : i32 to vector<16xi32>
        %parallel_loop3A_711 = arith.shrsi %parallel_loop3A_708, %parallel_loop3A_710 : vector<16xi32>
        %parallel_loop3A_712 = arith.constant 7 : i32
        %parallel_loop3A_713 = vector.broadcast %parallel_loop3A_712 : i32 to vector<16xi32>
        %parallel_loop3A_714 = arith.andi %parallel_loop3A_708, %parallel_loop3A_713 : vector<16xi32>
        %parallel_loop3A_715 = arith.constant 0 : i32
        %parallel_loop3A_716 = vector.broadcast %parallel_loop3A_715 : i32 to vector<16xi32>
        %parallel_loop3A_717 = arith.addi %iota3A_436, %parallel_loop3A_716 : vector<16xi32>
        %parallel_loop3A_718 = arith.constant 0 : i32
        %parallel_loop3A_719 = arith.constant 0 : i32
        %parallel_loop3A_720 = tpu.memref_slice %arg6[%parallel_loop3A_440, %parallel_loop3A_718, %parallel_loop3A_719] : memref<4x128x32xf32, #tpu.memory_space<vmem>> -> memref<1x128x32xf32, #tpu.memory_space<vmem>>
        %parallel_loop3A_721 = tpu.memref_squeeze %parallel_loop3A_720 : memref<1x128x32xf32, #tpu.memory_space<vmem>> -> memref<128x32xf32, #tpu.memory_space<vmem>>
        %parallel_loop3A_722 = tpu.vector_load_idx %parallel_loop3A_721[%parallel_loop3A_717, %parallel_loop3A_708] : memref<128x32xf32, #tpu.memory_space<vmem>>[vector<16xi32>, vector<16xi32>], vector<16xf32>,
        %parallel_loop3A_723 = arith.constant 5.000000e-02 : f32
        %parallel_loop3A_724 = vector.broadcast %parallel_loop3A_723 : f32 to vector<16xf32>
        %parallel_loop3A_725 = arith.cmpf ogt, %parallel_loop3A_722, %parallel_loop3A_724 : vector<16xf32>
        %parallel_loop3A_726 = arith.constant -5.000000e-02 : f32
        %parallel_loop3A_727 = vector.broadcast %parallel_loop3A_726 : f32 to vector<16xf32>
        %parallel_loop3A_728 = arith.cmpf olt, %parallel_loop3A_722, %parallel_loop3A_727 : vector<16xf32>
        %parallel_loop3A_729 = arith.constant -1.000000e+00 : f32
        %parallel_loop3A_730 = arith.constant 0.000000e+00 : f32
        %parallel_loop3A_731 = vector.broadcast %parallel_loop3A_729 : f32 to vector<16xf32>
        %parallel_loop3A_732 = vector.broadcast %parallel_loop3A_730 : f32 to vector<16xf32>
        %parallel_loop3A_733 = arith.select %parallel_loop3A_728, %parallel_loop3A_731, %parallel_loop3A_732 : vector<16xi1>, vector<16xf32>
        %parallel_loop3A_734 = arith.constant 1.000000e+00 : f32
        %parallel_loop3A_735 = vector.broadcast %parallel_loop3A_734 : f32 to vector<16xf32>
        %parallel_loop3A_736 = arith.select %parallel_loop3A_725, %parallel_loop3A_735, %parallel_loop3A_733 : vector<16xi1>, vector<16xf32>
        %parallel_loop3A_737 = arith.constant 0 : i32
        %parallel_loop3A_738 = arith.constant 0 : i32
        %parallel_loop3A_739 = arith.constant 0 : i32
        %parallel_loop3A_740 = tpu.memref_slice %arg7[%parallel_loop3A_441, %parallel_loop3A_737, %parallel_loop3A_738, %parallel_loop3A_739] : memref<4x4x8x128xf32, #tpu.memory_space<vmem>> -> memref<1x4x8x128xf32, #tpu.memory_space<vmem>>
        %parallel_loop3A_741 = tpu.memref_squeeze %parallel_loop3A_740 : memref<1x4x8x128xf32, #tpu.memory_space<vmem>> -> memref<4x8x128xf32, #tpu.memory_space<vmem>>
        tpu.vector_store_idx %parallel_loop3A_741[%parallel_loop3A_711, %parallel_loop3A_714, %parallel_loop3A_717], %parallel_loop3A_736 : memref<4x8x128xf32, #tpu.memory_space<vmem>>[vector<16xi32>, vector<16xi32>, vector<16xi32>], vector<16xf32>,
        %parallel_loop3A_742 = arith.constant 16 : i32
        %parallel_loop3A_743 = vector.broadcast %parallel_loop3A_742 : i32 to vector<16xi32>
        %parallel_loop3A_744 = arith.addi %iota3A_436, %parallel_loop3A_743 : vector<16xi32>
        %parallel_loop3A_745 = arith.constant 0 : i32
        %parallel_loop3A_746 = arith.constant 0 : i32
        %parallel_loop3A_747 = tpu.memref_slice %arg6[%parallel_loop3A_440, %parallel_loop3A_745, %parallel_loop3A_746] : memref<4x128x32xf32, #tpu.memory_space<vmem>> -> memref<1x128x32xf32, #tpu.memory_space<vmem>>
        %parallel_loop3A_748 = tpu.memref_squeeze %parallel_loop3A_747 : memref<1x128x32xf32, #tpu.memory_space<vmem>> -> memref<128x32xf32, #tpu.memory_space<vmem>>
        %parallel_loop3A_749 = tpu.vector_load_idx %parallel_loop3A_748[%parallel_loop3A_744, %parallel_loop3A_708] : memref<128x32xf32, #tpu.memory_space<vmem>>[vector<16xi32>, vector<16xi32>], vector<16xf32>,
        %parallel_loop3A_750 = arith.constant 5.000000e-02 : f32
        %parallel_loop3A_751 = vector.broadcast %parallel_loop3A_750 : f32 to vector<16xf32>
        %parallel_loop3A_752 = arith.cmpf ogt, %parallel_loop3A_749, %parallel_loop3A_751 : vector<16xf32>
        %parallel_loop3A_753 = arith.constant -5.000000e-02 : f32
        %parallel_loop3A_754 = vector.broadcast %parallel_loop3A_753 : f32 to vector<16xf32>
        %parallel_loop3A_755 = arith.cmpf olt, %parallel_loop3A_749, %parallel_loop3A_754 : vector<16xf32>
        %parallel_loop3A_756 = arith.constant -1.000000e+00 : f32
        %parallel_loop3A_757 = arith.constant 0.000000e+00 : f32
        %parallel_loop3A_758 = vector.broadcast %parallel_loop3A_756 : f32 to vector<16xf32>
        %parallel_loop3A_759 = vector.broadcast %parallel_loop3A_757 : f32 to vector<16xf32>
        %parallel_loop3A_760 = arith.select %parallel_loop3A_755, %parallel_loop3A_758, %parallel_loop3A_759 : vector<16xi1>, vector<16xf32>
        %parallel_loop3A_761 = arith.constant 1.000000e+00 : f32
        %parallel_loop3A_762 = vector.broadcast %parallel_loop3A_761 : f32 to vector<16xf32>
        %parallel_loop3A_763 = arith.select %parallel_loop3A_752, %parallel_loop3A_762, %parallel_loop3A_760 : vector<16xi1>, vector<16xf32>
        %parallel_loop3A_764 = arith.constant 0 : i32
        %parallel_loop3A_765 = arith.constant 0 : i32
        %parallel_loop3A_766 = arith.constant 0 : i32
        %parallel_loop3A_767 = tpu.memref_slice %arg7[%parallel_loop3A_441, %parallel_loop3A_764, %parallel_loop3A_765, %parallel_loop3A_766] : memref<4x4x8x128xf32, #tpu.memory_space<vmem>> -> memref<1x4x8x128xf32, #tpu.memory_space<vmem>>
        %parallel_loop3A_768 = tpu.memref_squeeze %parallel_loop3A_767 : memref<1x4x8x128xf32, #tpu.memory_space<vmem>> -> memref<4x8x128xf32, #tpu.memory_space<vmem>>
        tpu.vector_store_idx %parallel_loop3A_768[%parallel_loop3A_711, %parallel_loop3A_714, %parallel_loop3A_744], %parallel_loop3A_763 : memref<4x8x128xf32, #tpu.memory_space<vmem>>[vector<16xi32>, vector<16xi32>, vector<16xi32>], vector<16xf32>,
        %parallel_loop3A_769 = arith.constant 32 : i32
        %parallel_loop3A_770 = vector.broadcast %parallel_loop3A_769 : i32 to vector<16xi32>
        %parallel_loop3A_771 = arith.addi %iota3A_436, %parallel_loop3A_770 : vector<16xi32>
        %parallel_loop3A_772 = arith.constant 0 : i32
        %parallel_loop3A_773 = arith.constant 0 : i32
        %parallel_loop3A_774 = tpu.memref_slice %arg6[%parallel_loop3A_440, %parallel_loop3A_772, %parallel_loop3A_773] : memref<4x128x32xf32, #tpu.memory_space<vmem>> -> memref<1x128x32xf32, #tpu.memory_space<vmem>>
        %parallel_loop3A_775 = tpu.memref_squeeze %parallel_loop3A_774 : memref<1x128x32xf32, #tpu.memory_space<vmem>> -> memref<128x32xf32, #tpu.memory_space<vmem>>
        %parallel_loop3A_776 = tpu.vector_load_idx %parallel_loop3A_775[%parallel_loop3A_771, %parallel_loop3A_708] : memref<128x32xf32, #tpu.memory_space<vmem>>[vector<16xi32>, vector<16xi32>], vector<16xf32>,
        %parallel_loop3A_777 = arith.constant 5.000000e-02 : f32
        %parallel_loop3A_778 = vector.broadcast %parallel_loop3A_777 : f32 to vector<16xf32>
        %parallel_loop3A_779 = arith.cmpf ogt, %parallel_loop3A_776, %parallel_loop3A_778 : vector<16xf32>
        %parallel_loop3A_780 = arith.constant -5.000000e-02 : f32
        %parallel_loop3A_781 = vector.broadcast %parallel_loop3A_780 : f32 to vector<16xf32>
        %parallel_loop3A_782 = arith.cmpf olt, %parallel_loop3A_776, %parallel_loop3A_781 : vector<16xf32>
        %parallel_loop3A_783 = arith.constant -1.000000e+00 : f32
        %parallel_loop3A_784 = arith.constant 0.000000e+00 : f32
        %parallel_loop3A_785 = vector.broadcast %parallel_loop3A_783 : f32 to vector<16xf32>
        %parallel_loop3A_786 = vector.broadcast %parallel_loop3A_784 : f32 to vector<16xf32>
        %parallel_loop3A_787 = arith.select %parallel_loop3A_782, %parallel_loop3A_785, %parallel_loop3A_786 : vector<16xi1>, vector<16xf32>
        %parallel_loop3A_788 = arith.constant 1.000000e+00 : f32
        %parallel_loop3A_789 = vector.broadcast %parallel_loop3A_788 : f32 to vector<16xf32>
        %parallel_loop3A_790 = arith.select %parallel_loop3A_779, %parallel_loop3A_789, %parallel_loop3A_787 : vector<16xi1>, vector<16xf32>
        %parallel_loop3A_791 = arith.constant 0 : i32
        %parallel_loop3A_792 = arith.constant 0 : i32
        %parallel_loop3A_793 = arith.constant 0 : i32
        %parallel_loop3A_794 = tpu.memref_slice %arg7[%parallel_loop3A_441, %parallel_loop3A_791, %parallel_loop3A_792, %parallel_loop3A_793] : memref<4x4x8x128xf32, #tpu.memory_space<vmem>> -> memref<1x4x8x128xf32, #tpu.memory_space<vmem>>
        %parallel_loop3A_795 = tpu.memref_squeeze %parallel_loop3A_794 : memref<1x4x8x128xf32, #tpu.memory_space<vmem>> -> memref<4x8x128xf32, #tpu.memory_space<vmem>>
        tpu.vector_store_idx %parallel_loop3A_795[%parallel_loop3A_711, %parallel_loop3A_714, %parallel_loop3A_771], %parallel_loop3A_790 : memref<4x8x128xf32, #tpu.memory_space<vmem>>[vector<16xi32>, vector<16xi32>, vector<16xi32>], vector<16xf32>,
        %parallel_loop3A_796 = arith.constant 48 : i32
        %parallel_loop3A_797 = vector.broadcast %parallel_loop3A_796 : i32 to vector<16xi32>
        %parallel_loop3A_798 = arith.addi %iota3A_436, %parallel_loop3A_797 : vector<16xi32>
        %parallel_loop3A_799 = arith.constant 0 : i32
        %parallel_loop3A_800 = arith.constant 0 : i32
        %parallel_loop3A_801 = tpu.memref_slice %arg6[%parallel_loop3A_440, %parallel_loop3A_799, %parallel_loop3A_800] : memref<4x128x32xf32, #tpu.memory_space<vmem>> -> memref<1x128x32xf32, #tpu.memory_space<vmem>>
        %parallel_loop3A_802 = tpu.memref_squeeze %parallel_loop3A_801 : memref<1x128x32xf32, #tpu.memory_space<vmem>> -> memref<128x32xf32, #tpu.memory_space<vmem>>
        %parallel_loop3A_803 = tpu.vector_load_idx %parallel_loop3A_802[%parallel_loop3A_798, %parallel_loop3A_708] : memref<128x32xf32, #tpu.memory_space<vmem>>[vector<16xi32>, vector<16xi32>], vector<16xf32>,
        %parallel_loop3A_804 = arith.constant 5.000000e-02 : f32
        %parallel_loop3A_805 = vector.broadcast %parallel_loop3A_804 : f32 to vector<16xf32>
        %parallel_loop3A_806 = arith.cmpf ogt, %parallel_loop3A_803, %parallel_loop3A_805 : vector<16xf32>
        %parallel_loop3A_807 = arith.constant -5.000000e-02 : f32
        %parallel_loop3A_808 = vector.broadcast %parallel_loop3A_807 : f32 to vector<16xf32>
        %parallel_loop3A_809 = arith.cmpf olt, %parallel_loop3A_803, %parallel_loop3A_808 : vector<16xf32>
        %parallel_loop3A_810 = arith.constant -1.000000e+00 : f32
        %parallel_loop3A_811 = arith.constant 0.000000e+00 : f32
        %parallel_loop3A_812 = vector.broadcast %parallel_loop3A_810 : f32 to vector<16xf32>
        %parallel_loop3A_813 = vector.broadcast %parallel_loop3A_811 : f32 to vector<16xf32>
        %parallel_loop3A_814 = arith.select %parallel_loop3A_809, %parallel_loop3A_812, %parallel_loop3A_813 : vector<16xi1>, vector<16xf32>
        %parallel_loop3A_815 = arith.constant 1.000000e+00 : f32
        %parallel_loop3A_816 = vector.broadcast %parallel_loop3A_815 : f32 to vector<16xf32>
        %parallel_loop3A_817 = arith.select %parallel_loop3A_806, %parallel_loop3A_816, %parallel_loop3A_814 : vector<16xi1>, vector<16xf32>
        %parallel_loop3A_818 = arith.constant 0 : i32
        %parallel_loop3A_819 = arith.constant 0 : i32
        %parallel_loop3A_820 = arith.constant 0 : i32
        %parallel_loop3A_821 = tpu.memref_slice %arg7[%parallel_loop3A_441, %parallel_loop3A_818, %parallel_loop3A_819, %parallel_loop3A_820] : memref<4x4x8x128xf32, #tpu.memory_space<vmem>> -> memref<1x4x8x128xf32, #tpu.memory_space<vmem>>
        %parallel_loop3A_822 = tpu.memref_squeeze %parallel_loop3A_821 : memref<1x4x8x128xf32, #tpu.memory_space<vmem>> -> memref<4x8x128xf32, #tpu.memory_space<vmem>>
        tpu.vector_store_idx %parallel_loop3A_822[%parallel_loop3A_711, %parallel_loop3A_714, %parallel_loop3A_798], %parallel_loop3A_817 : memref<4x8x128xf32, #tpu.memory_space<vmem>>[vector<16xi32>, vector<16xi32>, vector<16xi32>], vector<16xf32>,
        %parallel_loop3A_823 = arith.constant 64 : i32
        %parallel_loop3A_824 = vector.broadcast %parallel_loop3A_823 : i32 to vector<16xi32>
        %parallel_loop3A_825 = arith.addi %iota3A_436, %parallel_loop3A_824 : vector<16xi32>
        %parallel_loop3A_826 = arith.constant 0 : i32
        %parallel_loop3A_827 = arith.constant 0 : i32
        %parallel_loop3A_828 = tpu.memref_slice %arg6[%parallel_loop3A_440, %parallel_loop3A_826, %parallel_loop3A_827] : memref<4x128x32xf32, #tpu.memory_space<vmem>> -> memref<1x128x32xf32, #tpu.memory_space<vmem>>
        %parallel_loop3A_829 = tpu.memref_squeeze %parallel_loop3A_828 : memref<1x128x32xf32, #tpu.memory_space<vmem>> -> memref<128x32xf32, #tpu.memory_space<vmem>>
        %parallel_loop3A_830 = tpu.vector_load_idx %parallel_loop3A_829[%parallel_loop3A_825, %parallel_loop3A_708] : memref<128x32xf32, #tpu.memory_space<vmem>>[vector<16xi32>, vector<16xi32>], vector<16xf32>,
        %parallel_loop3A_831 = arith.constant 5.000000e-02 : f32
        %parallel_loop3A_832 = vector.broadcast %parallel_loop3A_831 : f32 to vector<16xf32>
        %parallel_loop3A_833 = arith.cmpf ogt, %parallel_loop3A_830, %parallel_loop3A_832 : vector<16xf32>
        %parallel_loop3A_834 = arith.constant -5.000000e-02 : f32
        %parallel_loop3A_835 = vector.broadcast %parallel_loop3A_834 : f32 to vector<16xf32>
        %parallel_loop3A_836 = arith.cmpf olt, %parallel_loop3A_830, %parallel_loop3A_835 : vector<16xf32>
        %parallel_loop3A_837 = arith.constant -1.000000e+00 : f32
        %parallel_loop3A_838 = arith.constant 0.000000e+00 : f32
        %parallel_loop3A_839 = vector.broadcast %parallel_loop3A_837 : f32 to vector<16xf32>
        %parallel_loop3A_840 = vector.broadcast %parallel_loop3A_838 : f32 to vector<16xf32>
        %parallel_loop3A_841 = arith.select %parallel_loop3A_836, %parallel_loop3A_839, %parallel_loop3A_840 : vector<16xi1>, vector<16xf32>
        %parallel_loop3A_842 = arith.constant 1.000000e+00 : f32
        %parallel_loop3A_843 = vector.broadcast %parallel_loop3A_842 : f32 to vector<16xf32>
        %parallel_loop3A_844 = arith.select %parallel_loop3A_833, %parallel_loop3A_843, %parallel_loop3A_841 : vector<16xi1>, vector<16xf32>
        %parallel_loop3A_845 = arith.constant 0 : i32
        %parallel_loop3A_846 = arith.constant 0 : i32
        %parallel_loop3A_847 = arith.constant 0 : i32
        %parallel_loop3A_848 = tpu.memref_slice %arg7[%parallel_loop3A_441, %parallel_loop3A_845, %parallel_loop3A_846, %parallel_loop3A_847] : memref<4x4x8x128xf32, #tpu.memory_space<vmem>> -> memref<1x4x8x128xf32, #tpu.memory_space<vmem>>
        %parallel_loop3A_849 = tpu.memref_squeeze %parallel_loop3A_848 : memref<1x4x8x128xf32, #tpu.memory_space<vmem>> -> memref<4x8x128xf32, #tpu.memory_space<vmem>>
        tpu.vector_store_idx %parallel_loop3A_849[%parallel_loop3A_711, %parallel_loop3A_714, %parallel_loop3A_825], %parallel_loop3A_844 : memref<4x8x128xf32, #tpu.memory_space<vmem>>[vector<16xi32>, vector<16xi32>, vector<16xi32>], vector<16xf32>,
        %parallel_loop3A_850 = arith.constant 80 : i32
        %parallel_loop3A_851 = vector.broadcast %parallel_loop3A_850 : i32 to vector<16xi32>
        %parallel_loop3A_852 = arith.addi %iota3A_436, %parallel_loop3A_851 : vector<16xi32>
        %parallel_loop3A_853 = arith.constant 0 : i32
        %parallel_loop3A_854 = arith.constant 0 : i32
        %parallel_loop3A_855 = tpu.memref_slice %arg6[%parallel_loop3A_440, %parallel_loop3A_853, %parallel_loop3A_854] : memref<4x128x32xf32, #tpu.memory_space<vmem>> -> memref<1x128x32xf32, #tpu.memory_space<vmem>>
        %parallel_loop3A_856 = tpu.memref_squeeze %parallel_loop3A_855 : memref<1x128x32xf32, #tpu.memory_space<vmem>> -> memref<128x32xf32, #tpu.memory_space<vmem>>
        %parallel_loop3A_857 = tpu.vector_load_idx %parallel_loop3A_856[%parallel_loop3A_852, %parallel_loop3A_708] : memref<128x32xf32, #tpu.memory_space<vmem>>[vector<16xi32>, vector<16xi32>], vector<16xf32>,
        %parallel_loop3A_858 = arith.constant 5.000000e-02 : f32
        %parallel_loop3A_859 = vector.broadcast %parallel_loop3A_858 : f32 to vector<16xf32>
        %parallel_loop3A_860 = arith.cmpf ogt, %parallel_loop3A_857, %parallel_loop3A_859 : vector<16xf32>
        %parallel_loop3A_861 = arith.constant -5.000000e-02 : f32
        %parallel_loop3A_862 = vector.broadcast %parallel_loop3A_861 : f32 to vector<16xf32>
        %parallel_loop3A_863 = arith.cmpf olt, %parallel_loop3A_857, %parallel_loop3A_862 : vector<16xf32>
        %parallel_loop3A_864 = arith.constant -1.000000e+00 : f32
        %parallel_loop3A_865 = arith.constant 0.000000e+00 : f32
        %parallel_loop3A_866 = vector.broadcast %parallel_loop3A_864 : f32 to vector<16xf32>
        %parallel_loop3A_867 = vector.broadcast %parallel_loop3A_865 : f32 to vector<16xf32>
        %parallel_loop3A_868 = arith.select %parallel_loop3A_863, %parallel_loop3A_866, %parallel_loop3A_867 : vector<16xi1>, vector<16xf32>
        %parallel_loop3A_869 = arith.constant 1.000000e+00 : f32
        %parallel_loop3A_870 = vector.broadcast %parallel_loop3A_869 : f32 to vector<16xf32>
        %parallel_loop3A_871 = arith.select %parallel_loop3A_860, %parallel_loop3A_870, %parallel_loop3A_868 : vector<16xi1>, vector<16xf32>
        %parallel_loop3A_872 = arith.constant 0 : i32
        %parallel_loop3A_873 = arith.constant 0 : i32
        %parallel_loop3A_874 = arith.constant 0 : i32
        %parallel_loop3A_875 = tpu.memref_slice %arg7[%parallel_loop3A_441, %parallel_loop3A_872, %parallel_loop3A_873, %parallel_loop3A_874] : memref<4x4x8x128xf32, #tpu.memory_space<vmem>> -> memref<1x4x8x128xf32, #tpu.memory_space<vmem>>
        %parallel_loop3A_876 = tpu.memref_squeeze %parallel_loop3A_875 : memref<1x4x8x128xf32, #tpu.memory_space<vmem>> -> memref<4x8x128xf32, #tpu.memory_space<vmem>>
        tpu.vector_store_idx %parallel_loop3A_876[%parallel_loop3A_711, %parallel_loop3A_714, %parallel_loop3A_852], %parallel_loop3A_871 : memref<4x8x128xf32, #tpu.memory_space<vmem>>[vector<16xi32>, vector<16xi32>, vector<16xi32>], vector<16xf32>,
        %parallel_loop3A_877 = arith.constant 96 : i32
        %parallel_loop3A_878 = vector.broadcast %parallel_loop3A_877 : i32 to vector<16xi32>
        %parallel_loop3A_879 = arith.addi %iota3A_436, %parallel_loop3A_878 : vector<16xi32>
        %parallel_loop3A_880 = arith.constant 0 : i32
        %parallel_loop3A_881 = arith.constant 0 : i32
        %parallel_loop3A_882 = tpu.memref_slice %arg6[%parallel_loop3A_440, %parallel_loop3A_880, %parallel_loop3A_881] : memref<4x128x32xf32, #tpu.memory_space<vmem>> -> memref<1x128x32xf32, #tpu.memory_space<vmem>>
        %parallel_loop3A_883 = tpu.memref_squeeze %parallel_loop3A_882 : memref<1x128x32xf32, #tpu.memory_space<vmem>> -> memref<128x32xf32, #tpu.memory_space<vmem>>
        %parallel_loop3A_884 = tpu.vector_load_idx %parallel_loop3A_883[%parallel_loop3A_879, %parallel_loop3A_708] : memref<128x32xf32, #tpu.memory_space<vmem>>[vector<16xi32>, vector<16xi32>], vector<16xf32>,
        %parallel_loop3A_885 = arith.constant 5.000000e-02 : f32
        %parallel_loop3A_886 = vector.broadcast %parallel_loop3A_885 : f32 to vector<16xf32>
        %parallel_loop3A_887 = arith.cmpf ogt, %parallel_loop3A_884, %parallel_loop3A_886 : vector<16xf32>
        %parallel_loop3A_888 = arith.constant -5.000000e-02 : f32
        %parallel_loop3A_889 = vector.broadcast %parallel_loop3A_888 : f32 to vector<16xf32>
        %parallel_loop3A_890 = arith.cmpf olt, %parallel_loop3A_884, %parallel_loop3A_889 : vector<16xf32>
        %parallel_loop3A_891 = arith.constant -1.000000e+00 : f32
        %parallel_loop3A_892 = arith.constant 0.000000e+00 : f32
        %parallel_loop3A_893 = vector.broadcast %parallel_loop3A_891 : f32 to vector<16xf32>
        %parallel_loop3A_894 = vector.broadcast %parallel_loop3A_892 : f32 to vector<16xf32>
        %parallel_loop3A_895 = arith.select %parallel_loop3A_890, %parallel_loop3A_893, %parallel_loop3A_894 : vector<16xi1>, vector<16xf32>
        %parallel_loop3A_896 = arith.constant 1.000000e+00 : f32
        %parallel_loop3A_897 = vector.broadcast %parallel_loop3A_896 : f32 to vector<16xf32>
        %parallel_loop3A_898 = arith.select %parallel_loop3A_887, %parallel_loop3A_897, %parallel_loop3A_895 : vector<16xi1>, vector<16xf32>
        %parallel_loop3A_899 = arith.constant 0 : i32
        %parallel_loop3A_900 = arith.constant 0 : i32
        %parallel_loop3A_901 = arith.constant 0 : i32
        %parallel_loop3A_902 = tpu.memref_slice %arg7[%parallel_loop3A_441, %parallel_loop3A_899, %parallel_loop3A_900, %parallel_loop3A_901] : memref<4x4x8x128xf32, #tpu.memory_space<vmem>> -> memref<1x4x8x128xf32, #tpu.memory_space<vmem>>
        %parallel_loop3A_903 = tpu.memref_squeeze %parallel_loop3A_902 : memref<1x4x8x128xf32, #tpu.memory_space<vmem>> -> memref<4x8x128xf32, #tpu.memory_space<vmem>>
        tpu.vector_store_idx %parallel_loop3A_903[%parallel_loop3A_711, %parallel_loop3A_714, %parallel_loop3A_879], %parallel_loop3A_898 : memref<4x8x128xf32, #tpu.memory_space<vmem>>[vector<16xi32>, vector<16xi32>, vector<16xi32>], vector<16xf32>,
        %parallel_loop3A_904 = arith.constant 112 : i32
        %parallel_loop3A_905 = vector.broadcast %parallel_loop3A_904 : i32 to vector<16xi32>
        %parallel_loop3A_906 = arith.addi %iota3A_436, %parallel_loop3A_905 : vector<16xi32>
        %parallel_loop3A_907 = arith.constant 0 : i32
        %parallel_loop3A_908 = arith.constant 0 : i32
        %parallel_loop3A_909 = tpu.memref_slice %arg6[%parallel_loop3A_440, %parallel_loop3A_907, %parallel_loop3A_908] : memref<4x128x32xf32, #tpu.memory_space<vmem>> -> memref<1x128x32xf32, #tpu.memory_space<vmem>>
        %parallel_loop3A_910 = tpu.memref_squeeze %parallel_loop3A_909 : memref<1x128x32xf32, #tpu.memory_space<vmem>> -> memref<128x32xf32, #tpu.memory_space<vmem>>
        %parallel_loop3A_911 = tpu.vector_load_idx %parallel_loop3A_910[%parallel_loop3A_906, %parallel_loop3A_708] : memref<128x32xf32, #tpu.memory_space<vmem>>[vector<16xi32>, vector<16xi32>], vector<16xf32>,
        %parallel_loop3A_912 = arith.constant 5.000000e-02 : f32
        %parallel_loop3A_913 = vector.broadcast %parallel_loop3A_912 : f32 to vector<16xf32>
        %parallel_loop3A_914 = arith.cmpf ogt, %parallel_loop3A_911, %parallel_loop3A_913 : vector<16xf32>
        %parallel_loop3A_915 = arith.constant -5.000000e-02 : f32
        %parallel_loop3A_916 = vector.broadcast %parallel_loop3A_915 : f32 to vector<16xf32>
        %parallel_loop3A_917 = arith.cmpf olt, %parallel_loop3A_911, %parallel_loop3A_916 : vector<16xf32>
        %parallel_loop3A_918 = arith.constant -1.000000e+00 : f32
        %parallel_loop3A_919 = arith.constant 0.000000e+00 : f32
        %parallel_loop3A_920 = vector.broadcast %parallel_loop3A_918 : f32 to vector<16xf32>
        %parallel_loop3A_921 = vector.broadcast %parallel_loop3A_919 : f32 to vector<16xf32>
        %parallel_loop3A_922 = arith.select %parallel_loop3A_917, %parallel_loop3A_920, %parallel_loop3A_921 : vector<16xi1>, vector<16xf32>
        %parallel_loop3A_923 = arith.constant 1.000000e+00 : f32
        %parallel_loop3A_924 = vector.broadcast %parallel_loop3A_923 : f32 to vector<16xf32>
        %parallel_loop3A_925 = arith.select %parallel_loop3A_914, %parallel_loop3A_924, %parallel_loop3A_922 : vector<16xi1>, vector<16xf32>
        %parallel_loop3A_926 = arith.constant 0 : i32
        %parallel_loop3A_927 = arith.constant 0 : i32
        %parallel_loop3A_928 = arith.constant 0 : i32
        %parallel_loop3A_929 = tpu.memref_slice %arg7[%parallel_loop3A_441, %parallel_loop3A_926, %parallel_loop3A_927, %parallel_loop3A_928] : memref<4x4x8x128xf32, #tpu.memory_space<vmem>> -> memref<1x4x8x128xf32, #tpu.memory_space<vmem>>
        %parallel_loop3A_930 = tpu.memref_squeeze %parallel_loop3A_929 : memref<1x4x8x128xf32, #tpu.memory_space<vmem>> -> memref<4x8x128xf32, #tpu.memory_space<vmem>>
        tpu.vector_store_idx %parallel_loop3A_930[%parallel_loop3A_711, %parallel_loop3A_714, %parallel_loop3A_906], %parallel_loop3A_925 : memref<4x8x128xf32, #tpu.memory_space<vmem>>[vector<16xi32>, vector<16xi32>, vector<16xi32>], vector<16xf32>,
      } {sc.loop_unroll_factor = 1 : i64, sc.parallel_access}
      %dma_start3A_442 = arith.constant 3 : i32
      %dma_start3A_443 = arith.constant 0 : i32
      %dma_start3A_444 = arith.constant 0 : i32
      %dma_start3A_445 = arith.constant 0 : i32
      %dma_start3A_446 = tpu.memref_slice %arg7[%dma_start3A_442, %dma_start3A_443, %dma_start3A_444, %dma_start3A_445] : memref<4x4x8x128xf32, #tpu.memory_space<vmem>> -> memref<1x4x8x128xf32, #tpu.memory_space<vmem>>
      %dma_start3A_447 = tpu.memref_squeeze %dma_start3A_446 : memref<1x4x8x128xf32, #tpu.memory_space<vmem>> -> memref<4x8x128xf32, #tpu.memory_space<vmem>>
      %dma_start3A_448 = arith.constant 0 : i32
      %dma_start3A_449 = arith.constant 0 : i32
      %dma_start3A_450 = arith.constant 0 : i32
      %dma_start3A_451 = tpu.memref_slice %arg4[%select_n3A_415, %dma_start3A_448, %rem3A_417, %dma_start3A_449, %dma_start3A_450] : memref<50x4x128x8x128xf32, #tpu.memory_space<hbm>> -> memref<1x4x1x8x128xf32, #tpu.memory_space<hbm>>
      %dma_start3A_452 = tpu.memref_squeeze %dma_start3A_451 : memref<1x4x1x8x128xf32, #tpu.memory_space<hbm>> -> memref<4x8x128xf32, #tpu.memory_space<hbm>>
      %dma_start3A_453 = arith.constant 0 : i32
      %dma_start3A_454 = arith.constant 0 : i32
      %dma_start3A_455 = arith.constant 0 : i32
      %dma_start3A_456 = tpu.memref_slice %arg4[%select_n3A_415, %dma_start3A_453, %rem3A_417, %dma_start3A_454, %dma_start3A_455] : memref<50x4x128x8x128xf32, #tpu.memory_space<hbm>> -> memref<1x4x1x8x128xf32, #tpu.memory_space<hbm>>
      %dma_start3A_457 = tpu.memref_squeeze %dma_start3A_456 : memref<1x4x1x8x128xf32, #tpu.memory_space<hbm>> -> memref<4x8x128xf32, #tpu.memory_space<hbm>>
      %dma_start3A_458 = arith.constant 0 : i32
      %dma_start3A_459 = arith.constant 0 : i32
      %dma_start3A_460 = arith.constant 0 : i32
      %dma_start3A_461 = tpu.memref_slice %arg7[%dma_start3A_442, %dma_start3A_458, %dma_start3A_459, %dma_start3A_460] : memref<4x4x8x128xf32, #tpu.memory_space<vmem>> -> memref<1x4x8x128xf32, #tpu.memory_space<vmem>>
      %dma_start3A_462 = tpu.memref_squeeze %dma_start3A_461 : memref<1x4x8x128xf32, #tpu.memory_space<vmem>> -> memref<4x8x128xf32, #tpu.memory_space<vmem>>
      tpu.enqueue_dma source(%dma_start3A_462 : memref<4x8x128xf32, #tpu.memory_space<vmem>>) target(%dma_start3A_457 : memref<4x8x128xf32, #tpu.memory_space<hbm>>) target_semaphore(%arg15 : memref<!tpu.dma_semaphore, #tpu.memory_space<semaphore_mem>>)
      %lt3A_463 = arith.constant 49 : i32
      %lt3A_464 = arith.cmpi slt, %scan3A_145, %lt3A_463 : i32
      %convert_element_type3A_465 = arith.extui %lt3A_464 : i1 to i32
      %cond3A_466 = arith.constant 3 : i32
      %cond3A_467 = arith.constant 0 : i32
      %cond3A_468 = arith.cmpi ne, %convert_element_type3A_465, %cond3A_467 : i32
      scf.if %cond3A_468 {
        %add3A_470 = arith.constant 4 : i32
        %add3A_471 = arith.addi %add3A_388, %add3A_470 : i32
        %dma_start3A_472 = arith.constant 0 : i32
        %dma_start3A_473 = arith.constant 0 : i32
        %dma_start3A_474 = tpu.memref_slice %arg6[%cond3A_466, %dma_start3A_472, %dma_start3A_473] : memref<4x128x32xf32, #tpu.memory_space<vmem>> -> memref<1x128x32xf32, #tpu.memory_space<vmem>>
        %dma_start3A_475 = tpu.memref_squeeze %dma_start3A_474 : memref<1x128x32xf32, #tpu.memory_space<vmem>> -> memref<128x32xf32, #tpu.memory_space<vmem>>
        %dma_start3A_476 = arith.constant 0 : i32
        %dma_start3A_477 = tpu.memref_slice %arg5[%add3A_471, %dma_start3A_476] : memref<200x128xi32, #tpu.memory_space<vmem>> -> memref<1x128xi32, #tpu.memory_space<vmem>>
        %dma_start3A_478 = tpu.memref_squeeze %dma_start3A_477 : memref<1x128xi32, #tpu.memory_space<vmem>> -> memref<128xi32, #tpu.memory_space<vmem>>
        %dma_start3A_479 = arith.constant 0 : i32
        %dma_start3A_480 = arith.constant 0 : i32
        %dma_start3A_481 = tpu.memref_slice %arg2[%dma_start3A_479, %dma_start3A_480] : memref<1000000x32xf32, #tpu.memory_space<hbm>> -> memref<1000000x32xf32, #tpu.memory_space<hbm>>
        tpu.enqueue_indirect_dma source(%dma_start3A_481 : memref<1000000x32xf32, #tpu.memory_space<hbm>>) target(%dma_start3A_475 : memref<128x32xf32, #tpu.memory_space<vmem>>) offsets(%dma_start3A_478 : memref<128xi32, #tpu.memory_space<vmem>>) semaphore(%arg11 : memref<!tpu.dma_semaphore, #tpu.memory_space<semaphore_mem>>)
      } else {
      }
      %scan3A_469 = arith.constant 0 : i32
      scf.yield %scan3A_469 : i32
    }
    %scan3A_53 = arith.constant 50 : i32
    %dma_wait3A = arith.constant 0 : i32
    %dma_wait3A_54 = arith.constant 0 : i32
    %dma_wait3A_55 = arith.constant 0 : i32
    %dma_wait3A_56 = arith.constant 0 : i32
    %dma_wait3A_57 = arith.constant 0 : i32
    %dma_wait3A_58 = arith.constant 0 : i32
    %dma_wait3A_59 = tpu.memref_slice %arg7[%dma_wait3A, %dma_wait3A_56, %dma_wait3A_57, %dma_wait3A_58] : memref<4x4x8x128xf32, #tpu.memory_space<vmem>> -> memref<1x4x8x128xf32, #tpu.memory_space<vmem>>
    %dma_wait3A_60 = tpu.memref_squeeze %dma_wait3A_59 : memref<1x4x8x128xf32, #tpu.memory_space<vmem>> -> memref<4x8x128xf32, #tpu.memory_space<vmem>>
    %dma_wait3A_61 = arith.constant 0 : i32
    %dma_wait3A_62 = arith.constant 0 : i32
    %dma_wait3A_63 = arith.constant 0 : i32
    %dma_wait3A_64 = tpu.memref_slice %arg4[%dma_wait3A_54, %dma_wait3A_61, %dma_wait3A_55, %dma_wait3A_62, %dma_wait3A_63] : memref<50x4x128x8x128xf32, #tpu.memory_space<hbm>> -> memref<1x4x1x8x128xf32, #tpu.memory_space<hbm>>
    %dma_wait3A_65 = tpu.memref_squeeze %dma_wait3A_64 : memref<1x4x1x8x128xf32, #tpu.memory_space<hbm>> -> memref<4x8x128xf32, #tpu.memory_space<hbm>>
    %dma_wait3A_66 = arith.constant 0 : i32
    %dma_wait3A_67 = arith.constant 0 : i32
    %dma_wait3A_68 = arith.constant 0 : i32
    %dma_wait3A_69 = tpu.memref_slice %arg4[%dma_wait3A_54, %dma_wait3A_66, %dma_wait3A_55, %dma_wait3A_67, %dma_wait3A_68] : memref<50x4x128x8x128xf32, #tpu.memory_space<hbm>> -> memref<1x4x1x8x128xf32, #tpu.memory_space<hbm>>
    %dma_wait3A_70 = tpu.memref_squeeze %dma_wait3A_69 : memref<1x4x1x8x128xf32, #tpu.memory_space<hbm>> -> memref<4x8x128xf32, #tpu.memory_space<hbm>>
    %dma_wait3A_71 = arith.constant 0 : i32
    %dma_wait3A_72 = arith.constant 0 : i32
    %dma_wait3A_73 = arith.constant 0 : i32
    %dma_wait3A_74 = tpu.memref_slice %arg7[%dma_wait3A, %dma_wait3A_71, %dma_wait3A_72, %dma_wait3A_73] : memref<4x4x8x128xf32, #tpu.memory_space<vmem>> -> memref<1x4x8x128xf32, #tpu.memory_space<vmem>>
    %dma_wait3A_75 = tpu.memref_squeeze %dma_wait3A_74 : memref<1x4x8x128xf32, #tpu.memory_space<vmem>> -> memref<4x8x128xf32, #tpu.memory_space<vmem>>
    tpu.wait_dma2 semaphore(%arg12 : memref<!tpu.dma_semaphore, #tpu.memory_space<semaphore_mem>>) src(%dma_wait3A_75 : memref<4x8x128xf32, #tpu.memory_space<vmem>>) dst(%dma_wait3A_70 : memref<4x8x128xf32, #tpu.memory_space<hbm>>)
    %dma_wait3A_76 = arith.constant 1 : i32
    %dma_wait3A_77 = arith.constant 0 : i32
    %dma_wait3A_78 = arith.constant 0 : i32
    %dma_wait3A_79 = arith.constant 0 : i32
    %dma_wait3A_80 = arith.constant 0 : i32
    %dma_wait3A_81 = arith.constant 0 : i32
    %dma_wait3A_82 = tpu.memref_slice %arg7[%dma_wait3A_76, %dma_wait3A_79, %dma_wait3A_80, %dma_wait3A_81] : memref<4x4x8x128xf32, #tpu.memory_space<vmem>> -> memref<1x4x8x128xf32, #tpu.memory_space<vmem>>
    %dma_wait3A_83 = tpu.memref_squeeze %dma_wait3A_82 : memref<1x4x8x128xf32, #tpu.memory_space<vmem>> -> memref<4x8x128xf32, #tpu.memory_space<vmem>>
    %dma_wait3A_84 = arith.constant 0 : i32
    %dma_wait3A_85 = arith.constant 0 : i32
    %dma_wait3A_86 = arith.constant 0 : i32
    %dma_wait3A_87 = tpu.memref_slice %arg4[%dma_wait3A_77, %dma_wait3A_84, %dma_wait3A_78, %dma_wait3A_85, %dma_wait3A_86] : memref<50x4x128x8x128xf32, #tpu.memory_space<hbm>> -> memref<1x4x1x8x128xf32, #tpu.memory_space<hbm>>
    %dma_wait3A_88 = tpu.memref_squeeze %dma_wait3A_87 : memref<1x4x1x8x128xf32, #tpu.memory_space<hbm>> -> memref<4x8x128xf32, #tpu.memory_space<hbm>>
    %dma_wait3A_89 = arith.constant 0 : i32
    %dma_wait3A_90 = arith.constant 0 : i32
    %dma_wait3A_91 = arith.constant 0 : i32
    %dma_wait3A_92 = tpu.memref_slice %arg4[%dma_wait3A_77, %dma_wait3A_89, %dma_wait3A_78, %dma_wait3A_90, %dma_wait3A_91] : memref<50x4x128x8x128xf32, #tpu.memory_space<hbm>> -> memref<1x4x1x8x128xf32, #tpu.memory_space<hbm>>
    %dma_wait3A_93 = tpu.memref_squeeze %dma_wait3A_92 : memref<1x4x1x8x128xf32, #tpu.memory_space<hbm>> -> memref<4x8x128xf32, #tpu.memory_space<hbm>>
    %dma_wait3A_94 = arith.constant 0 : i32
    %dma_wait3A_95 = arith.constant 0 : i32
    %dma_wait3A_96 = arith.constant 0 : i32
    %dma_wait3A_97 = tpu.memref_slice %arg7[%dma_wait3A_76, %dma_wait3A_94, %dma_wait3A_95, %dma_wait3A_96] : memref<4x4x8x128xf32, #tpu.memory_space<vmem>> -> memref<1x4x8x128xf32, #tpu.memory_space<vmem>>
    %dma_wait3A_98 = tpu.memref_squeeze %dma_wait3A_97 : memref<1x4x8x128xf32, #tpu.memory_space<vmem>> -> memref<4x8x128xf32, #tpu.memory_space<vmem>>
    tpu.wait_dma2 semaphore(%arg13 : memref<!tpu.dma_semaphore, #tpu.memory_space<semaphore_mem>>) src(%dma_wait3A_98 : memref<4x8x128xf32, #tpu.memory_space<vmem>>) dst(%dma_wait3A_93 : memref<4x8x128xf32, #tpu.memory_space<hbm>>)
    %dma_wait3A_99 = arith.constant 2 : i32
    %dma_wait3A_100 = arith.constant 0 : i32
    %dma_wait3A_101 = arith.constant 0 : i32
    %dma_wait3A_102 = arith.constant 0 : i32
    %dma_wait3A_103 = arith.constant 0 : i32
    %dma_wait3A_104 = arith.constant 0 : i32
    %dma_wait3A_105 = tpu.memref_slice %arg7[%dma_wait3A_99, %dma_wait3A_102, %dma_wait3A_103, %dma_wait3A_104] : memref<4x4x8x128xf32, #tpu.memory_space<vmem>> -> memref<1x4x8x128xf32, #tpu.memory_space<vmem>>
    %dma_wait3A_106 = tpu.memref_squeeze %dma_wait3A_105 : memref<1x4x8x128xf32, #tpu.memory_space<vmem>> -> memref<4x8x128xf32, #tpu.memory_space<vmem>>
    %dma_wait3A_107 = arith.constant 0 : i32
    %dma_wait3A_108 = arith.constant 0 : i32
    %dma_wait3A_109 = arith.constant 0 : i32
    %dma_wait3A_110 = tpu.memref_slice %arg4[%dma_wait3A_100, %dma_wait3A_107, %dma_wait3A_101, %dma_wait3A_108, %dma_wait3A_109] : memref<50x4x128x8x128xf32, #tpu.memory_space<hbm>> -> memref<1x4x1x8x128xf32, #tpu.memory_space<hbm>>
    %dma_wait3A_111 = tpu.memref_squeeze %dma_wait3A_110 : memref<1x4x1x8x128xf32, #tpu.memory_space<hbm>> -> memref<4x8x128xf32, #tpu.memory_space<hbm>>
    %dma_wait3A_112 = arith.constant 0 : i32
    %dma_wait3A_113 = arith.constant 0 : i32
    %dma_wait3A_114 = arith.constant 0 : i32
    %dma_wait3A_115 = tpu.memref_slice %arg4[%dma_wait3A_100, %dma_wait3A_112, %dma_wait3A_101, %dma_wait3A_113, %dma_wait3A_114] : memref<50x4x128x8x128xf32, #tpu.memory_space<hbm>> -> memref<1x4x1x8x128xf32, #tpu.memory_space<hbm>>
    %dma_wait3A_116 = tpu.memref_squeeze %dma_wait3A_115 : memref<1x4x1x8x128xf32, #tpu.memory_space<hbm>> -> memref<4x8x128xf32, #tpu.memory_space<hbm>>
    %dma_wait3A_117 = arith.constant 0 : i32
    %dma_wait3A_118 = arith.constant 0 : i32
    %dma_wait3A_119 = arith.constant 0 : i32
    %dma_wait3A_120 = tpu.memref_slice %arg7[%dma_wait3A_99, %dma_wait3A_117, %dma_wait3A_118, %dma_wait3A_119] : memref<4x4x8x128xf32, #tpu.memory_space<vmem>> -> memref<1x4x8x128xf32, #tpu.memory_space<vmem>>
    %dma_wait3A_121 = tpu.memref_squeeze %dma_wait3A_120 : memref<1x4x8x128xf32, #tpu.memory_space<vmem>> -> memref<4x8x128xf32, #tpu.memory_space<vmem>>
    tpu.wait_dma2 semaphore(%arg14 : memref<!tpu.dma_semaphore, #tpu.memory_space<semaphore_mem>>) src(%dma_wait3A_121 : memref<4x8x128xf32, #tpu.memory_space<vmem>>) dst(%dma_wait3A_116 : memref<4x8x128xf32, #tpu.memory_space<hbm>>)
    %dma_wait3A_122 = arith.constant 3 : i32
    %dma_wait3A_123 = arith.constant 0 : i32
    %dma_wait3A_124 = arith.constant 0 : i32
    %dma_wait3A_125 = arith.constant 0 : i32
    %dma_wait3A_126 = arith.constant 0 : i32
    %dma_wait3A_127 = arith.constant 0 : i32
    %dma_wait3A_128 = tpu.memref_slice %arg7[%dma_wait3A_122, %dma_wait3A_125, %dma_wait3A_126, %dma_wait3A_127] : memref<4x4x8x128xf32, #tpu.memory_space<vmem>> -> memref<1x4x8x128xf32, #tpu.memory_space<vmem>>
    %dma_wait3A_129 = tpu.memref_squeeze %dma_wait3A_128 : memref<1x4x8x128xf32, #tpu.memory_space<vmem>> -> memref<4x8x128xf32, #tpu.memory_space<vmem>>
    %dma_wait3A_130 = arith.constant 0 : i32
    %dma_wait3A_131 = arith.constant 0 : i32
    %dma_wait3A_132 = arith.constant 0 : i32
    %dma_wait3A_133 = tpu.memref_slice %arg4[%dma_wait3A_123, %dma_wait3A_130, %dma_wait3A_124, %dma_wait3A_131, %dma_wait3A_132] : memref<50x4x128x8x128xf32, #tpu.memory_space<hbm>> -> memref<1x4x1x8x128xf32, #tpu.memory_space<hbm>>
    %dma_wait3A_134 = tpu.memref_squeeze %dma_wait3A_133 : memref<1x4x1x8x128xf32, #tpu.memory_space<hbm>> -> memref<4x8x128xf32, #tpu.memory_space<hbm>>
    %dma_wait3A_135 = arith.constant 0 : i32
    %dma_wait3A_136 = arith.constant 0 : i32
    %dma_wait3A_137 = arith.constant 0 : i32
    %dma_wait3A_138 = tpu.memref_slice %arg4[%dma_wait3A_123, %dma_wait3A_135, %dma_wait3A_124, %dma_wait3A_136, %dma_wait3A_137] : memref<50x4x128x8x128xf32, #tpu.memory_space<hbm>> -> memref<1x4x1x8x128xf32, #tpu.memory_space<hbm>>
    %dma_wait3A_139 = tpu.memref_squeeze %dma_wait3A_138 : memref<1x4x1x8x128xf32, #tpu.memory_space<hbm>> -> memref<4x8x128xf32, #tpu.memory_space<hbm>>
    %dma_wait3A_140 = arith.constant 0 : i32
    %dma_wait3A_141 = arith.constant 0 : i32
    %dma_wait3A_142 = arith.constant 0 : i32
    %dma_wait3A_143 = tpu.memref_slice %arg7[%dma_wait3A_122, %dma_wait3A_140, %dma_wait3A_141, %dma_wait3A_142] : memref<4x4x8x128xf32, #tpu.memory_space<vmem>> -> memref<1x4x8x128xf32, #tpu.memory_space<vmem>>
    %dma_wait3A_144 = tpu.memref_squeeze %dma_wait3A_143 : memref<1x4x8x128xf32, #tpu.memory_space<vmem>> -> memref<4x8x128xf32, #tpu.memory_space<vmem>>
    tpu.wait_dma2 semaphore(%arg15 : memref<!tpu.dma_semaphore, #tpu.memory_space<semaphore_mem>>) src(%dma_wait3A_144 : memref<4x8x128xf32, #tpu.memory_space<vmem>>) dst(%dma_wait3A_139 : memref<4x8x128xf32, #tpu.memory_space<hbm>>)
    return
  }
}

</mosaic_0001>

<sc_bundles>
// kernel: kernel.3.cloned.1.call-start
scs
__scs_entry_jumppad:
0x0: {  	(pc) =	sbr.rel $0x88, $3  }
0x1: {  	(tag) =	ssettag $0x0;
	lr =	simm.s32 $0x1  }
0x2: {  	[smem:$0x3F9F] =	sst lr;
	_ =	strace $0xD0000000  }
0x3: {  	_ = 	snop  }
0x4: {  	_ = 	snop  }
0x5: {  	_ = 	snop  }
0x6: {  	_ = 	snop  }
0x7: {  	_ = 	snop  }
__scs_overlays_trampoline_lowered:
0x8: {  	[smem:$0x3FAE] =	sst s0  }
0x9: {  	[smem:$0x3FAF] =	sst s1  }
0xa: {  	[smem:$0x3FB0] =	sst s2  }
0xb: {  	[smem:$0x3FB1] =	sst s3  }
0xc: {  	[smem:$0x3FB2] =	sst s4  }
0xd: {  	[smem:$0x3FB3] =	sst s5  }
0xe: {  	[smem:$0x3FB4] =	sst s6  }
0xf: {  	[smem:$0x3FB5] =	sst s7  }
0x10: {  	[smem:$0x3FB6] =	sst s8  }
0x11: {  	[smem:$0x3FB7] =	sst s9;
	s0 =	simm.s32 @!p0 $0x0  }
0x12: {  	s1 =	sld [smem:$0x3F9D];
	s0 =	simm.s32 @p0 $0x1  }
0x13: {  	[smem:$0x3FB8] =	sst s0;
	s0 =	simm.s32 @!p1 $0x0  }
0x14: {  	s2 =	sld [smem:$0x3F9C];
	s0 =	simm.s32 @p1 $0x1  }
0x15: {  	[smem:$0x3FB9] =	sst s0;
	s0 =	simm.s32 @!p2 $0x0  }
0x16: {  	s3 =	sld [smem:$0x3FDB];
	s0 =	simm.s32 @p2 $0x1  }
0x17: {  	s4 =	simm.s32 $0x1BF5;
	[smem:$0x3FBB] =	sst s0  }
0x18: {  	s0 =	sld [smem:$0x3F9E];
	_ =	swait.ge [sflag:s4], $0x0  }
0x19: {  	s7 =	sld [smem:$0x3F9F]  }
0x1a: {  	s8 =	sadd.s32 $0xFFFFE003, lr  }
0x1b: {  	s9 =	sadd.s32 $0xFFFFFEF7, lr;
	s5 =	simm.s32 $0xFFFFFFFF;
	p2 =	slt.u32 s8, $0xFFFFF086  }
0x1c: {  	p1 =	slt.u32 s9, $0xF7A;
	s5 =	simm.s32 @!p2 $0x0  }
0x1d: {  	s5 =	simm.s32 @p1 $0x1;
	p0 =	seq.s32 s7, s2  }
0x1e: {  	s7 =	smul.u32 @!p0 $0xF7A, s2;
	p2 =	seq.s32 @!p0 s5, $0x0  }
0x1f: {  	s9 =	smul.u32 $0xF7A, s1;
	s8 =	simm.s32 @!p0 $0x1BF5;
	p2 =	por !p2, p0  }
0x20: {  	[sflag:s8] =	ssyncset.s32 @!p0 $0xFFFFF086;
	s6 =	sadd.s32 @!p0 s3, s7;
	s7 =	simm.s32 @!p0 $0x108  }
0x21: {  	s3 =	sadd.s32 s3, s9;
	s6 =	sadd.s32 @!p0 $0x88, s6;
	s7 =	simm.s32 @p2 $0x1082  }
0x22: {  	[simem:s7], [sflag:s8] =	dma.local @!p0 [hbm:s6], $0xF7A  }
0x23: {  	s9 =	sor.u32 $0xD0000000, s2;
	s6 =	simm.s32 $0x108;
	_ =	swait.ge @!p0 [sflag:s8], $0x0  }
0x24: {  	s3 =	sadd.s32 $0x88, s3;
	s6 =	simm.s32 @!p1 $0x1082;
	[sflag:s4] =	ssyncset.s32 $0xFFFFF086  }
0x25: {  	[simem:s6], [sflag:s4] =	dma.local [hbm:s3], $0xF7A  }
0x26: {  	[smem:$0x3F9F] =	sst s1;
	(tag) =	ssettag s2;
	_ =	strace s9  }
0x27: {  	s1 =	sld [smem:$0x3FAF]  }
0x28: {  	s2 =	sld [smem:$0x3FB0]  }
0x29: {  	s4 =	sld [smem:$0x3FB2]  }
0x2a: {  	p0 =	seq.s32 s5, $0x0;
	s5 =	sld [smem:$0x3FB3]  }
0x2b: {  	s6 =	sld [smem:$0x3FB4]  }
0x2c: {  	s7 =	sld [smem:$0x3FB5]  }
0x2d: {  	s3 =	simm.s32 $0x108;
	s8 =	sld [smem:$0x3FB6]  }
0x2e: {  	s3 =	simm.s32 @!p0 $0x1082;
	s9 =	sld [smem:$0x3FB7]  }
0x2f: {  	lr =	sadd.s32 s0, s3;
	s0 =	sld [smem:$0x3FAE]  }
0x30: {  	s3 =	sld [smem:$0x3FB1]  }
0x31: {  	[smem:$0x3FBA] =	sst s10  }
0x32: {  	s10 =	sld [smem:$0x3FB8];
	_ =	sdelay $0x3  }
0x33: {  	p0 =	seq.s32 s10, $0x1;
	s10 =	sld [smem:$0x3FBA];
	_ =	sdelay $0x3  }
0x34: {  	[smem:$0x3FBA] =	sst s10  }
0x35: {  	s10 =	sld [smem:$0x3FB9];
	_ =	sdelay $0x3  }
0x36: {  	p1 =	seq.s32 s10, $0x1;
	s10 =	sld [smem:$0x3FBA];
	_ =	sdelay $0x3  }
0x37: {  	[smem:$0x3FBA] =	sst s10  }
0x38: {  	s10 =	sld [smem:$0x3FBB]  }
0x39: {  	_ = 	snop;
	(pc) =	sbr.ind lr, $3  }
0x3a: {  	_ = 	snop  }
0x3b: {  	_ = 	snop  }
0x3c: {  	p2 =	seq.s32 s10, $0x1;
	s10 =	sld [smem:$0x3FBA]  }
0x3d: {  	_ =	shalt  }
0x3e: {  	_ =	shalt  }
0x3f: {  	_ =	shalt  }
0x40: {  	_ =	shalt  }
0x41: {  	_ =	shalt  }
0x42: {  	_ =	shalt  }
0x43: {  	_ =	shalt  }
0x44: {  	_ =	shalt  }
0x45: {  	_ =	shalt  }
0x46: {  	_ =	shalt  }
0x47: {  	_ =	shalt  }
0x48: {  	_ =	shalt  }
0x49: {  	_ =	shalt  }
0x4a: {  	_ =	shalt  }
0x4b: {  	_ =	shalt  }
0x4c: {  	_ =	shalt  }
0x4d: {  	_ =	shalt  }
0x4e: {  	_ =	shalt  }
0x4f: {  	_ =	shalt  }
0x50: {  	_ =	shalt  }
0x51: {  	_ =	shalt  }
0x52: {  	_ =	shalt  }
0x53: {  	_ =	shalt  }
0x54: {  	_ =	shalt  }
0x55: {  	_ =	shalt  }
0x56: {  	_ =	shalt  }
0x57: {  	_ =	shalt  }
0x58: {  	_ =	shalt  }
0x59: {  	_ =	shalt  }
0x5a: {  	_ =	shalt  }
0x5b: {  	_ =	shalt  }
0x5c: {  	_ =	shalt  }
0x5d: {  	_ =	shalt  }
0x5e: {  	_ =	shalt  }
0x5f: {  	_ =	shalt  }
0x60: {  	_ =	shalt  }
0x61: {  	_ =	shalt  }
0x62: {  	_ =	shalt  }
0x63: {  	_ =	shalt  }
0x64: {  	_ =	shalt  }
0x65: {  	_ =	shalt  }
0x66: {  	_ =	shalt  }
0x67: {  	_ =	shalt  }
0x68: {  	_ =	shalt  }
0x69: {  	_ =	shalt  }
0x6a: {  	_ =	shalt  }
0x6b: {  	_ =	shalt  }
0x6c: {  	_ =	shalt  }
0x6d: {  	_ =	shalt  }
0x6e: {  	_ =	shalt  }
0x6f: {  	_ =	shalt  }
0x70: {  	_ =	shalt  }
0x71: {  	_ =	shalt  }
0x72: {  	_ =	shalt  }
0x73: {  	_ =	shalt  }
0x74: {  	_ =	shalt  }
0x75: {  	_ =	shalt  }
0x76: {  	_ =	shalt  }
0x77: {  	_ =	shalt  }
0x78: {  	_ =	shalt  }
0x79: {  	_ =	shalt  }
0x7a: {  	_ =	shalt  }
0x7b: {  	_ =	shalt  }
0x7c: {  	_ =	shalt  }
0x7d: {  	_ =	shalt  }
0x7e: {  	_ =	shalt  }
0x7f: {  	_ =	shalt  }
0x80: {  	_ =	shalt  }
0x81: {  	_ =	shalt  }
0x82: {  	_ =	shalt  }
0x83: {  	_ =	shalt  }
0x84: {  	_ =	shalt  }
0x85: {  	_ =	shalt  }
0x86: {  	_ =	shalt  }
0x87: {  	_ =	shalt  }
.Lfunc_end0:
.L_simem_size_0:
called_computation_lowered:
.L_overlay_start_0:
0x88: {  	s2 =	sld [smem:$0x3FD9]  }
0x89: {  	s3 =	sld [smem:$0x3FFE];
	_ =	sdelay $0x1  }
0x8a: {  	s1 =	srdreg.scid  }
0x8b: {  	s0 =	sand.u32 $0x1, s1  }
0x8c: {  	s17 =	sshll.u32 s0, $0xA;
	s2 =	sadd.s32 s3, s2  }
0x8d: {  	s2 =	sadd.s32 s2, s17  }
0x8e: {  	[smem:$0x3FC6] =	sst s2  }
0x8f: {  	_ = 	snop  }
0x90: {  	s2 =	sld [smem:$0x3FD0];
	(tm) =	ssettm $0x1  }
0x91: {  	s18 =	sld [smem:$0x3FFB];
	_ =	sdelay $0x3  }
0x92: {  	_ =	strace s18  }
0x93: {  	s3 =	sld [smem:$0x3FFC];
	_ =	sdelay $0x3  }
0x94: {  	_ =	strace s3  }
0x95: {  	s3 =	sld [smem:$0x3FFD];
	_ =	sdelay $0x3  }
0x96: {  	_ =	strace s3  }
0x97: {  	_ =	strace $0x8FFFFFFF  }
0x98: {  	s19 =	sld [smem:$0x3FDB];
	_ =	sdelay $0x1  }
0x99: {  	s4 =	simm.s32 $_scs_section_size  }
0x9a: {  	s5 =	simm.s32 $_size__tile_overlayer_lowered;
	s6 =	simm.s32 $_tile_overlayer_lowered  }
0x9b: {  	s22 =	simm.s32 $0x1BFF;
	s21 =	sshll.u32 s6, $0x1;
	s3 =	sadd.s32 s4, s19  }
0x9c: {  	s7 =	simm.s32 $0x0;
	s20 =	sshll.u32 s5, $0x1;
	s5 =	sadd.s32 s21, s3  }
0x9d: {  	[timem:s7], [sflag:s22] =	dma.local [hbm:s5], s20  }
0x9e: {  	_ =	swait.ge [sflag:s22], s20  }
0x9f: {  	s4 =	ssub.s32 $0x0, s20;
	[sflag:s22] =	ssyncset.done $0x0  }
0xa0: {  	[sflag:s22] =	ssyncadd.s32 s4;
	_ =	sdelay $0x1  }
0xa1: {  	s23 =	simm.s32 $0x1B8B  }
0xa2: {  	_ =	swait.ge [sflag:s23], $0x1  }
0xa3: {  	[sflag:s23] =	ssyncset.done $0x0  }
0xa4: {  	s25 =	simm.s32 $0x1B8E;
	s24 =	sld [smem:$0x3FFE];
	[sflag:s23] =	ssyncadd.s32 $0xFFFFFFFF  }
0xa5: {  	s26 =	simm.s32 $execute0_lowered;
	[smem:$0x3FD2] =	sst s25  }
0xa6: {  	s5 =	sshll.u32 s26, $0x1;
	_ =	strace $0x80000046;
	[dreg:$0x1] =	wrdreg $0xFFFFFFFF  }
0xa7: {  	s28 =	simm.s32 $_size_execute0_lowered;
	s3 =	sadd.s32 s3, s5;
	[dreg:$0x0] =	wrdreg $0x0  }
0xa8: {  	s5 =	sshll.u32 s28, $0x1;
	[dreg:$0x2] =	wrdreg s3  }
0xa9: {  	[dreg:$0x3] =	wrdreg s5  }
0xaa: {  	[dreg:$0x4] =	wrdreg $0xC0  }
0xab: {  	_ =	task [dreg:s7], $0x5FFFF  }
0xac: {  	[dreg:$0x1] =	wrdreg $0xFFFFFFFF  }
0xad: {  	[dreg:$0x0] =	wrdreg $0x60  }
0xae: {  	[dreg:$0x2] =	wrdreg s24  }
0xaf: {  	[dreg:$0x3] =	wrdreg s2  }
0xb0: {  	[dreg:$0x4] =	wrdreg $0x9  }
0xb1: {  	_ =	task.clear_ibuf [dreg:s7], $0x5FFFF;
	_ =	strace $0x90000046  }
0xb2: {  	s29 =	simm.s32 $0x9;
	_ =	strace $0x80000048  }
0xb3: {  	_ =	swait.ge [sflag:s29], $0x1  }
0xb4: {  	[sflag:s29] =	ssyncadd.s32 $0xFFFFFFFF  }
0xb5: {  	_ =	strace $0x90000048  }
0xb6: {  	_ =	sfence  }
0xb7: {  	s30 =	sld [smem:$0x0];
	_ =	sdelay $0x2  }
0xb8: {  	s31 =	sshll.u32 s1, $0xD;
	s1 =	sshrl.u32 s1, $0x2  }
0xb9: {  	s3 =	sand.u32 $0x4000, s31;
	s1 =	sadd.s32 s1, s30  }
0xba: {  	s0 =	sor.u32 s3, s0;
	s1 =	sshll.u32 s1, $0x11  }
0xbb: {  	s0 =	sor.u32 s1, s0  }
0xbc: {  	s0 =	sadd.s32 $0x8F2B, s0  }
0xbd: {  	[sflag:s0] =	ssyncadd.remote.s32 $0x1  }
0xbe: {  	_ =	sfence.sel $0xFFFF  }
0xbf: {  	[dreg:$0x0] =	wrdreg $0xFFFFFFFF;
	(pc) =	sbr.abs _section_cstart, $3  }
0xc0: {  	[dreg:$0x1] =	wrdreg $0xFFFFFFFF  }
0xc1: {  	_ =	task.clear_ibuf [dreg:s7], $0x2FFFF;
	_ =	strace $0x9FFFFFFF  }
0xc2: {  	(tm) =	ssettm $0x7FFFFFFF  }
0xc3: {  	_ =	shalt  }
tec
execute0_lowered:
.L_overlay_start_1:
0x0: {  	(tag) =	ssettag $0x1  }
0x1: {  	s0 =	rddreg [dreg:$0x0];
	s1 =	srdreg.scid  }
0x2: {  	s3 =	stileid.u32;
	s2 =	rddreg [dreg:$0x1]  }
0x3: {  	s4 =	simm.s32 $0x0;
	s8 =	simm.s32 $0x9;
	s9 =	simm.s32 $0x80  }
0x4: {  	s10 =	simm.s32 $0x6400;
	s11 =	simm.s32 $0x7400;
	s13 =	simm.s32 $0x8400  }
0x5: {  	s15 =	simm.s32 $0x9400;
	s16 =	simm.s32 $0x1;
	s17 =	simm.s32 $0xA400  }
0x6: {  	s18 =	simm.s32 $0x400;
	s19 =	simm.s32 $0x20000;
	s20 =	simm.s32 $0x2  }
0x7: {  	s21 =	simm.s32 $0xB400;
	s22 =	simm.s32 $0x3;
	s23 =	simm.s32 $0xC400  }
0x8: {  	s24 =	simm.s32 $0x4;
	s1 =	sand.u32 $0x1, s1;
	s3 =	sshll.u32 s3, $0x1  }
0x9: {  	s28 =	simm.s32 $0x6;
	s29 =	simm.s32 $0x7;
	s3 =	sor.u32 s1, s3  }
0xa: {  	v0 =	vlaneseq.u32;
	v2 =	vimm.f32 $0.0e+00;
	s30 =	simm.s32 $0x8;
	s1 =	ssub.s32 $0x2, s1;
	s5 =	smul.u32 $0xC80, s3  }
.Ltmp0:
0xb: {  	s31 =	simm.s32 $0x0;
	v1 =	vmul.u32 $0x20, v0;
	v4 =	vor.u32 $0x10, v0;
	v6 =	vor.u32 $0x20, v0;
	s25 =	sshrl.u32 s1, $0x1;
	(pc) =	sbr.rel .LBB2_1-.Ltmp0, $4  }
0xc: {  	[smem:$0x7FF] =	sst s4;
	s4 =	sadd.s32 $0xF42A00, s0;
	v8 =	vor.u32 $0x30, v0;
	v10 =	vor.u32 $0x40, v0;
	v12 =	vor.u32 $0x50, v0;
	s1 =	ssub.s32 s1, s25  }
0xd: {  	v14 =	vor.u32 $0x60, v0;
	v16 =	vor.u32 $0x70, v0;
	_ =	strace $0x80000047;
	v3 =	vor.u32 $0x200, v1;
	s0 =	sadd.s32 s5, s0;
	s26 =	smax.u32 s1, $0x1  }
0xe: {  	s6 =	smul.u32 $0xC8, s3;
	v5 =	vor.u32 $0x400, v1;
	v7 =	vor.u32 $0x600, v1;
	v9 =	vor.u32 $0x800, v1;
	s0 =	sadd.s32 $0x600, s0;
	[dreg:$0x4] =	wrdreg s26  }
0xf: {  	v11 =	vor.u32 $0xA00, v1;
	v13 =	vor.u32 $0xC00, v1;
	v15 =	vor.u32 $0xE00, v1;
	s25 =	simm.s32 $0xD400;
	s26 =	simm.s32 $0x5;
	[dreg:$0x3] =	wrdreg s0  }
.LBB2_12:
0x10: {  	_ =	swait.ge [sflag:s26], $0x1000  }
0x11: {  	[sflag:s26] =	ssyncset.done $0x0  }
0x12: {  	[sflag:s26] =	ssyncadd.s32 $0xFFFFF000  }
0x13: {  	_ =	swait.ge [sflag:s28], $0x1000  }
0x14: {  	[sflag:s28] =	ssyncset.done $0x0  }
0x15: {  	[sflag:s28] =	ssyncadd.s32 $0xFFFFF000  }
0x16: {  	_ =	swait.ge [sflag:s29], $0x1000  }
0x17: {  	[sflag:s29] =	ssyncset.done $0x0  }
0x18: {  	[sflag:s29] =	ssyncadd.s32 $0xFFFFF000  }
0x19: {  	_ =	swait.ge [sflag:s30], $0x1000  }
0x1a: {  	s31 =	sadd.s32 $0x1, s31;
	s0 =	rddreg [dreg:$0x4]  }
0x1b: {  	p0 =	sne.s32 s31, s0  }
.Ltmp1:
0x1c: {  	_ = 	snop;
	(pc) =	sbr.rel @!p0 .LBB2_13-.Ltmp1, $3  }
0x1d: {  	_ =	sdelay $0x1  }
0x1e: {  	[sflag:s30] =	ssyncset.done $0x0  }
0x1f: {  	[sflag:s30] =	ssyncadd.s32 $0xFFFFF000  }
.LBB2_1:
0x20: {  	s0 =	simm.s32 $0x0;
	s1 =	rddreg [dreg:$0x3]  }
0x21: {  	[tilespmem:s0], [sflag:$0x9] =	stream.linear.gather [hbm4b:s1+s0], $0x6400, $0x38;
	[tilespmem:$0xE400] =	vst v63  }
0x22: {  	_ =	swait.ge [sflag:s8], $0x6400  }
0x23: {  	[sflag:s8] =	ssyncset.done $0x0  }
0x24: {  	[sflag:s8] =	ssyncadd.s32 $0xFFFF9C00  }
0x25: {  	[tilespmem:s10], [sflag:$0x1] =	stream.indirect.gather [hbm4b:s4+s9], $0x20, s0, s9, $0xb8;
	[tilespmem:$0xE400] =	vst v63  }
0x26: {  	_ = 	snop  }
0x27: {  	[tilespmem:s11], [sflag:$0x2] =	stream.indirect.gather [hbm4b:s4+s9], $0x20, s9, s9, $0xb8;
	[tilespmem:$0xE400] =	vst v63  }
0x28: {  	s12 =	simm.s32 $0x100  }
0x29: {  	[tilespmem:s13], [sflag:$0x3] =	stream.indirect.gather [hbm4b:s4+s9], $0x20, s12, s9, $0xb8;
	[tilespmem:$0xE400] =	vst v63  }
0x2a: {  	s14 =	simm.s32 $0x180;
	s1 =	simm.s32 $0x0  }
0x2b: {  	[tilespmem:s15], [sflag:$0x4] =	stream.indirect.gather [hbm4b:s4+s9], $0x20, s14, s9, $0xb8;
	[tilespmem:$0xE400] =	vst v63  }
.LBB2_2:
0x2c: {  	s0 =	simm.s32 $0x0  }
0x2d: {  	v17 =	vadd.s32 s0, v0  }
0x2e: {  	_ =	swait.ge [sflag:s16], $0x1000;
	v18 =	vand.u32 $0xF, v17  }
0x2f: {  	p0 =	seq.s32 s1, $0x0;
	[sflag:s16] =	ssyncset.done $0x0;
	v19 =	vor.u32 v1, v18  }
0x30: {  	s0 =	simm.s32 @!p0 $0x5;
	[sflag:s16] =	ssyncadd.s32 $0xFFFFF000  }
0x31: {  	_ =	swait.ge @!p0 [sflag:s0], $0x1000  }
0x32: {  	[sflag:s0] =	ssyncset.done @!p0 $0x0  }
0x33: {  	[sflag:s0] =	ssyncadd.s32 @!p0 $0xFFFFF000  }
0x34: {  	v19 =	vld.idx.msk [tilespmem:v19+s10+$0x0], $0xffff  }
0x35: {  	v24 =	vshll.u32 v17, $0x7  }
0x36: {  	v22 =	vand.u32 $0x780, v24  }
0x37: {  	v20 =	vor.u32 v0, v22  }
0x38: {  	v21 =	vor.u32 v3, v18  }
0x39: {  	vm0 =	vlt.f32 v19, $-5.000000070e-02  }
0x3a: {  	vm1 =	vgt.f32 v19, $5.000000070e-02;
	v19 =	vsel vm0, $0xBF800000, v2  }
0x3b: {  	v19 =	vsel vm1, $0x3F800000, v19  }
0x3c: {  	[tilespmem:v20+s17+$0x0] =	vst.idx.msk $0xffff, v19  }
0x3d: {  	v19 =	vld.idx.msk [tilespmem:v21+s10+$0x0], $0xffff;
	_ =	sdelay $0x2  }
0x3e: {  	v20 =	vor.u32 v4, v22  }
0x3f: {  	v21 =	vor.u32 v5, v18  }
0x40: {  	vm0 =	vlt.f32 v19, $-5.000000070e-02  }
0x41: {  	vm1 =	vgt.f32 v19, $5.000000070e-02;
	v19 =	vsel vm0, $0xBF800000, v2  }
0x42: {  	v19 =	vsel vm1, $0x3F800000, v19  }
0x43: {  	[tilespmem:v20+s17+$0x0] =	vst.idx.msk $0xffff, v19  }
0x44: {  	v19 =	vld.idx.msk [tilespmem:v21+s10+$0x0], $0xffff;
	_ =	sdelay $0x2  }
0x45: {  	v21 =	vor.u32 v6, v22  }
0x46: {  	v25 =	vor.u32 v7, v18  }
0x47: {  	vm0 =	vlt.f32 v19, $-5.000000070e-02  }
0x48: {  	s5 =	simm.s32 $0x1;
	vm1 =	vgt.f32 v19, $5.000000070e-02;
	v19 =	vsel vm0, $0xBF800000, v2  }
0x49: {  	v20 =	vadd.s32 s5, v0;
	v19 =	vsel vm1, $0x3F800000, v19  }
0x4a: {  	v23 =	vand.u32 $0xF, v20;
	[tilespmem:v21+s17+$0x0] =	vst.idx.msk $0xffff, v19  }
0x4b: {  	v21 =	vor.u32 v1, v23;
	v19 =	vld.idx.msk [tilespmem:v25+s10+$0x0], $0xffff;
	_ =	sdelay $0x2  }
0x4c: {  	v25 =	vor.u32 v8, v22  }
0x4d: {  	v27 =	vor.u32 v9, v18  }
0x4e: {  	v21 =	vld.idx.msk [tilespmem:v21+s10+$0x0], $0xffff;
	vm0 =	vlt.f32 v19, $-5.000000070e-02  }
0x4f: {  	v26 =	vshll.u32 v20, $0x7;
	vm1 =	vgt.f32 v19, $5.000000070e-02;
	v28 =	vsel vm0, $0xBF800000, v2  }
0x50: {  	v19 =	vand.u32 $0x780, v26;
	v28 =	vsel vm1, $0x3F800000, v28  }
0x51: {  	[tilespmem:v25+s17+$0x0] =	vst.idx.msk $0xffff, v28;
	v25 =	vor.u32 v0, v19  }
0x52: {  	v28 =	vor.u32 v3, v23;
	v27 =	vld.idx.msk [tilespmem:v27+s10+$0x0], $0xffff  }
0x53: {  	vm0 =	vlt.f32 v21, $-5.000000070e-02  }
0x54: {  	vm1 =	vgt.f32 v21, $5.000000070e-02;
	v21 =	vsel vm0, $0xBF800000, v2  }
0x55: {  	v29 =	vor.u32 v10, v22;
	v21 =	vsel vm1, $0x3F800000, v21  }
0x56: {  	v30 =	vor.u32 v11, v18;
	[tilespmem:v25+s17+$0x0] =	vst.idx.msk $0xffff, v21  }
0x57: {  	v21 =	vld.idx.msk [tilespmem:v28+s10+$0x0], $0xffff;
	vm0 =	vlt.f32 v27, $-5.000000070e-02  }
0x58: {  	vm1 =	vgt.f32 v27, $5.000000070e-02;
	v25 =	vsel vm0, $0xBF800000, v2  }
0x59: {  	v25 =	vsel vm1, $0x3F800000, v25  }
0x5a: {  	[tilespmem:v29+s17+$0x0] =	vst.idx.msk $0xffff, v25;
	v25 =	vor.u32 v4, v19  }
0x5b: {  	v28 =	vor.u32 v5, v23;
	v27 =	vld.idx.msk [tilespmem:v30+s10+$0x0], $0xffff  }
0x5c: {  	vm0 =	vlt.f32 v21, $-5.000000070e-02  }
0x5d: {  	vm1 =	vgt.f32 v21, $5.000000070e-02;
	v21 =	vsel vm0, $0xBF800000, v2  }
0x5e: {  	v29 =	vor.u32 v12, v22;
	v21 =	vsel vm1, $0x3F800000, v21  }
0x5f: {  	[tilespmem:v25+s17+$0x0] =	vst.idx.msk $0xffff, v21;
	v21 =	vor.u32 v13, v18  }
0x60: {  	v25 =	vld.idx.msk [tilespmem:v28+s10+$0x0], $0xffff;
	vm0 =	vlt.f32 v27, $-5.000000070e-02  }
0x61: {  	vm1 =	vgt.f32 v27, $5.000000070e-02;
	v27 =	vsel vm0, $0xBF800000, v2  }
0x62: {  	v27 =	vsel vm1, $0x3F800000, v27  }
0x63: {  	[tilespmem:v29+s17+$0x0] =	vst.idx.msk $0xffff, v27;
	v27 =	vor.u32 v6, v19  }
0x64: {  	v29 =	vor.u32 v7, v23;
	v21 =	vld.idx.msk [tilespmem:v21+s10+$0x0], $0xffff  }
0x65: {  	vm0 =	vlt.f32 v25, $-5.000000070e-02  }
0x66: {  	vm1 =	vgt.f32 v25, $5.000000070e-02;
	v25 =	vsel vm0, $0xBF800000, v2  }
0x67: {  	s7 =	simm.s32 $0x2;
	v31 =	vor.u32 v14, v22;
	v25 =	vsel vm1, $0x3F800000, v25  }
0x68: {  	v18 =	vor.u32 v15, v18;
	v28 =	vadd.s32 s7, v0;
	[tilespmem:v27+s17+$0x0] =	vst.idx.msk $0xffff, v25  }
0x69: {  	v30 =	vand.u32 $0xF, v28;
	v25 =	vld.idx.msk [tilespmem:v29+s10+$0x0], $0xffff;
	vm0 =	vlt.f32 v21, $-5.000000070e-02  }
0x6a: {  	v27 =	vor.u32 v1, v30;
	vm1 =	vgt.f32 v21, $5.000000070e-02;
	v21 =	vsel vm0, $0xBF800000, v2  }
0x6b: {  	v21 =	vsel vm1, $0x3F800000, v21  }
0x6c: {  	v29 =	vor.u32 v8, v19;
	[tilespmem:v31+s17+$0x0] =	vst.idx.msk $0xffff, v21  }
0x6d: {  	v31 =	vor.u32 v9, v23;
	v32 =	vld.idx.msk [tilespmem:v18+s10+$0x0], $0xffff  }
0x6e: {  	v17 =	vor.u32 $0x10, v17;
	vm0 =	vlt.f32 v25, $-5.000000070e-02  }
0x6f: {  	v33 =	vor.u32 v16, v22;
	v27 =	vld.idx.msk [tilespmem:v27+s10+$0x0], $0xffff;
	vm1 =	vgt.f32 v25, $5.000000070e-02;
	v25 =	vsel vm0, $0xBF800000, v2  }
0x70: {  	v21 =	vshll.u32 v28, $0x7;
	v18 =	vand.u32 $0x1F, v17;
	v25 =	vsel vm1, $0x3F800000, v25  }
0x71: {  	v22 =	vand.u32 $0x780, v21;
	[tilespmem:v29+s17+$0x0] =	vst.idx.msk $0xffff, v25;
	v25 =	vor.u32 v1, v18  }
0x72: {  	v29 =	vor.u32 v0, v22;
	v31 =	vld.idx.msk [tilespmem:v31+s10+$0x0], $0xffff;
	vm0 =	vlt.f32 v32, $-5.000000070e-02  }
0x73: {  	v34 =	vor.u32 v3, v30;
	vm1 =	vgt.f32 v32, $5.000000070e-02;
	v63 =	vsel vm0, $0xBF800000, v2  }
0x74: {  	vm0 =	vlt.f32 v27, $-5.000000070e-02;
	v32 =	vsel vm1, $0x3F800000, v63  }
0x75: {  	v36 =	vor.u32 v10, v19;
	vm1 =	vgt.f32 v27, $5.000000070e-02;
	v27 =	vsel vm0, $0xBF800000, v2;
	[tilespmem:v33+s17+$0x0] =	vst.idx.msk $0xffff, v32  }
0x76: {  	v37 =	vor.u32 v11, v23;
	v17 =	vshll.u32 v17, $0x7;
	v27 =	vsel vm1, $0x3F800000, v27;
	v25 =	vld.idx.msk [tilespmem:v25+s10+$0x0], $0xffff  }
0x77: {  	v24 =	vand.u32 $0x380, v24;
	v17 =	vand.u32 $0xC00, v17;
	[tilespmem:v29+s17+$0x0] =	vst.idx.msk $0xffff, v27;
	vm0 =	vlt.f32 v31, $-5.000000070e-02  }
0x78: {  	v17 =	vor.u32 v24, v17;
	v27 =	vld.idx.msk [tilespmem:v34+s10+$0x0], $0xffff;
	vm1 =	vgt.f32 v31, $5.000000070e-02;
	v29 =	vsel vm0, $0xBF800000, v2  }
0x79: {  	v24 =	vsel vm1, $0x3F800000, v29;
	v29 =	vor.u32 v0, v17  }
0x7a: {  	[tilespmem:v36+s17+$0x0] =	vst.idx.msk $0xffff, v24;
	v24 =	vor.u32 v3, v18  }
0x7b: {  	v31 =	vor.u32 v4, v22;
	v32 =	vld.idx.msk [tilespmem:v37+s10+$0x0], $0xffff;
	vm0 =	vlt.f32 v25, $-5.000000070e-02  }
0x7c: {  	v38 =	vor.u32 v5, v30;
	vm1 =	vgt.f32 v25, $5.000000070e-02;
	v25 =	vsel vm0, $0xBF800000, v2  }
0x7d: {  	vm0 =	vlt.f32 v27, $-5.000000070e-02;
	v25 =	vsel vm1, $0x3F800000, v25  }
0x7e: {  	vm1 =	vgt.f32 v27, $5.000000070e-02;
	v27 =	vsel vm0, $0xBF800000, v2;
	[tilespmem:v29+s17+$0x0] =	vst.idx.msk $0xffff, v25;
	v25 =	vor.u32 v12, v19  }
0x7f: {  	v27 =	vsel vm1, $0x3F800000, v27;
	v29 =	vor.u32 v13, v23;
	v24 =	vld.idx.msk [tilespmem:v24+s10+$0x0], $0xffff  }
0x80: {  	[tilespmem:v31+s17+$0x0] =	vst.idx.msk $0xffff, v27;
	vm0 =	vlt.f32 v32, $-5.000000070e-02  }
0x81: {  	v27 =	vld.idx.msk [tilespmem:v38+s10+$0x0], $0xffff;
	vm1 =	vgt.f32 v32, $5.000000070e-02;
	v31 =	vsel vm0, $0xBF800000, v2  }
0x82: {  	v39 =	vor.u32 v4, v17;
	v31 =	vsel vm1, $0x3F800000, v31  }
0x83: {  	[tilespmem:v25+s17+$0x0] =	vst.idx.msk $0xffff, v31;
	v25 =	vor.u32 v5, v18  }
0x84: {  	v31 =	vor.u32 v6, v22;
	v29 =	vld.idx.msk [tilespmem:v29+s10+$0x0], $0xffff;
	vm0 =	vlt.f32 v24, $-5.000000070e-02  }
0x85: {  	v40 =	vor.u32 v7, v30;
	vm1 =	vgt.f32 v24, $5.000000070e-02;
	v24 =	vsel vm0, $0xBF800000, v2  }
0x86: {  	vm0 =	vlt.f32 v27, $-5.000000070e-02;
	v24 =	vsel vm1, $0x3F800000, v24  }
0x87: {  	s12 =	simm.s32 $0x3;
	v41 =	vor.u32 v14, v19;
	vm1 =	vgt.f32 v27, $5.000000070e-02;
	v27 =	vsel vm0, $0xBF800000, v2;
	[tilespmem:v39+s17+$0x0] =	vst.idx.msk $0xffff, v24  }
0x88: {  	v24 =	vadd.s32 s12, v0;
	v27 =	vsel vm1, $0x3F800000, v27;
	v42 =	vld.idx.msk [tilespmem:v25+s10+$0x0], $0xffff  }
0x89: {  	v35 =	vor.u32 v15, v23;
	v25 =	vand.u32 $0xF, v24;
	[tilespmem:v31+s17+$0x0] =	vst.idx.msk $0xffff, v27;
	vm0 =	vlt.f32 v29, $-5.000000070e-02  }
0x8a: {  	v27 =	vld.idx.msk [tilespmem:v40+s10+$0x0], $0xffff;
	v31 =	vor.u32 v1, v25;
	vm1 =	vgt.f32 v29, $5.000000070e-02;
	v23 =	vsel vm0, $0xBF800000, v2  }
0x8b: {  	v51 =	vor.u32 v9, v18;
	v43 =	vor.u32 v6, v17;
	v29 =	vsel vm1, $0x3F800000, v23  }
0x8c: {  	v44 =	vand.u32 $0x380, v26;
	v50 =	vor.u32 v8, v17;
	[tilespmem:v41+s17+$0x0] =	vst.idx.msk $0xffff, v29;
	v29 =	vor.u32 v7, v18  }
0x8d: {  	v36 =	vor.u32 $0x10, v20;
	v37 =	vor.u32 v8, v22;
	vm0 =	vlt.f32 v42, $-5.000000070e-02  }
0x8e: {  	v38 =	vor.u32 v9, v30;
	v35 =	vld.idx.msk [tilespmem:v35+s10+$0x0], $0xffff;
	vm1 =	vgt.f32 v42, $5.000000070e-02;
	v26 =	vsel vm0, $0xBF800000, v2  }
0x8f: {  	v20 =	vand.u32 $0x1F, v36;
	v31 =	vld.idx.msk [tilespmem:v31+s10+$0x0], $0xffff;
	vm0 =	vlt.f32 v27, $-5.000000070e-02;
	v26 =	vsel vm1, $0x3F800000, v26  }
0x90: {  	v23 =	vshll.u32 v24, $0x7;
	vm1 =	vgt.f32 v27, $5.000000070e-02;
	v27 =	vsel vm0, $0xBF800000, v2;
	[tilespmem:v43+s17+$0x0] =	vst.idx.msk $0xffff, v26  }
0x91: {  	v19 =	vor.u32 v16, v19;
	v26 =	vand.u32 $0x780, v23;
	v27 =	vsel vm1, $0x3F800000, v27;
	v29 =	vld.idx.msk [tilespmem:v29+s10+$0x0], $0xffff  }
0x92: {  	v45 =	vor.u32 v1, v20;
	[tilespmem:v37+s17+$0x0] =	vst.idx.msk $0xffff, v27;
	v27 =	vor.u32 v0, v26  }
0x93: {  	v46 =	vshll.u32 v36, $0x7;
	v48 =	vor.u32 v3, v25;
	vm0 =	vlt.f32 v35, $-5.000000070e-02;
	v47 =	vld.idx.msk [tilespmem:v38+s10+$0x0], $0xffff  }
0x94: {  	vm1 =	vgt.f32 v35, $5.000000070e-02;
	v49 =	vsel vm0, $0xBF800000, v2;
	vm0 =	vlt.f32 v31, $-5.000000070e-02  }
0x95: {  	v35 =	vsel vm1, $0x3F800000, v49;
	vm1 =	vgt.f32 v31, $5.000000070e-02;
	v31 =	vsel vm0, $0xBF800000, v2  }
0x96: {  	[tilespmem:v19+s17+$0x0] =	vst.idx.msk $0xffff, v35;
	v19 =	vsel vm1, $0x3F800000, v31;
	v31 =	vor.u32 v10, v22;
	vm0 =	vlt.f32 v29, $-5.000000070e-02  }
0x97: {  	v39 =	vor.u32 v11, v30;
	v33 =	vld.idx.msk [tilespmem:v45+s10+$0x0], $0xffff;
	[tilespmem:v27+s17+$0x0] =	vst.idx.msk $0xffff, v19;
	vm1 =	vgt.f32 v29, $5.000000070e-02;
	v19 =	vsel vm0, $0xBF800000, v2  }
0x98: {  	v27 =	vand.u32 $0xC00, v46;
	vm0 =	vlt.f32 v47, $-5.000000070e-02;
	v52 =	vsel vm1, $0x3F800000, v19  }
0x99: {  	v29 =	vld.idx.msk [tilespmem:v48+s10+$0x0], $0xffff;
	vm1 =	vgt.f32 v47, $5.000000070e-02;
	v53 =	vsel vm0, $0xBF800000, v2;
	v19 =	vor.u32 v44, v27  }
0x9a: {  	[tilespmem:v50+s17+$0x0] =	vst.idx.msk $0xffff, v52;
	v27 =	vsel vm1, $0x3F800000, v53;
	v32 =	vor.u32 v0, v19  }
0x9b: {  	v34 =	vld.idx.msk [tilespmem:v51+s10+$0x0], $0xffff;
	[tilespmem:v31+s17+$0x0] =	vst.idx.msk $0xffff, v27;
	v27 =	vor.u32 v3, v20  }
0x9c: {  	v58 =	vor.u32 v11, v18;
	v31 =	vor.u32 v4, v26;
	vm0 =	vlt.f32 v33, $-5.000000070e-02  }
0x9d: {  	v56 =	vor.u32 v5, v25;
	v54 =	vld.idx.msk [tilespmem:v39+s10+$0x0], $0xffff;
	vm1 =	vgt.f32 v33, $5.000000070e-02;
	v55 =	vsel vm0, $0xBF800000, v2  }
0x9e: {  	v57 =	vor.u32 v10, v17;
	vm0 =	vlt.f32 v29, $-5.000000070e-02;
	v33 =	vsel vm1, $0x3F800000, v55  }
0x9f: {  	v59 =	vor.u32 v12, v22;
	vm1 =	vgt.f32 v29, $5.000000070e-02;
	v29 =	vsel vm0, $0xBF800000, v2;
	[tilespmem:v32+s17+$0x0] =	vst.idx.msk $0xffff, v33  }
0xa0: {  	v41 =	vor.u32 v13, v30;
	v29 =	vsel vm1, $0x3F800000, v29;
	v40 =	vld.idx.msk [tilespmem:v27+s10+$0x0], $0xffff;
	vm0 =	vlt.f32 v34, $-5.000000070e-02  }
0xa1: {  	v43 =	vor.u32 v5, v20;
	[tilespmem:v31+s17+$0x0] =	vst.idx.msk $0xffff, v29;
	vm1 =	vgt.f32 v34, $5.000000070e-02;
	v27 =	vsel vm0, $0xBF800000, v2  }
0xa2: {  	v37 =	vor.u32 v14, v22;
	vm0 =	vlt.f32 v54, $-5.000000070e-02;
	v31 =	vld.idx.msk [tilespmem:v56+s10+$0x0], $0xffff;
	v27 =	vsel vm1, $0x3F800000, v27  }
0xa3: {  	v38 =	vor.u32 v15, v30;
	vm1 =	vgt.f32 v54, $5.000000070e-02;
	v29 =	vsel vm0, $0xBF800000, v2;
	[tilespmem:v57+s17+$0x0] =	vst.idx.msk $0xffff, v27  }
0xa4: {  	v44 =	vor.u32 v6, v26;
	v61 =	vor.u32 v4, v19;
	v60 =	vsel vm1, $0x3F800000, v29;
	v42 =	vld.idx.msk [tilespmem:v58+s10+$0x0], $0xffff  }
0xa5: {  	s14 =	simm.s32 $0x4;
	v39 =	vor.u32 v7, v25;
	v33 =	vor.u32 $0x10, v28;
	[tilespmem:v59+s17+$0x0] =	vst.idx.msk $0xffff, v60;
	vm0 =	vlt.f32 v40, $-5.000000070e-02  }
0xa6: {  	v27 =	vadd.s32 s14, v0;
	vm1 =	vgt.f32 v40, $5.000000070e-02;
	v36 =	vld.idx.msk [tilespmem:v41+s10+$0x0], $0xffff;
	v28 =	vsel vm0, $0xBF800000, v2  }
0xa7: {  	v29 =	vor.u32 v12, v17;
	vm0 =	vlt.f32 v31, $-5.000000070e-02;
	v62 =	vsel vm1, $0x3F800000, v28  }
0xa8: {  	vm1 =	vgt.f32 v31, $5.000000070e-02;
	v31 =	vsel vm0, $0xBF800000, v2;
	v28 =	vor.u32 v13, v18  }
0xa9: {  	s0 =	sshll.u32 s1, $0x2;
	v32 =	vshll.u32 v27, $0x7;
	[tilespmem:v61+s17+$0x0] =	vst.idx.msk $0xffff, v62;
	v63 =	vsel vm1, $0x3F800000, v31;
	vm1 =	vlt.f32 v42, $-5.000000070e-02  }
0xaa: {  	s12 =	sadd.s32 s6, s0;
	s14 =	simm.s32 $0x5;
	v35 =	vand.u32 $0xF, v27;
	v31 =	vld.idx.msk [tilespmem:v43+s10+$0x0], $0xffff;
	[tilespmem:v44+s17+$0x0] =	vst.idx.msk $0xffff, v63;
	vm0 =	vgt.f32 v42, $5.000000070e-02;
	v30 =	vsel vm1, $0xBF800000, v2  }
.LBB2_3:
0xab: {  	p1 =	sne.s32 s14, $0xF;
	v39 =	vld.idx.msk [tilespmem:v39+s10+$0x0], $0xffff;
	v40 =	vand.u32 $0x380, v21;
	vm1 =	vlt.f32 v36, $-5.000000070e-02;
	v30 =	vsel vm0, $0x3F800000, v30;
	v21 =	vmovc v23;
	v23 =	vmovc v32  }
0xac: {  	v32 =	vor.u32 v1, v35;
	vm0 =	vgt.f32 v36, $5.000000070e-02;
	v34 =	vmovc v35;
	v36 =	vsel vm1, $0xBF800000, v2;
	[tilespmem:v29+s17+$0x0] =	vst.idx.msk $0xffff, v30  }
0xad: {  	v35 =	vor.u32 v6, v19;
	v30 =	vshll.u32 v33, $0x7;
	v29 =	vsel vm0, $0x3F800000, v36;
	v28 =	vld.idx.msk [tilespmem:v28+s10+$0x0], $0xffff  }
0xae: {  	v36 =	vor.u32 v11, v25;
	[tilespmem:v37+s17+$0x0] =	vst.idx.msk $0xffff, v29;
	v29 =	vand.u32 $0x1F, v33;
	v33 =	vor.u32 v7, v20  }
0xaf: {  	v41 =	vor.u32 v9, v25;
	v37 =	vor.u32 v8, v26;
	vm0 =	vlt.f32 v31, $-5.000000070e-02;
	v38 =	vld.idx.msk [tilespmem:v38+s10+$0x0], $0xffff  }
0xb0: {  	v42 =	vand.u32 $0x780, v23;
	vm1 =	vgt.f32 v31, $5.000000070e-02;
	v31 =	vsel vm0, $0xBF800000, v2  }
0xb1: {  	v43 =	vor.u32 v14, v17;
	vm0 =	vlt.f32 v39, $-5.000000070e-02;
	v31 =	vsel vm1, $0x3F800000, v31;
	v32 =	vld.idx.msk [tilespmem:v32+s10+$0x0], $0xffff  }
0xb2: {  	vm1 =	vgt.f32 v39, $5.000000070e-02;
	v39 =	vsel vm0, $0xBF800000, v2;
	[tilespmem:v35+s17+$0x0] =	vst.idx.msk $0xffff, v31;
	v31 =	vor.u32 v15, v18;
	v18 =	vmovc v20  }
0xb3: {  	v35 =	vsel vm1, $0x3F800000, v39;
	v39 =	vor.u32 v16, v22;
	vm0 =	vlt.f32 v28, $-5.000000070e-02;
	v20 =	vmovc v29;
	v22 =	vmovc v26;
	v33 =	vld.idx.msk [tilespmem:v33+s10+$0x0], $0xffff  }
0xb4: {  	vm1 =	vgt.f32 v28, $5.000000070e-02;
	v26 =	vmovc v42;
	v29 =	vor.u32 v1, v20;
	v28 =	vsel vm0, $0xBF800000, v2;
	[tilespmem:v37+s17+$0x0] =	vst.idx.msk $0xffff, v35  }
0xb5: {  	v35 =	vor.u32 v0, v26;
	vm0 =	vlt.f32 v38, $-5.000000070e-02;
	v28 =	vsel vm1, $0x3F800000, v28;
	v37 =	vld.idx.msk [tilespmem:v41+s10+$0x0], $0xffff  }
0xb6: {  	vm1 =	vgt.f32 v38, $5.000000070e-02;
	v41 =	vor.u32 v3, v34;
	v38 =	vsel vm0, $0xBF800000, v2;
	[tilespmem:v43+s17+$0x0] =	vst.idx.msk $0xffff, v28  }
0xb7: {  	vm0 =	vlt.f32 v32, $-5.000000070e-02;
	v28 =	vsel vm1, $0x3F800000, v38;
	v38 =	vor.u32 v8, v19;
	v31 =	vld.idx.msk [tilespmem:v31+s10+$0x0], $0xffff  }
0xb8: {  	vm1 =	vgt.f32 v32, $5.000000070e-02;
	v32 =	vsel vm0, $0xBF800000, v2;
	[tilespmem:v39+s17+$0x0] =	vst.idx.msk $0xffff, v28;
	v28 =	vor.u32 v9, v18  }
0xb9: {  	v32 =	vsel vm1, $0x3F800000, v32;
	v39 =	vor.u32 v10, v22;
	vm0 =	vlt.f32 v33, $-5.000000070e-02;
	v29 =	vld.idx.msk [tilespmem:v29+s10+$0x0], $0xffff  }
0xba: {  	v30 =	vand.u32 $0xC00, v30;
	vm1 =	vgt.f32 v33, $5.000000070e-02;
	[tilespmem:v35+s17+$0x0] =	vst.idx.msk $0xffff, v32;
	v32 =	vsel vm0, $0xBF800000, v2  }
0xbb: {  	vm0 =	vlt.f32 v37, $-5.000000070e-02;
	v35 =	vor.u32 v16, v17;
	v17 =	vmovc v19;
	v33 =	vld.idx.msk [tilespmem:v41+s10+$0x0], $0xffff;
	v32 =	vsel vm1, $0x3F800000, v32  }
0xbc: {  	v19 =	vor.u32 v40, v30;
	vm1 =	vgt.f32 v37, $5.000000070e-02;
	v37 =	vsel vm0, $0xBF800000, v2;
	[tilespmem:v38+s17+$0x0] =	vst.idx.msk $0xffff, v32  }
0xbd: {  	v30 =	vsel vm1, $0x3F800000, v37;
	v32 =	vor.u32 v0, v19;
	vm0 =	vlt.f32 v31, $-5.000000070e-02;
	v28 =	vld.idx.msk [tilespmem:v28+s10+$0x0], $0xffff  }
0xbe: {  	vm1 =	vgt.f32 v31, $5.000000070e-02;
	v31 =	vsel vm0, $0xBF800000, v2;
	[tilespmem:v39+s17+$0x0] =	vst.idx.msk $0xffff, v30;
	v30 =	vor.u32 v3, v20  }
0xbf: {  	v37 =	vor.u32 v4, v26;
	vm0 =	vlt.f32 v29, $-5.000000070e-02;
	v31 =	vsel vm1, $0x3F800000, v31;
	v36 =	vld.idx.msk [tilespmem:v36+s10+$0x0], $0xffff  }
0xc0: {  	v38 =	vor.u32 v5, v34;
	vm1 =	vgt.f32 v29, $5.000000070e-02;
	v29 =	vsel vm0, $0xBF800000, v2;
	[tilespmem:v35+s17+$0x0] =	vst.idx.msk $0xffff, v31  }
0xc1: {  	vm0 =	vlt.f32 v33, $-5.000000070e-02;
	v29 =	vsel vm1, $0x3F800000, v29;
	v31 =	vor.u32 v10, v17  }
0xc2: {  	vm1 =	vgt.f32 v33, $5.000000070e-02;
	v33 =	vsel vm0, $0xBF800000, v2;
	[tilespmem:v32+s17+$0x0] =	vst.idx.msk $0xffff, v29;
	v29 =	vor.u32 v11, v18  }
0xc3: {  	v32 =	vsel vm1, $0x3F800000, v33;
	v33 =	vor.u32 v12, v22;
	vm0 =	vlt.f32 v28, $-5.000000070e-02;
	v30 =	vld.idx.msk [tilespmem:v30+s10+$0x0], $0xffff  }
0xc4: {  	vm1 =	vgt.f32 v28, $5.000000070e-02;
	v28 =	vsel vm0, $0xBF800000, v2;
	[tilespmem:v37+s17+$0x0] =	vst.idx.msk $0xffff, v32;
	v37 =	vor.u32 v13, v25  }
0xc5: {  	vm0 =	vlt.f32 v36, $-5.000000070e-02;
	v28 =	vsel vm1, $0x3F800000, v28;
	v38 =	vld.idx.msk [tilespmem:v38+s10+$0x0], $0xffff  }
0xc6: {  	vm1 =	vgt.f32 v36, $5.000000070e-02;
	v32 =	vsel vm0, $0xBF800000, v2;
	[tilespmem:v31+s17+$0x0] =	vst.idx.msk $0xffff, v28  }
0xc7: {  	v40 =	vor.u32 v4, v19;
	v28 =	vadd.s32 s14, v0;
	v31 =	vsel vm1, $0x3F800000, v32;
	v41 =	vld.idx.msk [tilespmem:v29+s10+$0x0], $0xffff  }
0xc8: {  	v32 =	vshll.u32 v28, $0x7;
	[tilespmem:v33+s17+$0x0] =	vst.idx.msk $0xffff, v31;
	v33 =	vor.u32 $0x10, v24;
	v31 =	vor.u32 v5, v20;
	v24 =	vmovc v27  }
0xc9: {  	v42 =	vor.u32 v6, v26;
	v35 =	vand.u32 $0xF, v28;
	vm0 =	vlt.f32 v30, $-5.000000070e-02;
	v27 =	vmovc v28;
	v36 =	vld.idx.msk [tilespmem:v37+s10+$0x0], $0xffff  }
.Ltmp2:
0xca: {  	v39 =	vor.u32 v7, v34;
	vm1 =	vgt.f32 v30, $5.000000070e-02;
	v28 =	vsel vm0, $0xBF800000, v2;
	(pc) =	sbr.rel @p1 .LBB2_3-.Ltmp2, $4  }
0xcb: {  	v29 =	vor.u32 v12, v17;
	vm0 =	vlt.f32 v38, $-5.000000070e-02;
	v28 =	vsel vm1, $0x3F800000, v28  }
0xcc: {  	vm1 =	vgt.f32 v38, $5.000000070e-02;
	v30 =	vsel vm0, $0xBF800000, v2;
	[tilespmem:v40+s17+$0x0] =	vst.idx.msk $0xffff, v28;
	v28 =	vor.u32 v13, v18  }
0xcd: {  	v37 =	vor.u32 v14, v22;
	v30 =	vsel vm1, $0x3F800000, v30;
	vm1 =	vlt.f32 v41, $-5.000000070e-02;
	v31 =	vld.idx.msk [tilespmem:v31+s10+$0x0], $0xffff  }
0xce: {  	s14 =	sadd.s32 $0x1, s14;
	v38 =	vor.u32 v15, v25;
	v25 =	vmovc v34;
	vm0 =	vgt.f32 v41, $5.000000070e-02;
	[tilespmem:v42+s17+$0x0] =	vst.idx.msk $0xffff, v30;
	v30 =	vsel vm1, $0xBF800000, v2  }
0xcf: {  	v34 =	vor.u32 v1, v35;
	_ =	sdelay $0x4  }
0xd0: {  	v34 =	vld.idx.msk [tilespmem:v34+s10+$0x0], $0xffff;
	_ =	sdelay $0x1  }
0xd1: {  	v40 =	vand.u32 $0x780, v32  }
0xd2: {  	v41 =	vor.u32 v0, v40  }
0xd3: {  	v42 =	vor.u32 v3, v35  }
0xd4: {  	vm1 =	vlt.f32 v34, $-5.000000070e-02  }
0xd5: {  	v43 =	vsel vm1, $0xBF800000, v2;
	vm1 =	vgt.f32 v34, $5.000000070e-02  }
0xd6: {  	v34 =	vsel vm1, $0x3F800000, v43  }
0xd7: {  	[tilespmem:v41+s17+$0x0] =	vst.idx.msk $0xffff, v34  }
0xd8: {  	v34 =	vld.idx.msk [tilespmem:v42+s10+$0x0], $0xffff;
	_ =	sdelay $0x2  }
0xd9: {  	v45 =	vor.u32 v4, v40  }
0xda: {  	v46 =	vor.u32 v5, v35  }
0xdb: {  	vm1 =	vlt.f32 v34, $-5.000000070e-02  }
0xdc: {  	v47 =	vsel vm1, $0xBF800000, v2;
	vm1 =	vgt.f32 v34, $5.000000070e-02  }
0xdd: {  	v34 =	vsel vm1, $0x3F800000, v47  }
0xde: {  	[tilespmem:v45+s17+$0x0] =	vst.idx.msk $0xffff, v34  }
0xdf: {  	v34 =	vld.idx.msk [tilespmem:v46+s10+$0x0], $0xffff;
	_ =	sdelay $0x2  }
0xe0: {  	v48 =	vor.u32 v6, v40  }
0xe1: {  	v49 =	vor.u32 v7, v35  }
0xe2: {  	vm1 =	vlt.f32 v34, $-5.000000070e-02  }
0xe3: {  	v50 =	vsel vm1, $0xBF800000, v2;
	vm1 =	vgt.f32 v34, $5.000000070e-02  }
0xe4: {  	v51 =	vld.idx.msk [tilespmem:v39+s10+$0x0], $0xffff;
	v52 =	vsel vm1, $0x3F800000, v50  }
0xe5: {  	[tilespmem:v48+s17+$0x0] =	vst.idx.msk $0xffff, v52  }
0xe6: {  	v39 =	vld.idx.msk [tilespmem:v49+s10+$0x0], $0xffff  }
0xe7: {  	v53 =	vor.u32 v8, v26  }
0xe8: {  	v54 =	vor.u32 v9, v25  }
0xe9: {  	v55 =	vor.u32 v8, v40;
	vm1 =	vlt.f32 v51, $-5.000000070e-02  }
0xea: {  	v56 =	vor.u32 v9, v35;
	v44 =	vsel vm1, $0xBF800000, v2;
	vm1 =	vgt.f32 v51, $5.000000070e-02  }
0xeb: {  	v44 =	vsel vm1, $0x3F800000, v44;
	vm1 =	vlt.f32 v39, $-5.000000070e-02  }
0xec: {  	[tilespmem:v53+s17+$0x0] =	vst.idx.msk $0xffff, v44;
	v57 =	vsel vm1, $0xBF800000, v2;
	vm1 =	vgt.f32 v39, $5.000000070e-02  }
0xed: {  	v58 =	vld.idx.msk [tilespmem:v54+s10+$0x0], $0xffff;
	v41 =	vsel vm1, $0x3F800000, v57  }
0xee: {  	[tilespmem:v55+s17+$0x0] =	vst.idx.msk $0xffff, v41  }
0xef: {  	v34 =	vld.idx.msk [tilespmem:v56+s10+$0x0], $0xffff  }
0xf0: {  	v59 =	vor.u32 v10, v26  }
0xf1: {  	v60 =	vor.u32 v11, v25  }
0xf2: {  	v61 =	vor.u32 v10, v40;
	vm1 =	vlt.f32 v58, $-5.000000070e-02  }
0xf3: {  	v63 =	vor.u32 v11, v35;
	v62 =	vsel vm1, $0xBF800000, v2;
	vm1 =	vgt.f32 v58, $5.000000070e-02  }
0xf4: {  	v44 =	vsel vm1, $0x3F800000, v62;
	vm1 =	vlt.f32 v34, $-5.000000070e-02  }
0xf5: {  	[tilespmem:v59+s17+$0x0] =	vst.idx.msk $0xffff, v44;
	v48 =	vsel vm1, $0xBF800000, v2;
	vm1 =	vgt.f32 v34, $5.000000070e-02  }
0xf6: {  	v49 =	vld.idx.msk [tilespmem:v60+s10+$0x0], $0xffff;
	v41 =	vsel vm1, $0x3F800000, v48  }
0xf7: {  	[tilespmem:v61+s17+$0x0] =	vst.idx.msk $0xffff, v41  }
0xf8: {  	v39 =	vld.idx.msk [tilespmem:v63+s10+$0x0], $0xffff  }
0xf9: {  	v50 =	vor.u32 v12, v26  }
0xfa: {  	v51 =	vor.u32 v13, v25  }
0xfb: {  	v52 =	vor.u32 v12, v40;
	vm1 =	vlt.f32 v49, $-5.000000070e-02  }
0xfc: {  	v54 =	vor.u32 v13, v35;
	v53 =	vsel vm1, $0xBF800000, v2;
	vm1 =	vgt.f32 v49, $5.000000070e-02  }
0xfd: {  	v44 =	vsel vm1, $0x3F800000, v53;
	vm1 =	vlt.f32 v39, $-5.000000070e-02  }
0xfe: {  	[tilespmem:v50+s17+$0x0] =	vst.idx.msk $0xffff, v44;
	v55 =	vsel vm1, $0xBF800000, v2;
	vm1 =	vgt.f32 v39, $5.000000070e-02  }
0xff: {  	v56 =	vld.idx.msk [tilespmem:v51+s10+$0x0], $0xffff;
	v39 =	vsel vm1, $0x3F800000, v55;
	vm1 =	vlt.f32 v36, $-5.000000070e-02  }
0x100: {  	v57 =	vsel vm1, $0xBF800000, v2;
	vm1 =	vgt.f32 v36, $5.000000070e-02;
	[tilespmem:v52+s17+$0x0] =	vst.idx.msk $0xffff, v39  }
0x101: {  	v36 =	vsel vm1, $0x3F800000, v57;
	v34 =	vld.idx.msk [tilespmem:v54+s10+$0x0], $0xffff  }
0x102: {  	v58 =	vor.u32 v14, v26;
	[tilespmem:v37+s17+$0x0] =	vst.idx.msk $0xffff, v36  }
0x103: {  	v59 =	vor.u32 v15, v25;
	v37 =	vld.idx.msk [tilespmem:v38+s10+$0x0], $0xffff  }
0x104: {  	v60 =	vor.u32 v14, v40;
	vm1 =	vlt.f32 v56, $-5.000000070e-02  }
0x105: {  	v62 =	vor.u32 v15, v35;
	v61 =	vsel vm1, $0xBF800000, v2;
	vm1 =	vgt.f32 v56, $5.000000070e-02  }
0x106: {  	v22 =	vor.u32 v16, v22;
	v41 =	vsel vm1, $0x3F800000, v61;
	vm1 =	vlt.f32 v34, $-5.000000070e-02  }
0x107: {  	v25 =	vand.u32 $0x1F, v33;
	[tilespmem:v58+s17+$0x0] =	vst.idx.msk $0xffff, v41;
	v43 =	vsel vm1, $0xBF800000, v2;
	vm1 =	vgt.f32 v34, $5.000000070e-02  }
0x108: {  	v63 =	vor.u32 v1, v25;
	v44 =	vld.idx.msk [tilespmem:v59+s10+$0x0], $0xffff;
	v34 =	vsel vm1, $0x3F800000, v43;
	vm1 =	vlt.f32 v37, $-5.000000070e-02  }
0x109: {  	v21 =	vand.u32 $0x380, v21;
	v45 =	vsel vm1, $0xBF800000, v2;
	vm1 =	vgt.f32 v37, $5.000000070e-02;
	[tilespmem:v60+s17+$0x0] =	vst.idx.msk $0xffff, v34  }
0x10a: {  	v46 =	vshll.u32 v33, $0x7;
	v48 =	vor.u32 $0x10, v24;
	v47 =	vsel vm1, $0x3F800000, v45;
	v35 =	vld.idx.msk [tilespmem:v62+s10+$0x0], $0xffff  }
0x10b: {  	v24 =	vand.u32 $0x1F, v48;
	v49 =	vor.u32 v16, v26;
	[tilespmem:v22+s17+$0x0] =	vst.idx.msk $0xffff, v47;
	v22 =	vand.u32 $0xC00, v46  }
0x10c: {  	v27 =	vor.u32 $0x10, v27;
	v21 =	vor.u32 v21, v22;
	v22 =	vor.u32 v1, v24  }
0x10d: {  	v26 =	vand.u32 $0x1F, v27;
	v50 =	vor.u32 v16, v40;
	vm1 =	vlt.f32 v44, $-5.000000070e-02;
	v34 =	vld.idx.msk [tilespmem:v63+s10+$0x0], $0xffff  }
0x10e: {  	v52 =	vor.u32 v1, v26;
	v51 =	vsel vm1, $0xBF800000, v2;
	vm1 =	vgt.f32 v44, $5.000000070e-02  }
0x10f: {  	v54 =	vor.u32 v3, v25;
	v39 =	vsel vm1, $0x3F800000, v51;
	vm1 =	vlt.f32 v35, $-5.000000070e-02  }
0x110: {  	v56 =	vshll.u32 v48, $0x7;
	[tilespmem:v49+s17+$0x0] =	vst.idx.msk $0xffff, v39;
	v55 =	vsel vm1, $0xBF800000, v2;
	vm1 =	vgt.f32 v35, $5.000000070e-02  }
0x111: {  	v60 =	vand.u32 $0x380, v32;
	v53 =	vor.u32 v0, v21;
	v33 =	vsel vm1, $0x3F800000, v55;
	v57 =	vld.idx.msk [tilespmem:v22+s10+$0x0], $0xffff  }
0x112: {  	vm1 =	vlt.f32 v34, $-5.000000070e-02;
	v22 =	vand.u32 $0x380, v23;
	v23 =	vand.u32 $0xC00, v56;
	[tilespmem:v50+s17+$0x0] =	vst.idx.msk $0xffff, v33  }
0x113: {  	v58 =	vsel vm1, $0xBF800000, v2;
	v22 =	vor.u32 v22, v23;
	v23 =	vshll.u32 v27, $0x7;
	v27 =	vld.idx.msk [tilespmem:v52+s10+$0x0], $0xffff  }
0x114: {  	vm1 =	vgt.f32 v34, $5.000000070e-02;
	v59 =	vor.u32 v0, v22;
	v23 =	vand.u32 $0xC00, v23  }
0x115: {  	v61 =	vor.u32 v3, v24;
	v34 =	vsel vm1, $0x3F800000, v58;
	v23 =	vor.u32 v60, v23  }
0x116: {  	[tilespmem:v53+s17+$0x0] =	vst.idx.msk $0xffff, v34;
	v32 =	vor.u32 v0, v23;
	vm1 =	vlt.f32 v57, $-5.000000070e-02  }
0x117: {  	v63 =	vor.u32 v3, v26;
	v34 =	vld.idx.msk [tilespmem:v54+s10+$0x0], $0xffff;
	v62 =	vsel vm1, $0xBF800000, v2;
	vm1 =	vgt.f32 v57, $5.000000070e-02  }
0x118: {  	v36 =	vsel vm1, $0x3F800000, v62;
	vm1 =	vlt.f32 v27, $-5.000000070e-02  }
0x119: {  	[tilespmem:v59+s17+$0x0] =	vst.idx.msk $0xffff, v36;
	v40 =	vsel vm1, $0xBF800000, v2;
	vm1 =	vgt.f32 v27, $5.000000070e-02  }
0x11a: {  	v27 =	vor.u32 v4, v21;
	v35 =	vld.idx.msk [tilespmem:v61+s10+$0x0], $0xffff;
	v33 =	vsel vm1, $0x3F800000, v40  }
0x11b: {  	v41 =	vor.u32 v5, v25;
	[tilespmem:v32+s17+$0x0] =	vst.idx.msk $0xffff, v33  }
0x11c: {  	vm1 =	vlt.f32 v34, $-5.000000070e-02;
	v32 =	vld.idx.msk [tilespmem:v63+s10+$0x0], $0xffff  }
0x11d: {  	v43 =	vor.u32 v4, v22;
	v42 =	vsel vm1, $0xBF800000, v2;
	vm1 =	vgt.f32 v34, $5.000000070e-02  }
0x11e: {  	v44 =	vor.u32 v5, v24;
	v33 =	vsel vm1, $0x3F800000, v42  }
0x11f: {  	[tilespmem:v27+s17+$0x0] =	vst.idx.msk $0xffff, v33;
	v27 =	vor.u32 v4, v23;
	vm1 =	vlt.f32 v35, $-5.000000070e-02  }
0x120: {  	v46 =	vor.u32 v5, v26;
	v33 =	vld.idx.msk [tilespmem:v41+s10+$0x0], $0xffff;
	v45 =	vsel vm1, $0xBF800000, v2;
	vm1 =	vgt.f32 v35, $5.000000070e-02  }
0x121: {  	v47 =	vor.u32 v6, v19;
	v36 =	vsel vm1, $0x3F800000, v45;
	vm1 =	vlt.f32 v32, $-5.000000070e-02  }
0x122: {  	v48 =	vor.u32 v7, v20;
	[tilespmem:v43+s17+$0x0] =	vst.idx.msk $0xffff, v36;
	v49 =	vsel vm1, $0xBF800000, v2;
	vm1 =	vgt.f32 v32, $5.000000070e-02  }
0x123: {  	v50 =	vor.u32 v6, v21;
	v32 =	vsel vm1, $0x3F800000, v49;
	vm1 =	vlt.f32 v31, $-5.000000070e-02;
	v36 =	vld.idx.msk [tilespmem:v44+s10+$0x0], $0xffff  }
0x124: {  	v51 =	vsel vm1, $0xBF800000, v2;
	vm1 =	vgt.f32 v31, $5.000000070e-02;
	[tilespmem:v27+s17+$0x0] =	vst.idx.msk $0xffff, v32  }
0x125: {  	v31 =	vor.u32 v7, v25;
	v27 =	vsel vm1, $0x3F800000, v51;
	vm1 =	vlt.f32 v33, $-5.000000070e-02;
	v32 =	vld.idx.msk [tilespmem:v46+s10+$0x0], $0xffff  }
0x126: {  	v52 =	vor.u32 v6, v22;
	[tilespmem:v47+s17+$0x0] =	vst.idx.msk $0xffff, v27;
	v27 =	vsel vm1, $0xBF800000, v2;
	vm1 =	vgt.f32 v33, $5.000000070e-02  }
0x127: {  	v54 =	vor.u32 v7, v24;
	v27 =	vsel vm1, $0x3F800000, v27  }
0x128: {  	v53 =	vld.idx.msk [tilespmem:v48+s10+$0x0], $0xffff;
	[tilespmem:v50+s17+$0x0] =	vst.idx.msk $0xffff, v27;
	vm1 =	vlt.f32 v36, $-5.000000070e-02;
	v27 =	vor.u32 v6, v23  }
0x129: {  	v56 =	vor.u32 v7, v26;
	v55 =	vsel vm1, $0xBF800000, v2;
	vm1 =	vgt.f32 v36, $5.000000070e-02  }
0x12a: {  	v31 =	vld.idx.msk [tilespmem:v31+s10+$0x0], $0xffff;
	v34 =	vsel vm1, $0x3F800000, v55;
	vm1 =	vlt.f32 v32, $-5.000000070e-02  }
0x12b: {  	v57 =	vor.u32 v8, v19;
	[tilespmem:v52+s17+$0x0] =	vst.idx.msk $0xffff, v34;
	v58 =	vsel vm1, $0xBF800000, v2;
	vm1 =	vgt.f32 v32, $5.000000070e-02  }
0x12c: {  	v59 =	vor.u32 v9, v20;
	v33 =	vsel vm1, $0x3F800000, v58;
	v34 =	vld.idx.msk [tilespmem:v54+s10+$0x0], $0xffff  }
0x12d: {  	v61 =	vor.u32 v8, v21;
	vm1 =	vlt.f32 v53, $-5.000000070e-02;
	[tilespmem:v27+s17+$0x0] =	vst.idx.msk $0xffff, v33  }
0x12e: {  	v63 =	vor.u32 v9, v25;
	v60 =	vsel vm1, $0xBF800000, v2;
	vm1 =	vgt.f32 v53, $5.000000070e-02;
	v62 =	vld.idx.msk [tilespmem:v56+s10+$0x0], $0xffff  }
0x12f: {  	v42 =	vor.u32 v9, v24;
	v27 =	vsel vm1, $0x3F800000, v60;
	vm1 =	vlt.f32 v31, $-5.000000070e-02  }
0x130: {  	v41 =	vsel vm1, $0xBF800000, v2;
	vm1 =	vgt.f32 v31, $5.000000070e-02;
	[tilespmem:v57+s17+$0x0] =	vst.idx.msk $0xffff, v27;
	v31 =	vor.u32 v8, v22  }
0x131: {  	v43 =	vor.u32 v8, v23;
	v27 =	vsel vm1, $0x3F800000, v41;
	v32 =	vld.idx.msk [tilespmem:v59+s10+$0x0], $0xffff;
	vm1 =	vlt.f32 v34, $-5.000000070e-02  }
0x132: {  	v45 =	vor.u32 v9, v26;
	v44 =	vsel vm1, $0xBF800000, v2;
	vm1 =	vgt.f32 v34, $5.000000070e-02  }
0x133: {  	v30 =	vsel vm0, $0x3F800000, v30;
	[tilespmem:v61+s17+$0x0] =	vst.idx.msk $0xffff, v27;
	v27 =	vsel vm1, $0x3F800000, v44;
	vm1 =	vlt.f32 v62, $-5.000000070e-02  }
0x134: {  	[tilespmem:v29+s17+$0x0] =	vst.idx.msk $0xffff, v30;
	v46 =	vor.u32 v10, v19;
	v36 =	vld.idx.msk [tilespmem:v63+s10+$0x0], $0xffff;
	v47 =	vsel vm1, $0xBF800000, v2;
	vm1 =	vgt.f32 v62, $5.000000070e-02  }
0x135: {  	v18 =	vor.u32 v15, v18;
	v48 =	vor.u32 v11, v20;
	[tilespmem:v31+s17+$0x0] =	vst.idx.msk $0xffff, v27;
	v27 =	vsel vm1, $0x3F800000, v47  }
0x136: {  	v29 =	vor.u32 v12, v19;
	vm0 =	vlt.f32 v32, $-5.000000070e-02;
	v31 =	vld.idx.msk [tilespmem:v42+s10+$0x0], $0xffff;
	[tilespmem:v43+s17+$0x0] =	vst.idx.msk $0xffff, v27  }
0x137: {  	v49 =	vor.u32 v10, v21;
	vm1 =	vgt.f32 v32, $5.000000070e-02;
	v27 =	vsel vm0, $0xBF800000, v2;
	v34 =	vld.idx.msk [tilespmem:v45+s10+$0x0], $0xffff  }
0x138: {  	v30 =	vor.u32 v11, v25;
	v51 =	vor.u32 v11, v24;
	v27 =	vsel vm1, $0x3F800000, v27  }
0x139: {  	v55 =	vor.u32 v14, v17;
	vm0 =	vlt.f32 v36, $-5.000000070e-02;
	[tilespmem:v46+s17+$0x0] =	vst.idx.msk $0xffff, v27;
	v27 =	vor.u32 v10, v22  }
0x13a: {  	v52 =	vor.u32 v10, v23;
	vm1 =	vgt.f32 v36, $5.000000070e-02;
	v50 =	vsel vm0, $0xBF800000, v2;
	v33 =	vld.idx.msk [tilespmem:v48+s10+$0x0], $0xffff  }
0x13b: {  	v53 =	vor.u32 v11, v26;
	v35 =	vsel vm1, $0x3F800000, v50;
	vm0 =	vlt.f32 v31, $-5.000000070e-02  }
0x13c: {  	v28 =	vld.idx.msk [tilespmem:v28+s10+$0x0], $0xffff;
	[tilespmem:v49+s17+$0x0] =	vst.idx.msk $0xffff, v35;
	vm1 =	vgt.f32 v31, $5.000000070e-02;
	v31 =	vsel vm0, $0xBF800000, v2;
	vm0 =	vlt.f32 v34, $-5.000000070e-02  }
0x13d: {  	v30 =	vld.idx.msk [tilespmem:v30+s10+$0x0], $0xffff;
	v31 =	vsel vm1, $0x3F800000, v31;
	vm1 =	vgt.f32 v34, $5.000000070e-02;
	v54 =	vsel vm0, $0xBF800000, v2  }
0x13e: {  	v56 =	vor.u32 v13, v20;
	v60 =	vor.u32 v13, v25;
	[tilespmem:v27+s17+$0x0] =	vst.idx.msk $0xffff, v31;
	v27 =	vsel vm1, $0x3F800000, v54  }
0x13f: {  	v20 =	vor.u32 v15, v20;
	vm1 =	vlt.f32 v33, $-5.000000070e-02;
	v31 =	vld.idx.msk [tilespmem:v51+s10+$0x0], $0xffff;
	[tilespmem:v52+s17+$0x0] =	vst.idx.msk $0xffff, v27  }
0x140: {  	v57 =	vor.u32 v12, v21;
	v27 =	vsel vm1, $0xBF800000, v2;
	vm1 =	vgt.f32 v33, $5.000000070e-02;
	v58 =	vld.idx.msk [tilespmem:v53+s10+$0x0], $0xffff  }
0x141: {  	v61 =	vor.u32 v13, v24;
	vm0 =	vlt.f32 v28, $-5.000000070e-02;
	v27 =	vsel vm1, $0x3F800000, v27  }
0x142: {  	v59 =	vsel vm0, $0xBF800000, v2;
	vm0 =	vlt.f32 v30, $-5.000000070e-02;
	[tilespmem:v29+s17+$0x0] =	vst.idx.msk $0xffff, v27;
	v27 =	vor.u32 v12, v22  }
0x143: {  	v62 =	vor.u32 v12, v23;
	vm1 =	vgt.f32 v30, $5.000000070e-02;
	v30 =	vsel vm0, $0xBF800000, v2  }
0x144: {  	v63 =	vor.u32 v13, v26;
	v29 =	vld.idx.msk [tilespmem:v56+s10+$0x0], $0xffff;
	v30 =	vsel vm1, $0x3F800000, v30;
	vm0 =	vlt.f32 v31, $-5.000000070e-02  }
0x145: {  	[tilespmem:v57+s17+$0x0] =	vst.idx.msk $0xffff, v30;
	vm1 =	vgt.f32 v31, $5.000000070e-02;
	v30 =	vsel vm0, $0xBF800000, v2;
	vm0 =	vlt.f32 v58, $-5.000000070e-02  }
0x146: {  	v31 =	vld.idx.msk [tilespmem:v60+s10+$0x0], $0xffff;
	v30 =	vsel vm1, $0x3F800000, v30;
	vm1 =	vgt.f32 v58, $5.000000070e-02;
	v41 =	vsel vm0, $0xBF800000, v2  }
0x147: {  	v25 =	vor.u32 v15, v25;
	vm0 =	vgt.f32 v28, $5.000000070e-02;
	[tilespmem:v27+s17+$0x0] =	vst.idx.msk $0xffff, v30;
	v27 =	vsel vm1, $0x3F800000, v41  }
0x148: {  	v28 =	vor.u32 v14, v19;
	v30 =	vsel vm0, $0x3F800000, v59;
	v42 =	vld.idx.msk [tilespmem:v61+s10+$0x0], $0xffff;
	[tilespmem:v62+s17+$0x0] =	vst.idx.msk $0xffff, v27  }
0x149: {  	vm0 =	vlt.f32 v29, $-5.000000070e-02;
	vm1 =	vgt.f32 v29, $5.000000070e-02;
	v29 =	vor.u32 v14, v21;
	v43 =	vld.idx.msk [tilespmem:v63+s10+$0x0], $0xffff  }
0x14a: {  	v24 =	vor.u32 v15, v24;
	v44 =	vor.u32 v14, v23;
	[tilespmem:v55+s17+$0x0] =	vst.idx.msk $0xffff, v30  }
0x14b: {  	v27 =	vsel vm0, $0xBF800000, v2;
	v30 =	vor.u32 v14, v22;
	v18 =	vld.idx.msk [tilespmem:v18+s10+$0x0], $0xffff;
	vm0 =	vlt.f32 v31, $-5.000000070e-02  }
0x14c: {  	v27 =	vsel vm1, $0x3F800000, v27;
	vm1 =	vgt.f32 v31, $5.000000070e-02;
	v31 =	vsel vm0, $0xBF800000, v2  }
0x14d: {  	v26 =	vor.u32 v15, v26;
	[tilespmem:v28+s17+$0x0] =	vst.idx.msk $0xffff, v27;
	v27 =	vsel vm1, $0x3F800000, v31;
	vm0 =	vlt.f32 v42, $-5.000000070e-02  }
0x14e: {  	v20 =	vld.idx.msk [tilespmem:v20+s10+$0x0], $0xffff;
	[tilespmem:v29+s17+$0x0] =	vst.idx.msk $0xffff, v27;
	vm1 =	vgt.f32 v42, $5.000000070e-02;
	v27 =	vsel vm0, $0xBF800000, v2;
	vm0 =	vlt.f32 v43, $-5.000000070e-02  }
0x14f: {  	v25 =	vld.idx.msk [tilespmem:v25+s10+$0x0], $0xffff;
	v27 =	vsel vm1, $0x3F800000, v27;
	vm1 =	vgt.f32 v43, $5.000000070e-02;
	v28 =	vsel vm0, $0xBF800000, v2  }
0x150: {  	vm0 =	vlt.f32 v18, $-5.000000070e-02;
	[tilespmem:v30+s17+$0x0] =	vst.idx.msk $0xffff, v27;
	v27 =	vsel vm1, $0x3F800000, v28  }
0x151: {  	v17 =	vor.u32 v16, v17;
	vm1 =	vgt.f32 v18, $5.000000070e-02;
	v18 =	vsel vm0, $0xBF800000, v2;
	v24 =	vld.idx.msk [tilespmem:v24+s10+$0x0], $0xffff;
	[tilespmem:v44+s17+$0x0] =	vst.idx.msk $0xffff, v27  }
0x152: {  	v19 =	vor.u32 v16, v19;
	v18 =	vsel vm1, $0x3F800000, v18;
	v26 =	vld.idx.msk [tilespmem:v26+s10+$0x0], $0xffff  }
0x153: {  	vm0 =	vlt.f32 v20, $-5.000000070e-02;
	vm1 =	vgt.f32 v20, $5.000000070e-02;
	v20 =	vor.u32 v16, v21  }
0x154: {  	v22 =	vor.u32 v16, v22;
	v21 =	vsel vm0, $0xBF800000, v2;
	vm0 =	vlt.f32 v25, $-5.000000070e-02  }
0x155: {  	v23 =	vor.u32 v16, v23;
	v27 =	vsel vm0, $0xBF800000, v2;
	vm0 =	vgt.f32 v25, $5.000000070e-02  }
0x156: {  	[tilespmem:v17+s17+$0x0] =	vst.idx.msk $0xffff, v18;
	v17 =	vsel vm1, $0x3F800000, v21;
	v18 =	vsel vm0, $0x3F800000, v27;
	vm0 =	vlt.f32 v24, $-5.000000070e-02  }
0x157: {  	s3 =	sshll.u32 s12, $0x7;
	[tilespmem:v19+s17+$0x0] =	vst.idx.msk $0xffff, v17;
	vm1 =	vgt.f32 v24, $5.000000070e-02;
	v17 =	vsel vm0, $0xBF800000, v2;
	vm0 =	vlt.f32 v26, $-5.000000070e-02  }
0x158: {  	s7 =	sshll.u32 s12, $0x9;
	s3 =	sand.u32 $0x3E00, s3;
	[tilespmem:v20+s17+$0x0] =	vst.idx.msk $0xffff, v18;
	v17 =	vsel vm1, $0x3F800000, v17;
	vm1 =	vgt.f32 v26, $5.000000070e-02;
	v18 =	vsel vm0, $0xBF800000, v2  }
0x159: {  	s12 =	sand.u32 $0xFFF0000, s7;
	s3 =	sadd.s32 s2, s3;
	[tilespmem:v22+s17+$0x0] =	vst.idx.msk $0xffff, v17;
	v17 =	vsel vm1, $0x3F800000, v18  }
0x15a: {  	p1 =	seq.s32 s1, $0x31;
	s3 =	sadd.s32 s12, s3;
	[tilespmem:v23+s17+$0x0] =	vst.idx.msk $0xffff, v17  }
0x15b: {  	[hbm4b:s3+s18] =	stream.strided.scatter [tilespmem:s17], [sflag:$0x5], $0x1000, s19, s18, $0x38;
	[tilespmem:$0xE400] =	vst v63  }
0x15c: {  	s3 =	sshll.u32 @!p1 s1, $0x9  }
0x15d: {  	s14 =	simm.s32 @!p1 $0x80;
	s12 =	sand.u32 @!p1 $0x3FFFFE00, s3  }
0x15e: {  	s5 =	simm.s32 @!p1 $0x6400;
	s7 =	simm.s32 $0x0;
	s3 =	sadd.s32 @!p1 $0x200, s12  }
0x15f: {  	v17 =	vadd.s32 s7, v0;
	[tilespmem:s5], [sflag:$0x1] =	stream.indirect.gather @!p1 [hbm4b:s4+s14], $0x20, s3, s14, $0xb8;
	[tilespmem:$0xE400] =	vst v63  }
0x160: {  	v18 =	vand.u32 $0xF, v17;
	_ =	swait.ge [sflag:s20], $0x1000  }
0x161: {  	v19 =	vor.u32 v1, v18;
	[sflag:s20] =	ssyncset.done $0x0  }
0x162: {  	s3 =	simm.s32 @!p0 $0x6;
	[sflag:s20] =	ssyncadd.s32 $0xFFFFF000  }
0x163: {  	_ =	swait.ge @!p0 [sflag:s3], $0x1000  }
0x164: {  	[sflag:s3] =	ssyncset.done @!p0 $0x0  }
0x165: {  	[sflag:s3] =	ssyncadd.s32 @!p0 $0xFFFFF000  }
0x166: {  	v19 =	vld.idx.msk [tilespmem:v19+s11+$0x0], $0xffff  }
0x167: {  	v24 =	vshll.u32 v17, $0x7  }
0x168: {  	v22 =	vand.u32 $0x780, v24  }
0x169: {  	v20 =	vor.u32 v0, v22  }
0x16a: {  	v21 =	vor.u32 v3, v18  }
0x16b: {  	vm0 =	vlt.f32 v19, $-5.000000070e-02  }
0x16c: {  	vm1 =	vgt.f32 v19, $5.000000070e-02;
	v19 =	vsel vm0, $0xBF800000, v2  }
0x16d: {  	v19 =	vsel vm1, $0x3F800000, v19  }
0x16e: {  	[tilespmem:v20+s21+$0x0] =	vst.idx.msk $0xffff, v19  }
0x16f: {  	v19 =	vld.idx.msk [tilespmem:v21+s11+$0x0], $0xffff;
	_ =	sdelay $0x2  }
0x170: {  	v20 =	vor.u32 v4, v22  }
0x171: {  	v21 =	vor.u32 v5, v18  }
0x172: {  	vm0 =	vlt.f32 v19, $-5.000000070e-02  }
0x173: {  	vm1 =	vgt.f32 v19, $5.000000070e-02;
	v19 =	vsel vm0, $0xBF800000, v2  }
0x174: {  	v19 =	vsel vm1, $0x3F800000, v19  }
0x175: {  	[tilespmem:v20+s21+$0x0] =	vst.idx.msk $0xffff, v19  }
0x176: {  	v19 =	vld.idx.msk [tilespmem:v21+s11+$0x0], $0xffff;
	_ =	sdelay $0x2  }
0x177: {  	v21 =	vor.u32 v6, v22  }
0x178: {  	v25 =	vor.u32 v7, v18  }
0x179: {  	vm0 =	vlt.f32 v19, $-5.000000070e-02  }
0x17a: {  	s14 =	simm.s32 $0x1;
	vm1 =	vgt.f32 v19, $5.000000070e-02;
	v19 =	vsel vm0, $0xBF800000, v2  }
0x17b: {  	v20 =	vadd.s32 s14, v0;
	v19 =	vsel vm1, $0x3F800000, v19  }
0x17c: {  	v23 =	vand.u32 $0xF, v20;
	[tilespmem:v21+s21+$0x0] =	vst.idx.msk $0xffff, v19  }
0x17d: {  	v21 =	vor.u32 v1, v23;
	v19 =	vld.idx.msk [tilespmem:v25+s11+$0x0], $0xffff;
	_ =	sdelay $0x2  }
0x17e: {  	v25 =	vor.u32 v8, v22  }
0x17f: {  	v27 =	vor.u32 v9, v18  }
0x180: {  	v21 =	vld.idx.msk [tilespmem:v21+s11+$0x0], $0xffff;
	vm0 =	vlt.f32 v19, $-5.000000070e-02  }
0x181: {  	v26 =	vshll.u32 v20, $0x7;
	vm1 =	vgt.f32 v19, $5.000000070e-02;
	v28 =	vsel vm0, $0xBF800000, v2  }
0x182: {  	v19 =	vand.u32 $0x780, v26;
	v28 =	vsel vm1, $0x3F800000, v28  }
0x183: {  	[tilespmem:v25+s21+$0x0] =	vst.idx.msk $0xffff, v28;
	v25 =	vor.u32 v0, v19  }
0x184: {  	v28 =	vor.u32 v3, v23;
	v27 =	vld.idx.msk [tilespmem:v27+s11+$0x0], $0xffff  }
0x185: {  	vm0 =	vlt.f32 v21, $-5.000000070e-02  }
0x186: {  	vm1 =	vgt.f32 v21, $5.000000070e-02;
	v21 =	vsel vm0, $0xBF800000, v2  }
0x187: {  	v29 =	vor.u32 v10, v22;
	v21 =	vsel vm1, $0x3F800000, v21  }
0x188: {  	v30 =	vor.u32 v11, v18;
	[tilespmem:v25+s21+$0x0] =	vst.idx.msk $0xffff, v21  }
0x189: {  	v21 =	vld.idx.msk [tilespmem:v28+s11+$0x0], $0xffff;
	vm0 =	vlt.f32 v27, $-5.000000070e-02  }
0x18a: {  	vm1 =	vgt.f32 v27, $5.000000070e-02;
	v25 =	vsel vm0, $0xBF800000, v2  }
0x18b: {  	v25 =	vsel vm1, $0x3F800000, v25  }
0x18c: {  	[tilespmem:v29+s21+$0x0] =	vst.idx.msk $0xffff, v25;
	v25 =	vor.u32 v4, v19  }
0x18d: {  	v28 =	vor.u32 v5, v23;
	v27 =	vld.idx.msk [tilespmem:v30+s11+$0x0], $0xffff  }
0x18e: {  	vm0 =	vlt.f32 v21, $-5.000000070e-02  }
0x18f: {  	vm1 =	vgt.f32 v21, $5.000000070e-02;
	v21 =	vsel vm0, $0xBF800000, v2  }
0x190: {  	v29 =	vor.u32 v12, v22;
	v21 =	vsel vm1, $0x3F800000, v21  }
0x191: {  	[tilespmem:v25+s21+$0x0] =	vst.idx.msk $0xffff, v21;
	v21 =	vor.u32 v13, v18  }
0x192: {  	v25 =	vld.idx.msk [tilespmem:v28+s11+$0x0], $0xffff;
	vm0 =	vlt.f32 v27, $-5.000000070e-02  }
0x193: {  	vm1 =	vgt.f32 v27, $5.000000070e-02;
	v27 =	vsel vm0, $0xBF800000, v2  }
0x194: {  	v27 =	vsel vm1, $0x3F800000, v27  }
0x195: {  	[tilespmem:v29+s21+$0x0] =	vst.idx.msk $0xffff, v27;
	v27 =	vor.u32 v6, v19  }
0x196: {  	v29 =	vor.u32 v7, v23;
	v21 =	vld.idx.msk [tilespmem:v21+s11+$0x0], $0xffff  }
0x197: {  	vm0 =	vlt.f32 v25, $-5.000000070e-02  }
0x198: {  	vm1 =	vgt.f32 v25, $5.000000070e-02;
	v25 =	vsel vm0, $0xBF800000, v2  }
0x199: {  	v31 =	vor.u32 v14, v22;
	s5 =	simm.s32 $0x2;
	v25 =	vsel vm1, $0x3F800000, v25  }
0x19a: {  	v18 =	vor.u32 v15, v18;
	v28 =	vadd.s32 s5, v0;
	[tilespmem:v27+s21+$0x0] =	vst.idx.msk $0xffff, v25  }
0x19b: {  	v30 =	vand.u32 $0xF, v28;
	v25 =	vld.idx.msk [tilespmem:v29+s11+$0x0], $0xffff;
	vm0 =	vlt.f32 v21, $-5.000000070e-02  }
0x19c: {  	v27 =	vor.u32 v1, v30;
	vm1 =	vgt.f32 v21, $5.000000070e-02;
	v21 =	vsel vm0, $0xBF800000, v2  }
0x19d: {  	v21 =	vsel vm1, $0x3F800000, v21  }
0x19e: {  	v29 =	vor.u32 v8, v19;
	[tilespmem:v31+s21+$0x0] =	vst.idx.msk $0xffff, v21  }
0x19f: {  	v31 =	vor.u32 v9, v23;
	v45 =	vld.idx.msk [tilespmem:v18+s11+$0x0], $0xffff  }
0x1a0: {  	v17 =	vor.u32 $0x10, v17;
	vm0 =	vlt.f32 v25, $-5.000000070e-02  }
0x1a1: {  	v46 =	vor.u32 v16, v22;
	v27 =	vld.idx.msk [tilespmem:v27+s11+$0x0], $0xffff;
	vm1 =	vgt.f32 v25, $5.000000070e-02;
	v25 =	vsel vm0, $0xBF800000, v2  }
0x1a2: {  	v21 =	vshll.u32 v28, $0x7;
	v18 =	vand.u32 $0x1F, v17;
	v25 =	vsel vm1, $0x3F800000, v25  }
0x1a3: {  	v22 =	vand.u32 $0x780, v21;
	[tilespmem:v29+s21+$0x0] =	vst.idx.msk $0xffff, v25;
	v25 =	vor.u32 v1, v18  }
0x1a4: {  	v29 =	vor.u32 v0, v22;
	v31 =	vld.idx.msk [tilespmem:v31+s11+$0x0], $0xffff;
	vm0 =	vlt.f32 v45, $-5.000000070e-02  }
0x1a5: {  	v47 =	vor.u32 v3, v30;
	vm1 =	vgt.f32 v45, $5.000000070e-02;
	v48 =	vsel vm0, $0xBF800000, v2  }
0x1a6: {  	vm0 =	vlt.f32 v27, $-5.000000070e-02;
	v32 =	vsel vm1, $0x3F800000, v48  }
0x1a7: {  	v49 =	vor.u32 v10, v19;
	vm1 =	vgt.f32 v27, $5.000000070e-02;
	v27 =	vsel vm0, $0xBF800000, v2;
	[tilespmem:v46+s21+$0x0] =	vst.idx.msk $0xffff, v32  }
0x1a8: {  	v50 =	vor.u32 v11, v23;
	v17 =	vshll.u32 v17, $0x7;
	v27 =	vsel vm1, $0x3F800000, v27;
	v25 =	vld.idx.msk [tilespmem:v25+s11+$0x0], $0xffff  }
0x1a9: {  	v24 =	vand.u32 $0x380, v24;
	v17 =	vand.u32 $0xC00, v17;
	[tilespmem:v29+s21+$0x0] =	vst.idx.msk $0xffff, v27;
	vm0 =	vlt.f32 v31, $-5.000000070e-02  }
0x1aa: {  	v17 =	vor.u32 v24, v17;
	v27 =	vld.idx.msk [tilespmem:v47+s11+$0x0], $0xffff;
	vm1 =	vgt.f32 v31, $5.000000070e-02;
	v29 =	vsel vm0, $0xBF800000, v2  }
0x1ab: {  	v24 =	vsel vm1, $0x3F800000, v29;
	v29 =	vor.u32 v0, v17  }
0x1ac: {  	[tilespmem:v49+s21+$0x0] =	vst.idx.msk $0xffff, v24;
	v24 =	vor.u32 v3, v18  }
0x1ad: {  	v31 =	vor.u32 v4, v22;
	v32 =	vld.idx.msk [tilespmem:v50+s11+$0x0], $0xffff;
	vm0 =	vlt.f32 v25, $-5.000000070e-02  }
0x1ae: {  	v51 =	vor.u32 v5, v30;
	vm1 =	vgt.f32 v25, $5.000000070e-02;
	v25 =	vsel vm0, $0xBF800000, v2  }
0x1af: {  	vm0 =	vlt.f32 v27, $-5.000000070e-02;
	v25 =	vsel vm1, $0x3F800000, v25  }
0x1b0: {  	vm1 =	vgt.f32 v27, $5.000000070e-02;
	v27 =	vsel vm0, $0xBF800000, v2;
	[tilespmem:v29+s21+$0x0] =	vst.idx.msk $0xffff, v25;
	v25 =	vor.u32 v12, v19  }
0x1b1: {  	v27 =	vsel vm1, $0x3F800000, v27;
	v29 =	vor.u32 v13, v23;
	v24 =	vld.idx.msk [tilespmem:v24+s11+$0x0], $0xffff  }
0x1b2: {  	[tilespmem:v31+s21+$0x0] =	vst.idx.msk $0xffff, v27;
	vm0 =	vlt.f32 v32, $-5.000000070e-02  }
0x1b3: {  	v27 =	vld.idx.msk [tilespmem:v51+s11+$0x0], $0xffff;
	vm1 =	vgt.f32 v32, $5.000000070e-02;
	v31 =	vsel vm0, $0xBF800000, v2  }
0x1b4: {  	v52 =	vor.u32 v4, v17;
	v31 =	vsel vm1, $0x3F800000, v31  }
0x1b5: {  	[tilespmem:v25+s21+$0x0] =	vst.idx.msk $0xffff, v31;
	v25 =	vor.u32 v5, v18  }
0x1b6: {  	v31 =	vor.u32 v6, v22;
	v29 =	vld.idx.msk [tilespmem:v29+s11+$0x0], $0xffff;
	vm0 =	vlt.f32 v24, $-5.000000070e-02  }
0x1b7: {  	v53 =	vor.u32 v7, v30;
	vm1 =	vgt.f32 v24, $5.000000070e-02;
	v24 =	vsel vm0, $0xBF800000, v2  }
0x1b8: {  	vm0 =	vlt.f32 v27, $-5.000000070e-02;
	v24 =	vsel vm1, $0x3F800000, v24  }
0x1b9: {  	s7 =	simm.s32 $0x3;
	v54 =	vor.u32 v14, v19;
	vm1 =	vgt.f32 v27, $5.000000070e-02;
	v27 =	vsel vm0, $0xBF800000, v2;
	[tilespmem:v52+s21+$0x0] =	vst.idx.msk $0xffff, v24  }
0x1ba: {  	v24 =	vadd.s32 s7, v0;
	v27 =	vsel vm1, $0x3F800000, v27;
	v55 =	vld.idx.msk [tilespmem:v25+s11+$0x0], $0xffff  }
0x1bb: {  	v56 =	vor.u32 v15, v23;
	v25 =	vand.u32 $0xF, v24;
	[tilespmem:v31+s21+$0x0] =	vst.idx.msk $0xffff, v27;
	vm0 =	vlt.f32 v29, $-5.000000070e-02  }
0x1bc: {  	v27 =	vld.idx.msk [tilespmem:v53+s11+$0x0], $0xffff;
	v31 =	vor.u32 v1, v25;
	vm1 =	vgt.f32 v29, $5.000000070e-02;
	v23 =	vsel vm0, $0xBF800000, v2  }
0x1bd: {  	v57 =	vor.u32 v6, v17;
	v29 =	vsel vm1, $0x3F800000, v23  }
0x1be: {  	v58 =	vor.u32 $0x10, v20;
	v59 =	vand.u32 $0x380, v26;
	[tilespmem:v54+s21+$0x0] =	vst.idx.msk $0xffff, v29;
	v29 =	vor.u32 v7, v18  }
0x1bf: {  	v20 =	vand.u32 $0x1F, v58;
	v60 =	vor.u32 v8, v22;
	vm0 =	vlt.f32 v55, $-5.000000070e-02  }
0x1c0: {  	v61 =	vor.u32 v9, v30;
	v35 =	vld.idx.msk [tilespmem:v56+s11+$0x0], $0xffff;
	vm1 =	vgt.f32 v55, $5.000000070e-02;
	v26 =	vsel vm0, $0xBF800000, v2  }
0x1c1: {  	v62 =	vor.u32 v1, v20;
	v31 =	vld.idx.msk [tilespmem:v31+s11+$0x0], $0xffff;
	vm0 =	vlt.f32 v27, $-5.000000070e-02;
	v26 =	vsel vm1, $0x3F800000, v26  }
0x1c2: {  	v23 =	vshll.u32 v24, $0x7;
	vm1 =	vgt.f32 v27, $5.000000070e-02;
	v27 =	vsel vm0, $0xBF800000, v2;
	[tilespmem:v57+s21+$0x0] =	vst.idx.msk $0xffff, v26  }
0x1c3: {  	v19 =	vor.u32 v16, v19;
	v26 =	vand.u32 $0x780, v23;
	v27 =	vsel vm1, $0x3F800000, v27;
	v29 =	vld.idx.msk [tilespmem:v29+s11+$0x0], $0xffff  }
0x1c4: {  	v63 =	vshll.u32 v58, $0x7;
	v45 =	vor.u32 v8, v17;
	[tilespmem:v60+s21+$0x0] =	vst.idx.msk $0xffff, v27;
	v27 =	vor.u32 v0, v26  }
0x1c5: {  	v46 =	vor.u32 v9, v18;
	v43 =	vor.u32 v3, v25;
	vm0 =	vlt.f32 v35, $-5.000000070e-02;
	v42 =	vld.idx.msk [tilespmem:v61+s11+$0x0], $0xffff  }
0x1c6: {  	vm1 =	vgt.f32 v35, $5.000000070e-02;
	v44 =	vsel vm0, $0xBF800000, v2;
	vm0 =	vlt.f32 v31, $-5.000000070e-02  }
0x1c7: {  	v35 =	vsel vm1, $0x3F800000, v44;
	vm1 =	vgt.f32 v31, $5.000000070e-02;
	v31 =	vsel vm0, $0xBF800000, v2  }
0x1c8: {  	[tilespmem:v19+s21+$0x0] =	vst.idx.msk $0xffff, v35;
	v19 =	vsel vm1, $0x3F800000, v31;
	v31 =	vor.u32 v10, v22;
	vm0 =	vlt.f32 v29, $-5.000000070e-02  }
0x1c9: {  	v47 =	vor.u32 v11, v30;
	v33 =	vld.idx.msk [tilespmem:v62+s11+$0x0], $0xffff;
	[tilespmem:v27+s21+$0x0] =	vst.idx.msk $0xffff, v19;
	vm1 =	vgt.f32 v29, $5.000000070e-02;
	v19 =	vsel vm0, $0xBF800000, v2  }
0x1ca: {  	v27 =	vand.u32 $0xC00, v63;
	vm0 =	vlt.f32 v42, $-5.000000070e-02;
	v48 =	vsel vm1, $0x3F800000, v19  }
0x1cb: {  	v29 =	vld.idx.msk [tilespmem:v43+s11+$0x0], $0xffff;
	vm1 =	vgt.f32 v42, $5.000000070e-02;
	v49 =	vsel vm0, $0xBF800000, v2;
	v19 =	vor.u32 v59, v27  }
0x1cc: {  	[tilespmem:v45+s21+$0x0] =	vst.idx.msk $0xffff, v48;
	v27 =	vsel vm1, $0x3F800000, v49;
	v32 =	vor.u32 v0, v19  }
0x1cd: {  	v34 =	vld.idx.msk [tilespmem:v46+s11+$0x0], $0xffff;
	[tilespmem:v31+s21+$0x0] =	vst.idx.msk $0xffff, v27;
	v27 =	vor.u32 v3, v20  }
0x1ce: {  	v38 =	vor.u32 v15, v30;
	v31 =	vor.u32 v4, v26;
	vm0 =	vlt.f32 v33, $-5.000000070e-02  }
0x1cf: {  	v52 =	vor.u32 v5, v25;
	v50 =	vld.idx.msk [tilespmem:v47+s11+$0x0], $0xffff;
	vm1 =	vgt.f32 v33, $5.000000070e-02;
	v51 =	vsel vm0, $0xBF800000, v2  }
0x1d0: {  	v53 =	vor.u32 v10, v17;
	vm0 =	vlt.f32 v29, $-5.000000070e-02;
	v33 =	vsel vm1, $0x3F800000, v51  }
0x1d1: {  	v54 =	vor.u32 v11, v18;
	vm1 =	vgt.f32 v29, $5.000000070e-02;
	v29 =	vsel vm0, $0xBF800000, v2;
	[tilespmem:v32+s21+$0x0] =	vst.idx.msk $0xffff, v33  }
0x1d2: {  	v55 =	vor.u32 v12, v22;
	v29 =	vsel vm1, $0x3F800000, v29;
	v56 =	vld.idx.msk [tilespmem:v27+s11+$0x0], $0xffff;
	vm0 =	vlt.f32 v34, $-5.000000070e-02  }
0x1d3: {  	v57 =	vor.u32 v13, v30;
	[tilespmem:v31+s21+$0x0] =	vst.idx.msk $0xffff, v29;
	vm1 =	vgt.f32 v34, $5.000000070e-02;
	v27 =	vsel vm0, $0xBF800000, v2  }
0x1d4: {  	v37 =	vor.u32 v14, v22;
	vm0 =	vlt.f32 v50, $-5.000000070e-02;
	v31 =	vld.idx.msk [tilespmem:v52+s11+$0x0], $0xffff;
	v27 =	vsel vm1, $0x3F800000, v27  }
0x1d5: {  	v39 =	vor.u32 v7, v25;
	vm1 =	vgt.f32 v50, $5.000000070e-02;
	v29 =	vsel vm0, $0xBF800000, v2;
	[tilespmem:v53+s21+$0x0] =	vst.idx.msk $0xffff, v27  }
0x1d6: {  	v61 =	vor.u32 v5, v20;
	v59 =	vor.u32 v4, v19;
	v58 =	vsel vm1, $0x3F800000, v29;
	v60 =	vld.idx.msk [tilespmem:v54+s11+$0x0], $0xffff  }
0x1d7: {  	s14 =	simm.s32 $0x4;
	v62 =	vor.u32 v6, v26;
	v33 =	vor.u32 $0x10, v28;
	[tilespmem:v55+s21+$0x0] =	vst.idx.msk $0xffff, v58;
	vm0 =	vlt.f32 v56, $-5.000000070e-02  }
0x1d8: {  	v27 =	vadd.s32 s14, v0;
	vm1 =	vgt.f32 v56, $5.000000070e-02;
	v36 =	vld.idx.msk [tilespmem:v57+s11+$0x0], $0xffff;
	v28 =	vsel vm0, $0xBF800000, v2  }
0x1d9: {  	v29 =	vor.u32 v12, v17;
	vm0 =	vlt.f32 v31, $-5.000000070e-02;
	v40 =	vsel vm1, $0x3F800000, v28  }
0x1da: {  	vm1 =	vgt.f32 v31, $5.000000070e-02;
	v31 =	vsel vm0, $0xBF800000, v2;
	v28 =	vor.u32 v13, v18  }
0x1db: {  	s0 =	sadd.s32 s0, s6;
	v32 =	vshll.u32 v27, $0x7;
	[tilespmem:v59+s21+$0x0] =	vst.idx.msk $0xffff, v40;
	v63 =	vsel vm1, $0x3F800000, v31;
	vm1 =	vlt.f32 v60, $-5.000000070e-02  }
0x1dc: {  	s3 =	simm.s32 $0x5;
	s14 =	sadd.s32 $0x1, s0;
	v35 =	vand.u32 $0xF, v27;
	v31 =	vld.idx.msk [tilespmem:v61+s11+$0x0], $0xffff;
	[tilespmem:v62+s21+$0x0] =	vst.idx.msk $0xffff, v63;
	vm0 =	vgt.f32 v60, $5.000000070e-02;
	v30 =	vsel vm1, $0xBF800000, v2  }
.LBB2_5:
0x1dd: {  	p2 =	sne.s32 s3, $0xF;
	v39 =	vld.idx.msk [tilespmem:v39+s11+$0x0], $0xffff;
	v40 =	vand.u32 $0x380, v21;
	vm1 =	vlt.f32 v36, $-5.000000070e-02;
	v30 =	vsel vm0, $0x3F800000, v30;
	v21 =	vmovc v23;
	v23 =	vmovc v32  }
0x1de: {  	v32 =	vor.u32 v1, v35;
	vm0 =	vgt.f32 v36, $5.000000070e-02;
	v34 =	vmovc v35;
	v36 =	vsel vm1, $0xBF800000, v2;
	[tilespmem:v29+s21+$0x0] =	vst.idx.msk $0xffff, v30  }
0x1df: {  	v35 =	vor.u32 v6, v19;
	v30 =	vshll.u32 v33, $0x7;
	v29 =	vsel vm0, $0x3F800000, v36;
	v28 =	vld.idx.msk [tilespmem:v28+s11+$0x0], $0xffff  }
0x1e0: {  	v36 =	vor.u32 v11, v25;
	[tilespmem:v37+s21+$0x0] =	vst.idx.msk $0xffff, v29;
	v29 =	vand.u32 $0x1F, v33;
	v33 =	vor.u32 v7, v20  }
0x1e1: {  	v41 =	vor.u32 v9, v25;
	v37 =	vor.u32 v8, v26;
	vm0 =	vlt.f32 v31, $-5.000000070e-02;
	v38 =	vld.idx.msk [tilespmem:v38+s11+$0x0], $0xffff  }
0x1e2: {  	v42 =	vand.u32 $0x780, v23;
	vm1 =	vgt.f32 v31, $5.000000070e-02;
	v31 =	vsel vm0, $0xBF800000, v2  }
0x1e3: {  	v43 =	vor.u32 v14, v17;
	vm0 =	vlt.f32 v39, $-5.000000070e-02;
	v31 =	vsel vm1, $0x3F800000, v31;
	v32 =	vld.idx.msk [tilespmem:v32+s11+$0x0], $0xffff  }
0x1e4: {  	vm1 =	vgt.f32 v39, $5.000000070e-02;
	v39 =	vsel vm0, $0xBF800000, v2;
	[tilespmem:v35+s21+$0x0] =	vst.idx.msk $0xffff, v31;
	v31 =	vor.u32 v15, v18;
	v18 =	vmovc v20  }
0x1e5: {  	v35 =	vsel vm1, $0x3F800000, v39;
	v39 =	vor.u32 v16, v22;
	vm0 =	vlt.f32 v28, $-5.000000070e-02;
	v20 =	vmovc v29;
	v22 =	vmovc v26;
	v33 =	vld.idx.msk [tilespmem:v33+s11+$0x0], $0xffff  }
0x1e6: {  	vm1 =	vgt.f32 v28, $5.000000070e-02;
	v26 =	vmovc v42;
	v29 =	vor.u32 v1, v20;
	v28 =	vsel vm0, $0xBF800000, v2;
	[tilespmem:v37+s21+$0x0] =	vst.idx.msk $0xffff, v35  }
0x1e7: {  	v35 =	vor.u32 v0, v26;
	vm0 =	vlt.f32 v38, $-5.000000070e-02;
	v28 =	vsel vm1, $0x3F800000, v28;
	v37 =	vld.idx.msk [tilespmem:v41+s11+$0x0], $0xffff  }
0x1e8: {  	vm1 =	vgt.f32 v38, $5.000000070e-02;
	v41 =	vor.u32 v3, v34;
	v38 =	vsel vm0, $0xBF800000, v2;
	[tilespmem:v43+s21+$0x0] =	vst.idx.msk $0xffff, v28  }
0x1e9: {  	vm0 =	vlt.f32 v32, $-5.000000070e-02;
	v28 =	vsel vm1, $0x3F800000, v38;
	v38 =	vor.u32 v8, v19;
	v31 =	vld.idx.msk [tilespmem:v31+s11+$0x0], $0xffff  }
0x1ea: {  	vm1 =	vgt.f32 v32, $5.000000070e-02;
	v32 =	vsel vm0, $0xBF800000, v2;
	[tilespmem:v39+s21+$0x0] =	vst.idx.msk $0xffff, v28;
	v28 =	vor.u32 v9, v18  }
0x1eb: {  	v32 =	vsel vm1, $0x3F800000, v32;
	v39 =	vor.u32 v10, v22;
	vm0 =	vlt.f32 v33, $-5.000000070e-02;
	v29 =	vld.idx.msk [tilespmem:v29+s11+$0x0], $0xffff  }
0x1ec: {  	v30 =	vand.u32 $0xC00, v30;
	vm1 =	vgt.f32 v33, $5.000000070e-02;
	[tilespmem:v35+s21+$0x0] =	vst.idx.msk $0xffff, v32;
	v32 =	vsel vm0, $0xBF800000, v2  }
0x1ed: {  	vm0 =	vlt.f32 v37, $-5.000000070e-02;
	v35 =	vor.u32 v16, v17;
	v17 =	vmovc v19;
	v33 =	vld.idx.msk [tilespmem:v41+s11+$0x0], $0xffff;
	v32 =	vsel vm1, $0x3F800000, v32  }
0x1ee: {  	v19 =	vor.u32 v40, v30;
	vm1 =	vgt.f32 v37, $5.000000070e-02;
	v37 =	vsel vm0, $0xBF800000, v2;
	[tilespmem:v38+s21+$0x0] =	vst.idx.msk $0xffff, v32  }
0x1ef: {  	v30 =	vsel vm1, $0x3F800000, v37;
	v32 =	vor.u32 v0, v19;
	vm0 =	vlt.f32 v31, $-5.000000070e-02;
	v28 =	vld.idx.msk [tilespmem:v28+s11+$0x0], $0xffff  }
0x1f0: {  	vm1 =	vgt.f32 v31, $5.000000070e-02;
	v31 =	vsel vm0, $0xBF800000, v2;
	[tilespmem:v39+s21+$0x0] =	vst.idx.msk $0xffff, v30;
	v30 =	vor.u32 v3, v20  }
0x1f1: {  	v37 =	vor.u32 v4, v26;
	vm0 =	vlt.f32 v29, $-5.000000070e-02;
	v31 =	vsel vm1, $0x3F800000, v31;
	v36 =	vld.idx.msk [tilespmem:v36+s11+$0x0], $0xffff  }
0x1f2: {  	v38 =	vor.u32 v5, v34;
	vm1 =	vgt.f32 v29, $5.000000070e-02;
	v29 =	vsel vm0, $0xBF800000, v2;
	[tilespmem:v35+s21+$0x0] =	vst.idx.msk $0xffff, v31  }
0x1f3: {  	vm0 =	vlt.f32 v33, $-5.000000070e-02;
	v29 =	vsel vm1, $0x3F800000, v29;
	v31 =	vor.u32 v10, v17  }
0x1f4: {  	vm1 =	vgt.f32 v33, $5.000000070e-02;
	v33 =	vsel vm0, $0xBF800000, v2;
	[tilespmem:v32+s21+$0x0] =	vst.idx.msk $0xffff, v29;
	v29 =	vor.u32 v11, v18  }
0x1f5: {  	v32 =	vsel vm1, $0x3F800000, v33;
	v33 =	vor.u32 v12, v22;
	vm0 =	vlt.f32 v28, $-5.000000070e-02;
	v30 =	vld.idx.msk [tilespmem:v30+s11+$0x0], $0xffff  }
0x1f6: {  	vm1 =	vgt.f32 v28, $5.000000070e-02;
	v28 =	vsel vm0, $0xBF800000, v2;
	[tilespmem:v37+s21+$0x0] =	vst.idx.msk $0xffff, v32;
	v37 =	vor.u32 v13, v25  }
0x1f7: {  	vm0 =	vlt.f32 v36, $-5.000000070e-02;
	v28 =	vsel vm1, $0x3F800000, v28;
	v38 =	vld.idx.msk [tilespmem:v38+s11+$0x0], $0xffff  }
0x1f8: {  	vm1 =	vgt.f32 v36, $5.000000070e-02;
	v32 =	vsel vm0, $0xBF800000, v2;
	[tilespmem:v31+s21+$0x0] =	vst.idx.msk $0xffff, v28  }
0x1f9: {  	v40 =	vor.u32 v4, v19;
	v28 =	vadd.s32 s3, v0;
	v31 =	vsel vm1, $0x3F800000, v32;
	v41 =	vld.idx.msk [tilespmem:v29+s11+$0x0], $0xffff  }
0x1fa: {  	v32 =	vshll.u32 v28, $0x7;
	[tilespmem:v33+s21+$0x0] =	vst.idx.msk $0xffff, v31;
	v33 =	vor.u32 $0x10, v24;
	v31 =	vor.u32 v5, v20;
	v24 =	vmovc v27  }
0x1fb: {  	v42 =	vor.u32 v6, v26;
	v35 =	vand.u32 $0xF, v28;
	vm0 =	vlt.f32 v30, $-5.000000070e-02;
	v27 =	vmovc v28;
	v36 =	vld.idx.msk [tilespmem:v37+s11+$0x0], $0xffff  }
.Ltmp3:
0x1fc: {  	v39 =	vor.u32 v7, v34;
	vm1 =	vgt.f32 v30, $5.000000070e-02;
	v28 =	vsel vm0, $0xBF800000, v2;
	(pc) =	sbr.rel @p2 .LBB2_5-.Ltmp3, $4  }
0x1fd: {  	v29 =	vor.u32 v12, v17;
	vm0 =	vlt.f32 v38, $-5.000000070e-02;
	v28 =	vsel vm1, $0x3F800000, v28  }
0x1fe: {  	vm1 =	vgt.f32 v38, $5.000000070e-02;
	v30 =	vsel vm0, $0xBF800000, v2;
	[tilespmem:v40+s21+$0x0] =	vst.idx.msk $0xffff, v28;
	v28 =	vor.u32 v13, v18  }
0x1ff: {  	v37 =	vor.u32 v14, v22;
	v30 =	vsel vm1, $0x3F800000, v30;
	vm1 =	vlt.f32 v41, $-5.000000070e-02;
	v31 =	vld.idx.msk [tilespmem:v31+s11+$0x0], $0xffff  }
0x200: {  	s3 =	sadd.s32 $0x1, s3;
	v38 =	vor.u32 v15, v25;
	v25 =	vmovc v34;
	vm0 =	vgt.f32 v41, $5.000000070e-02;
	[tilespmem:v42+s21+$0x0] =	vst.idx.msk $0xffff, v30;
	v30 =	vsel vm1, $0xBF800000, v2  }
0x201: {  	v34 =	vor.u32 v1, v35;
	_ =	sdelay $0x4  }
0x202: {  	v34 =	vld.idx.msk [tilespmem:v34+s11+$0x0], $0xffff;
	_ =	sdelay $0x1  }
0x203: {  	v40 =	vand.u32 $0x780, v32  }
0x204: {  	v41 =	vor.u32 v0, v40  }
0x205: {  	v42 =	vor.u32 v3, v35  }
0x206: {  	vm1 =	vlt.f32 v34, $-5.000000070e-02  }
0x207: {  	v43 =	vsel vm1, $0xBF800000, v2;
	vm1 =	vgt.f32 v34, $5.000000070e-02  }
0x208: {  	v34 =	vsel vm1, $0x3F800000, v43  }
0x209: {  	[tilespmem:v41+s21+$0x0] =	vst.idx.msk $0xffff, v34  }
0x20a: {  	v34 =	vld.idx.msk [tilespmem:v42+s11+$0x0], $0xffff;
	_ =	sdelay $0x2  }
0x20b: {  	v45 =	vor.u32 v4, v40  }
0x20c: {  	v46 =	vor.u32 v5, v35  }
0x20d: {  	vm1 =	vlt.f32 v34, $-5.000000070e-02  }
0x20e: {  	v47 =	vsel vm1, $0xBF800000, v2;
	vm1 =	vgt.f32 v34, $5.000000070e-02  }
0x20f: {  	v34 =	vsel vm1, $0x3F800000, v47  }
0x210: {  	[tilespmem:v45+s21+$0x0] =	vst.idx.msk $0xffff, v34  }
0x211: {  	v34 =	vld.idx.msk [tilespmem:v46+s11+$0x0], $0xffff;
	_ =	sdelay $0x2  }
0x212: {  	v48 =	vor.u32 v6, v40  }
0x213: {  	v49 =	vor.u32 v7, v35  }
0x214: {  	vm1 =	vlt.f32 v34, $-5.000000070e-02  }
0x215: {  	v50 =	vsel vm1, $0xBF800000, v2;
	vm1 =	vgt.f32 v34, $5.000000070e-02  }
0x216: {  	v51 =	vld.idx.msk [tilespmem:v39+s11+$0x0], $0xffff;
	v52 =	vsel vm1, $0x3F800000, v50  }
0x217: {  	[tilespmem:v48+s21+$0x0] =	vst.idx.msk $0xffff, v52  }
0x218: {  	v39 =	vld.idx.msk [tilespmem:v49+s11+$0x0], $0xffff  }
0x219: {  	v53 =	vor.u32 v8, v26  }
0x21a: {  	v54 =	vor.u32 v9, v25  }
0x21b: {  	v55 =	vor.u32 v8, v40;
	vm1 =	vlt.f32 v51, $-5.000000070e-02  }
0x21c: {  	v56 =	vor.u32 v9, v35;
	v44 =	vsel vm1, $0xBF800000, v2;
	vm1 =	vgt.f32 v51, $5.000000070e-02  }
0x21d: {  	v44 =	vsel vm1, $0x3F800000, v44;
	vm1 =	vlt.f32 v39, $-5.000000070e-02  }
0x21e: {  	[tilespmem:v53+s21+$0x0] =	vst.idx.msk $0xffff, v44;
	v57 =	vsel vm1, $0xBF800000, v2;
	vm1 =	vgt.f32 v39, $5.000000070e-02  }
0x21f: {  	v58 =	vld.idx.msk [tilespmem:v54+s11+$0x0], $0xffff;
	v41 =	vsel vm1, $0x3F800000, v57  }
0x220: {  	[tilespmem:v55+s21+$0x0] =	vst.idx.msk $0xffff, v41  }
0x221: {  	v34 =	vld.idx.msk [tilespmem:v56+s11+$0x0], $0xffff  }
0x222: {  	v59 =	vor.u32 v10, v26  }
0x223: {  	v60 =	vor.u32 v11, v25  }
0x224: {  	v61 =	vor.u32 v10, v40;
	vm1 =	vlt.f32 v58, $-5.000000070e-02  }
0x225: {  	v63 =	vor.u32 v11, v35;
	v62 =	vsel vm1, $0xBF800000, v2;
	vm1 =	vgt.f32 v58, $5.000000070e-02  }
0x226: {  	v44 =	vsel vm1, $0x3F800000, v62;
	vm1 =	vlt.f32 v34, $-5.000000070e-02  }
0x227: {  	[tilespmem:v59+s21+$0x0] =	vst.idx.msk $0xffff, v44;
	v48 =	vsel vm1, $0xBF800000, v2;
	vm1 =	vgt.f32 v34, $5.000000070e-02  }
0x228: {  	v49 =	vld.idx.msk [tilespmem:v60+s11+$0x0], $0xffff;
	v41 =	vsel vm1, $0x3F800000, v48  }
0x229: {  	[tilespmem:v61+s21+$0x0] =	vst.idx.msk $0xffff, v41  }
0x22a: {  	v39 =	vld.idx.msk [tilespmem:v63+s11+$0x0], $0xffff  }
0x22b: {  	v50 =	vor.u32 v12, v26  }
0x22c: {  	v51 =	vor.u32 v13, v25  }
0x22d: {  	v52 =	vor.u32 v12, v40;
	vm1 =	vlt.f32 v49, $-5.000000070e-02  }
0x22e: {  	v54 =	vor.u32 v13, v35;
	v53 =	vsel vm1, $0xBF800000, v2;
	vm1 =	vgt.f32 v49, $5.000000070e-02  }
0x22f: {  	v44 =	vsel vm1, $0x3F800000, v53;
	vm1 =	vlt.f32 v39, $-5.000000070e-02  }
0x230: {  	[tilespmem:v50+s21+$0x0] =	vst.idx.msk $0xffff, v44;
	v55 =	vsel vm1, $0xBF800000, v2;
	vm1 =	vgt.f32 v39, $5.000000070e-02  }
0x231: {  	v56 =	vld.idx.msk [tilespmem:v51+s11+$0x0], $0xffff;
	v39 =	vsel vm1, $0x3F800000, v55;
	vm1 =	vlt.f32 v36, $-5.000000070e-02  }
0x232: {  	v57 =	vsel vm1, $0xBF800000, v2;
	vm1 =	vgt.f32 v36, $5.000000070e-02;
	[tilespmem:v52+s21+$0x0] =	vst.idx.msk $0xffff, v39  }
0x233: {  	v36 =	vsel vm1, $0x3F800000, v57;
	v34 =	vld.idx.msk [tilespmem:v54+s11+$0x0], $0xffff  }
0x234: {  	v58 =	vor.u32 v14, v26;
	[tilespmem:v37+s21+$0x0] =	vst.idx.msk $0xffff, v36  }
0x235: {  	v59 =	vor.u32 v15, v25;
	v37 =	vld.idx.msk [tilespmem:v38+s11+$0x0], $0xffff  }
0x236: {  	v60 =	vor.u32 v14, v40;
	vm1 =	vlt.f32 v56, $-5.000000070e-02  }
0x237: {  	v62 =	vor.u32 v15, v35;
	v61 =	vsel vm1, $0xBF800000, v2;
	vm1 =	vgt.f32 v56, $5.000000070e-02  }
0x238: {  	v22 =	vor.u32 v16, v22;
	v41 =	vsel vm1, $0x3F800000, v61;
	vm1 =	vlt.f32 v34, $-5.000000070e-02  }
0x239: {  	v25 =	vand.u32 $0x1F, v33;
	[tilespmem:v58+s21+$0x0] =	vst.idx.msk $0xffff, v41;
	v43 =	vsel vm1, $0xBF800000, v2;
	vm1 =	vgt.f32 v34, $5.000000070e-02  }
0x23a: {  	v63 =	vor.u32 v1, v25;
	v44 =	vld.idx.msk [tilespmem:v59+s11+$0x0], $0xffff;
	v34 =	vsel vm1, $0x3F800000, v43;
	vm1 =	vlt.f32 v37, $-5.000000070e-02  }
0x23b: {  	v21 =	vand.u32 $0x380, v21;
	v45 =	vsel vm1, $0xBF800000, v2;
	vm1 =	vgt.f32 v37, $5.000000070e-02;
	[tilespmem:v60+s21+$0x0] =	vst.idx.msk $0xffff, v34  }
0x23c: {  	v46 =	vshll.u32 v33, $0x7;
	v48 =	vor.u32 $0x10, v24;
	v47 =	vsel vm1, $0x3F800000, v45;
	v35 =	vld.idx.msk [tilespmem:v62+s11+$0x0], $0xffff  }
0x23d: {  	v24 =	vand.u32 $0x1F, v48;
	v49 =	vor.u32 v16, v26;
	[tilespmem:v22+s21+$0x0] =	vst.idx.msk $0xffff, v47;
	v22 =	vand.u32 $0xC00, v46  }
0x23e: {  	v27 =	vor.u32 $0x10, v27;
	v21 =	vor.u32 v21, v22;
	v22 =	vor.u32 v1, v24  }
0x23f: {  	v26 =	vand.u32 $0x1F, v27;
	v50 =	vor.u32 v16, v40;
	vm1 =	vlt.f32 v44, $-5.000000070e-02;
	v34 =	vld.idx.msk [tilespmem:v63+s11+$0x0], $0xffff  }
0x240: {  	v52 =	vor.u32 v1, v26;
	v51 =	vsel vm1, $0xBF800000, v2;
	vm1 =	vgt.f32 v44, $5.000000070e-02  }
0x241: {  	v54 =	vor.u32 v3, v25;
	v39 =	vsel vm1, $0x3F800000, v51;
	vm1 =	vlt.f32 v35, $-5.000000070e-02  }
0x242: {  	v56 =	vshll.u32 v48, $0x7;
	[tilespmem:v49+s21+$0x0] =	vst.idx.msk $0xffff, v39;
	v55 =	vsel vm1, $0xBF800000, v2;
	vm1 =	vgt.f32 v35, $5.000000070e-02  }
0x243: {  	v60 =	vand.u32 $0x380, v32;
	v53 =	vor.u32 v0, v21;
	v33 =	vsel vm1, $0x3F800000, v55;
	v57 =	vld.idx.msk [tilespmem:v22+s11+$0x0], $0xffff  }
0x244: {  	vm1 =	vlt.f32 v34, $-5.000000070e-02;
	v22 =	vand.u32 $0x380, v23;
	v23 =	vand.u32 $0xC00, v56;
	[tilespmem:v50+s21+$0x0] =	vst.idx.msk $0xffff, v33  }
0x245: {  	v58 =	vsel vm1, $0xBF800000, v2;
	v22 =	vor.u32 v22, v23;
	v23 =	vshll.u32 v27, $0x7;
	v27 =	vld.idx.msk [tilespmem:v52+s11+$0x0], $0xffff  }
0x246: {  	vm1 =	vgt.f32 v34, $5.000000070e-02;
	v59 =	vor.u32 v0, v22;
	v23 =	vand.u32 $0xC00, v23  }
0x247: {  	v61 =	vor.u32 v3, v24;
	v34 =	vsel vm1, $0x3F800000, v58;
	v23 =	vor.u32 v60, v23  }
0x248: {  	[tilespmem:v53+s21+$0x0] =	vst.idx.msk $0xffff, v34;
	v32 =	vor.u32 v0, v23;
	vm1 =	vlt.f32 v57, $-5.000000070e-02  }
0x249: {  	v63 =	vor.u32 v3, v26;
	v34 =	vld.idx.msk [tilespmem:v54+s11+$0x0], $0xffff;
	v62 =	vsel vm1, $0xBF800000, v2;
	vm1 =	vgt.f32 v57, $5.000000070e-02  }
0x24a: {  	v36 =	vsel vm1, $0x3F800000, v62;
	vm1 =	vlt.f32 v27, $-5.000000070e-02  }
0x24b: {  	[tilespmem:v59+s21+$0x0] =	vst.idx.msk $0xffff, v36;
	v40 =	vsel vm1, $0xBF800000, v2;
	vm1 =	vgt.f32 v27, $5.000000070e-02  }
0x24c: {  	v27 =	vor.u32 v4, v21;
	v35 =	vld.idx.msk [tilespmem:v61+s11+$0x0], $0xffff;
	v33 =	vsel vm1, $0x3F800000, v40  }
0x24d: {  	v41 =	vor.u32 v5, v25;
	[tilespmem:v32+s21+$0x0] =	vst.idx.msk $0xffff, v33  }
0x24e: {  	vm1 =	vlt.f32 v34, $-5.000000070e-02;
	v32 =	vld.idx.msk [tilespmem:v63+s11+$0x0], $0xffff  }
0x24f: {  	v43 =	vor.u32 v4, v22;
	v42 =	vsel vm1, $0xBF800000, v2;
	vm1 =	vgt.f32 v34, $5.000000070e-02  }
0x250: {  	v44 =	vor.u32 v5, v24;
	v33 =	vsel vm1, $0x3F800000, v42  }
0x251: {  	[tilespmem:v27+s21+$0x0] =	vst.idx.msk $0xffff, v33;
	v27 =	vor.u32 v4, v23;
	vm1 =	vlt.f32 v35, $-5.000000070e-02  }
0x252: {  	v46 =	vor.u32 v5, v26;
	v33 =	vld.idx.msk [tilespmem:v41+s11+$0x0], $0xffff;
	v45 =	vsel vm1, $0xBF800000, v2;
	vm1 =	vgt.f32 v35, $5.000000070e-02  }
0x253: {  	v47 =	vor.u32 v6, v19;
	v36 =	vsel vm1, $0x3F800000, v45;
	vm1 =	vlt.f32 v32, $-5.000000070e-02  }
0x254: {  	v48 =	vor.u32 v7, v20;
	[tilespmem:v43+s21+$0x0] =	vst.idx.msk $0xffff, v36;
	v49 =	vsel vm1, $0xBF800000, v2;
	vm1 =	vgt.f32 v32, $5.000000070e-02  }
0x255: {  	v50 =	vor.u32 v6, v21;
	v32 =	vsel vm1, $0x3F800000, v49;
	vm1 =	vlt.f32 v31, $-5.000000070e-02;
	v36 =	vld.idx.msk [tilespmem:v44+s11+$0x0], $0xffff  }
0x256: {  	v51 =	vsel vm1, $0xBF800000, v2;
	vm1 =	vgt.f32 v31, $5.000000070e-02;
	[tilespmem:v27+s21+$0x0] =	vst.idx.msk $0xffff, v32  }
0x257: {  	v31 =	vor.u32 v7, v25;
	v27 =	vsel vm1, $0x3F800000, v51;
	vm1 =	vlt.f32 v33, $-5.000000070e-02;
	v32 =	vld.idx.msk [tilespmem:v46+s11+$0x0], $0xffff  }
0x258: {  	v52 =	vor.u32 v6, v22;
	[tilespmem:v47+s21+$0x0] =	vst.idx.msk $0xffff, v27;
	v27 =	vsel vm1, $0xBF800000, v2;
	vm1 =	vgt.f32 v33, $5.000000070e-02  }
0x259: {  	v54 =	vor.u32 v7, v24;
	v27 =	vsel vm1, $0x3F800000, v27  }
0x25a: {  	v53 =	vld.idx.msk [tilespmem:v48+s11+$0x0], $0xffff;
	[tilespmem:v50+s21+$0x0] =	vst.idx.msk $0xffff, v27;
	vm1 =	vlt.f32 v36, $-5.000000070e-02;
	v27 =	vor.u32 v6, v23  }
0x25b: {  	v56 =	vor.u32 v7, v26;
	v55 =	vsel vm1, $0xBF800000, v2;
	vm1 =	vgt.f32 v36, $5.000000070e-02  }
0x25c: {  	v31 =	vld.idx.msk [tilespmem:v31+s11+$0x0], $0xffff;
	v34 =	vsel vm1, $0x3F800000, v55;
	vm1 =	vlt.f32 v32, $-5.000000070e-02  }
0x25d: {  	v57 =	vor.u32 v8, v19;
	[tilespmem:v52+s21+$0x0] =	vst.idx.msk $0xffff, v34;
	v58 =	vsel vm1, $0xBF800000, v2;
	vm1 =	vgt.f32 v32, $5.000000070e-02  }
0x25e: {  	v59 =	vor.u32 v9, v20;
	v33 =	vsel vm1, $0x3F800000, v58;
	v34 =	vld.idx.msk [tilespmem:v54+s11+$0x0], $0xffff  }
0x25f: {  	v61 =	vor.u32 v8, v21;
	vm1 =	vlt.f32 v53, $-5.000000070e-02;
	[tilespmem:v27+s21+$0x0] =	vst.idx.msk $0xffff, v33  }
0x260: {  	v63 =	vor.u32 v9, v25;
	v60 =	vsel vm1, $0xBF800000, v2;
	vm1 =	vgt.f32 v53, $5.000000070e-02;
	v62 =	vld.idx.msk [tilespmem:v56+s11+$0x0], $0xffff  }
0x261: {  	v42 =	vor.u32 v9, v24;
	v27 =	vsel vm1, $0x3F800000, v60;
	vm1 =	vlt.f32 v31, $-5.000000070e-02  }
0x262: {  	v41 =	vsel vm1, $0xBF800000, v2;
	vm1 =	vgt.f32 v31, $5.000000070e-02;
	[tilespmem:v57+s21+$0x0] =	vst.idx.msk $0xffff, v27;
	v31 =	vor.u32 v8, v22  }
0x263: {  	v43 =	vor.u32 v8, v23;
	v27 =	vsel vm1, $0x3F800000, v41;
	v32 =	vld.idx.msk [tilespmem:v59+s11+$0x0], $0xffff;
	vm1 =	vlt.f32 v34, $-5.000000070e-02  }
0x264: {  	v45 =	vor.u32 v9, v26;
	v44 =	vsel vm1, $0xBF800000, v2;
	vm1 =	vgt.f32 v34, $5.000000070e-02  }
0x265: {  	v30 =	vsel vm0, $0x3F800000, v30;
	[tilespmem:v61+s21+$0x0] =	vst.idx.msk $0xffff, v27;
	v27 =	vsel vm1, $0x3F800000, v44;
	vm1 =	vlt.f32 v62, $-5.000000070e-02  }
0x266: {  	[tilespmem:v29+s21+$0x0] =	vst.idx.msk $0xffff, v30;
	v46 =	vor.u32 v10, v19;
	v36 =	vld.idx.msk [tilespmem:v63+s11+$0x0], $0xffff;
	v47 =	vsel vm1, $0xBF800000, v2;
	vm1 =	vgt.f32 v62, $5.000000070e-02  }
0x267: {  	v18 =	vor.u32 v15, v18;
	v48 =	vor.u32 v11, v20;
	[tilespmem:v31+s21+$0x0] =	vst.idx.msk $0xffff, v27;
	v27 =	vsel vm1, $0x3F800000, v47  }
0x268: {  	v29 =	vor.u32 v12, v19;
	vm0 =	vlt.f32 v32, $-5.000000070e-02;
	v31 =	vld.idx.msk [tilespmem:v42+s11+$0x0], $0xffff;
	[tilespmem:v43+s21+$0x0] =	vst.idx.msk $0xffff, v27  }
0x269: {  	v49 =	vor.u32 v10, v21;
	vm1 =	vgt.f32 v32, $5.000000070e-02;
	v27 =	vsel vm0, $0xBF800000, v2;
	v34 =	vld.idx.msk [tilespmem:v45+s11+$0x0], $0xffff  }
0x26a: {  	v30 =	vor.u32 v11, v25;
	v51 =	vor.u32 v11, v24;
	v27 =	vsel vm1, $0x3F800000, v27  }
0x26b: {  	v55 =	vor.u32 v14, v17;
	vm0 =	vlt.f32 v36, $-5.000000070e-02;
	[tilespmem:v46+s21+$0x0] =	vst.idx.msk $0xffff, v27;
	v27 =	vor.u32 v10, v22  }
0x26c: {  	v52 =	vor.u32 v10, v23;
	vm1 =	vgt.f32 v36, $5.000000070e-02;
	v50 =	vsel vm0, $0xBF800000, v2;
	v33 =	vld.idx.msk [tilespmem:v48+s11+$0x0], $0xffff  }
0x26d: {  	v53 =	vor.u32 v11, v26;
	v35 =	vsel vm1, $0x3F800000, v50;
	vm0 =	vlt.f32 v31, $-5.000000070e-02  }
0x26e: {  	v28 =	vld.idx.msk [tilespmem:v28+s11+$0x0], $0xffff;
	[tilespmem:v49+s21+$0x0] =	vst.idx.msk $0xffff, v35;
	vm1 =	vgt.f32 v31, $5.000000070e-02;
	v31 =	vsel vm0, $0xBF800000, v2;
	vm0 =	vlt.f32 v34, $-5.000000070e-02  }
0x26f: {  	v30 =	vld.idx.msk [tilespmem:v30+s11+$0x0], $0xffff;
	v31 =	vsel vm1, $0x3F800000, v31;
	vm1 =	vgt.f32 v34, $5.000000070e-02;
	v54 =	vsel vm0, $0xBF800000, v2  }
0x270: {  	v56 =	vor.u32 v13, v20;
	v60 =	vor.u32 v13, v25;
	[tilespmem:v27+s21+$0x0] =	vst.idx.msk $0xffff, v31;
	v27 =	vsel vm1, $0x3F800000, v54  }
0x271: {  	v20 =	vor.u32 v15, v20;
	vm1 =	vlt.f32 v33, $-5.000000070e-02;
	v31 =	vld.idx.msk [tilespmem:v51+s11+$0x0], $0xffff;
	[tilespmem:v52+s21+$0x0] =	vst.idx.msk $0xffff, v27  }
0x272: {  	v57 =	vor.u32 v12, v21;
	v27 =	vsel vm1, $0xBF800000, v2;
	vm1 =	vgt.f32 v33, $5.000000070e-02;
	v58 =	vld.idx.msk [tilespmem:v53+s11+$0x0], $0xffff  }
0x273: {  	v61 =	vor.u32 v13, v24;
	vm0 =	vlt.f32 v28, $-5.000000070e-02;
	v27 =	vsel vm1, $0x3F800000, v27  }
0x274: {  	v59 =	vsel vm0, $0xBF800000, v2;
	vm0 =	vlt.f32 v30, $-5.000000070e-02;
	[tilespmem:v29+s21+$0x0] =	vst.idx.msk $0xffff, v27;
	v27 =	vor.u32 v12, v22  }
0x275: {  	v62 =	vor.u32 v12, v23;
	vm1 =	vgt.f32 v30, $5.000000070e-02;
	v30 =	vsel vm0, $0xBF800000, v2  }
0x276: {  	v63 =	vor.u32 v13, v26;
	v29 =	vld.idx.msk [tilespmem:v56+s11+$0x0], $0xffff;
	v30 =	vsel vm1, $0x3F800000, v30;
	vm0 =	vlt.f32 v31, $-5.000000070e-02  }
0x277: {  	[tilespmem:v57+s21+$0x0] =	vst.idx.msk $0xffff, v30;
	vm1 =	vgt.f32 v31, $5.000000070e-02;
	v30 =	vsel vm0, $0xBF800000, v2;
	vm0 =	vlt.f32 v58, $-5.000000070e-02  }
0x278: {  	v31 =	vld.idx.msk [tilespmem:v60+s11+$0x0], $0xffff;
	v30 =	vsel vm1, $0x3F800000, v30;
	vm1 =	vgt.f32 v58, $5.000000070e-02;
	v41 =	vsel vm0, $0xBF800000, v2  }
0x279: {  	v25 =	vor.u32 v15, v25;
	vm0 =	vgt.f32 v28, $5.000000070e-02;
	[tilespmem:v27+s21+$0x0] =	vst.idx.msk $0xffff, v30;
	v27 =	vsel vm1, $0x3F800000, v41  }
0x27a: {  	v28 =	vor.u32 v14, v19;
	v30 =	vsel vm0, $0x3F800000, v59;
	v42 =	vld.idx.msk [tilespmem:v61+s11+$0x0], $0xffff;
	[tilespmem:v62+s21+$0x0] =	vst.idx.msk $0xffff, v27  }
0x27b: {  	vm0 =	vlt.f32 v29, $-5.000000070e-02;
	vm1 =	vgt.f32 v29, $5.000000070e-02;
	v29 =	vor.u32 v14, v21;
	v43 =	vld.idx.msk [tilespmem:v63+s11+$0x0], $0xffff  }
0x27c: {  	v24 =	vor.u32 v15, v24;
	v44 =	vor.u32 v14, v23;
	[tilespmem:v55+s21+$0x0] =	vst.idx.msk $0xffff, v30  }
0x27d: {  	v27 =	vsel vm0, $0xBF800000, v2;
	v30 =	vor.u32 v14, v22;
	v18 =	vld.idx.msk [tilespmem:v18+s11+$0x0], $0xffff;
	vm0 =	vlt.f32 v31, $-5.000000070e-02  }
0x27e: {  	v27 =	vsel vm1, $0x3F800000, v27;
	vm1 =	vgt.f32 v31, $5.000000070e-02;
	v31 =	vsel vm0, $0xBF800000, v2  }
0x27f: {  	v26 =	vor.u32 v15, v26;
	[tilespmem:v28+s21+$0x0] =	vst.idx.msk $0xffff, v27;
	v27 =	vsel vm1, $0x3F800000, v31;
	vm0 =	vlt.f32 v42, $-5.000000070e-02  }
0x280: {  	v20 =	vld.idx.msk [tilespmem:v20+s11+$0x0], $0xffff;
	[tilespmem:v29+s21+$0x0] =	vst.idx.msk $0xffff, v27;
	vm1 =	vgt.f32 v42, $5.000000070e-02;
	v27 =	vsel vm0, $0xBF800000, v2;
	vm0 =	vlt.f32 v43, $-5.000000070e-02  }
0x281: {  	v25 =	vld.idx.msk [tilespmem:v25+s11+$0x0], $0xffff;
	v27 =	vsel vm1, $0x3F800000, v27;
	vm1 =	vgt.f32 v43, $5.000000070e-02;
	v28 =	vsel vm0, $0xBF800000, v2  }
0x282: {  	vm0 =	vlt.f32 v18, $-5.000000070e-02;
	[tilespmem:v30+s21+$0x0] =	vst.idx.msk $0xffff, v27;
	v27 =	vsel vm1, $0x3F800000, v28  }
0x283: {  	v17 =	vor.u32 v16, v17;
	vm1 =	vgt.f32 v18, $5.000000070e-02;
	v18 =	vsel vm0, $0xBF800000, v2;
	v24 =	vld.idx.msk [tilespmem:v24+s11+$0x0], $0xffff;
	[tilespmem:v44+s21+$0x0] =	vst.idx.msk $0xffff, v27  }
0x284: {  	v19 =	vor.u32 v16, v19;
	v18 =	vsel vm1, $0x3F800000, v18;
	v26 =	vld.idx.msk [tilespmem:v26+s11+$0x0], $0xffff  }
0x285: {  	vm0 =	vlt.f32 v20, $-5.000000070e-02;
	vm1 =	vgt.f32 v20, $5.000000070e-02;
	v20 =	vor.u32 v16, v21  }
0x286: {  	v22 =	vor.u32 v16, v22;
	v21 =	vsel vm0, $0xBF800000, v2;
	vm0 =	vlt.f32 v25, $-5.000000070e-02  }
0x287: {  	v23 =	vor.u32 v16, v23;
	v27 =	vsel vm0, $0xBF800000, v2;
	vm0 =	vgt.f32 v25, $5.000000070e-02  }
0x288: {  	[tilespmem:v17+s21+$0x0] =	vst.idx.msk $0xffff, v18;
	v17 =	vsel vm1, $0x3F800000, v21;
	v18 =	vsel vm0, $0x3F800000, v27;
	vm0 =	vlt.f32 v24, $-5.000000070e-02  }
0x289: {  	s3 =	sshll.u32 s14, $0x7;
	[tilespmem:v19+s21+$0x0] =	vst.idx.msk $0xffff, v17;
	vm1 =	vgt.f32 v24, $5.000000070e-02;
	v17 =	vsel vm0, $0xBF800000, v2;
	vm0 =	vlt.f32 v26, $-5.000000070e-02  }
0x28a: {  	s5 =	sshll.u32 s14, $0x9;
	s3 =	sand.u32 $0x3E80, s3;
	[tilespmem:v20+s21+$0x0] =	vst.idx.msk $0xffff, v18;
	v17 =	vsel vm1, $0x3F800000, v17;
	vm1 =	vgt.f32 v26, $5.000000070e-02;
	v18 =	vsel vm0, $0xBF800000, v2  }
0x28b: {  	s5 =	sand.u32 $0xFFF0000, s5;
	s3 =	sadd.s32 s2, s3;
	[tilespmem:v22+s21+$0x0] =	vst.idx.msk $0xffff, v17;
	v17 =	vsel vm1, $0x3F800000, v18  }
0x28c: {  	s7 =	simm.s32 @!p1 $0x7400;
	s3 =	sadd.s32 s5, s3;
	[tilespmem:v23+s21+$0x0] =	vst.idx.msk $0xffff, v17  }
0x28d: {  	[hbm4b:s3+s18] =	stream.strided.scatter [tilespmem:s21], [sflag:$0x6], $0x1000, s19, s18, $0x38;
	[tilespmem:$0xE400] =	vst v63  }
0x28e: {  	s14 =	simm.s32 $0x0;
	s5 =	simm.s32 @!p1 $0x80;
	s3 =	sadd.s32 @!p1 $0x280, s12  }
0x28f: {  	v17 =	vadd.s32 s14, v0;
	[tilespmem:s7], [sflag:$0x2] =	stream.indirect.gather @!p1 [hbm4b:s4+s5], $0x20, s3, s5, $0xb8;
	[tilespmem:$0xE400] =	vst v63  }
0x290: {  	v18 =	vand.u32 $0xF, v17;
	_ =	swait.ge [sflag:s22], $0x1000  }
0x291: {  	v19 =	vor.u32 v1, v18;
	[sflag:s22] =	ssyncset.done $0x0  }
0x292: {  	s3 =	simm.s32 @!p0 $0x7;
	[sflag:s22] =	ssyncadd.s32 $0xFFFFF000  }
0x293: {  	_ =	swait.ge @!p0 [sflag:s3], $0x1000  }
0x294: {  	[sflag:s3] =	ssyncset.done @!p0 $0x0  }
0x295: {  	[sflag:s3] =	ssyncadd.s32 @!p0 $0xFFFFF000  }
0x296: {  	v19 =	vld.idx.msk [tilespmem:v19+s13+$0x0], $0xffff  }
0x297: {  	v24 =	vshll.u32 v17, $0x7  }
0x298: {  	v22 =	vand.u32 $0x780, v24  }
0x299: {  	v20 =	vor.u32 v0, v22  }
0x29a: {  	v21 =	vor.u32 v3, v18  }
0x29b: {  	vm0 =	vlt.f32 v19, $-5.000000070e-02  }
0x29c: {  	vm1 =	vgt.f32 v19, $5.000000070e-02;
	v19 =	vsel vm0, $0xBF800000, v2  }
0x29d: {  	v19 =	vsel vm1, $0x3F800000, v19  }
0x29e: {  	[tilespmem:v20+s23+$0x0] =	vst.idx.msk $0xffff, v19  }
0x29f: {  	v19 =	vld.idx.msk [tilespmem:v21+s13+$0x0], $0xffff;
	_ =	sdelay $0x2  }
0x2a0: {  	v20 =	vor.u32 v4, v22  }
0x2a1: {  	v21 =	vor.u32 v5, v18  }
0x2a2: {  	vm0 =	vlt.f32 v19, $-5.000000070e-02  }
0x2a3: {  	vm1 =	vgt.f32 v19, $5.000000070e-02;
	v19 =	vsel vm0, $0xBF800000, v2  }
0x2a4: {  	v19 =	vsel vm1, $0x3F800000, v19  }
0x2a5: {  	[tilespmem:v20+s23+$0x0] =	vst.idx.msk $0xffff, v19  }
0x2a6: {  	v19 =	vld.idx.msk [tilespmem:v21+s13+$0x0], $0xffff;
	_ =	sdelay $0x2  }
0x2a7: {  	v21 =	vor.u32 v6, v22  }
0x2a8: {  	v25 =	vor.u32 v7, v18  }
0x2a9: {  	vm0 =	vlt.f32 v19, $-5.000000070e-02  }
0x2aa: {  	s14 =	simm.s32 $0x1;
	vm1 =	vgt.f32 v19, $5.000000070e-02;
	v19 =	vsel vm0, $0xBF800000, v2  }
0x2ab: {  	v20 =	vadd.s32 s14, v0;
	v19 =	vsel vm1, $0x3F800000, v19  }
0x2ac: {  	v23 =	vand.u32 $0xF, v20;
	[tilespmem:v21+s23+$0x0] =	vst.idx.msk $0xffff, v19  }
0x2ad: {  	v21 =	vor.u32 v1, v23;
	v19 =	vld.idx.msk [tilespmem:v25+s13+$0x0], $0xffff;
	_ =	sdelay $0x2  }
0x2ae: {  	v25 =	vor.u32 v8, v22  }
0x2af: {  	v27 =	vor.u32 v9, v18  }
0x2b0: {  	v21 =	vld.idx.msk [tilespmem:v21+s13+$0x0], $0xffff;
	vm0 =	vlt.f32 v19, $-5.000000070e-02  }
0x2b1: {  	v26 =	vshll.u32 v20, $0x7;
	vm1 =	vgt.f32 v19, $5.000000070e-02;
	v28 =	vsel vm0, $0xBF800000, v2  }
0x2b2: {  	v19 =	vand.u32 $0x780, v26;
	v28 =	vsel vm1, $0x3F800000, v28  }
0x2b3: {  	[tilespmem:v25+s23+$0x0] =	vst.idx.msk $0xffff, v28;
	v25 =	vor.u32 v0, v19  }
0x2b4: {  	v28 =	vor.u32 v3, v23;
	v27 =	vld.idx.msk [tilespmem:v27+s13+$0x0], $0xffff  }
0x2b5: {  	vm0 =	vlt.f32 v21, $-5.000000070e-02  }
0x2b6: {  	vm1 =	vgt.f32 v21, $5.000000070e-02;
	v21 =	vsel vm0, $0xBF800000, v2  }
0x2b7: {  	v29 =	vor.u32 v10, v22;
	v21 =	vsel vm1, $0x3F800000, v21  }
0x2b8: {  	v30 =	vor.u32 v11, v18;
	[tilespmem:v25+s23+$0x0] =	vst.idx.msk $0xffff, v21  }
0x2b9: {  	v21 =	vld.idx.msk [tilespmem:v28+s13+$0x0], $0xffff;
	vm0 =	vlt.f32 v27, $-5.000000070e-02  }
0x2ba: {  	vm1 =	vgt.f32 v27, $5.000000070e-02;
	v25 =	vsel vm0, $0xBF800000, v2  }
0x2bb: {  	v25 =	vsel vm1, $0x3F800000, v25  }
0x2bc: {  	[tilespmem:v29+s23+$0x0] =	vst.idx.msk $0xffff, v25;
	v25 =	vor.u32 v4, v19  }
0x2bd: {  	v28 =	vor.u32 v5, v23;
	v27 =	vld.idx.msk [tilespmem:v30+s13+$0x0], $0xffff  }
0x2be: {  	vm0 =	vlt.f32 v21, $-5.000000070e-02  }
0x2bf: {  	vm1 =	vgt.f32 v21, $5.000000070e-02;
	v21 =	vsel vm0, $0xBF800000, v2  }
0x2c0: {  	v29 =	vor.u32 v12, v22;
	v21 =	vsel vm1, $0x3F800000, v21  }
0x2c1: {  	[tilespmem:v25+s23+$0x0] =	vst.idx.msk $0xffff, v21;
	v21 =	vor.u32 v13, v18  }
0x2c2: {  	v25 =	vld.idx.msk [tilespmem:v28+s13+$0x0], $0xffff;
	vm0 =	vlt.f32 v27, $-5.000000070e-02  }
0x2c3: {  	vm1 =	vgt.f32 v27, $5.000000070e-02;
	v27 =	vsel vm0, $0xBF800000, v2  }
0x2c4: {  	v27 =	vsel vm1, $0x3F800000, v27  }
0x2c5: {  	[tilespmem:v29+s23+$0x0] =	vst.idx.msk $0xffff, v27;
	v27 =	vor.u32 v6, v19  }
0x2c6: {  	v29 =	vor.u32 v7, v23;
	v21 =	vld.idx.msk [tilespmem:v21+s13+$0x0], $0xffff  }
0x2c7: {  	vm0 =	vlt.f32 v25, $-5.000000070e-02  }
0x2c8: {  	vm1 =	vgt.f32 v25, $5.000000070e-02;
	v25 =	vsel vm0, $0xBF800000, v2  }
0x2c9: {  	s5 =	simm.s32 $0x2;
	v31 =	vor.u32 v14, v22;
	v25 =	vsel vm1, $0x3F800000, v25  }
0x2ca: {  	v18 =	vor.u32 v15, v18;
	v28 =	vadd.s32 s5, v0;
	[tilespmem:v27+s23+$0x0] =	vst.idx.msk $0xffff, v25  }
0x2cb: {  	v30 =	vand.u32 $0xF, v28;
	v25 =	vld.idx.msk [tilespmem:v29+s13+$0x0], $0xffff;
	vm0 =	vlt.f32 v21, $-5.000000070e-02  }
0x2cc: {  	v27 =	vor.u32 v1, v30;
	vm1 =	vgt.f32 v21, $5.000000070e-02;
	v21 =	vsel vm0, $0xBF800000, v2  }
0x2cd: {  	v21 =	vsel vm1, $0x3F800000, v21  }
0x2ce: {  	v29 =	vor.u32 v8, v19;
	[tilespmem:v31+s23+$0x0] =	vst.idx.msk $0xffff, v21  }
0x2cf: {  	v31 =	vor.u32 v9, v23;
	v45 =	vld.idx.msk [tilespmem:v18+s13+$0x0], $0xffff  }
0x2d0: {  	v17 =	vor.u32 $0x10, v17;
	vm0 =	vlt.f32 v25, $-5.000000070e-02  }
0x2d1: {  	v46 =	vor.u32 v16, v22;
	v27 =	vld.idx.msk [tilespmem:v27+s13+$0x0], $0xffff;
	vm1 =	vgt.f32 v25, $5.000000070e-02;
	v25 =	vsel vm0, $0xBF800000, v2  }
0x2d2: {  	v21 =	vshll.u32 v28, $0x7;
	v18 =	vand.u32 $0x1F, v17;
	v25 =	vsel vm1, $0x3F800000, v25  }
0x2d3: {  	v22 =	vand.u32 $0x780, v21;
	[tilespmem:v29+s23+$0x0] =	vst.idx.msk $0xffff, v25;
	v25 =	vor.u32 v1, v18  }
0x2d4: {  	v29 =	vor.u32 v0, v22;
	v31 =	vld.idx.msk [tilespmem:v31+s13+$0x0], $0xffff;
	vm0 =	vlt.f32 v45, $-5.000000070e-02  }
0x2d5: {  	v47 =	vor.u32 v3, v30;
	vm1 =	vgt.f32 v45, $5.000000070e-02;
	v48 =	vsel vm0, $0xBF800000, v2  }
0x2d6: {  	vm0 =	vlt.f32 v27, $-5.000000070e-02;
	v32 =	vsel vm1, $0x3F800000, v48  }
0x2d7: {  	v49 =	vor.u32 v10, v19;
	vm1 =	vgt.f32 v27, $5.000000070e-02;
	v27 =	vsel vm0, $0xBF800000, v2;
	[tilespmem:v46+s23+$0x0] =	vst.idx.msk $0xffff, v32  }
0x2d8: {  	v50 =	vor.u32 v11, v23;
	v17 =	vshll.u32 v17, $0x7;
	v27 =	vsel vm1, $0x3F800000, v27;
	v25 =	vld.idx.msk [tilespmem:v25+s13+$0x0], $0xffff  }
0x2d9: {  	v24 =	vand.u32 $0x380, v24;
	v17 =	vand.u32 $0xC00, v17;
	[tilespmem:v29+s23+$0x0] =	vst.idx.msk $0xffff, v27;
	vm0 =	vlt.f32 v31, $-5.000000070e-02  }
0x2da: {  	v17 =	vor.u32 v24, v17;
	v27 =	vld.idx.msk [tilespmem:v47+s13+$0x0], $0xffff;
	vm1 =	vgt.f32 v31, $5.000000070e-02;
	v29 =	vsel vm0, $0xBF800000, v2  }
0x2db: {  	v24 =	vsel vm1, $0x3F800000, v29;
	v29 =	vor.u32 v0, v17  }
0x2dc: {  	[tilespmem:v49+s23+$0x0] =	vst.idx.msk $0xffff, v24;
	v24 =	vor.u32 v3, v18  }
0x2dd: {  	v31 =	vor.u32 v4, v22;
	v32 =	vld.idx.msk [tilespmem:v50+s13+$0x0], $0xffff;
	vm0 =	vlt.f32 v25, $-5.000000070e-02  }
0x2de: {  	v51 =	vor.u32 v5, v30;
	vm1 =	vgt.f32 v25, $5.000000070e-02;
	v25 =	vsel vm0, $0xBF800000, v2  }
0x2df: {  	vm0 =	vlt.f32 v27, $-5.000000070e-02;
	v25 =	vsel vm1, $0x3F800000, v25  }
0x2e0: {  	vm1 =	vgt.f32 v27, $5.000000070e-02;
	v27 =	vsel vm0, $0xBF800000, v2;
	[tilespmem:v29+s23+$0x0] =	vst.idx.msk $0xffff, v25;
	v25 =	vor.u32 v12, v19  }
0x2e1: {  	v27 =	vsel vm1, $0x3F800000, v27;
	v29 =	vor.u32 v13, v23;
	v24 =	vld.idx.msk [tilespmem:v24+s13+$0x0], $0xffff  }
0x2e2: {  	[tilespmem:v31+s23+$0x0] =	vst.idx.msk $0xffff, v27;
	vm0 =	vlt.f32 v32, $-5.000000070e-02  }
0x2e3: {  	v27 =	vld.idx.msk [tilespmem:v51+s13+$0x0], $0xffff;
	vm1 =	vgt.f32 v32, $5.000000070e-02;
	v31 =	vsel vm0, $0xBF800000, v2  }
0x2e4: {  	v52 =	vor.u32 v4, v17;
	v31 =	vsel vm1, $0x3F800000, v31  }
0x2e5: {  	[tilespmem:v25+s23+$0x0] =	vst.idx.msk $0xffff, v31;
	v25 =	vor.u32 v5, v18  }
0x2e6: {  	v31 =	vor.u32 v6, v22;
	v29 =	vld.idx.msk [tilespmem:v29+s13+$0x0], $0xffff;
	vm0 =	vlt.f32 v24, $-5.000000070e-02  }
0x2e7: {  	v53 =	vor.u32 v7, v30;
	vm1 =	vgt.f32 v24, $5.000000070e-02;
	v24 =	vsel vm0, $0xBF800000, v2  }
0x2e8: {  	vm0 =	vlt.f32 v27, $-5.000000070e-02;
	v24 =	vsel vm1, $0x3F800000, v24  }
0x2e9: {  	s7 =	simm.s32 $0x3;
	v54 =	vor.u32 v14, v19;
	vm1 =	vgt.f32 v27, $5.000000070e-02;
	v27 =	vsel vm0, $0xBF800000, v2;
	[tilespmem:v52+s23+$0x0] =	vst.idx.msk $0xffff, v24  }
0x2ea: {  	v24 =	vadd.s32 s7, v0;
	v27 =	vsel vm1, $0x3F800000, v27;
	v55 =	vld.idx.msk [tilespmem:v25+s13+$0x0], $0xffff  }
0x2eb: {  	v56 =	vor.u32 v15, v23;
	v25 =	vand.u32 $0xF, v24;
	[tilespmem:v31+s23+$0x0] =	vst.idx.msk $0xffff, v27;
	vm0 =	vlt.f32 v29, $-5.000000070e-02  }
0x2ec: {  	v27 =	vld.idx.msk [tilespmem:v53+s13+$0x0], $0xffff;
	v31 =	vor.u32 v1, v25;
	vm1 =	vgt.f32 v29, $5.000000070e-02;
	v23 =	vsel vm0, $0xBF800000, v2  }
0x2ed: {  	v57 =	vor.u32 v6, v17;
	v29 =	vsel vm1, $0x3F800000, v23  }
0x2ee: {  	v58 =	vor.u32 $0x10, v20;
	v59 =	vand.u32 $0x380, v26;
	[tilespmem:v54+s23+$0x0] =	vst.idx.msk $0xffff, v29;
	v29 =	vor.u32 v7, v18  }
0x2ef: {  	v20 =	vand.u32 $0x1F, v58;
	v60 =	vor.u32 v8, v22;
	vm0 =	vlt.f32 v55, $-5.000000070e-02  }
0x2f0: {  	v61 =	vor.u32 v9, v30;
	v35 =	vld.idx.msk [tilespmem:v56+s13+$0x0], $0xffff;
	vm1 =	vgt.f32 v55, $5.000000070e-02;
	v26 =	vsel vm0, $0xBF800000, v2  }
0x2f1: {  	v62 =	vor.u32 v1, v20;
	v31 =	vld.idx.msk [tilespmem:v31+s13+$0x0], $0xffff;
	vm0 =	vlt.f32 v27, $-5.000000070e-02;
	v26 =	vsel vm1, $0x3F800000, v26  }
0x2f2: {  	v23 =	vshll.u32 v24, $0x7;
	vm1 =	vgt.f32 v27, $5.000000070e-02;
	v27 =	vsel vm0, $0xBF800000, v2;
	[tilespmem:v57+s23+$0x0] =	vst.idx.msk $0xffff, v26  }
0x2f3: {  	v19 =	vor.u32 v16, v19;
	v26 =	vand.u32 $0x780, v23;
	v27 =	vsel vm1, $0x3F800000, v27;
	v29 =	vld.idx.msk [tilespmem:v29+s13+$0x0], $0xffff  }
0x2f4: {  	v63 =	vshll.u32 v58, $0x7;
	v45 =	vor.u32 v8, v17;
	[tilespmem:v60+s23+$0x0] =	vst.idx.msk $0xffff, v27;
	v27 =	vor.u32 v0, v26  }
0x2f5: {  	v46 =	vor.u32 v9, v18;
	v43 =	vor.u32 v3, v25;
	vm0 =	vlt.f32 v35, $-5.000000070e-02;
	v42 =	vld.idx.msk [tilespmem:v61+s13+$0x0], $0xffff  }
0x2f6: {  	vm1 =	vgt.f32 v35, $5.000000070e-02;
	v44 =	vsel vm0, $0xBF800000, v2;
	vm0 =	vlt.f32 v31, $-5.000000070e-02  }
0x2f7: {  	v35 =	vsel vm1, $0x3F800000, v44;
	vm1 =	vgt.f32 v31, $5.000000070e-02;
	v31 =	vsel vm0, $0xBF800000, v2  }
0x2f8: {  	[tilespmem:v19+s23+$0x0] =	vst.idx.msk $0xffff, v35;
	v19 =	vsel vm1, $0x3F800000, v31;
	v31 =	vor.u32 v10, v22;
	vm0 =	vlt.f32 v29, $-5.000000070e-02  }
0x2f9: {  	v47 =	vor.u32 v11, v30;
	v33 =	vld.idx.msk [tilespmem:v62+s13+$0x0], $0xffff;
	[tilespmem:v27+s23+$0x0] =	vst.idx.msk $0xffff, v19;
	vm1 =	vgt.f32 v29, $5.000000070e-02;
	v19 =	vsel vm0, $0xBF800000, v2  }
0x2fa: {  	v27 =	vand.u32 $0xC00, v63;
	vm0 =	vlt.f32 v42, $-5.000000070e-02;
	v48 =	vsel vm1, $0x3F800000, v19  }
0x2fb: {  	v29 =	vld.idx.msk [tilespmem:v43+s13+$0x0], $0xffff;
	vm1 =	vgt.f32 v42, $5.000000070e-02;
	v49 =	vsel vm0, $0xBF800000, v2;
	v19 =	vor.u32 v59, v27  }
0x2fc: {  	[tilespmem:v45+s23+$0x0] =	vst.idx.msk $0xffff, v48;
	v27 =	vsel vm1, $0x3F800000, v49;
	v32 =	vor.u32 v0, v19  }
0x2fd: {  	v34 =	vld.idx.msk [tilespmem:v46+s13+$0x0], $0xffff;
	[tilespmem:v31+s23+$0x0] =	vst.idx.msk $0xffff, v27;
	v27 =	vor.u32 v3, v20  }
0x2fe: {  	v38 =	vor.u32 v15, v30;
	v31 =	vor.u32 v4, v26;
	vm0 =	vlt.f32 v33, $-5.000000070e-02  }
0x2ff: {  	v52 =	vor.u32 v5, v25;
	v50 =	vld.idx.msk [tilespmem:v47+s13+$0x0], $0xffff;
	vm1 =	vgt.f32 v33, $5.000000070e-02;
	v51 =	vsel vm0, $0xBF800000, v2  }
0x300: {  	v53 =	vor.u32 v10, v17;
	vm0 =	vlt.f32 v29, $-5.000000070e-02;
	v33 =	vsel vm1, $0x3F800000, v51  }
0x301: {  	v54 =	vor.u32 v11, v18;
	vm1 =	vgt.f32 v29, $5.000000070e-02;
	v29 =	vsel vm0, $0xBF800000, v2;
	[tilespmem:v32+s23+$0x0] =	vst.idx.msk $0xffff, v33  }
0x302: {  	v55 =	vor.u32 v12, v22;
	v29 =	vsel vm1, $0x3F800000, v29;
	v56 =	vld.idx.msk [tilespmem:v27+s13+$0x0], $0xffff;
	vm0 =	vlt.f32 v34, $-5.000000070e-02  }
0x303: {  	v57 =	vor.u32 v13, v30;
	[tilespmem:v31+s23+$0x0] =	vst.idx.msk $0xffff, v29;
	vm1 =	vgt.f32 v34, $5.000000070e-02;
	v27 =	vsel vm0, $0xBF800000, v2  }
0x304: {  	v37 =	vor.u32 v14, v22;
	vm0 =	vlt.f32 v50, $-5.000000070e-02;
	v31 =	vld.idx.msk [tilespmem:v52+s13+$0x0], $0xffff;
	v27 =	vsel vm1, $0x3F800000, v27  }
0x305: {  	v39 =	vor.u32 v7, v25;
	vm1 =	vgt.f32 v50, $5.000000070e-02;
	v29 =	vsel vm0, $0xBF800000, v2;
	[tilespmem:v53+s23+$0x0] =	vst.idx.msk $0xffff, v27  }
0x306: {  	v61 =	vor.u32 v5, v20;
	v59 =	vor.u32 v4, v19;
	v58 =	vsel vm1, $0x3F800000, v29;
	v60 =	vld.idx.msk [tilespmem:v54+s13+$0x0], $0xffff  }
0x307: {  	s14 =	simm.s32 $0x4;
	v62 =	vor.u32 v6, v26;
	v33 =	vor.u32 $0x10, v28;
	[tilespmem:v55+s23+$0x0] =	vst.idx.msk $0xffff, v58;
	vm0 =	vlt.f32 v56, $-5.000000070e-02  }
0x308: {  	v27 =	vadd.s32 s14, v0;
	vm1 =	vgt.f32 v56, $5.000000070e-02;
	v36 =	vld.idx.msk [tilespmem:v57+s13+$0x0], $0xffff;
	v28 =	vsel vm0, $0xBF800000, v2  }
0x309: {  	v29 =	vor.u32 v12, v17;
	vm0 =	vlt.f32 v31, $-5.000000070e-02;
	v40 =	vsel vm1, $0x3F800000, v28  }
0x30a: {  	vm1 =	vgt.f32 v31, $5.000000070e-02;
	v31 =	vsel vm0, $0xBF800000, v2;
	v28 =	vor.u32 v13, v18  }
0x30b: {  	v32 =	vshll.u32 v27, $0x7;
	[tilespmem:v59+s23+$0x0] =	vst.idx.msk $0xffff, v40;
	v63 =	vsel vm1, $0x3F800000, v31;
	vm1 =	vlt.f32 v60, $-5.000000070e-02  }
0x30c: {  	s3 =	simm.s32 $0x5;
	s14 =	sadd.s32 $0x2, s0;
	v35 =	vand.u32 $0xF, v27;
	v31 =	vld.idx.msk [tilespmem:v61+s13+$0x0], $0xffff;
	[tilespmem:v62+s23+$0x0] =	vst.idx.msk $0xffff, v63;
	vm0 =	vgt.f32 v60, $5.000000070e-02;
	v30 =	vsel vm1, $0xBF800000, v2  }
.LBB2_7:
0x30d: {  	p2 =	sne.s32 s3, $0xF;
	v39 =	vld.idx.msk [tilespmem:v39+s13+$0x0], $0xffff;
	v40 =	vand.u32 $0x380, v21;
	vm1 =	vlt.f32 v36, $-5.000000070e-02;
	v30 =	vsel vm0, $0x3F800000, v30;
	v21 =	vmovc v23;
	v23 =	vmovc v32  }
0x30e: {  	v32 =	vor.u32 v1, v35;
	vm0 =	vgt.f32 v36, $5.000000070e-02;
	v34 =	vmovc v35;
	v36 =	vsel vm1, $0xBF800000, v2;
	[tilespmem:v29+s23+$0x0] =	vst.idx.msk $0xffff, v30  }
0x30f: {  	v35 =	vor.u32 v6, v19;
	v30 =	vshll.u32 v33, $0x7;
	v29 =	vsel vm0, $0x3F800000, v36;
	v28 =	vld.idx.msk [tilespmem:v28+s13+$0x0], $0xffff  }
0x310: {  	v36 =	vor.u32 v11, v25;
	[tilespmem:v37+s23+$0x0] =	vst.idx.msk $0xffff, v29;
	v29 =	vand.u32 $0x1F, v33;
	v33 =	vor.u32 v7, v20  }
0x311: {  	v41 =	vor.u32 v9, v25;
	v37 =	vor.u32 v8, v26;
	vm0 =	vlt.f32 v31, $-5.000000070e-02;
	v38 =	vld.idx.msk [tilespmem:v38+s13+$0x0], $0xffff  }
0x312: {  	v42 =	vand.u32 $0x780, v23;
	vm1 =	vgt.f32 v31, $5.000000070e-02;
	v31 =	vsel vm0, $0xBF800000, v2  }
0x313: {  	v43 =	vor.u32 v14, v17;
	vm0 =	vlt.f32 v39, $-5.000000070e-02;
	v31 =	vsel vm1, $0x3F800000, v31;
	v32 =	vld.idx.msk [tilespmem:v32+s13+$0x0], $0xffff  }
0x314: {  	vm1 =	vgt.f32 v39, $5.000000070e-02;
	v39 =	vsel vm0, $0xBF800000, v2;
	[tilespmem:v35+s23+$0x0] =	vst.idx.msk $0xffff, v31;
	v31 =	vor.u32 v15, v18;
	v18 =	vmovc v20  }
0x315: {  	v35 =	vsel vm1, $0x3F800000, v39;
	v39 =	vor.u32 v16, v22;
	vm0 =	vlt.f32 v28, $-5.000000070e-02;
	v20 =	vmovc v29;
	v22 =	vmovc v26;
	v33 =	vld.idx.msk [tilespmem:v33+s13+$0x0], $0xffff  }
0x316: {  	vm1 =	vgt.f32 v28, $5.000000070e-02;
	v26 =	vmovc v42;
	v29 =	vor.u32 v1, v20;
	v28 =	vsel vm0, $0xBF800000, v2;
	[tilespmem:v37+s23+$0x0] =	vst.idx.msk $0xffff, v35  }
0x317: {  	v35 =	vor.u32 v0, v26;
	vm0 =	vlt.f32 v38, $-5.000000070e-02;
	v28 =	vsel vm1, $0x3F800000, v28;
	v37 =	vld.idx.msk [tilespmem:v41+s13+$0x0], $0xffff  }
0x318: {  	vm1 =	vgt.f32 v38, $5.000000070e-02;
	v41 =	vor.u32 v3, v34;
	v38 =	vsel vm0, $0xBF800000, v2;
	[tilespmem:v43+s23+$0x0] =	vst.idx.msk $0xffff, v28  }
0x319: {  	vm0 =	vlt.f32 v32, $-5.000000070e-02;
	v28 =	vsel vm1, $0x3F800000, v38;
	v38 =	vor.u32 v8, v19;
	v31 =	vld.idx.msk [tilespmem:v31+s13+$0x0], $0xffff  }
0x31a: {  	vm1 =	vgt.f32 v32, $5.000000070e-02;
	v32 =	vsel vm0, $0xBF800000, v2;
	[tilespmem:v39+s23+$0x0] =	vst.idx.msk $0xffff, v28;
	v28 =	vor.u32 v9, v18  }
0x31b: {  	v32 =	vsel vm1, $0x3F800000, v32;
	v39 =	vor.u32 v10, v22;
	vm0 =	vlt.f32 v33, $-5.000000070e-02;
	v29 =	vld.idx.msk [tilespmem:v29+s13+$0x0], $0xffff  }
0x31c: {  	v30 =	vand.u32 $0xC00, v30;
	vm1 =	vgt.f32 v33, $5.000000070e-02;
	[tilespmem:v35+s23+$0x0] =	vst.idx.msk $0xffff, v32;
	v32 =	vsel vm0, $0xBF800000, v2  }
0x31d: {  	vm0 =	vlt.f32 v37, $-5.000000070e-02;
	v35 =	vor.u32 v16, v17;
	v17 =	vmovc v19;
	v33 =	vld.idx.msk [tilespmem:v41+s13+$0x0], $0xffff;
	v32 =	vsel vm1, $0x3F800000, v32  }
0x31e: {  	v19 =	vor.u32 v40, v30;
	vm1 =	vgt.f32 v37, $5.000000070e-02;
	v37 =	vsel vm0, $0xBF800000, v2;
	[tilespmem:v38+s23+$0x0] =	vst.idx.msk $0xffff, v32  }
0x31f: {  	v30 =	vsel vm1, $0x3F800000, v37;
	v32 =	vor.u32 v0, v19;
	vm0 =	vlt.f32 v31, $-5.000000070e-02;
	v28 =	vld.idx.msk [tilespmem:v28+s13+$0x0], $0xffff  }
0x320: {  	vm1 =	vgt.f32 v31, $5.000000070e-02;
	v31 =	vsel vm0, $0xBF800000, v2;
	[tilespmem:v39+s23+$0x0] =	vst.idx.msk $0xffff, v30;
	v30 =	vor.u32 v3, v20  }
0x321: {  	v37 =	vor.u32 v4, v26;
	vm0 =	vlt.f32 v29, $-5.000000070e-02;
	v31 =	vsel vm1, $0x3F800000, v31;
	v36 =	vld.idx.msk [tilespmem:v36+s13+$0x0], $0xffff  }
0x322: {  	v38 =	vor.u32 v5, v34;
	vm1 =	vgt.f32 v29, $5.000000070e-02;
	v29 =	vsel vm0, $0xBF800000, v2;
	[tilespmem:v35+s23+$0x0] =	vst.idx.msk $0xffff, v31  }
0x323: {  	vm0 =	vlt.f32 v33, $-5.000000070e-02;
	v29 =	vsel vm1, $0x3F800000, v29;
	v31 =	vor.u32 v10, v17  }
0x324: {  	vm1 =	vgt.f32 v33, $5.000000070e-02;
	v33 =	vsel vm0, $0xBF800000, v2;
	[tilespmem:v32+s23+$0x0] =	vst.idx.msk $0xffff, v29;
	v29 =	vor.u32 v11, v18  }
0x325: {  	v32 =	vsel vm1, $0x3F800000, v33;
	v33 =	vor.u32 v12, v22;
	vm0 =	vlt.f32 v28, $-5.000000070e-02;
	v30 =	vld.idx.msk [tilespmem:v30+s13+$0x0], $0xffff  }
0x326: {  	vm1 =	vgt.f32 v28, $5.000000070e-02;
	v28 =	vsel vm0, $0xBF800000, v2;
	[tilespmem:v37+s23+$0x0] =	vst.idx.msk $0xffff, v32;
	v37 =	vor.u32 v13, v25  }
0x327: {  	vm0 =	vlt.f32 v36, $-5.000000070e-02;
	v28 =	vsel vm1, $0x3F800000, v28;
	v38 =	vld.idx.msk [tilespmem:v38+s13+$0x0], $0xffff  }
0x328: {  	vm1 =	vgt.f32 v36, $5.000000070e-02;
	v32 =	vsel vm0, $0xBF800000, v2;
	[tilespmem:v31+s23+$0x0] =	vst.idx.msk $0xffff, v28  }
0x329: {  	v40 =	vor.u32 v4, v19;
	v28 =	vadd.s32 s3, v0;
	v31 =	vsel vm1, $0x3F800000, v32;
	v41 =	vld.idx.msk [tilespmem:v29+s13+$0x0], $0xffff  }
0x32a: {  	v32 =	vshll.u32 v28, $0x7;
	[tilespmem:v33+s23+$0x0] =	vst.idx.msk $0xffff, v31;
	v33 =	vor.u32 $0x10, v24;
	v31 =	vor.u32 v5, v20;
	v24 =	vmovc v27  }
0x32b: {  	v42 =	vor.u32 v6, v26;
	v35 =	vand.u32 $0xF, v28;
	vm0 =	vlt.f32 v30, $-5.000000070e-02;
	v27 =	vmovc v28;
	v36 =	vld.idx.msk [tilespmem:v37+s13+$0x0], $0xffff  }
.Ltmp4:
0x32c: {  	v39 =	vor.u32 v7, v34;
	vm1 =	vgt.f32 v30, $5.000000070e-02;
	v28 =	vsel vm0, $0xBF800000, v2;
	(pc) =	sbr.rel @p2 .LBB2_7-.Ltmp4, $4  }
0x32d: {  	v29 =	vor.u32 v12, v17;
	vm0 =	vlt.f32 v38, $-5.000000070e-02;
	v28 =	vsel vm1, $0x3F800000, v28  }
0x32e: {  	vm1 =	vgt.f32 v38, $5.000000070e-02;
	v30 =	vsel vm0, $0xBF800000, v2;
	[tilespmem:v40+s23+$0x0] =	vst.idx.msk $0xffff, v28;
	v28 =	vor.u32 v13, v18  }
0x32f: {  	v37 =	vor.u32 v14, v22;
	v30 =	vsel vm1, $0x3F800000, v30;
	vm1 =	vlt.f32 v41, $-5.000000070e-02;
	v31 =	vld.idx.msk [tilespmem:v31+s13+$0x0], $0xffff  }
0x330: {  	s3 =	sadd.s32 $0x1, s3;
	v38 =	vor.u32 v15, v25;
	v25 =	vmovc v34;
	vm0 =	vgt.f32 v41, $5.000000070e-02;
	[tilespmem:v42+s23+$0x0] =	vst.idx.msk $0xffff, v30;
	v30 =	vsel vm1, $0xBF800000, v2  }
0x331: {  	v34 =	vor.u32 v1, v35;
	_ =	sdelay $0x4  }
0x332: {  	v34 =	vld.idx.msk [tilespmem:v34+s13+$0x0], $0xffff;
	_ =	sdelay $0x1  }
0x333: {  	v40 =	vand.u32 $0x780, v32  }
0x334: {  	v41 =	vor.u32 v0, v40  }
0x335: {  	v42 =	vor.u32 v3, v35  }
0x336: {  	vm1 =	vlt.f32 v34, $-5.000000070e-02  }
0x337: {  	v43 =	vsel vm1, $0xBF800000, v2;
	vm1 =	vgt.f32 v34, $5.000000070e-02  }
0x338: {  	v34 =	vsel vm1, $0x3F800000, v43  }
0x339: {  	[tilespmem:v41+s23+$0x0] =	vst.idx.msk $0xffff, v34  }
0x33a: {  	v34 =	vld.idx.msk [tilespmem:v42+s13+$0x0], $0xffff;
	_ =	sdelay $0x2  }
0x33b: {  	v45 =	vor.u32 v4, v40  }
0x33c: {  	v46 =	vor.u32 v5, v35  }
0x33d: {  	vm1 =	vlt.f32 v34, $-5.000000070e-02  }
0x33e: {  	v47 =	vsel vm1, $0xBF800000, v2;
	vm1 =	vgt.f32 v34, $5.000000070e-02  }
0x33f: {  	v34 =	vsel vm1, $0x3F800000, v47  }
0x340: {  	[tilespmem:v45+s23+$0x0] =	vst.idx.msk $0xffff, v34  }
0x341: {  	v34 =	vld.idx.msk [tilespmem:v46+s13+$0x0], $0xffff;
	_ =	sdelay $0x2  }
0x342: {  	v48 =	vor.u32 v6, v40  }
0x343: {  	v49 =	vor.u32 v7, v35  }
0x344: {  	vm1 =	vlt.f32 v34, $-5.000000070e-02  }
0x345: {  	v50 =	vsel vm1, $0xBF800000, v2;
	vm1 =	vgt.f32 v34, $5.000000070e-02  }
0x346: {  	v51 =	vld.idx.msk [tilespmem:v39+s13+$0x0], $0xffff;
	v52 =	vsel vm1, $0x3F800000, v50  }
0x347: {  	[tilespmem:v48+s23+$0x0] =	vst.idx.msk $0xffff, v52  }
0x348: {  	v39 =	vld.idx.msk [tilespmem:v49+s13+$0x0], $0xffff  }
0x349: {  	v53 =	vor.u32 v8, v26  }
0x34a: {  	v54 =	vor.u32 v9, v25  }
0x34b: {  	v55 =	vor.u32 v8, v40;
	vm1 =	vlt.f32 v51, $-5.000000070e-02  }
0x34c: {  	v56 =	vor.u32 v9, v35;
	v44 =	vsel vm1, $0xBF800000, v2;
	vm1 =	vgt.f32 v51, $5.000000070e-02  }
0x34d: {  	v44 =	vsel vm1, $0x3F800000, v44;
	vm1 =	vlt.f32 v39, $-5.000000070e-02  }
0x34e: {  	[tilespmem:v53+s23+$0x0] =	vst.idx.msk $0xffff, v44;
	v57 =	vsel vm1, $0xBF800000, v2;
	vm1 =	vgt.f32 v39, $5.000000070e-02  }
0x34f: {  	v58 =	vld.idx.msk [tilespmem:v54+s13+$0x0], $0xffff;
	v41 =	vsel vm1, $0x3F800000, v57  }
0x350: {  	[tilespmem:v55+s23+$0x0] =	vst.idx.msk $0xffff, v41  }
0x351: {  	v34 =	vld.idx.msk [tilespmem:v56+s13+$0x0], $0xffff  }
0x352: {  	v59 =	vor.u32 v10, v26  }
0x353: {  	v60 =	vor.u32 v11, v25  }
0x354: {  	v61 =	vor.u32 v10, v40;
	vm1 =	vlt.f32 v58, $-5.000000070e-02  }
0x355: {  	v63 =	vor.u32 v11, v35;
	v62 =	vsel vm1, $0xBF800000, v2;
	vm1 =	vgt.f32 v58, $5.000000070e-02  }
0x356: {  	v44 =	vsel vm1, $0x3F800000, v62;
	vm1 =	vlt.f32 v34, $-5.000000070e-02  }
0x357: {  	[tilespmem:v59+s23+$0x0] =	vst.idx.msk $0xffff, v44;
	v48 =	vsel vm1, $0xBF800000, v2;
	vm1 =	vgt.f32 v34, $5.000000070e-02  }
0x358: {  	v49 =	vld.idx.msk [tilespmem:v60+s13+$0x0], $0xffff;
	v41 =	vsel vm1, $0x3F800000, v48  }
0x359: {  	[tilespmem:v61+s23+$0x0] =	vst.idx.msk $0xffff, v41  }
0x35a: {  	v39 =	vld.idx.msk [tilespmem:v63+s13+$0x0], $0xffff  }
0x35b: {  	v50 =	vor.u32 v12, v26  }
0x35c: {  	v51 =	vor.u32 v13, v25  }
0x35d: {  	v52 =	vor.u32 v12, v40;
	vm1 =	vlt.f32 v49, $-5.000000070e-02  }
0x35e: {  	v54 =	vor.u32 v13, v35;
	v53 =	vsel vm1, $0xBF800000, v2;
	vm1 =	vgt.f32 v49, $5.000000070e-02  }
0x35f: {  	v44 =	vsel vm1, $0x3F800000, v53;
	vm1 =	vlt.f32 v39, $-5.000000070e-02  }
0x360: {  	[tilespmem:v50+s23+$0x0] =	vst.idx.msk $0xffff, v44;
	v55 =	vsel vm1, $0xBF800000, v2;
	vm1 =	vgt.f32 v39, $5.000000070e-02  }
0x361: {  	v56 =	vld.idx.msk [tilespmem:v51+s13+$0x0], $0xffff;
	v39 =	vsel vm1, $0x3F800000, v55;
	vm1 =	vlt.f32 v36, $-5.000000070e-02  }
0x362: {  	v57 =	vsel vm1, $0xBF800000, v2;
	vm1 =	vgt.f32 v36, $5.000000070e-02;
	[tilespmem:v52+s23+$0x0] =	vst.idx.msk $0xffff, v39  }
0x363: {  	v36 =	vsel vm1, $0x3F800000, v57;
	v34 =	vld.idx.msk [tilespmem:v54+s13+$0x0], $0xffff  }
0x364: {  	v58 =	vor.u32 v14, v26;
	[tilespmem:v37+s23+$0x0] =	vst.idx.msk $0xffff, v36  }
0x365: {  	v59 =	vor.u32 v15, v25;
	v37 =	vld.idx.msk [tilespmem:v38+s13+$0x0], $0xffff  }
0x366: {  	v60 =	vor.u32 v14, v40;
	vm1 =	vlt.f32 v56, $-5.000000070e-02  }
0x367: {  	v62 =	vor.u32 v15, v35;
	v61 =	vsel vm1, $0xBF800000, v2;
	vm1 =	vgt.f32 v56, $5.000000070e-02  }
0x368: {  	v22 =	vor.u32 v16, v22;
	v41 =	vsel vm1, $0x3F800000, v61;
	vm1 =	vlt.f32 v34, $-5.000000070e-02  }
0x369: {  	v25 =	vand.u32 $0x1F, v33;
	[tilespmem:v58+s23+$0x0] =	vst.idx.msk $0xffff, v41;
	v43 =	vsel vm1, $0xBF800000, v2;
	vm1 =	vgt.f32 v34, $5.000000070e-02  }
0x36a: {  	v63 =	vor.u32 v1, v25;
	v44 =	vld.idx.msk [tilespmem:v59+s13+$0x0], $0xffff;
	v34 =	vsel vm1, $0x3F800000, v43;
	vm1 =	vlt.f32 v37, $-5.000000070e-02  }
0x36b: {  	v21 =	vand.u32 $0x380, v21;
	v45 =	vsel vm1, $0xBF800000, v2;
	vm1 =	vgt.f32 v37, $5.000000070e-02;
	[tilespmem:v60+s23+$0x0] =	vst.idx.msk $0xffff, v34  }
0x36c: {  	v46 =	vshll.u32 v33, $0x7;
	v48 =	vor.u32 $0x10, v24;
	v47 =	vsel vm1, $0x3F800000, v45;
	v35 =	vld.idx.msk [tilespmem:v62+s13+$0x0], $0xffff  }
0x36d: {  	v24 =	vand.u32 $0x1F, v48;
	v49 =	vor.u32 v16, v26;
	[tilespmem:v22+s23+$0x0] =	vst.idx.msk $0xffff, v47;
	v22 =	vand.u32 $0xC00, v46  }
0x36e: {  	v27 =	vor.u32 $0x10, v27;
	v21 =	vor.u32 v21, v22;
	v22 =	vor.u32 v1, v24  }
0x36f: {  	v26 =	vand.u32 $0x1F, v27;
	v50 =	vor.u32 v16, v40;
	vm1 =	vlt.f32 v44, $-5.000000070e-02;
	v34 =	vld.idx.msk [tilespmem:v63+s13+$0x0], $0xffff  }
0x370: {  	v52 =	vor.u32 v1, v26;
	v51 =	vsel vm1, $0xBF800000, v2;
	vm1 =	vgt.f32 v44, $5.000000070e-02  }
0x371: {  	v54 =	vor.u32 v3, v25;
	v39 =	vsel vm1, $0x3F800000, v51;
	vm1 =	vlt.f32 v35, $-5.000000070e-02  }
0x372: {  	v56 =	vshll.u32 v48, $0x7;
	[tilespmem:v49+s23+$0x0] =	vst.idx.msk $0xffff, v39;
	v55 =	vsel vm1, $0xBF800000, v2;
	vm1 =	vgt.f32 v35, $5.000000070e-02  }
0x373: {  	v60 =	vand.u32 $0x380, v32;
	v53 =	vor.u32 v0, v21;
	v33 =	vsel vm1, $0x3F800000, v55;
	v57 =	vld.idx.msk [tilespmem:v22+s13+$0x0], $0xffff  }
0x374: {  	vm1 =	vlt.f32 v34, $-5.000000070e-02;
	v22 =	vand.u32 $0x380, v23;
	v23 =	vand.u32 $0xC00, v56;
	[tilespmem:v50+s23+$0x0] =	vst.idx.msk $0xffff, v33  }
0x375: {  	v58 =	vsel vm1, $0xBF800000, v2;
	v22 =	vor.u32 v22, v23;
	v23 =	vshll.u32 v27, $0x7;
	v27 =	vld.idx.msk [tilespmem:v52+s13+$0x0], $0xffff  }
0x376: {  	vm1 =	vgt.f32 v34, $5.000000070e-02;
	v59 =	vor.u32 v0, v22;
	v23 =	vand.u32 $0xC00, v23  }
0x377: {  	v61 =	vor.u32 v3, v24;
	v34 =	vsel vm1, $0x3F800000, v58;
	v23 =	vor.u32 v60, v23  }
0x378: {  	[tilespmem:v53+s23+$0x0] =	vst.idx.msk $0xffff, v34;
	v32 =	vor.u32 v0, v23;
	vm1 =	vlt.f32 v57, $-5.000000070e-02  }
0x379: {  	v63 =	vor.u32 v3, v26;
	v34 =	vld.idx.msk [tilespmem:v54+s13+$0x0], $0xffff;
	v62 =	vsel vm1, $0xBF800000, v2;
	vm1 =	vgt.f32 v57, $5.000000070e-02  }
0x37a: {  	v36 =	vsel vm1, $0x3F800000, v62;
	vm1 =	vlt.f32 v27, $-5.000000070e-02  }
0x37b: {  	[tilespmem:v59+s23+$0x0] =	vst.idx.msk $0xffff, v36;
	v40 =	vsel vm1, $0xBF800000, v2;
	vm1 =	vgt.f32 v27, $5.000000070e-02  }
0x37c: {  	v27 =	vor.u32 v4, v21;
	v35 =	vld.idx.msk [tilespmem:v61+s13+$0x0], $0xffff;
	v33 =	vsel vm1, $0x3F800000, v40  }
0x37d: {  	v41 =	vor.u32 v5, v25;
	[tilespmem:v32+s23+$0x0] =	vst.idx.msk $0xffff, v33  }
0x37e: {  	vm1 =	vlt.f32 v34, $-5.000000070e-02;
	v32 =	vld.idx.msk [tilespmem:v63+s13+$0x0], $0xffff  }
0x37f: {  	v43 =	vor.u32 v4, v22;
	v42 =	vsel vm1, $0xBF800000, v2;
	vm1 =	vgt.f32 v34, $5.000000070e-02  }
0x380: {  	v44 =	vor.u32 v5, v24;
	v33 =	vsel vm1, $0x3F800000, v42  }
0x381: {  	[tilespmem:v27+s23+$0x0] =	vst.idx.msk $0xffff, v33;
	v27 =	vor.u32 v4, v23;
	vm1 =	vlt.f32 v35, $-5.000000070e-02  }
0x382: {  	v46 =	vor.u32 v5, v26;
	v33 =	vld.idx.msk [tilespmem:v41+s13+$0x0], $0xffff;
	v45 =	vsel vm1, $0xBF800000, v2;
	vm1 =	vgt.f32 v35, $5.000000070e-02  }
0x383: {  	v47 =	vor.u32 v6, v19;
	v36 =	vsel vm1, $0x3F800000, v45;
	vm1 =	vlt.f32 v32, $-5.000000070e-02  }
0x384: {  	v48 =	vor.u32 v7, v20;
	[tilespmem:v43+s23+$0x0] =	vst.idx.msk $0xffff, v36;
	v49 =	vsel vm1, $0xBF800000, v2;
	vm1 =	vgt.f32 v32, $5.000000070e-02  }
0x385: {  	v50 =	vor.u32 v6, v21;
	v32 =	vsel vm1, $0x3F800000, v49;
	vm1 =	vlt.f32 v31, $-5.000000070e-02;
	v36 =	vld.idx.msk [tilespmem:v44+s13+$0x0], $0xffff  }
0x386: {  	v51 =	vsel vm1, $0xBF800000, v2;
	vm1 =	vgt.f32 v31, $5.000000070e-02;
	[tilespmem:v27+s23+$0x0] =	vst.idx.msk $0xffff, v32  }
0x387: {  	v31 =	vor.u32 v7, v25;
	v27 =	vsel vm1, $0x3F800000, v51;
	vm1 =	vlt.f32 v33, $-5.000000070e-02;
	v32 =	vld.idx.msk [tilespmem:v46+s13+$0x0], $0xffff  }
0x388: {  	v52 =	vor.u32 v6, v22;
	[tilespmem:v47+s23+$0x0] =	vst.idx.msk $0xffff, v27;
	v27 =	vsel vm1, $0xBF800000, v2;
	vm1 =	vgt.f32 v33, $5.000000070e-02  }
0x389: {  	v54 =	vor.u32 v7, v24;
	v27 =	vsel vm1, $0x3F800000, v27  }
0x38a: {  	v53 =	vld.idx.msk [tilespmem:v48+s13+$0x0], $0xffff;
	[tilespmem:v50+s23+$0x0] =	vst.idx.msk $0xffff, v27;
	vm1 =	vlt.f32 v36, $-5.000000070e-02;
	v27 =	vor.u32 v6, v23  }
0x38b: {  	v56 =	vor.u32 v7, v26;
	v55 =	vsel vm1, $0xBF800000, v2;
	vm1 =	vgt.f32 v36, $5.000000070e-02  }
0x38c: {  	v31 =	vld.idx.msk [tilespmem:v31+s13+$0x0], $0xffff;
	v34 =	vsel vm1, $0x3F800000, v55;
	vm1 =	vlt.f32 v32, $-5.000000070e-02  }
0x38d: {  	v57 =	vor.u32 v8, v19;
	[tilespmem:v52+s23+$0x0] =	vst.idx.msk $0xffff, v34;
	v58 =	vsel vm1, $0xBF800000, v2;
	vm1 =	vgt.f32 v32, $5.000000070e-02  }
0x38e: {  	v59 =	vor.u32 v9, v20;
	v33 =	vsel vm1, $0x3F800000, v58;
	v34 =	vld.idx.msk [tilespmem:v54+s13+$0x0], $0xffff  }
0x38f: {  	v61 =	vor.u32 v8, v21;
	vm1 =	vlt.f32 v53, $-5.000000070e-02;
	[tilespmem:v27+s23+$0x0] =	vst.idx.msk $0xffff, v33  }
0x390: {  	v63 =	vor.u32 v9, v25;
	v60 =	vsel vm1, $0xBF800000, v2;
	vm1 =	vgt.f32 v53, $5.000000070e-02;
	v62 =	vld.idx.msk [tilespmem:v56+s13+$0x0], $0xffff  }
0x391: {  	v42 =	vor.u32 v9, v24;
	v27 =	vsel vm1, $0x3F800000, v60;
	vm1 =	vlt.f32 v31, $-5.000000070e-02  }
0x392: {  	v41 =	vsel vm1, $0xBF800000, v2;
	vm1 =	vgt.f32 v31, $5.000000070e-02;
	[tilespmem:v57+s23+$0x0] =	vst.idx.msk $0xffff, v27;
	v31 =	vor.u32 v8, v22  }
0x393: {  	v43 =	vor.u32 v8, v23;
	v27 =	vsel vm1, $0x3F800000, v41;
	v32 =	vld.idx.msk [tilespmem:v59+s13+$0x0], $0xffff;
	vm1 =	vlt.f32 v34, $-5.000000070e-02  }
0x394: {  	v45 =	vor.u32 v9, v26;
	v44 =	vsel vm1, $0xBF800000, v2;
	vm1 =	vgt.f32 v34, $5.000000070e-02  }
0x395: {  	v30 =	vsel vm0, $0x3F800000, v30;
	[tilespmem:v61+s23+$0x0] =	vst.idx.msk $0xffff, v27;
	v27 =	vsel vm1, $0x3F800000, v44;
	vm1 =	vlt.f32 v62, $-5.000000070e-02  }
0x396: {  	[tilespmem:v29+s23+$0x0] =	vst.idx.msk $0xffff, v30;
	v46 =	vor.u32 v10, v19;
	v36 =	vld.idx.msk [tilespmem:v63+s13+$0x0], $0xffff;
	v47 =	vsel vm1, $0xBF800000, v2;
	vm1 =	vgt.f32 v62, $5.000000070e-02  }
0x397: {  	v18 =	vor.u32 v15, v18;
	v48 =	vor.u32 v11, v20;
	[tilespmem:v31+s23+$0x0] =	vst.idx.msk $0xffff, v27;
	v27 =	vsel vm1, $0x3F800000, v47  }
0x398: {  	v29 =	vor.u32 v12, v19;
	vm0 =	vlt.f32 v32, $-5.000000070e-02;
	v31 =	vld.idx.msk [tilespmem:v42+s13+$0x0], $0xffff;
	[tilespmem:v43+s23+$0x0] =	vst.idx.msk $0xffff, v27  }
0x399: {  	v49 =	vor.u32 v10, v21;
	vm1 =	vgt.f32 v32, $5.000000070e-02;
	v27 =	vsel vm0, $0xBF800000, v2;
	v34 =	vld.idx.msk [tilespmem:v45+s13+$0x0], $0xffff  }
0x39a: {  	v30 =	vor.u32 v11, v25;
	v51 =	vor.u32 v11, v24;
	v27 =	vsel vm1, $0x3F800000, v27  }
0x39b: {  	v55 =	vor.u32 v14, v17;
	vm0 =	vlt.f32 v36, $-5.000000070e-02;
	[tilespmem:v46+s23+$0x0] =	vst.idx.msk $0xffff, v27;
	v27 =	vor.u32 v10, v22  }
0x39c: {  	v52 =	vor.u32 v10, v23;
	vm1 =	vgt.f32 v36, $5.000000070e-02;
	v50 =	vsel vm0, $0xBF800000, v2;
	v33 =	vld.idx.msk [tilespmem:v48+s13+$0x0], $0xffff  }
0x39d: {  	v53 =	vor.u32 v11, v26;
	v35 =	vsel vm1, $0x3F800000, v50;
	vm0 =	vlt.f32 v31, $-5.000000070e-02  }
0x39e: {  	v28 =	vld.idx.msk [tilespmem:v28+s13+$0x0], $0xffff;
	[tilespmem:v49+s23+$0x0] =	vst.idx.msk $0xffff, v35;
	vm1 =	vgt.f32 v31, $5.000000070e-02;
	v31 =	vsel vm0, $0xBF800000, v2;
	vm0 =	vlt.f32 v34, $-5.000000070e-02  }
0x39f: {  	v30 =	vld.idx.msk [tilespmem:v30+s13+$0x0], $0xffff;
	v31 =	vsel vm1, $0x3F800000, v31;
	vm1 =	vgt.f32 v34, $5.000000070e-02;
	v54 =	vsel vm0, $0xBF800000, v2  }
0x3a0: {  	v56 =	vor.u32 v13, v20;
	v60 =	vor.u32 v13, v25;
	[tilespmem:v27+s23+$0x0] =	vst.idx.msk $0xffff, v31;
	v27 =	vsel vm1, $0x3F800000, v54  }
0x3a1: {  	v20 =	vor.u32 v15, v20;
	vm1 =	vlt.f32 v33, $-5.000000070e-02;
	v31 =	vld.idx.msk [tilespmem:v51+s13+$0x0], $0xffff;
	[tilespmem:v52+s23+$0x0] =	vst.idx.msk $0xffff, v27  }
0x3a2: {  	v57 =	vor.u32 v12, v21;
	v27 =	vsel vm1, $0xBF800000, v2;
	vm1 =	vgt.f32 v33, $5.000000070e-02;
	v58 =	vld.idx.msk [tilespmem:v53+s13+$0x0], $0xffff  }
0x3a3: {  	v61 =	vor.u32 v13, v24;
	vm0 =	vlt.f32 v28, $-5.000000070e-02;
	v27 =	vsel vm1, $0x3F800000, v27  }
0x3a4: {  	v59 =	vsel vm0, $0xBF800000, v2;
	vm0 =	vlt.f32 v30, $-5.000000070e-02;
	[tilespmem:v29+s23+$0x0] =	vst.idx.msk $0xffff, v27;
	v27 =	vor.u32 v12, v22  }
0x3a5: {  	v62 =	vor.u32 v12, v23;
	vm1 =	vgt.f32 v30, $5.000000070e-02;
	v30 =	vsel vm0, $0xBF800000, v2  }
0x3a6: {  	v63 =	vor.u32 v13, v26;
	v29 =	vld.idx.msk [tilespmem:v56+s13+$0x0], $0xffff;
	v30 =	vsel vm1, $0x3F800000, v30;
	vm0 =	vlt.f32 v31, $-5.000000070e-02  }
0x3a7: {  	[tilespmem:v57+s23+$0x0] =	vst.idx.msk $0xffff, v30;
	vm1 =	vgt.f32 v31, $5.000000070e-02;
	v30 =	vsel vm0, $0xBF800000, v2;
	vm0 =	vlt.f32 v58, $-5.000000070e-02  }
0x3a8: {  	v31 =	vld.idx.msk [tilespmem:v60+s13+$0x0], $0xffff;
	v30 =	vsel vm1, $0x3F800000, v30;
	vm1 =	vgt.f32 v58, $5.000000070e-02;
	v41 =	vsel vm0, $0xBF800000, v2  }
0x3a9: {  	v25 =	vor.u32 v15, v25;
	vm0 =	vgt.f32 v28, $5.000000070e-02;
	[tilespmem:v27+s23+$0x0] =	vst.idx.msk $0xffff, v30;
	v27 =	vsel vm1, $0x3F800000, v41  }
0x3aa: {  	v28 =	vor.u32 v14, v19;
	v30 =	vsel vm0, $0x3F800000, v59;
	v42 =	vld.idx.msk [tilespmem:v61+s13+$0x0], $0xffff;
	[tilespmem:v62+s23+$0x0] =	vst.idx.msk $0xffff, v27  }
0x3ab: {  	vm0 =	vlt.f32 v29, $-5.000000070e-02;
	vm1 =	vgt.f32 v29, $5.000000070e-02;
	v29 =	vor.u32 v14, v21;
	v43 =	vld.idx.msk [tilespmem:v63+s13+$0x0], $0xffff  }
0x3ac: {  	v24 =	vor.u32 v15, v24;
	v44 =	vor.u32 v14, v23;
	[tilespmem:v55+s23+$0x0] =	vst.idx.msk $0xffff, v30  }
0x3ad: {  	v27 =	vsel vm0, $0xBF800000, v2;
	v30 =	vor.u32 v14, v22;
	v18 =	vld.idx.msk [tilespmem:v18+s13+$0x0], $0xffff;
	vm0 =	vlt.f32 v31, $-5.000000070e-02  }
0x3ae: {  	v27 =	vsel vm1, $0x3F800000, v27;
	vm1 =	vgt.f32 v31, $5.000000070e-02;
	v31 =	vsel vm0, $0xBF800000, v2  }
0x3af: {  	v26 =	vor.u32 v15, v26;
	[tilespmem:v28+s23+$0x0] =	vst.idx.msk $0xffff, v27;
	v27 =	vsel vm1, $0x3F800000, v31;
	vm0 =	vlt.f32 v42, $-5.000000070e-02  }
0x3b0: {  	v20 =	vld.idx.msk [tilespmem:v20+s13+$0x0], $0xffff;
	[tilespmem:v29+s23+$0x0] =	vst.idx.msk $0xffff, v27;
	vm1 =	vgt.f32 v42, $5.000000070e-02;
	v27 =	vsel vm0, $0xBF800000, v2;
	vm0 =	vlt.f32 v43, $-5.000000070e-02  }
0x3b1: {  	v25 =	vld.idx.msk [tilespmem:v25+s13+$0x0], $0xffff;
	v27 =	vsel vm1, $0x3F800000, v27;
	vm1 =	vgt.f32 v43, $5.000000070e-02;
	v28 =	vsel vm0, $0xBF800000, v2  }
0x3b2: {  	vm0 =	vlt.f32 v18, $-5.000000070e-02;
	[tilespmem:v30+s23+$0x0] =	vst.idx.msk $0xffff, v27;
	v27 =	vsel vm1, $0x3F800000, v28  }
0x3b3: {  	v17 =	vor.u32 v16, v17;
	vm1 =	vgt.f32 v18, $5.000000070e-02;
	v18 =	vsel vm0, $0xBF800000, v2;
	v24 =	vld.idx.msk [tilespmem:v24+s13+$0x0], $0xffff;
	[tilespmem:v44+s23+$0x0] =	vst.idx.msk $0xffff, v27  }
0x3b4: {  	v19 =	vor.u32 v16, v19;
	v18 =	vsel vm1, $0x3F800000, v18;
	v26 =	vld.idx.msk [tilespmem:v26+s13+$0x0], $0xffff  }
0x3b5: {  	vm0 =	vlt.f32 v20, $-5.000000070e-02;
	vm1 =	vgt.f32 v20, $5.000000070e-02;
	v20 =	vor.u32 v16, v21  }
0x3b6: {  	v22 =	vor.u32 v16, v22;
	v21 =	vsel vm0, $0xBF800000, v2;
	vm0 =	vlt.f32 v25, $-5.000000070e-02  }
0x3b7: {  	v23 =	vor.u32 v16, v23;
	v27 =	vsel vm0, $0xBF800000, v2;
	vm0 =	vgt.f32 v25, $5.000000070e-02  }
0x3b8: {  	[tilespmem:v17+s23+$0x0] =	vst.idx.msk $0xffff, v18;
	v17 =	vsel vm1, $0x3F800000, v21;
	v18 =	vsel vm0, $0x3F800000, v27;
	vm0 =	vlt.f32 v24, $-5.000000070e-02  }
0x3b9: {  	s3 =	sshll.u32 s14, $0x7;
	[tilespmem:v19+s23+$0x0] =	vst.idx.msk $0xffff, v17;
	vm1 =	vgt.f32 v24, $5.000000070e-02;
	v17 =	vsel vm0, $0xBF800000, v2;
	vm0 =	vlt.f32 v26, $-5.000000070e-02  }
0x3ba: {  	s5 =	sshll.u32 s14, $0x9;
	s3 =	sand.u32 $0x3F00, s3;
	[tilespmem:v20+s23+$0x0] =	vst.idx.msk $0xffff, v18;
	v17 =	vsel vm1, $0x3F800000, v17;
	vm1 =	vgt.f32 v26, $5.000000070e-02;
	v18 =	vsel vm0, $0xBF800000, v2  }
0x3bb: {  	s5 =	sand.u32 $0xFFF0000, s5;
	s3 =	sadd.s32 s2, s3;
	[tilespmem:v22+s23+$0x0] =	vst.idx.msk $0xffff, v17;
	v17 =	vsel vm1, $0x3F800000, v18  }
0x3bc: {  	s7 =	simm.s32 @!p1 $0x8400;
	s3 =	sadd.s32 s5, s3;
	[tilespmem:v23+s23+$0x0] =	vst.idx.msk $0xffff, v17  }
0x3bd: {  	[hbm4b:s3+s18] =	stream.strided.scatter [tilespmem:s23], [sflag:$0x7], $0x1000, s19, s18, $0x38;
	[tilespmem:$0xE400] =	vst v63  }
0x3be: {  	s14 =	simm.s32 $0x0;
	s5 =	simm.s32 @!p1 $0x80;
	s3 =	sadd.s32 @!p1 $0x300, s12  }
0x3bf: {  	v17 =	vadd.s32 s14, v0;
	[tilespmem:s7], [sflag:$0x3] =	stream.indirect.gather @!p1 [hbm4b:s4+s5], $0x20, s3, s5, $0xb8;
	[tilespmem:$0xE400] =	vst v63  }
0x3c0: {  	v18 =	vand.u32 $0xF, v17;
	_ =	swait.ge [sflag:s24], $0x1000  }
0x3c1: {  	v19 =	vor.u32 v1, v18;
	[sflag:s24] =	ssyncset.done $0x0  }
0x3c2: {  	s3 =	simm.s32 @!p0 $0x8;
	[sflag:s24] =	ssyncadd.s32 $0xFFFFF000  }
0x3c3: {  	_ =	swait.ge @!p0 [sflag:s3], $0x1000  }
0x3c4: {  	[sflag:s3] =	ssyncset.done @!p0 $0x0  }
0x3c5: {  	[sflag:s3] =	ssyncadd.s32 @!p0 $0xFFFFF000  }
0x3c6: {  	v19 =	vld.idx.msk [tilespmem:v19+s15+$0x0], $0xffff  }
0x3c7: {  	v24 =	vshll.u32 v17, $0x7  }
0x3c8: {  	v22 =	vand.u32 $0x780, v24  }
0x3c9: {  	v20 =	vor.u32 v0, v22  }
0x3ca: {  	v21 =	vor.u32 v3, v18  }
0x3cb: {  	vm0 =	vlt.f32 v19, $-5.000000070e-02  }
0x3cc: {  	vm1 =	vgt.f32 v19, $5.000000070e-02;
	v19 =	vsel vm0, $0xBF800000, v2  }
0x3cd: {  	v19 =	vsel vm1, $0x3F800000, v19  }
0x3ce: {  	[tilespmem:v20+s25+$0x0] =	vst.idx.msk $0xffff, v19  }
0x3cf: {  	v19 =	vld.idx.msk [tilespmem:v21+s15+$0x0], $0xffff;
	_ =	sdelay $0x2  }
0x3d0: {  	v20 =	vor.u32 v4, v22  }
0x3d1: {  	v21 =	vor.u32 v5, v18  }
0x3d2: {  	vm0 =	vlt.f32 v19, $-5.000000070e-02  }
0x3d3: {  	vm1 =	vgt.f32 v19, $5.000000070e-02;
	v19 =	vsel vm0, $0xBF800000, v2  }
0x3d4: {  	v19 =	vsel vm1, $0x3F800000, v19  }
0x3d5: {  	[tilespmem:v20+s25+$0x0] =	vst.idx.msk $0xffff, v19  }
0x3d6: {  	v19 =	vld.idx.msk [tilespmem:v21+s15+$0x0], $0xffff;
	_ =	sdelay $0x2  }
0x3d7: {  	v21 =	vor.u32 v6, v22  }
0x3d8: {  	v25 =	vor.u32 v7, v18  }
0x3d9: {  	vm0 =	vlt.f32 v19, $-5.000000070e-02  }
0x3da: {  	s5 =	simm.s32 $0x1;
	vm1 =	vgt.f32 v19, $5.000000070e-02;
	v19 =	vsel vm0, $0xBF800000, v2  }
0x3db: {  	v20 =	vadd.s32 s5, v0;
	v19 =	vsel vm1, $0x3F800000, v19  }
0x3dc: {  	v23 =	vand.u32 $0xF, v20;
	[tilespmem:v21+s25+$0x0] =	vst.idx.msk $0xffff, v19  }
0x3dd: {  	v21 =	vor.u32 v1, v23;
	v19 =	vld.idx.msk [tilespmem:v25+s15+$0x0], $0xffff;
	_ =	sdelay $0x2  }
0x3de: {  	v25 =	vor.u32 v8, v22  }
0x3df: {  	v27 =	vor.u32 v9, v18  }
0x3e0: {  	v21 =	vld.idx.msk [tilespmem:v21+s15+$0x0], $0xffff;
	vm0 =	vlt.f32 v19, $-5.000000070e-02  }
0x3e1: {  	v26 =	vshll.u32 v20, $0x7;
	vm1 =	vgt.f32 v19, $5.000000070e-02;
	v28 =	vsel vm0, $0xBF800000, v2  }
0x3e2: {  	v19 =	vand.u32 $0x780, v26;
	v28 =	vsel vm1, $0x3F800000, v28  }
0x3e3: {  	[tilespmem:v25+s25+$0x0] =	vst.idx.msk $0xffff, v28;
	v25 =	vor.u32 v0, v19  }
0x3e4: {  	v28 =	vor.u32 v3, v23;
	v27 =	vld.idx.msk [tilespmem:v27+s15+$0x0], $0xffff  }
0x3e5: {  	vm0 =	vlt.f32 v21, $-5.000000070e-02  }
0x3e6: {  	vm1 =	vgt.f32 v21, $5.000000070e-02;
	v21 =	vsel vm0, $0xBF800000, v2  }
0x3e7: {  	v29 =	vor.u32 v10, v22;
	v21 =	vsel vm1, $0x3F800000, v21  }
0x3e8: {  	v30 =	vor.u32 v11, v18;
	[tilespmem:v25+s25+$0x0] =	vst.idx.msk $0xffff, v21  }
0x3e9: {  	v21 =	vld.idx.msk [tilespmem:v28+s15+$0x0], $0xffff;
	vm0 =	vlt.f32 v27, $-5.000000070e-02  }
0x3ea: {  	vm1 =	vgt.f32 v27, $5.000000070e-02;
	v25 =	vsel vm0, $0xBF800000, v2  }
0x3eb: {  	v25 =	vsel vm1, $0x3F800000, v25  }
0x3ec: {  	[tilespmem:v29+s25+$0x0] =	vst.idx.msk $0xffff, v25;
	v25 =	vor.u32 v4, v19  }
0x3ed: {  	v28 =	vor.u32 v5, v23;
	v27 =	vld.idx.msk [tilespmem:v30+s15+$0x0], $0xffff  }
0x3ee: {  	vm0 =	vlt.f32 v21, $-5.000000070e-02  }
0x3ef: {  	vm1 =	vgt.f32 v21, $5.000000070e-02;
	v21 =	vsel vm0, $0xBF800000, v2  }
0x3f0: {  	v29 =	vor.u32 v12, v22;
	v21 =	vsel vm1, $0x3F800000, v21  }
0x3f1: {  	[tilespmem:v25+s25+$0x0] =	vst.idx.msk $0xffff, v21;
	v21 =	vor.u32 v13, v18  }
0x3f2: {  	v25 =	vld.idx.msk [tilespmem:v28+s15+$0x0], $0xffff;
	vm0 =	vlt.f32 v27, $-5.000000070e-02  }
0x3f3: {  	vm1 =	vgt.f32 v27, $5.000000070e-02;
	v27 =	vsel vm0, $0xBF800000, v2  }
0x3f4: {  	v27 =	vsel vm1, $0x3F800000, v27  }
0x3f5: {  	[tilespmem:v29+s25+$0x0] =	vst.idx.msk $0xffff, v27;
	v27 =	vor.u32 v6, v19  }
0x3f6: {  	v29 =	vor.u32 v7, v23;
	v21 =	vld.idx.msk [tilespmem:v21+s15+$0x0], $0xffff  }
0x3f7: {  	vm0 =	vlt.f32 v25, $-5.000000070e-02  }
0x3f8: {  	vm1 =	vgt.f32 v25, $5.000000070e-02;
	v25 =	vsel vm0, $0xBF800000, v2  }
0x3f9: {  	s7 =	simm.s32 $0x2;
	v31 =	vor.u32 v14, v22;
	v25 =	vsel vm1, $0x3F800000, v25  }
0x3fa: {  	v18 =	vor.u32 v15, v18;
	v28 =	vadd.s32 s7, v0;
	[tilespmem:v27+s25+$0x0] =	vst.idx.msk $0xffff, v25  }
0x3fb: {  	v30 =	vand.u32 $0xF, v28;
	v25 =	vld.idx.msk [tilespmem:v29+s15+$0x0], $0xffff;
	vm0 =	vlt.f32 v21, $-5.000000070e-02  }
0x3fc: {  	v27 =	vor.u32 v1, v30;
	vm1 =	vgt.f32 v21, $5.000000070e-02;
	v21 =	vsel vm0, $0xBF800000, v2  }
0x3fd: {  	v21 =	vsel vm1, $0x3F800000, v21  }
0x3fe: {  	v29 =	vor.u32 v8, v19;
	[tilespmem:v31+s25+$0x0] =	vst.idx.msk $0xffff, v21  }
0x3ff: {  	v31 =	vor.u32 v9, v23;
	v45 =	vld.idx.msk [tilespmem:v18+s15+$0x0], $0xffff  }
0x400: {  	v17 =	vor.u32 $0x10, v17;
	vm0 =	vlt.f32 v25, $-5.000000070e-02  }
0x401: {  	v46 =	vor.u32 v16, v22;
	v27 =	vld.idx.msk [tilespmem:v27+s15+$0x0], $0xffff;
	vm1 =	vgt.f32 v25, $5.000000070e-02;
	v25 =	vsel vm0, $0xBF800000, v2  }
0x402: {  	v21 =	vshll.u32 v28, $0x7;
	v18 =	vand.u32 $0x1F, v17;
	v25 =	vsel vm1, $0x3F800000, v25  }
0x403: {  	v22 =	vand.u32 $0x780, v21;
	[tilespmem:v29+s25+$0x0] =	vst.idx.msk $0xffff, v25;
	v25 =	vor.u32 v1, v18  }
0x404: {  	v29 =	vor.u32 v0, v22;
	v31 =	vld.idx.msk [tilespmem:v31+s15+$0x0], $0xffff;
	vm0 =	vlt.f32 v45, $-5.000000070e-02  }
0x405: {  	v47 =	vor.u32 v3, v30;
	vm1 =	vgt.f32 v45, $5.000000070e-02;
	v48 =	vsel vm0, $0xBF800000, v2  }
0x406: {  	vm0 =	vlt.f32 v27, $-5.000000070e-02;
	v32 =	vsel vm1, $0x3F800000, v48  }
0x407: {  	v49 =	vor.u32 v10, v19;
	vm1 =	vgt.f32 v27, $5.000000070e-02;
	v27 =	vsel vm0, $0xBF800000, v2;
	[tilespmem:v46+s25+$0x0] =	vst.idx.msk $0xffff, v32  }
0x408: {  	v50 =	vor.u32 v11, v23;
	v17 =	vshll.u32 v17, $0x7;
	v27 =	vsel vm1, $0x3F800000, v27;
	v25 =	vld.idx.msk [tilespmem:v25+s15+$0x0], $0xffff  }
0x409: {  	v24 =	vand.u32 $0x380, v24;
	v17 =	vand.u32 $0xC00, v17;
	[tilespmem:v29+s25+$0x0] =	vst.idx.msk $0xffff, v27;
	vm0 =	vlt.f32 v31, $-5.000000070e-02  }
0x40a: {  	v17 =	vor.u32 v24, v17;
	v27 =	vld.idx.msk [tilespmem:v47+s15+$0x0], $0xffff;
	vm1 =	vgt.f32 v31, $5.000000070e-02;
	v29 =	vsel vm0, $0xBF800000, v2  }
0x40b: {  	v24 =	vsel vm1, $0x3F800000, v29;
	v29 =	vor.u32 v0, v17  }
0x40c: {  	[tilespmem:v49+s25+$0x0] =	vst.idx.msk $0xffff, v24;
	v24 =	vor.u32 v3, v18  }
0x40d: {  	v31 =	vor.u32 v4, v22;
	v32 =	vld.idx.msk [tilespmem:v50+s15+$0x0], $0xffff;
	vm0 =	vlt.f32 v25, $-5.000000070e-02  }
0x40e: {  	v51 =	vor.u32 v5, v30;
	vm1 =	vgt.f32 v25, $5.000000070e-02;
	v25 =	vsel vm0, $0xBF800000, v2  }
0x40f: {  	vm0 =	vlt.f32 v27, $-5.000000070e-02;
	v25 =	vsel vm1, $0x3F800000, v25  }
0x410: {  	vm1 =	vgt.f32 v27, $5.000000070e-02;
	v27 =	vsel vm0, $0xBF800000, v2;
	[tilespmem:v29+s25+$0x0] =	vst.idx.msk $0xffff, v25;
	v25 =	vor.u32 v12, v19  }
0x411: {  	v27 =	vsel vm1, $0x3F800000, v27;
	v29 =	vor.u32 v13, v23;
	v24 =	vld.idx.msk [tilespmem:v24+s15+$0x0], $0xffff  }
0x412: {  	[tilespmem:v31+s25+$0x0] =	vst.idx.msk $0xffff, v27;
	vm0 =	vlt.f32 v32, $-5.000000070e-02  }
0x413: {  	v27 =	vld.idx.msk [tilespmem:v51+s15+$0x0], $0xffff;
	vm1 =	vgt.f32 v32, $5.000000070e-02;
	v31 =	vsel vm0, $0xBF800000, v2  }
0x414: {  	v52 =	vor.u32 v4, v17;
	v31 =	vsel vm1, $0x3F800000, v31  }
0x415: {  	[tilespmem:v25+s25+$0x0] =	vst.idx.msk $0xffff, v31;
	v25 =	vor.u32 v5, v18  }
0x416: {  	v31 =	vor.u32 v6, v22;
	v29 =	vld.idx.msk [tilespmem:v29+s15+$0x0], $0xffff;
	vm0 =	vlt.f32 v24, $-5.000000070e-02  }
0x417: {  	v53 =	vor.u32 v7, v30;
	vm1 =	vgt.f32 v24, $5.000000070e-02;
	v24 =	vsel vm0, $0xBF800000, v2  }
0x418: {  	vm0 =	vlt.f32 v27, $-5.000000070e-02;
	v24 =	vsel vm1, $0x3F800000, v24  }
0x419: {  	s12 =	simm.s32 $0x3;
	v54 =	vor.u32 v14, v19;
	vm1 =	vgt.f32 v27, $5.000000070e-02;
	v27 =	vsel vm0, $0xBF800000, v2;
	[tilespmem:v52+s25+$0x0] =	vst.idx.msk $0xffff, v24  }
0x41a: {  	v24 =	vadd.s32 s12, v0;
	v27 =	vsel vm1, $0x3F800000, v27;
	v55 =	vld.idx.msk [tilespmem:v25+s15+$0x0], $0xffff  }
0x41b: {  	v56 =	vor.u32 v15, v23;
	v25 =	vand.u32 $0xF, v24;
	[tilespmem:v31+s25+$0x0] =	vst.idx.msk $0xffff, v27;
	vm0 =	vlt.f32 v29, $-5.000000070e-02  }
0x41c: {  	v27 =	vld.idx.msk [tilespmem:v53+s15+$0x0], $0xffff;
	v31 =	vor.u32 v1, v25;
	vm1 =	vgt.f32 v29, $5.000000070e-02;
	v23 =	vsel vm0, $0xBF800000, v2  }
0x41d: {  	v57 =	vor.u32 v6, v17;
	v29 =	vsel vm1, $0x3F800000, v23  }
0x41e: {  	v58 =	vor.u32 $0x10, v20;
	v59 =	vand.u32 $0x380, v26;
	[tilespmem:v54+s25+$0x0] =	vst.idx.msk $0xffff, v29;
	v29 =	vor.u32 v7, v18  }
0x41f: {  	v20 =	vand.u32 $0x1F, v58;
	v60 =	vor.u32 v8, v22;
	vm0 =	vlt.f32 v55, $-5.000000070e-02  }
0x420: {  	v61 =	vor.u32 v9, v30;
	v35 =	vld.idx.msk [tilespmem:v56+s15+$0x0], $0xffff;
	vm1 =	vgt.f32 v55, $5.000000070e-02;
	v26 =	vsel vm0, $0xBF800000, v2  }
0x421: {  	v62 =	vor.u32 v1, v20;
	v31 =	vld.idx.msk [tilespmem:v31+s15+$0x0], $0xffff;
	vm0 =	vlt.f32 v27, $-5.000000070e-02;
	v26 =	vsel vm1, $0x3F800000, v26  }
0x422: {  	v23 =	vshll.u32 v24, $0x7;
	vm1 =	vgt.f32 v27, $5.000000070e-02;
	v27 =	vsel vm0, $0xBF800000, v2;
	[tilespmem:v57+s25+$0x0] =	vst.idx.msk $0xffff, v26  }
0x423: {  	v19 =	vor.u32 v16, v19;
	v26 =	vand.u32 $0x780, v23;
	v27 =	vsel vm1, $0x3F800000, v27;
	v29 =	vld.idx.msk [tilespmem:v29+s15+$0x0], $0xffff  }
0x424: {  	v63 =	vshll.u32 v58, $0x7;
	v45 =	vor.u32 v8, v17;
	[tilespmem:v60+s25+$0x0] =	vst.idx.msk $0xffff, v27;
	v27 =	vor.u32 v0, v26  }
0x425: {  	v46 =	vor.u32 v9, v18;
	v43 =	vor.u32 v3, v25;
	vm0 =	vlt.f32 v35, $-5.000000070e-02;
	v42 =	vld.idx.msk [tilespmem:v61+s15+$0x0], $0xffff  }
0x426: {  	vm1 =	vgt.f32 v35, $5.000000070e-02;
	v44 =	vsel vm0, $0xBF800000, v2;
	vm0 =	vlt.f32 v31, $-5.000000070e-02  }
0x427: {  	v35 =	vsel vm1, $0x3F800000, v44;
	vm1 =	vgt.f32 v31, $5.000000070e-02;
	v31 =	vsel vm0, $0xBF800000, v2  }
0x428: {  	[tilespmem:v19+s25+$0x0] =	vst.idx.msk $0xffff, v35;
	v19 =	vsel vm1, $0x3F800000, v31;
	v31 =	vor.u32 v10, v22;
	vm0 =	vlt.f32 v29, $-5.000000070e-02  }
0x429: {  	v47 =	vor.u32 v11, v30;
	v33 =	vld.idx.msk [tilespmem:v62+s15+$0x0], $0xffff;
	[tilespmem:v27+s25+$0x0] =	vst.idx.msk $0xffff, v19;
	vm1 =	vgt.f32 v29, $5.000000070e-02;
	v19 =	vsel vm0, $0xBF800000, v2  }
0x42a: {  	v27 =	vand.u32 $0xC00, v63;
	vm0 =	vlt.f32 v42, $-5.000000070e-02;
	v48 =	vsel vm1, $0x3F800000, v19  }
0x42b: {  	v29 =	vld.idx.msk [tilespmem:v43+s15+$0x0], $0xffff;
	vm1 =	vgt.f32 v42, $5.000000070e-02;
	v49 =	vsel vm0, $0xBF800000, v2;
	v19 =	vor.u32 v59, v27  }
0x42c: {  	[tilespmem:v45+s25+$0x0] =	vst.idx.msk $0xffff, v48;
	v27 =	vsel vm1, $0x3F800000, v49;
	v32 =	vor.u32 v0, v19  }
0x42d: {  	v34 =	vld.idx.msk [tilespmem:v46+s15+$0x0], $0xffff;
	[tilespmem:v31+s25+$0x0] =	vst.idx.msk $0xffff, v27;
	v27 =	vor.u32 v3, v20  }
0x42e: {  	v38 =	vor.u32 v15, v30;
	v31 =	vor.u32 v4, v26;
	vm0 =	vlt.f32 v33, $-5.000000070e-02  }
0x42f: {  	v52 =	vor.u32 v5, v25;
	v50 =	vld.idx.msk [tilespmem:v47+s15+$0x0], $0xffff;
	vm1 =	vgt.f32 v33, $5.000000070e-02;
	v51 =	vsel vm0, $0xBF800000, v2  }
0x430: {  	v53 =	vor.u32 v10, v17;
	vm0 =	vlt.f32 v29, $-5.000000070e-02;
	v33 =	vsel vm1, $0x3F800000, v51  }
0x431: {  	v54 =	vor.u32 v11, v18;
	vm1 =	vgt.f32 v29, $5.000000070e-02;
	v29 =	vsel vm0, $0xBF800000, v2;
	[tilespmem:v32+s25+$0x0] =	vst.idx.msk $0xffff, v33  }
0x432: {  	v55 =	vor.u32 v12, v22;
	v29 =	vsel vm1, $0x3F800000, v29;
	v56 =	vld.idx.msk [tilespmem:v27+s15+$0x0], $0xffff;
	vm0 =	vlt.f32 v34, $-5.000000070e-02  }
0x433: {  	v57 =	vor.u32 v13, v30;
	[tilespmem:v31+s25+$0x0] =	vst.idx.msk $0xffff, v29;
	vm1 =	vgt.f32 v34, $5.000000070e-02;
	v27 =	vsel vm0, $0xBF800000, v2  }
0x434: {  	v37 =	vor.u32 v14, v22;
	vm0 =	vlt.f32 v50, $-5.000000070e-02;
	v31 =	vld.idx.msk [tilespmem:v52+s15+$0x0], $0xffff;
	v27 =	vsel vm1, $0x3F800000, v27  }
0x435: {  	v39 =	vor.u32 v7, v25;
	vm1 =	vgt.f32 v50, $5.000000070e-02;
	v29 =	vsel vm0, $0xBF800000, v2;
	[tilespmem:v53+s25+$0x0] =	vst.idx.msk $0xffff, v27  }
0x436: {  	v61 =	vor.u32 v5, v20;
	v59 =	vor.u32 v4, v19;
	v58 =	vsel vm1, $0x3F800000, v29;
	v60 =	vld.idx.msk [tilespmem:v54+s15+$0x0], $0xffff  }
0x437: {  	s14 =	simm.s32 $0x4;
	v62 =	vor.u32 v6, v26;
	v33 =	vor.u32 $0x10, v28;
	[tilespmem:v55+s25+$0x0] =	vst.idx.msk $0xffff, v58;
	vm0 =	vlt.f32 v56, $-5.000000070e-02  }
0x438: {  	v27 =	vadd.s32 s14, v0;
	vm1 =	vgt.f32 v56, $5.000000070e-02;
	v36 =	vld.idx.msk [tilespmem:v57+s15+$0x0], $0xffff;
	v28 =	vsel vm0, $0xBF800000, v2  }
0x439: {  	v29 =	vor.u32 v12, v17;
	vm0 =	vlt.f32 v31, $-5.000000070e-02;
	v40 =	vsel vm1, $0x3F800000, v28  }
0x43a: {  	vm1 =	vgt.f32 v31, $5.000000070e-02;
	v31 =	vsel vm0, $0xBF800000, v2;
	v28 =	vor.u32 v13, v18  }
0x43b: {  	v32 =	vshll.u32 v27, $0x7;
	[tilespmem:v59+s25+$0x0] =	vst.idx.msk $0xffff, v40;
	v63 =	vsel vm1, $0x3F800000, v31;
	vm1 =	vlt.f32 v60, $-5.000000070e-02  }
0x43c: {  	s0 =	sadd.s32 $0x3, s0;
	s3 =	simm.s32 $0x5;
	v35 =	vand.u32 $0xF, v27;
	v31 =	vld.idx.msk [tilespmem:v61+s15+$0x0], $0xffff;
	[tilespmem:v62+s25+$0x0] =	vst.idx.msk $0xffff, v63;
	vm0 =	vgt.f32 v60, $5.000000070e-02;
	v30 =	vsel vm1, $0xBF800000, v2  }
.LBB2_9:
0x43d: {  	p0 =	sne.s32 s3, $0xF;
	v39 =	vld.idx.msk [tilespmem:v39+s15+$0x0], $0xffff;
	v40 =	vand.u32 $0x380, v21;
	vm1 =	vlt.f32 v36, $-5.000000070e-02;
	v30 =	vsel vm0, $0x3F800000, v30;
	v21 =	vmovc v23;
	v23 =	vmovc v32  }
0x43e: {  	v32 =	vor.u32 v1, v35;
	vm0 =	vgt.f32 v36, $5.000000070e-02;
	v34 =	vmovc v35;
	v36 =	vsel vm1, $0xBF800000, v2;
	[tilespmem:v29+s25+$0x0] =	vst.idx.msk $0xffff, v30  }
0x43f: {  	v35 =	vor.u32 v6, v19;
	v30 =	vshll.u32 v33, $0x7;
	v29 =	vsel vm0, $0x3F800000, v36;
	v28 =	vld.idx.msk [tilespmem:v28+s15+$0x0], $0xffff  }
0x440: {  	v36 =	vor.u32 v11, v25;
	[tilespmem:v37+s25+$0x0] =	vst.idx.msk $0xffff, v29;
	v29 =	vand.u32 $0x1F, v33;
	v33 =	vor.u32 v7, v20  }
0x441: {  	v41 =	vor.u32 v9, v25;
	v37 =	vor.u32 v8, v26;
	vm0 =	vlt.f32 v31, $-5.000000070e-02;
	v38 =	vld.idx.msk [tilespmem:v38+s15+$0x0], $0xffff  }
0x442: {  	v42 =	vand.u32 $0x780, v23;
	vm1 =	vgt.f32 v31, $5.000000070e-02;
	v31 =	vsel vm0, $0xBF800000, v2  }
0x443: {  	v43 =	vor.u32 v14, v17;
	vm0 =	vlt.f32 v39, $-5.000000070e-02;
	v31 =	vsel vm1, $0x3F800000, v31;
	v32 =	vld.idx.msk [tilespmem:v32+s15+$0x0], $0xffff  }
0x444: {  	vm1 =	vgt.f32 v39, $5.000000070e-02;
	v39 =	vsel vm0, $0xBF800000, v2;
	[tilespmem:v35+s25+$0x0] =	vst.idx.msk $0xffff, v31;
	v31 =	vor.u32 v15, v18;
	v18 =	vmovc v20  }
0x445: {  	v35 =	vsel vm1, $0x3F800000, v39;
	v39 =	vor.u32 v16, v22;
	vm0 =	vlt.f32 v28, $-5.000000070e-02;
	v20 =	vmovc v29;
	v22 =	vmovc v26;
	v33 =	vld.idx.msk [tilespmem:v33+s15+$0x0], $0xffff  }
0x446: {  	vm1 =	vgt.f32 v28, $5.000000070e-02;
	v26 =	vmovc v42;
	v29 =	vor.u32 v1, v20;
	v28 =	vsel vm0, $0xBF800000, v2;
	[tilespmem:v37+s25+$0x0] =	vst.idx.msk $0xffff, v35  }
0x447: {  	v35 =	vor.u32 v0, v26;
	vm0 =	vlt.f32 v38, $-5.000000070e-02;
	v28 =	vsel vm1, $0x3F800000, v28;
	v37 =	vld.idx.msk [tilespmem:v41+s15+$0x0], $0xffff  }
0x448: {  	vm1 =	vgt.f32 v38, $5.000000070e-02;
	v41 =	vor.u32 v3, v34;
	v38 =	vsel vm0, $0xBF800000, v2;
	[tilespmem:v43+s25+$0x0] =	vst.idx.msk $0xffff, v28  }
0x449: {  	vm0 =	vlt.f32 v32, $-5.000000070e-02;
	v28 =	vsel vm1, $0x3F800000, v38;
	v38 =	vor.u32 v8, v19;
	v31 =	vld.idx.msk [tilespmem:v31+s15+$0x0], $0xffff  }
0x44a: {  	vm1 =	vgt.f32 v32, $5.000000070e-02;
	v32 =	vsel vm0, $0xBF800000, v2;
	[tilespmem:v39+s25+$0x0] =	vst.idx.msk $0xffff, v28;
	v28 =	vor.u32 v9, v18  }
0x44b: {  	v32 =	vsel vm1, $0x3F800000, v32;
	v39 =	vor.u32 v10, v22;
	vm0 =	vlt.f32 v33, $-5.000000070e-02;
	v29 =	vld.idx.msk [tilespmem:v29+s15+$0x0], $0xffff  }
0x44c: {  	v30 =	vand.u32 $0xC00, v30;
	vm1 =	vgt.f32 v33, $5.000000070e-02;
	[tilespmem:v35+s25+$0x0] =	vst.idx.msk $0xffff, v32;
	v32 =	vsel vm0, $0xBF800000, v2  }
0x44d: {  	vm0 =	vlt.f32 v37, $-5.000000070e-02;
	v35 =	vor.u32 v16, v17;
	v17 =	vmovc v19;
	v33 =	vld.idx.msk [tilespmem:v41+s15+$0x0], $0xffff;
	v32 =	vsel vm1, $0x3F800000, v32  }
0x44e: {  	v19 =	vor.u32 v40, v30;
	vm1 =	vgt.f32 v37, $5.000000070e-02;
	v37 =	vsel vm0, $0xBF800000, v2;
	[tilespmem:v38+s25+$0x0] =	vst.idx.msk $0xffff, v32  }
0x44f: {  	v30 =	vsel vm1, $0x3F800000, v37;
	v32 =	vor.u32 v0, v19;
	vm0 =	vlt.f32 v31, $-5.000000070e-02;
	v28 =	vld.idx.msk [tilespmem:v28+s15+$0x0], $0xffff  }
0x450: {  	vm1 =	vgt.f32 v31, $5.000000070e-02;
	v31 =	vsel vm0, $0xBF800000, v2;
	[tilespmem:v39+s25+$0x0] =	vst.idx.msk $0xffff, v30;
	v30 =	vor.u32 v3, v20  }
0x451: {  	v37 =	vor.u32 v4, v26;
	vm0 =	vlt.f32 v29, $-5.000000070e-02;
	v31 =	vsel vm1, $0x3F800000, v31;
	v36 =	vld.idx.msk [tilespmem:v36+s15+$0x0], $0xffff  }
0x452: {  	v38 =	vor.u32 v5, v34;
	vm1 =	vgt.f32 v29, $5.000000070e-02;
	v29 =	vsel vm0, $0xBF800000, v2;
	[tilespmem:v35+s25+$0x0] =	vst.idx.msk $0xffff, v31  }
0x453: {  	vm0 =	vlt.f32 v33, $-5.000000070e-02;
	v29 =	vsel vm1, $0x3F800000, v29;
	v31 =	vor.u32 v10, v17  }
0x454: {  	vm1 =	vgt.f32 v33, $5.000000070e-02;
	v33 =	vsel vm0, $0xBF800000, v2;
	[tilespmem:v32+s25+$0x0] =	vst.idx.msk $0xffff, v29;
	v29 =	vor.u32 v11, v18  }
0x455: {  	v32 =	vsel vm1, $0x3F800000, v33;
	v33 =	vor.u32 v12, v22;
	vm0 =	vlt.f32 v28, $-5.000000070e-02;
	v30 =	vld.idx.msk [tilespmem:v30+s15+$0x0], $0xffff  }
0x456: {  	vm1 =	vgt.f32 v28, $5.000000070e-02;
	v28 =	vsel vm0, $0xBF800000, v2;
	[tilespmem:v37+s25+$0x0] =	vst.idx.msk $0xffff, v32;
	v37 =	vor.u32 v13, v25  }
0x457: {  	vm0 =	vlt.f32 v36, $-5.000000070e-02;
	v28 =	vsel vm1, $0x3F800000, v28;
	v38 =	vld.idx.msk [tilespmem:v38+s15+$0x0], $0xffff  }
0x458: {  	vm1 =	vgt.f32 v36, $5.000000070e-02;
	v32 =	vsel vm0, $0xBF800000, v2;
	[tilespmem:v31+s25+$0x0] =	vst.idx.msk $0xffff, v28  }
0x459: {  	v40 =	vor.u32 v4, v19;
	v28 =	vadd.s32 s3, v0;
	v31 =	vsel vm1, $0x3F800000, v32;
	v41 =	vld.idx.msk [tilespmem:v29+s15+$0x0], $0xffff  }
0x45a: {  	v32 =	vshll.u32 v28, $0x7;
	[tilespmem:v33+s25+$0x0] =	vst.idx.msk $0xffff, v31;
	v33 =	vor.u32 $0x10, v24;
	v31 =	vor.u32 v5, v20;
	v24 =	vmovc v27  }
0x45b: {  	v42 =	vor.u32 v6, v26;
	v35 =	vand.u32 $0xF, v28;
	vm0 =	vlt.f32 v30, $-5.000000070e-02;
	v27 =	vmovc v28;
	v36 =	vld.idx.msk [tilespmem:v37+s15+$0x0], $0xffff  }
.Ltmp5:
0x45c: {  	v39 =	vor.u32 v7, v34;
	vm1 =	vgt.f32 v30, $5.000000070e-02;
	v28 =	vsel vm0, $0xBF800000, v2;
	(pc) =	sbr.rel @p0 .LBB2_9-.Ltmp5, $4  }
0x45d: {  	v29 =	vor.u32 v12, v17;
	vm0 =	vlt.f32 v38, $-5.000000070e-02;
	v28 =	vsel vm1, $0x3F800000, v28  }
0x45e: {  	vm1 =	vgt.f32 v38, $5.000000070e-02;
	v30 =	vsel vm0, $0xBF800000, v2;
	[tilespmem:v40+s25+$0x0] =	vst.idx.msk $0xffff, v28;
	v28 =	vor.u32 v13, v18  }
0x45f: {  	v37 =	vor.u32 v14, v22;
	v30 =	vsel vm1, $0x3F800000, v30;
	vm1 =	vlt.f32 v41, $-5.000000070e-02;
	v31 =	vld.idx.msk [tilespmem:v31+s15+$0x0], $0xffff  }
0x460: {  	s3 =	sadd.s32 $0x1, s3;
	v38 =	vor.u32 v15, v25;
	v25 =	vmovc v34;
	vm0 =	vgt.f32 v41, $5.000000070e-02;
	[tilespmem:v42+s25+$0x0] =	vst.idx.msk $0xffff, v30;
	v30 =	vsel vm1, $0xBF800000, v2  }
0x461: {  	v34 =	vor.u32 v1, v35;
	_ =	sdelay $0x4  }
0x462: {  	v34 =	vld.idx.msk [tilespmem:v34+s15+$0x0], $0xffff;
	_ =	sdelay $0x1  }
0x463: {  	v40 =	vand.u32 $0x780, v32  }
0x464: {  	v41 =	vor.u32 v0, v40  }
0x465: {  	v42 =	vor.u32 v3, v35  }
0x466: {  	vm1 =	vlt.f32 v34, $-5.000000070e-02  }
0x467: {  	vm7 =	vgt.f32 v34, $5.000000070e-02;
	v43 =	vsel vm1, $0xBF800000, v2  }
0x468: {  	v34 =	vsel vm7, $0x3F800000, v43  }
0x469: {  	[tilespmem:v41+s25+$0x0] =	vst.idx.msk $0xffff, v34  }
0x46a: {  	v34 =	vld.idx.msk [tilespmem:v42+s15+$0x0], $0xffff;
	_ =	sdelay $0x2  }
0x46b: {  	v45 =	vor.u32 v4, v40  }
0x46c: {  	v46 =	vor.u32 v5, v35  }
0x46d: {  	vm8 =	vlt.f32 v34, $-5.000000070e-02  }
0x46e: {  	vm9 =	vgt.f32 v34, $5.000000070e-02;
	v47 =	vsel vm8, $0xBF800000, v2  }
0x46f: {  	v34 =	vsel vm9, $0x3F800000, v47  }
0x470: {  	[tilespmem:v45+s25+$0x0] =	vst.idx.msk $0xffff, v34  }
0x471: {  	v34 =	vld.idx.msk [tilespmem:v46+s15+$0x0], $0xffff;
	_ =	sdelay $0x2  }
0x472: {  	v48 =	vor.u32 v6, v40  }
0x473: {  	v49 =	vor.u32 v7, v35  }
0x474: {  	vm10 =	vlt.f32 v34, $-5.000000070e-02  }
0x475: {  	vm11 =	vgt.f32 v34, $5.000000070e-02;
	v50 =	vsel vm10, $0xBF800000, v2  }
0x476: {  	v52 =	vsel vm11, $0x3F800000, v50  }
0x477: {  	v51 =	vld.idx.msk [tilespmem:v39+s15+$0x0], $0xffff;
	[tilespmem:v48+s25+$0x0] =	vst.idx.msk $0xffff, v52  }
0x478: {  	v39 =	vld.idx.msk [tilespmem:v49+s15+$0x0], $0xffff;
	_ =	sdelay $0x1  }
0x479: {  	v53 =	vor.u32 v8, v26  }
0x47a: {  	v54 =	vor.u32 v9, v25;
	v55 =	vor.u32 v8, v40  }
0x47b: {  	v56 =	vor.u32 v9, v35;
	vm12 =	vlt.f32 v51, $-5.000000070e-02  }
0x47c: {  	vm13 =	vgt.f32 v51, $5.000000070e-02;
	v44 =	vsel vm12, $0xBF800000, v2;
	vm14 =	vlt.f32 v39, $-5.000000070e-02  }
0x47d: {  	v44 =	vsel vm13, $0x3F800000, v44;
	vm15 =	vgt.f32 v39, $5.000000070e-02;
	v57 =	vsel vm14, $0xBF800000, v2  }
0x47e: {  	[tilespmem:v53+s25+$0x0] =	vst.idx.msk $0xffff, v44;
	v41 =	vsel vm15, $0x3F800000, v57  }
0x47f: {  	v58 =	vld.idx.msk [tilespmem:v54+s15+$0x0], $0xffff;
	[tilespmem:v55+s25+$0x0] =	vst.idx.msk $0xffff, v41  }
0x480: {  	v34 =	vld.idx.msk [tilespmem:v56+s15+$0x0], $0xffff;
	_ =	sdelay $0x1  }
0x481: {  	v59 =	vor.u32 v10, v26  }
0x482: {  	v60 =	vor.u32 v11, v25;
	v61 =	vor.u32 v10, v40  }
0x483: {  	v63 =	vor.u32 v11, v35;
	vm4 =	vlt.f32 v58, $-5.000000070e-02  }
0x484: {  	vm5 =	vgt.f32 v58, $5.000000070e-02;
	v62 =	vsel vm4, $0xBF800000, v2;
	vm6 =	vlt.f32 v34, $-5.000000070e-02  }
0x485: {  	v44 =	vsel vm5, $0x3F800000, v62;
	vm7 =	vgt.f32 v34, $5.000000070e-02;
	v48 =	vsel vm6, $0xBF800000, v2  }
0x486: {  	[tilespmem:v59+s25+$0x0] =	vst.idx.msk $0xffff, v44;
	v41 =	vsel vm7, $0x3F800000, v48  }
0x487: {  	v49 =	vld.idx.msk [tilespmem:v60+s15+$0x0], $0xffff;
	[tilespmem:v61+s25+$0x0] =	vst.idx.msk $0xffff, v41  }
0x488: {  	v39 =	vld.idx.msk [tilespmem:v63+s15+$0x0], $0xffff;
	_ =	sdelay $0x1  }
0x489: {  	v50 =	vor.u32 v12, v26  }
0x48a: {  	v51 =	vor.u32 v13, v25;
	v52 =	vor.u32 v12, v40  }
0x48b: {  	v54 =	vor.u32 v13, v35;
	vm8 =	vlt.f32 v49, $-5.000000070e-02  }
0x48c: {  	vm9 =	vgt.f32 v49, $5.000000070e-02;
	v53 =	vsel vm8, $0xBF800000, v2;
	vm10 =	vlt.f32 v39, $-5.000000070e-02  }
0x48d: {  	v44 =	vsel vm9, $0x3F800000, v53;
	vm11 =	vgt.f32 v39, $5.000000070e-02;
	v55 =	vsel vm10, $0xBF800000, v2  }
0x48e: {  	[tilespmem:v50+s25+$0x0] =	vst.idx.msk $0xffff, v44;
	v39 =	vsel vm11, $0x3F800000, v55  }
0x48f: {  	v56 =	vld.idx.msk [tilespmem:v51+s15+$0x0], $0xffff;
	[tilespmem:v52+s25+$0x0] =	vst.idx.msk $0xffff, v39  }
0x490: {  	vm12 =	vlt.f32 v36, $-5.000000070e-02;
	v34 =	vld.idx.msk [tilespmem:v54+s15+$0x0], $0xffff  }
0x491: {  	vm13 =	vgt.f32 v36, $5.000000070e-02;
	v57 =	vsel vm12, $0xBF800000, v2  }
0x492: {  	v58 =	vor.u32 v14, v26;
	v36 =	vsel vm13, $0x3F800000, v57  }
0x493: {  	v59 =	vor.u32 v15, v25;
	v60 =	vor.u32 v14, v40;
	[tilespmem:v37+s25+$0x0] =	vst.idx.msk $0xffff, v36  }
0x494: {  	v62 =	vor.u32 v15, v35;
	v37 =	vld.idx.msk [tilespmem:v38+s15+$0x0], $0xffff;
	vm14 =	vlt.f32 v56, $-5.000000070e-02  }
0x495: {  	vm15 =	vgt.f32 v56, $5.000000070e-02;
	v61 =	vsel vm14, $0xBF800000, v2;
	vm4 =	vlt.f32 v34, $-5.000000070e-02  }
0x496: {  	v41 =	vsel vm15, $0x3F800000, v61;
	vm5 =	vgt.f32 v34, $5.000000070e-02;
	v45 =	vsel vm4, $0xBF800000, v2  }
0x497: {  	v22 =	vor.u32 v16, v22;
	v50 =	vor.u32 $0x10, v24;
	[tilespmem:v58+s25+$0x0] =	vst.idx.msk $0xffff, v41;
	v34 =	vsel vm5, $0x3F800000, v45  }
0x498: {  	v21 =	vand.u32 $0x380, v21;
	v27 =	vor.u32 $0x10, v27;
	v24 =	vand.u32 $0x1F, v50;
	v46 =	vld.idx.msk [tilespmem:v59+s15+$0x0], $0xffff;
	[tilespmem:v60+s25+$0x0] =	vst.idx.msk $0xffff, v34  }
0x499: {  	v25 =	vand.u32 $0x1F, v33;
	v53 =	vor.u32 v1, v24;
	vm6 =	vlt.f32 v37, $-5.000000070e-02;
	v35 =	vld.idx.msk [tilespmem:v62+s15+$0x0], $0xffff  }
0x49a: {  	v47 =	vsel vm6, $0xBF800000, v2;
	vm7 =	vgt.f32 v37, $5.000000070e-02;
	v63 =	vor.u32 v1, v25  }
0x49b: {  	v48 =	vshll.u32 v33, $0x7;
	v49 =	vsel vm7, $0x3F800000, v47;
	v52 =	vor.u32 v16, v26  }
0x49c: {  	v51 =	vand.u32 $0xC00, v48;
	v26 =	vand.u32 $0x1F, v27;
	v54 =	vor.u32 v16, v40  }
0x49d: {  	v21 =	vor.u32 v21, v51;
	vm8 =	vlt.f32 v46, $-5.000000070e-02;
	v56 =	vor.u32 v1, v26  }
0x49e: {  	[tilespmem:v22+s25+$0x0] =	vst.idx.msk $0xffff, v49;
	vm9 =	vgt.f32 v46, $5.000000070e-02;
	v55 =	vsel vm8, $0xBF800000, v2;
	vm10 =	vlt.f32 v35, $-5.000000070e-02  }
0x49f: {  	v39 =	vsel vm9, $0x3F800000, v55;
	v34 =	vld.idx.msk [tilespmem:v63+s15+$0x0], $0xffff;
	vm11 =	vgt.f32 v35, $5.000000070e-02;
	v59 =	vsel vm10, $0xBF800000, v2  }
0x4a0: {  	v57 =	vor.u32 v0, v21;
	[tilespmem:v52+s25+$0x0] =	vst.idx.msk $0xffff, v39;
	v33 =	vsel vm11, $0x3F800000, v59  }
0x4a1: {  	v42 =	vshll.u32 v27, $0x7;
	v58 =	vor.u32 v3, v25;
	v61 =	vld.idx.msk [tilespmem:v53+s15+$0x0], $0xffff;
	v60 =	vshll.u32 v50, $0x7;
	[tilespmem:v54+s25+$0x0] =	vst.idx.msk $0xffff, v33  }
0x4a2: {  	v46 =	vor.u32 v3, v24;
	v63 =	vand.u32 $0x380, v23;
	v35 =	vand.u32 $0xC00, v60;
	v43 =	vld.idx.msk [tilespmem:v56+s15+$0x0], $0xffff  }
0x4a3: {  	v45 =	vand.u32 $0x380, v32;
	v23 =	vand.u32 $0xC00, v42;
	v22 =	vor.u32 v63, v35  }
0x4a4: {  	v23 =	vor.u32 v45, v23;
	vm12 =	vlt.f32 v34, $-5.000000070e-02;
	v44 =	vor.u32 v0, v22  }
0x4a5: {  	v32 =	vor.u32 v0, v23;
	vm13 =	vgt.f32 v34, $5.000000070e-02;
	v62 =	vsel vm12, $0xBF800000, v2  }
0x4a6: {  	v48 =	vor.u32 v3, v26;
	vm14 =	vlt.f32 v61, $-5.000000070e-02;
	v34 =	vsel vm13, $0x3F800000, v62  }
0x4a7: {  	vm15 =	vgt.f32 v61, $5.000000070e-02;
	v47 =	vsel vm14, $0xBF800000, v2;
	[tilespmem:v57+s25+$0x0] =	vst.idx.msk $0xffff, v34;
	vm4 =	vlt.f32 v43, $-5.000000070e-02  }
0x4a8: {  	v36 =	vsel vm15, $0x3F800000, v47;
	v34 =	vld.idx.msk [tilespmem:v58+s15+$0x0], $0xffff;
	vm5 =	vgt.f32 v43, $5.000000070e-02;
	v49 =	vsel vm4, $0xBF800000, v2  }
0x4a9: {  	[tilespmem:v44+s25+$0x0] =	vst.idx.msk $0xffff, v36;
	v33 =	vsel vm5, $0x3F800000, v49  }
0x4aa: {  	v35 =	vld.idx.msk [tilespmem:v46+s15+$0x0], $0xffff;
	[tilespmem:v32+s25+$0x0] =	vst.idx.msk $0xffff, v33  }
0x4ab: {  	v50 =	vor.u32 v4, v21;
	v32 =	vld.idx.msk [tilespmem:v48+s15+$0x0], $0xffff  }
0x4ac: {  	v51 =	vor.u32 v5, v25  }
0x4ad: {  	v55 =	vor.u32 v4, v23;
	v53 =	vor.u32 v4, v22;
	vm6 =	vlt.f32 v34, $-5.000000070e-02  }
0x4ae: {  	v54 =	vor.u32 v5, v24;
	vm7 =	vgt.f32 v34, $5.000000070e-02;
	v52 =	vsel vm6, $0xBF800000, v2  }
0x4af: {  	v57 =	vor.u32 v5, v26;
	v33 =	vsel vm7, $0x3F800000, v52;
	vm8 =	vlt.f32 v35, $-5.000000070e-02  }
0x4b0: {  	[tilespmem:v50+s25+$0x0] =	vst.idx.msk $0xffff, v33;
	vm9 =	vgt.f32 v35, $5.000000070e-02;
	v56 =	vsel vm8, $0xBF800000, v2;
	vm10 =	vlt.f32 v32, $-5.000000070e-02  }
0x4b1: {  	v33 =	vld.idx.msk [tilespmem:v51+s15+$0x0], $0xffff;
	v36 =	vsel vm9, $0x3F800000, v56;
	vm11 =	vgt.f32 v32, $5.000000070e-02;
	v60 =	vsel vm10, $0xBF800000, v2  }
0x4b2: {  	v58 =	vor.u32 v6, v19;
	[tilespmem:v53+s25+$0x0] =	vst.idx.msk $0xffff, v36;
	v32 =	vsel vm11, $0x3F800000, v60  }
0x4b3: {  	v59 =	vor.u32 v7, v20;
	v36 =	vld.idx.msk [tilespmem:v54+s15+$0x0], $0xffff;
	[tilespmem:v55+s25+$0x0] =	vst.idx.msk $0xffff, v32  }
0x4b4: {  	v42 =	vor.u32 v7, v24;
	v61 =	vor.u32 v6, v21;
	vm12 =	vlt.f32 v31, $-5.000000070e-02;
	v32 =	vld.idx.msk [tilespmem:v57+s15+$0x0], $0xffff  }
0x4b5: {  	v62 =	vsel vm12, $0xBF800000, v2;
	vm13 =	vgt.f32 v31, $5.000000070e-02;
	v63 =	vor.u32 v7, v25  }
0x4b6: {  	v37 =	vsel vm13, $0x3F800000, v62;
	v40 =	vor.u32 v6, v22;
	vm14 =	vlt.f32 v33, $-5.000000070e-02  }
0x4b7: {  	[tilespmem:v58+s25+$0x0] =	vst.idx.msk $0xffff, v37;
	v43 =	vor.u32 v6, v23;
	vm15 =	vgt.f32 v33, $5.000000070e-02;
	v38 =	vsel vm14, $0xBF800000, v2  }
0x4b8: {  	v45 =	vor.u32 v7, v26;
	v41 =	vld.idx.msk [tilespmem:v59+s15+$0x0], $0xffff;
	v27 =	vsel vm15, $0x3F800000, v38;
	vm4 =	vlt.f32 v36, $-5.000000070e-02  }
0x4b9: {  	[tilespmem:v61+s25+$0x0] =	vst.idx.msk $0xffff, v27;
	vm5 =	vgt.f32 v36, $5.000000070e-02;
	v44 =	vsel vm4, $0xBF800000, v2;
	vm6 =	vlt.f32 v32, $-5.000000070e-02  }
0x4ba: {  	v31 =	vld.idx.msk [tilespmem:v63+s15+$0x0], $0xffff;
	v34 =	vsel vm5, $0x3F800000, v44;
	vm7 =	vgt.f32 v32, $5.000000070e-02;
	v47 =	vsel vm6, $0xBF800000, v2  }
0x4bb: {  	[tilespmem:v40+s25+$0x0] =	vst.idx.msk $0xffff, v34;
	v33 =	vsel vm7, $0x3F800000, v47  }
0x4bc: {  	v46 =	vor.u32 v8, v19;
	v58 =	vor.u32 v8, v23;
	v34 =	vld.idx.msk [tilespmem:v42+s15+$0x0], $0xffff;
	[tilespmem:v43+s25+$0x0] =	vst.idx.msk $0xffff, v33  }
0x4bd: {  	v48 =	vor.u32 v9, v20;
	vm8 =	vlt.f32 v41, $-5.000000070e-02;
	v51 =	vor.u32 v8, v21;
	v52 =	vld.idx.msk [tilespmem:v45+s15+$0x0], $0xffff  }
0x4be: {  	v49 =	vsel vm8, $0xBF800000, v2;
	vm9 =	vgt.f32 v41, $5.000000070e-02;
	v53 =	vor.u32 v9, v25  }
0x4bf: {  	v56 =	vor.u32 v8, v22;
	v50 =	vsel vm9, $0x3F800000, v49;
	vm10 =	vlt.f32 v31, $-5.000000070e-02  }
0x4c0: {  	v57 =	vor.u32 v9, v24;
	vm11 =	vgt.f32 v31, $5.000000070e-02;
	v54 =	vsel vm10, $0xBF800000, v2  }
0x4c1: {  	[tilespmem:v46+s25+$0x0] =	vst.idx.msk $0xffff, v50;
	v60 =	vor.u32 v9, v26;
	v55 =	vsel vm11, $0x3F800000, v54;
	vm12 =	vlt.f32 v34, $-5.000000070e-02  }
0x4c2: {  	v32 =	vld.idx.msk [tilespmem:v48+s15+$0x0], $0xffff;
	vm13 =	vgt.f32 v34, $5.000000070e-02;
	[tilespmem:v51+s25+$0x0] =	vst.idx.msk $0xffff, v55;
	v59 =	vsel vm12, $0xBF800000, v2;
	vm14 =	vlt.f32 v52, $-5.000000070e-02  }
0x4c3: {  	v36 =	vld.idx.msk [tilespmem:v53+s15+$0x0], $0xffff;
	v61 =	vsel vm13, $0x3F800000, v59;
	vm15 =	vgt.f32 v52, $5.000000070e-02;
	v63 =	vsel vm14, $0xBF800000, v2  }
0x4c4: {  	v30 =	vsel vm0, $0x3F800000, v30;
	v18 =	vor.u32 v15, v18;
	[tilespmem:v56+s25+$0x0] =	vst.idx.msk $0xffff, v61;
	v41 =	vsel vm15, $0x3F800000, v63  }
0x4c5: {  	v62 =	vor.u32 v10, v19;
	v49 =	vor.u32 v10, v23;
	v31 =	vld.idx.msk [tilespmem:v57+s15+$0x0], $0xffff;
	[tilespmem:v58+s25+$0x0] =	vst.idx.msk $0xffff, v41  }
0x4c6: {  	v46 =	vor.u32 v10, v22;
	v40 =	vor.u32 v11, v20;
	v43 =	vor.u32 v10, v21;
	v34 =	vld.idx.msk [tilespmem:v60+s15+$0x0], $0xffff  }
0x4c7: {  	v48 =	vor.u32 v11, v24;
	v45 =	vor.u32 v11, v25;
	vm4 =	vlt.f32 v32, $-5.000000070e-02  }
0x4c8: {  	[tilespmem:v29+s25+$0x0] =	vst.idx.msk $0xffff, v30;
	vm5 =	vgt.f32 v32, $5.000000070e-02;
	v42 =	vsel vm4, $0xBF800000, v2;
	vm6 =	vlt.f32 v36, $-5.000000070e-02  }
0x4c9: {  	v28 =	vld.idx.msk [tilespmem:v28+s15+$0x0], $0xffff;
	v27 =	vsel vm5, $0x3F800000, v42;
	vm7 =	vgt.f32 v36, $5.000000070e-02;
	v47 =	vsel vm6, $0xBF800000, v2  }
0x4ca: {  	v50 =	vor.u32 v11, v26;
	[tilespmem:v62+s25+$0x0] =	vst.idx.msk $0xffff, v27;
	v35 =	vsel vm7, $0x3F800000, v47;
	vm8 =	vlt.f32 v31, $-5.000000070e-02  }
0x4cb: {  	v33 =	vld.idx.msk [tilespmem:v40+s15+$0x0], $0xffff;
	[tilespmem:v43+s25+$0x0] =	vst.idx.msk $0xffff, v35;
	vm9 =	vgt.f32 v31, $5.000000070e-02;
	v51 =	vsel vm8, $0xBF800000, v2;
	vm10 =	vlt.f32 v34, $-5.000000070e-02  }
0x4cc: {  	v30 =	vld.idx.msk [tilespmem:v45+s15+$0x0], $0xffff;
	v31 =	vsel vm9, $0x3F800000, v51;
	vm11 =	vgt.f32 v34, $5.000000070e-02;
	v52 =	vsel vm10, $0xBF800000, v2  }
0x4cd: {  	v44 =	vor.u32 v12, v19;
	v53 =	vor.u32 v13, v20;
	[tilespmem:v46+s25+$0x0] =	vst.idx.msk $0xffff, v31;
	v54 =	vsel vm11, $0x3F800000, v52  }
0x4ce: {  	vm12 =	vlt.f32 v28, $-5.000000070e-02;
	v59 =	vor.u32 v13, v25;
	v31 =	vld.idx.msk [tilespmem:v48+s15+$0x0], $0xffff;
	[tilespmem:v49+s25+$0x0] =	vst.idx.msk $0xffff, v54  }
0x4cf: {  	v56 =	vor.u32 v12, v21;
	v42 =	vor.u32 v13, v26;
	v62 =	vor.u32 v13, v24;
	v57 =	vld.idx.msk [tilespmem:v50+s15+$0x0], $0xffff  }
0x4d0: {  	v63 =	vor.u32 v12, v23;
	v60 =	vor.u32 v12, v22;
	vm13 =	vlt.f32 v33, $-5.000000070e-02  }
0x4d1: {  	vm14 =	vgt.f32 v33, $5.000000070e-02;
	v55 =	vsel vm13, $0xBF800000, v2;
	vm15 =	vlt.f32 v30, $-5.000000070e-02  }
0x4d2: {  	v27 =	vsel vm14, $0x3F800000, v55;
	vm4 =	vgt.f32 v30, $5.000000070e-02;
	v61 =	vsel vm15, $0xBF800000, v2  }
0x4d3: {  	[tilespmem:v44+s25+$0x0] =	vst.idx.msk $0xffff, v27;
	v34 =	vor.u32 v14, v17;
	v30 =	vsel vm4, $0x3F800000, v61;
	vm5 =	vlt.f32 v31, $-5.000000070e-02  }
0x4d4: {  	v29 =	vld.idx.msk [tilespmem:v53+s15+$0x0], $0xffff;
	[tilespmem:v56+s25+$0x0] =	vst.idx.msk $0xffff, v30;
	vm6 =	vgt.f32 v31, $5.000000070e-02;
	v43 =	vsel vm5, $0xBF800000, v2;
	vm7 =	vlt.f32 v57, $-5.000000070e-02  }
0x4d5: {  	v44 =	vld.idx.msk [tilespmem:v59+s15+$0x0], $0xffff;
	v30 =	vsel vm6, $0x3F800000, v43;
	vm8 =	vgt.f32 v57, $5.000000070e-02;
	v45 =	vsel vm7, $0xBF800000, v2  }
0x4d6: {  	v25 =	vor.u32 v15, v25;
	v24 =	vor.u32 v15, v24;
	[tilespmem:v60+s25+$0x0] =	vst.idx.msk $0xffff, v30;
	v47 =	vsel vm8, $0x3F800000, v45  }
0x4d7: {  	v58 =	vsel vm12, $0xBF800000, v2;
	vm9 =	vgt.f32 v28, $5.000000070e-02;
	v46 =	vor.u32 v14, v19;
	v50 =	vld.idx.msk [tilespmem:v62+s15+$0x0], $0xffff;
	[tilespmem:v63+s25+$0x0] =	vst.idx.msk $0xffff, v47  }
0x4d8: {  	v48 =	vsel vm9, $0x3F800000, v58;
	v52 =	vor.u32 v14, v21;
	v49 =	vor.u32 v15, v20;
	v53 =	vld.idx.msk [tilespmem:v42+s15+$0x0], $0xffff  }
0x4d9: {  	v54 =	vor.u32 v14, v22;
	v56 =	vor.u32 v14, v23;
	vm10 =	vlt.f32 v29, $-5.000000070e-02  }
0x4da: {  	vm11 =	vgt.f32 v29, $5.000000070e-02;
	[tilespmem:v34+s25+$0x0] =	vst.idx.msk $0xffff, v48;
	v51 =	vsel vm10, $0xBF800000, v2;
	vm12 =	vlt.f32 v44, $-5.000000070e-02  }
0x4db: {  	v18 =	vld.idx.msk [tilespmem:v18+s15+$0x0], $0xffff;
	v27 =	vsel vm11, $0x3F800000, v51;
	vm13 =	vgt.f32 v44, $5.000000070e-02;
	v55 =	vsel vm12, $0xBF800000, v2  }
0x4dc: {  	v26 =	vor.u32 v15, v26;
	[tilespmem:v46+s25+$0x0] =	vst.idx.msk $0xffff, v27;
	v57 =	vsel vm13, $0x3F800000, v55;
	vm14 =	vlt.f32 v50, $-5.000000070e-02  }
0x4dd: {  	v20 =	vld.idx.msk [tilespmem:v49+s15+$0x0], $0xffff;
	[tilespmem:v52+s25+$0x0] =	vst.idx.msk $0xffff, v57;
	vm15 =	vgt.f32 v50, $5.000000070e-02;
	v58 =	vsel vm14, $0xBF800000, v2;
	vm4 =	vlt.f32 v53, $-5.000000070e-02  }
0x4de: {  	v25 =	vld.idx.msk [tilespmem:v25+s15+$0x0], $0xffff;
	v27 =	vsel vm15, $0x3F800000, v58;
	vm5 =	vgt.f32 v53, $5.000000070e-02;
	v59 =	vsel vm4, $0xBF800000, v2  }
0x4df: {  	v19 =	vor.u32 v16, v19;
	[tilespmem:v54+s25+$0x0] =	vst.idx.msk $0xffff, v27;
	v60 =	vsel vm5, $0x3F800000, v59  }
0x4e0: {  	v17 =	vor.u32 v16, v17;
	vm6 =	vlt.f32 v18, $-5.000000070e-02;
	v24 =	vld.idx.msk [tilespmem:v24+s15+$0x0], $0xffff;
	[tilespmem:v56+s25+$0x0] =	vst.idx.msk $0xffff, v60  }
0x4e1: {  	v61 =	vor.u32 v16, v21;
	vm7 =	vgt.f32 v18, $5.000000070e-02;
	v18 =	vsel vm6, $0xBF800000, v2;
	v26 =	vld.idx.msk [tilespmem:v26+s15+$0x0], $0xffff  }
0x4e2: {  	v22 =	vor.u32 v16, v22;
	v23 =	vor.u32 v16, v23;
	v18 =	vsel vm7, $0x3F800000, v18  }
0x4e3: {  	vm8 =	vlt.f32 v20, $-5.000000070e-02;
	vm9 =	vgt.f32 v20, $5.000000070e-02;
	vm10 =	vlt.f32 v25, $-5.000000070e-02  }
0x4e4: {  	v62 =	vsel vm8, $0xBF800000, v2;
	vm11 =	vgt.f32 v25, $5.000000070e-02;
	v63 =	vsel vm10, $0xBF800000, v2  }
0x4e5: {  	[tilespmem:v17+s25+$0x0] =	vst.idx.msk $0xffff, v18;
	v17 =	vsel vm9, $0x3F800000, v62;
	v18 =	vsel vm11, $0x3F800000, v63;
	vm12 =	vlt.f32 v24, $-5.000000070e-02  }
.Ltmp6:
0x4e6: {  	s3 =	sshll.u32 s0, $0x7;
	[tilespmem:v19+s25+$0x0] =	vst.idx.msk $0xffff, v17;
	vm13 =	vgt.f32 v24, $5.000000070e-02;
	v17 =	vsel vm12, $0xBF800000, v2;
	vm14 =	vlt.f32 v26, $-5.000000070e-02;
	(pc) =	sbr.rel @p1 .LBB2_12-.Ltmp6, $4  }
0x4e7: {  	s14 =	sshll.u32 s0, $0x9;
	s3 =	sand.u32 $0x3F80, s3;
	[tilespmem:v61+s25+$0x0] =	vst.idx.msk $0xffff, v18;
	v17 =	vsel vm13, $0x3F800000, v17;
	vm15 =	vgt.f32 v26, $5.000000070e-02;
	v18 =	vsel vm14, $0xBF800000, v2  }
0x4e8: {  	s0 =	sand.u32 $0xFFF0000, s14;
	s3 =	sadd.s32 s2, s3;
	[tilespmem:v22+s25+$0x0] =	vst.idx.msk $0xffff, v17;
	v17 =	vsel vm15, $0x3F800000, v18  }
0x4e9: {  	s0 =	sadd.s32 s0, s3;
	[tilespmem:v23+s25+$0x0] =	vst.idx.msk $0xffff, v17  }
0x4ea: {  	[hbm4b:s0+s18] =	stream.strided.scatter [tilespmem:s25], [sflag:$0x8], $0x1000, s19, s18, $0x38;
	[tilespmem:$0xE400] =	vst v63  }
.Ltmp7:
0x4eb: {  	(pc) =	sbr.rel .LBB2_2-.Ltmp7, $4  }
0x4ec: {  	s0 =	sshll.u32 s1, $0x9  }
0x4ed: {  	s0 =	sand.u32 $0x3FFFFE00, s0  }
0x4ee: {  	s1 =	sadd.s32 $0x1, s1;
	s0 =	sadd.s32 $0x380, s0  }
0x4ef: {  	[tilespmem:s15], [sflag:$0x4] =	stream.indirect.gather [hbm4b:s4+s9], $0x20, s0, s9, $0xb8;
	[tilespmem:$0xE400] =	vst v63  }
.LBB2_13:
0x4f0: {  	_ =	sfence.sel $0x180000  }
0x4f1: {  	[bflag:$0x0] =	sbarrier.arrive $0xFFFF  }
0x4f2: {  	_ =	strace $0x90000047  }
0x4f3: {  	s0 =	stileid.u32;
	[bflag:$0x2] =	sbarrier.arrive $0xFFFF  }
0x4f4: {  	p0 =	sne.s32 s0, $0x0;
	s0 =	rddreg [dreg:$0x2]  }
0x4f5: {  	s0 =	sadd.s32 @!p0 $0x100000, s0  }
0x4f6: {  	[sflag:s0] =	ssyncadd.tile.s32 @!p0 $0x1;
	_ =	shalt  }
.Lfunc_end2:
_tile_overlayer_lowered:
.L_overlay_start_2:
0x4f7: {  	(tag) =	ssettag $0x2  }
0x4f8: {  	s0 =	rddreg [dreg:$0x0];
	s2 =	stileid.u32  }
0x4f9: {  	s1 =	rddreg [dreg:$0x1];
	p0 =	sne.s32 s2, $0x0  }
0x4fa: {  	s3 =	rddreg [dreg:$0x2];
	[bflag:$0x3] =	sbarrier.arrive $0xFFFF;
	s2 =	simm.s32 @!p0 $0x1C09  }
0x4fb: {  	[timem:s3], [sflag:s2] =	dma.local @!p0 [hbm:s0], s1  }
0x4fc: {  	s0 =	simm.s32 @!p0 $0x9  }
0x4fd: {  	_ =	swait.ge @!p0 [sflag:s0], s1  }
0x4fe: {  	s1 =	ssub.s32 @!p0 $0x0, s1;
	[sflag:s0] =	ssyncset.done @!p0 $0x0  }
0x4ff: {  	[sflag:s0] =	ssyncadd.s32 @!p0 s1  }
0x500: {  	[bflag:$0x3] =	sbarrier.arrive $0xFFFF  }
0x501: {  	_ =	shalt  }

</sc_bundles>
